<compile_context>
chip_gen: v7x
topology: tpu7x:2x2x1
jax: 0.10.2.dev20260603
libtpu: 0.0.44.dev20260713+nightly
codegen_flags: <defaults>
</compile_context>

<pallas_src>
import jax
import jax.numpy as jnp
from jax import lax
from jax.experimental import pallas as pl
from jax.experimental.pallas import tpu as pltpu
from jax.experimental.pallas import tpu_sc as plsc

N = 10000
E = 320000
H = 128
C_OUT = 2
N_PAD = 10240
E_PAD = 327680
EROWS = E_PAD // 128
NC, NS = 2, 16
ROWS_PER_TILE = N_PAD // NS
R2 = 320
R6 = 400


def _sc_mesh():
    return plsc.VectorSubcoreMesh(
        core_axis_name="c", subcore_axis_name="s",
        num_cores=NC, num_subcores=NS)


RPT = EROWS // NC // NS


def _deg_body(dst2d, ones_in, zeros_in, degp, dstall, ones, y, sem):
    c = lax.axis_index("c")
    s = lax.axis_index("s")
    wid = c * NS + s
    pltpu.sync_copy(dst2d.at[pl.ds(wid * RPT, RPT)], dstall)
    pltpu.sync_copy(zeros_in, ones)
    base_r = s * ROWS_PER_TILE
    for k in range(ROWS_PER_TILE // 128):
        pltpu.sync_copy(ones, y.at[pl.ds(base_r + k * 128, 128)])
    pltpu.sync_copy(ones_in, ones)
    plsc.subcore_barrier()

    for j in range(4):
        pltpu.async_copy(ones, y.at[dstall.at[j]], sem, add=True)

    def step(m, carry):
        e = 4 + 2 * m
        pltpu.make_async_copy(degp.at[c, pl.ds(0, 128)], ones, sem).wait()
        pltpu.make_async_copy(degp.at[c, pl.ds(0, 128)], ones, sem).wait()
        pltpu.async_copy(ones, y.at[dstall.at[e]], sem, add=True)
        pltpu.async_copy(ones, y.at[dstall.at[e + 1]], sem, add=True)
        return carry

    lax.fori_loop(0, (RPT - 4) // 2, step, 0)
    for j in range(4):
        pltpu.make_async_copy(degp.at[c, pl.ds(0, 128)], ones, sem).wait()
    plsc.subcore_barrier()
    for k in range(ROWS_PER_TILE // 128):
        r = base_r + k * 128
        pltpu.sync_copy(y.at[pl.ds(r, 128)], degp.at[c, pl.ds(r, 128)])


_deg_call = pl.kernel(
    _deg_body,
    out_type=jax.ShapeDtypeStruct((NC, N_PAD, H), jnp.float32),
    mesh=_sc_mesh(),
    scratch_types=[
        pltpu.VMEM((RPT, 128), jnp.int32),
        pltpu.VMEM((128, H), jnp.float32),
        pltpu.VMEM_SHARED((N_PAD, H), jnp.float32),
        pltpu.SemaphoreType.DMA,
    ],
)


NBUF = 2


def _seg_body(g, eb, sout, ibuf, rows, y, gsem, ssem):
    c = lax.axis_index("c")
    s = lax.axis_index("s")
    wid = c * NS + s

    def zrow(i, carry):
        for k in range(8):
            rows[0, i, pl.ds(k * 16, 16)] = jnp.zeros((16,), jnp.float32)
        return carry

    lax.fori_loop(0, 128, zrow, 0)
    base_r = s * ROWS_PER_TILE
    for k in range(ROWS_PER_TILE // 128):
        pltpu.sync_copy(rows.at[0], y.at[pl.ds(base_r + k * 128, 128)])
    plsc.subcore_barrier()

    nbody = RPT // 8

    def mblock(m, carry):
        pltpu.sync_copy(eb.at[wid * nbody + m], ibuf)
        gcp = [None] * 8
        scp = [None] * 8
        gcp[0] = pltpu.async_copy(g.at[ibuf.at[0]], rows.at[0], gsem.at[0])
        for j in range(8):
            b = j % NBUF
            gcp[j].wait()
            scp[j] = pltpu.async_copy(
                rows.at[b], y.at[ibuf.at[8 + j]], ssem.at[b], add=True)
            if j < 7:
                bn = (j + 1) % NBUF
                if j - (NBUF - 1) >= 0:
                    scp[j - (NBUF - 1)].wait()
                gcp[j + 1] = pltpu.async_copy(
                    g.at[ibuf.at[j + 1]], rows.at[bn], gsem.at[bn])
        for j in range(8 - NBUF, 8):
            scp[j].wait()
        return carry

    lax.fori_loop(0, nbody, mblock, 0)
    plsc.subcore_barrier()
    for k in range(ROWS_PER_TILE // 128):
        r = base_r + k * 128
        pltpu.sync_copy(y.at[pl.ds(r, 128)], sout.at[c, pl.ds(r, 128)])


_seg_call = pl.kernel(
    _seg_body,
    out_type=jax.ShapeDtypeStruct((NC, N_PAD, H), jnp.float32),
    mesh=_sc_mesh(),
    scratch_types=[
        pltpu.VMEM((16, 128), jnp.int32),
        pltpu.VMEM((NBUF, 128, H), jnp.float32),
        pltpu.VMEM_SHARED((N_PAD, H), jnp.float32),
        pltpu.SemaphoreType.DMA((NBUF,)),
        pltpu.SemaphoreType.DMA((NBUF,)),
    ],
)


def _hmlp_body(x_ref, w1_ref, b1_ref, w2_ref, b2_ref, h_ref):
    x = x_ref[...]
    h1 = jnp.maximum(
        jnp.dot(x, w1_ref[...], preferred_element_type=jnp.float32)
        + b1_ref[...], 0.0)
    h_ref[...] = jnp.maximum(
        jnp.dot(h1, w2_ref[...], preferred_element_type=jnp.float32)
        + b2_ref[...], 0.0)


def _hmlp_call(x_pad, w1, b1r, w2, b2r):
    nb = N_PAD // R2
    return pl.pallas_call(
        _hmlp_body,
        grid=(nb,),
        in_specs=[
            pl.BlockSpec((R2, H), lambda i: (i, 0)),
            pl.BlockSpec((H, H), lambda i: (0, 0)),
            pl.BlockSpec((1, H), lambda i: (0, 0)),
            pl.BlockSpec((H, H), lambda i: (0, 0)),
            pl.BlockSpec((1, H), lambda i: (0, 0)),
        ],
        out_specs=pl.BlockSpec((R2, H), lambda i: (i, 0)),
        out_shape=jax.ShapeDtypeStruct((N_PAD, H), jnp.float32),
    )(x_pad, w1, b1r, w2, b2r)


def _scale_body(degp_ref, h_ref, g_ref, dinv_ref):
    i = pl.program_id(0)
    deg = (degp_ref[0, :, 0:1].astype(jnp.float32)
           + degp_ref[1, :, 0:1].astype(jnp.float32))
    dinv = lax.rsqrt(jnp.maximum(deg, 1.0))
    rows = i * R2 + lax.broadcasted_iota(jnp.int32, (R2, 1), 0)
    g = jnp.where(rows < N, h_ref[...] * dinv, 0.0)
    g_ref[...] = g
    dinv_ref[...] = dinv


def _scale_call(degp, h):
    nb = N_PAD // R2
    return pl.pallas_call(
        _scale_body,
        grid=(nb,),
        in_specs=[
            pl.BlockSpec((NC, R2, H), lambda i: (0, i, 0)),
            pl.BlockSpec((R2, H), lambda i: (i, 0)),
        ],
        out_specs=[
            pl.BlockSpec((R2, H), lambda i: (i, 0)),
            pl.BlockSpec((R2, 1), lambda i: (i, 0)),
        ],
        out_shape=[
            jax.ShapeDtypeStruct((N_PAD, H), jnp.float32),
            jax.ShapeDtypeStruct((N_PAD, 1), jnp.float32),
        ],
    )(degp, h)


def _elem_body(h_ref, dinv_ref, s1_ref, g2_ref):
    i = pl.program_id(0)
    h = h_ref[...]
    dinv = dinv_ref[...]
    s1 = s1_ref[0] + s1_ref[1]
    f1 = h - dinv * s1
    rows = i * R2 + lax.broadcasted_iota(jnp.int32, (R2, 1), 0)
    g2_ref[...] = jnp.where(rows < N, f1 * dinv, 0.0)


def _elem_call(h, dinv, s1p):
    nb = N_PAD // R2
    return pl.pallas_call(
        _elem_body,
        grid=(nb,),
        in_specs=[
            pl.BlockSpec((R2, H), lambda i: (i, 0)),
            pl.BlockSpec((R2, 1), lambda i: (i, 0)),
            pl.BlockSpec((NC, R2, H), lambda i: (0, i, 0)),
        ],
        out_specs=pl.BlockSpec((R2, H), lambda i: (i, 0)),
        out_shape=jax.ShapeDtypeStruct((N_PAD, H), jnp.float32),
    )(h, dinv, s1p)


def _final_body(h_ref, dinv_ref, s1_ref, s2_ref, w3_ref, b3_ref, w4_ref,
                b4_ref, o_ref):
    h = h_ref[...]
    dinv = dinv_ref[...]
    f1 = h - dinv * (s1_ref[0] + s1_ref[1])
    s2 = s2_ref[0] + s2_ref[1]
    f2 = f1 - dinv * s2
    t0 = 3.0 * h - 3.0 * f1 + 0.75 * f2
    t1 = 3.0 * f1 - 1.5 * f2
    t2 = 0.75 * f2
    hf = jnp.concatenate([t0, t1, t2], axis=1)
    z = jnp.maximum(
        jnp.dot(hf, w3_ref[...], preferred_element_type=jnp.float32)
        + b3_ref[...], 0.0)
    o_ref[...] = (
        jnp.dot(z, w4_ref[...], preferred_element_type=jnp.float32)
        + b4_ref[...])


def _final_call(h, dinv, s1p, s2p, w3, b3r, w4, b4r):
    nb = N // R6
    return pl.pallas_call(
        _final_body,
        grid=(nb,),
        in_specs=[
            pl.BlockSpec((R6, H), lambda i: (i, 0)),
            pl.BlockSpec((R6, 1), lambda i: (i, 0)),
            pl.BlockSpec((NC, R6, H), lambda i: (0, i, 0)),
            pl.BlockSpec((NC, R6, H), lambda i: (0, i, 0)),
            pl.BlockSpec((3 * H, H), lambda i: (0, 0)),
            pl.BlockSpec((1, H), lambda i: (0, 0)),
            pl.BlockSpec((H, C_OUT), lambda i: (0, 0)),
            pl.BlockSpec((1, C_OUT), lambda i: (0, 0)),
        ],
        out_specs=pl.BlockSpec((R6, C_OUT), lambda i: (i, 0)),
        out_shape=jax.ShapeDtypeStruct((N, C_OUT), jnp.float32),
    )(h, dinv, s1p, s2p, w3, b3r, w4, b4r)


def kernel(in_feat, edge_index, w1, b1, w2, b2, w3, b3, w4, b4):
    x_pad = jnp.pad(in_feat, ((0, N_PAD - N), (0, 0)))
    nw = NC * NS
    padw = (E_PAD - E) // nw
    pad = jnp.broadcast_to(
        jnp.arange(N, N + padw, dtype=jnp.int32), (nw, padw))
    src_w = jnp.concatenate([edge_index[0].reshape(nw, E // nw), pad], 1)
    dst_w = jnp.concatenate([edge_index[1].reshape(nw, E // nw), pad], 1)
    dst2d = dst_w.reshape(EROWS, 128)
    src4 = src_w.reshape(nw, RPT // 8, 8, 128)
    dst4 = dst_w.reshape(nw, RPT // 8, 8, 128)
    eb = jnp.concatenate([src4, dst4], axis=2).reshape(
        nw * (RPT // 8), 16, 128)
    b1r = b1.reshape(1, H)
    b2r = b2.reshape(1, H)
    b3r = b3.reshape(1, H)
    b4r = b4.reshape(1, C_OUT)

    ones_in = jnp.ones((128, H), dtype=jnp.float32)
    zeros_in = jnp.zeros((128, H), dtype=jnp.float32)
    degp = _deg_call(dst2d, ones_in, zeros_in)
    h = _hmlp_call(x_pad, w1, b1r, w2, b2r)
    g1, dinv = _scale_call(degp, h)
    s1p = _seg_call(g1, eb)
    g2 = _elem_call(h, dinv, s1p)
    s2p = _seg_call(g2, eb)
    return _final_call(h, dinv, s1p, s2p, w3, b3r, w4, b4r)

# --- scband reference (transcript-rebuilt; emitter-appended) ---
"""Pipeline reference for scband-bwgnn-14078902796339 (READ-ONLY COPY).

The authoritative reference and input builder live on the scoring server;
editing this copy changes nothing except your own understanding.
"""

import jax, jax.numpy as jnp
import numpy as np

N = 10000
E = 320000
D_IN = 128
H = 128
C = 2
# Beta-wavelet polynomial coefficients for d=2 (calculate_theta2(2))
THETAS = [[3.0, -3.0, 0.75], [0.0, 3.0, -1.5], [0.0, 0.0, 0.75]]


def setup_inputs(seed: int = 0) -> dict:
    key = jax.random.key(seed)
    ks = jax.random.split(key, 10)
    in_feat = jax.random.normal(ks[0], (N, D_IN), dtype=jnp.float32)
    edge_index = jax.random.randint(ks[1], (2, E), 0, N, dtype=jnp.int32)
    w1 = jax.random.normal(ks[2], (D_IN, H), dtype=jnp.float32) * (1.0 / np.sqrt(D_IN))
    b1 = jnp.zeros((H,), dtype=jnp.float32)
    w2 = jax.random.normal(ks[3], (H, H), dtype=jnp.float32) * (1.0 / np.sqrt(H))
    b2 = jnp.zeros((H,), dtype=jnp.float32)
    w3 = jax.random.normal(ks[4], (H * len(THETAS), H), dtype=jnp.float32) * (1.0 / np.sqrt(H * len(THETAS)))
    b3 = jnp.zeros((H,), dtype=jnp.float32)
    w4 = jax.random.normal(ks[5], (H, C), dtype=jnp.float32) * (1.0 / np.sqrt(H))
    b4 = jnp.zeros((C,), dtype=jnp.float32)
    return {"in_feat": in_feat, "edge_index": edge_index, "w1": w1, "b1": b1,
            "w2": w2, "b2": b2, "w3": w3, "b3": b3, "w4": w4, "b4": b4}


def reference(in_feat, edge_index, w1, b1, w2, b2, w3, b3, w4, b4):
    src = edge_index[0]
    dst = edge_index[1]
    # in-degrees (number of incoming edges per node), clamped at 1
    deg = jnp.zeros((N,), dtype=jnp.float32).at[dst].add(1.0)
    d_invsqrt = jnp.power(jnp.clip(deg, 1.0, None), -0.5)[:, None]

    def unn_laplacian(f):
        # f - D^{-1/2} A D^{-1/2} f  (copy_u + sum aggregation src->dst)
        msg = (f * d_invsqrt)[src]
        agg = jax.ops.segment_sum(msg, dst, num_segments=N)
        return f - agg * d_invsqrt

    h = jax.nn.relu(in_feat @ w1 + b1)
    h = jax.nn.relu(h @ w2 + b2)

    outs = []
    for theta in THETAS:
        f = h
        acc = theta[0] * f
        for k in range(1, len(theta)):
            f = unn_laplacian(f)
            acc = acc + theta[k] * f
        outs.append(acc)
    h_final = jnp.concatenate(outs, axis=-1)

    h = jax.nn.relu(h_final @ w3 + b3)
    out = h @ w4 + b4
    return out

if __name__ == "__main__":
    import jax
    _d = setup_inputs()
    print(jax.jit(kernel)(*tuple(_d.values())))

</pallas_src>

<mosaic_0001>
#map = affine_map<(d0, d1) -> (0, 0)>
#map1 = affine_map<(d0, d1) -> (0, 0, 0)>
module attributes {stable_mosaic.version = 14 : i64} {
  func.func @_seg_body(%arg0: i32, %arg1: i32, %arg2: memref<10240x128xf32, #tpu.memory_space<hbm>>, %arg3: memref<320x16x128xi32, #tpu.memory_space<hbm>>, %arg4: memref<2x10240x128xf32, #tpu.memory_space<hbm>>, %arg5: memref<16x128xi32, #tpu.memory_space<vmem>>, %arg6: memref<2x128x128xf32, #tpu.memory_space<vmem>>, %arg7: memref<10240x128xf32, #tpu.memory_space<vmem_shared>>, %arg8: memref<2x!tpu.dma_semaphore, #tpu.memory_space<semaphore_mem>>, %arg9: memref<2x!tpu.dma_semaphore, #tpu.memory_space<semaphore_mem>>) attributes {dimension_semantics = [#tpu.dimension_semantics<core_parallel>, #tpu.dimension_semantics<subcore_parallel>], iteration_bounds = array<i64: 2, 16>, scalar_prefetch = 0 : i64, scratch_operands = 5 : i64, tpu.core_type = #tpu.core_type<sc_vector_subcore>, window_params = [{transform_indices = #map}, {transform_indices = #map1}, {transform_indices = #map1}]} {
    %mul3A = arith.constant 16 : i32
    %mul3A_0 = arith.muli %arg0, %mul3A : i32
    %add3A = arith.addi %mul3A_0, %arg1 : i32
    %scan3A = arith.constant 0 : i32
    %scan3A_1 = arith.constant 0 : i32
    %scan3A_2 = arith.constant 128 : i32
    %scan3A_3 = arith.addi %scan3A_1, %scan3A_2 : i32
    %scan3A_4 = arith.constant 1 : i32
    scf.for %scan3A_39 = %scan3A_1 to %scan3A_3 step %scan3A_4  : i32 {
      %broadcast_in_dim3A = arith.constant 0.000000e+00 : f32
      %broadcast_in_dim3A_40 = vector.broadcast %broadcast_in_dim3A : f32 to vector<16xf32>
      %swap3A = arith.constant 0 : i32
      %swap3A_41 = arith.index_cast %swap3A : i32 to index
      %swap3A_42 = arith.index_cast %scan3A_39 : i32 to index
      %swap3A_43 = arith.constant 0 : index
      %swap3A_44 = tpu.vector_load %arg6[%swap3A_41, %swap3A_42, %swap3A_43] {strides = array<i32>} : memref<2x128x128xf32, #tpu.memory_space<vmem>>, vector<1x1x16xf32>,
      %swap3A_45 = vector.shape_cast %swap3A_44 : vector<1x1x16xf32> to vector<16xf32>
      %swap3A_46 = vector.shape_cast %broadcast_in_dim3A_40 : vector<16xf32> to vector<1x1x16xf32>
      tpu.vector_store %arg6[%swap3A_41, %swap3A_42, %swap3A_43], %swap3A_46 {strides = array<i32>} : memref<2x128x128xf32, #tpu.memory_space<vmem>>, vector<1x1x16xf32>,
      %broadcast_in_dim3A_47 = arith.constant 0.000000e+00 : f32
      %broadcast_in_dim3A_48 = vector.broadcast %broadcast_in_dim3A_47 : f32 to vector<16xf32>
      %swap3A_49 = arith.constant 0 : i32
      %swap3A_50 = arith.index_cast %swap3A_49 : i32 to index
      %swap3A_51 = arith.index_cast %scan3A_39 : i32 to index
      %swap3A_52 = arith.constant 16 : index
      %swap3A_53 = tpu.vector_load %arg6[%swap3A_50, %swap3A_51, %swap3A_52] {strides = array<i32>} : memref<2x128x128xf32, #tpu.memory_space<vmem>>, vector<1x1x16xf32>,
      %swap3A_54 = vector.shape_cast %swap3A_53 : vector<1x1x16xf32> to vector<16xf32>
      %swap3A_55 = vector.shape_cast %broadcast_in_dim3A_48 : vector<16xf32> to vector<1x1x16xf32>
      tpu.vector_store %arg6[%swap3A_50, %swap3A_51, %swap3A_52], %swap3A_55 {strides = array<i32>} : memref<2x128x128xf32, #tpu.memory_space<vmem>>, vector<1x1x16xf32>,
      %broadcast_in_dim3A_56 = arith.constant 0.000000e+00 : f32
      %broadcast_in_dim3A_57 = vector.broadcast %broadcast_in_dim3A_56 : f32 to vector<16xf32>
      %swap3A_58 = arith.constant 0 : i32
      %swap3A_59 = arith.index_cast %swap3A_58 : i32 to index
      %swap3A_60 = arith.index_cast %scan3A_39 : i32 to index
      %swap3A_61 = arith.constant 32 : index
      %swap3A_62 = tpu.vector_load %arg6[%swap3A_59, %swap3A_60, %swap3A_61] {strides = array<i32>} : memref<2x128x128xf32, #tpu.memory_space<vmem>>, vector<1x1x16xf32>,
      %swap3A_63 = vector.shape_cast %swap3A_62 : vector<1x1x16xf32> to vector<16xf32>
      %swap3A_64 = vector.shape_cast %broadcast_in_dim3A_57 : vector<16xf32> to vector<1x1x16xf32>
      tpu.vector_store %arg6[%swap3A_59, %swap3A_60, %swap3A_61], %swap3A_64 {strides = array<i32>} : memref<2x128x128xf32, #tpu.memory_space<vmem>>, vector<1x1x16xf32>,
      %broadcast_in_dim3A_65 = arith.constant 0.000000e+00 : f32
      %broadcast_in_dim3A_66 = vector.broadcast %broadcast_in_dim3A_65 : f32 to vector<16xf32>
      %swap3A_67 = arith.constant 0 : i32
      %swap3A_68 = arith.index_cast %swap3A_67 : i32 to index
      %swap3A_69 = arith.index_cast %scan3A_39 : i32 to index
      %swap3A_70 = arith.constant 48 : index
      %swap3A_71 = tpu.vector_load %arg6[%swap3A_68, %swap3A_69, %swap3A_70] {strides = array<i32>} : memref<2x128x128xf32, #tpu.memory_space<vmem>>, vector<1x1x16xf32>,
      %swap3A_72 = vector.shape_cast %swap3A_71 : vector<1x1x16xf32> to vector<16xf32>
      %swap3A_73 = vector.shape_cast %broadcast_in_dim3A_66 : vector<16xf32> to vector<1x1x16xf32>
      tpu.vector_store %arg6[%swap3A_68, %swap3A_69, %swap3A_70], %swap3A_73 {strides = array<i32>} : memref<2x128x128xf32, #tpu.memory_space<vmem>>, vector<1x1x16xf32>,
      %broadcast_in_dim3A_74 = arith.constant 0.000000e+00 : f32
      %broadcast_in_dim3A_75 = vector.broadcast %broadcast_in_dim3A_74 : f32 to vector<16xf32>
      %swap3A_76 = arith.constant 0 : i32
      %swap3A_77 = arith.index_cast %swap3A_76 : i32 to index
      %swap3A_78 = arith.index_cast %scan3A_39 : i32 to index
      %swap3A_79 = arith.constant 64 : index
      %swap3A_80 = tpu.vector_load %arg6[%swap3A_77, %swap3A_78, %swap3A_79] {strides = array<i32>} : memref<2x128x128xf32, #tpu.memory_space<vmem>>, vector<1x1x16xf32>,
      %swap3A_81 = vector.shape_cast %swap3A_80 : vector<1x1x16xf32> to vector<16xf32>
      %swap3A_82 = vector.shape_cast %broadcast_in_dim3A_75 : vector<16xf32> to vector<1x1x16xf32>
      tpu.vector_store %arg6[%swap3A_77, %swap3A_78, %swap3A_79], %swap3A_82 {strides = array<i32>} : memref<2x128x128xf32, #tpu.memory_space<vmem>>, vector<1x1x16xf32>,
      %broadcast_in_dim3A_83 = arith.constant 0.000000e+00 : f32
      %broadcast_in_dim3A_84 = vector.broadcast %broadcast_in_dim3A_83 : f32 to vector<16xf32>
      %swap3A_85 = arith.constant 0 : i32
      %swap3A_86 = arith.index_cast %swap3A_85 : i32 to index
      %swap3A_87 = arith.index_cast %scan3A_39 : i32 to index
      %swap3A_88 = arith.constant 80 : index
      %swap3A_89 = tpu.vector_load %arg6[%swap3A_86, %swap3A_87, %swap3A_88] {strides = array<i32>} : memref<2x128x128xf32, #tpu.memory_space<vmem>>, vector<1x1x16xf32>,
      %swap3A_90 = vector.shape_cast %swap3A_89 : vector<1x1x16xf32> to vector<16xf32>
      %swap3A_91 = vector.shape_cast %broadcast_in_dim3A_84 : vector<16xf32> to vector<1x1x16xf32>
      tpu.vector_store %arg6[%swap3A_86, %swap3A_87, %swap3A_88], %swap3A_91 {strides = array<i32>} : memref<2x128x128xf32, #tpu.memory_space<vmem>>, vector<1x1x16xf32>,
      %broadcast_in_dim3A_92 = arith.constant 0.000000e+00 : f32
      %broadcast_in_dim3A_93 = vector.broadcast %broadcast_in_dim3A_92 : f32 to vector<16xf32>
      %swap3A_94 = arith.constant 0 : i32
      %swap3A_95 = arith.index_cast %swap3A_94 : i32 to index
      %swap3A_96 = arith.index_cast %scan3A_39 : i32 to index
      %swap3A_97 = arith.constant 96 : index
      %swap3A_98 = tpu.vector_load %arg6[%swap3A_95, %swap3A_96, %swap3A_97] {strides = array<i32>} : memref<2x128x128xf32, #tpu.memory_space<vmem>>, vector<1x1x16xf32>,
      %swap3A_99 = vector.shape_cast %swap3A_98 : vector<1x1x16xf32> to vector<16xf32>
      %swap3A_100 = vector.shape_cast %broadcast_in_dim3A_93 : vector<16xf32> to vector<1x1x16xf32>
      tpu.vector_store %arg6[%swap3A_95, %swap3A_96, %swap3A_97], %swap3A_100 {strides = array<i32>} : memref<2x128x128xf32, #tpu.memory_space<vmem>>, vector<1x1x16xf32>,
      %broadcast_in_dim3A_101 = arith.constant 0.000000e+00 : f32
      %broadcast_in_dim3A_102 = vector.broadcast %broadcast_in_dim3A_101 : f32 to vector<16xf32>
      %swap3A_103 = arith.constant 0 : i32
      %swap3A_104 = arith.index_cast %swap3A_103 : i32 to index
      %swap3A_105 = arith.index_cast %scan3A_39 : i32 to index
      %swap3A_106 = arith.constant 112 : index
      %swap3A_107 = tpu.vector_load %arg6[%swap3A_104, %swap3A_105, %swap3A_106] {strides = array<i32>} : memref<2x128x128xf32, #tpu.memory_space<vmem>>, vector<1x1x16xf32>,
      %swap3A_108 = vector.shape_cast %swap3A_107 : vector<1x1x16xf32> to vector<16xf32>
      %swap3A_109 = vector.shape_cast %broadcast_in_dim3A_102 : vector<16xf32> to vector<1x1x16xf32>
      tpu.vector_store %arg6[%swap3A_104, %swap3A_105, %swap3A_106], %swap3A_109 {strides = array<i32>} : memref<2x128x128xf32, #tpu.memory_space<vmem>>, vector<1x1x16xf32>,
    }
    %scan3A_5 = arith.constant 128 : i32
    %mul3A_6 = arith.constant 640 : i32
    %mul3A_7 = arith.muli %arg1, %mul3A_6 : i32
    %add3A_8 = arith.constant 0 : i32
    %add3A_9 = arith.addi %mul3A_7, %add3A_8 : i32
    %run_scoped3A = arith.constant 0 : i32
    "tpu.region"() ({
      %run_scoped3A_39 = tpu.sem_alloc : memref<!tpu.dma_semaphore, #tpu.memory_space<semaphore_mem>>
      %dma_start3A = arith.constant 0 : i32
      %dma_start3A_40 = arith.constant 0 : i32
      %dma_start3A_41 = tpu.memref_slice %arg6[%run_scoped3A, %dma_start3A, %dma_start3A_40] : memref<2x128x128xf32, #tpu.memory_space<vmem>> -> memref<1x128x128xf32, #tpu.memory_space<vmem>>
      %dma_start3A_42 = tpu.memref_squeeze %dma_start3A_41 : memref<1x128x128xf32, #tpu.memory_space<vmem>> -> memref<128x128xf32, #tpu.memory_space<vmem>>
      %dma_start3A_43 = arith.constant 0 : i32
      %dma_start3A_44 = tpu.memref_slice %arg7[%add3A_9, %dma_start3A_43] : memref<10240x128xf32, #tpu.memory_space<vmem_shared>> -> memref<128x128xf32, #tpu.memory_space<vmem_shared>>
      %dma_start3A_45 = arith.constant 0 : i32
      %dma_start3A_46 = tpu.memref_slice %arg7[%add3A_9, %dma_start3A_45] : memref<10240x128xf32, #tpu.memory_space<vmem_shared>> -> memref<128x128xf32, #tpu.memory_space<vmem_shared>>
      %dma_start3A_47 = arith.constant 0 : i32
      %dma_start3A_48 = arith.constant 0 : i32
      %dma_start3A_49 = tpu.memref_slice %arg6[%run_scoped3A, %dma_start3A_47, %dma_start3A_48] : memref<2x128x128xf32, #tpu.memory_space<vmem>> -> memref<1x128x128xf32, #tpu.memory_space<vmem>>
      %dma_start3A_50 = tpu.memref_squeeze %dma_start3A_49 : memref<1x128x128xf32, #tpu.memory_space<vmem>> -> memref<128x128xf32, #tpu.memory_space<vmem>>
      tpu.enqueue_dma source(%dma_start3A_50 : memref<128x128xf32, #tpu.memory_space<vmem>>) target(%dma_start3A_46 : memref<128x128xf32, #tpu.memory_space<vmem_shared>>) target_semaphore(%run_scoped3A_39 : memref<!tpu.dma_semaphore, #tpu.memory_space<semaphore_mem>>)
      %dma_wait3A = arith.constant 0 : i32
      %dma_wait3A_51 = arith.constant 0 : i32
      %dma_wait3A_52 = tpu.memref_slice %arg6[%run_scoped3A, %dma_wait3A, %dma_wait3A_51] : memref<2x128x128xf32, #tpu.memory_space<vmem>> -> memref<1x128x128xf32, #tpu.memory_space<vmem>>
      %dma_wait3A_53 = tpu.memref_squeeze %dma_wait3A_52 : memref<1x128x128xf32, #tpu.memory_space<vmem>> -> memref<128x128xf32, #tpu.memory_space<vmem>>
      %dma_wait3A_54 = arith.constant 0 : i32
      %dma_wait3A_55 = tpu.memref_slice %arg7[%add3A_9, %dma_wait3A_54] : memref<10240x128xf32, #tpu.memory_space<vmem_shared>> -> memref<128x128xf32, #tpu.memory_space<vmem_shared>>
      %dma_wait3A_56 = arith.constant 0 : i32
      %dma_wait3A_57 = tpu.memref_slice %arg7[%add3A_9, %dma_wait3A_56] : memref<10240x128xf32, #tpu.memory_space<vmem_shared>> -> memref<128x128xf32, #tpu.memory_space<vmem_shared>>
      %dma_wait3A_58 = arith.constant 0 : i32
      %dma_wait3A_59 = arith.constant 0 : i32
      %dma_wait3A_60 = tpu.memref_slice %arg6[%run_scoped3A, %dma_wait3A_58, %dma_wait3A_59] : memref<2x128x128xf32, #tpu.memory_space<vmem>> -> memref<1x128x128xf32, #tpu.memory_space<vmem>>
      %dma_wait3A_61 = tpu.memref_squeeze %dma_wait3A_60 : memref<1x128x128xf32, #tpu.memory_space<vmem>> -> memref<128x128xf32, #tpu.memory_space<vmem>>
      tpu.wait_dma2 semaphore(%run_scoped3A_39 : memref<!tpu.dma_semaphore, #tpu.memory_space<semaphore_mem>>) src(%dma_wait3A_61 : memref<128x128xf32, #tpu.memory_space<vmem>>) dst(%dma_wait3A_57 : memref<128x128xf32, #tpu.memory_space<vmem_shared>>)
      tpu.yield
    }) : () -> ()
    %add3A_10 = arith.constant 128 : i32
    %add3A_11 = arith.addi %mul3A_7, %add3A_10 : i32
    %run_scoped3A_12 = arith.constant 0 : i32
    "tpu.region"() ({
      %run_scoped3A_39 = tpu.sem_alloc : memref<!tpu.dma_semaphore, #tpu.memory_space<semaphore_mem>>
      %dma_start3A = arith.constant 0 : i32
      %dma_start3A_40 = arith.constant 0 : i32
      %dma_start3A_41 = tpu.memref_slice %arg6[%run_scoped3A_12, %dma_start3A, %dma_start3A_40] : memref<2x128x128xf32, #tpu.memory_space<vmem>> -> memref<1x128x128xf32, #tpu.memory_space<vmem>>
      %dma_start3A_42 = tpu.memref_squeeze %dma_start3A_41 : memref<1x128x128xf32, #tpu.memory_space<vmem>> -> memref<128x128xf32, #tpu.memory_space<vmem>>
      %dma_start3A_43 = arith.constant 0 : i32
      %dma_start3A_44 = tpu.memref_slice %arg7[%add3A_11, %dma_start3A_43] : memref<10240x128xf32, #tpu.memory_space<vmem_shared>> -> memref<128x128xf32, #tpu.memory_space<vmem_shared>>
      %dma_start3A_45 = arith.constant 0 : i32
      %dma_start3A_46 = tpu.memref_slice %arg7[%add3A_11, %dma_start3A_45] : memref<10240x128xf32, #tpu.memory_space<vmem_shared>> -> memref<128x128xf32, #tpu.memory_space<vmem_shared>>
      %dma_start3A_47 = arith.constant 0 : i32
      %dma_start3A_48 = arith.constant 0 : i32
      %dma_start3A_49 = tpu.memref_slice %arg6[%run_scoped3A_12, %dma_start3A_47, %dma_start3A_48] : memref<2x128x128xf32, #tpu.memory_space<vmem>> -> memref<1x128x128xf32, #tpu.memory_space<vmem>>
      %dma_start3A_50 = tpu.memref_squeeze %dma_start3A_49 : memref<1x128x128xf32, #tpu.memory_space<vmem>> -> memref<128x128xf32, #tpu.memory_space<vmem>>
      tpu.enqueue_dma source(%dma_start3A_50 : memref<128x128xf32, #tpu.memory_space<vmem>>) target(%dma_start3A_46 : memref<128x128xf32, #tpu.memory_space<vmem_shared>>) target_semaphore(%run_scoped3A_39 : memref<!tpu.dma_semaphore, #tpu.memory_space<semaphore_mem>>)
      %dma_wait3A = arith.constant 0 : i32
      %dma_wait3A_51 = arith.constant 0 : i32
      %dma_wait3A_52 = tpu.memref_slice %arg6[%run_scoped3A_12, %dma_wait3A, %dma_wait3A_51] : memref<2x128x128xf32, #tpu.memory_space<vmem>> -> memref<1x128x128xf32, #tpu.memory_space<vmem>>
      %dma_wait3A_53 = tpu.memref_squeeze %dma_wait3A_52 : memref<1x128x128xf32, #tpu.memory_space<vmem>> -> memref<128x128xf32, #tpu.memory_space<vmem>>
      %dma_wait3A_54 = arith.constant 0 : i32
      %dma_wait3A_55 = tpu.memref_slice %arg7[%add3A_11, %dma_wait3A_54] : memref<10240x128xf32, #tpu.memory_space<vmem_shared>> -> memref<128x128xf32, #tpu.memory_space<vmem_shared>>
      %dma_wait3A_56 = arith.constant 0 : i32
      %dma_wait3A_57 = tpu.memref_slice %arg7[%add3A_11, %dma_wait3A_56] : memref<10240x128xf32, #tpu.memory_space<vmem_shared>> -> memref<128x128xf32, #tpu.memory_space<vmem_shared>>
      %dma_wait3A_58 = arith.constant 0 : i32
      %dma_wait3A_59 = arith.constant 0 : i32
      %dma_wait3A_60 = tpu.memref_slice %arg6[%run_scoped3A_12, %dma_wait3A_58, %dma_wait3A_59] : memref<2x128x128xf32, #tpu.memory_space<vmem>> -> memref<1x128x128xf32, #tpu.memory_space<vmem>>
      %dma_wait3A_61 = tpu.memref_squeeze %dma_wait3A_60 : memref<1x128x128xf32, #tpu.memory_space<vmem>> -> memref<128x128xf32, #tpu.memory_space<vmem>>
      tpu.wait_dma2 semaphore(%run_scoped3A_39 : memref<!tpu.dma_semaphore, #tpu.memory_space<semaphore_mem>>) src(%dma_wait3A_61 : memref<128x128xf32, #tpu.memory_space<vmem>>) dst(%dma_wait3A_57 : memref<128x128xf32, #tpu.memory_space<vmem_shared>>)
      tpu.yield
    }) : () -> ()
    %add3A_13 = arith.constant 256 : i32
    %add3A_14 = arith.addi %mul3A_7, %add3A_13 : i32
    %run_scoped3A_15 = arith.constant 0 : i32
    "tpu.region"() ({
      %run_scoped3A_39 = tpu.sem_alloc : memref<!tpu.dma_semaphore, #tpu.memory_space<semaphore_mem>>
      %dma_start3A = arith.constant 0 : i32
      %dma_start3A_40 = arith.constant 0 : i32
      %dma_start3A_41 = tpu.memref_slice %arg6[%run_scoped3A_15, %dma_start3A, %dma_start3A_40] : memref<2x128x128xf32, #tpu.memory_space<vmem>> -> memref<1x128x128xf32, #tpu.memory_space<vmem>>
      %dma_start3A_42 = tpu.memref_squeeze %dma_start3A_41 : memref<1x128x128xf32, #tpu.memory_space<vmem>> -> memref<128x128xf32, #tpu.memory_space<vmem>>
      %dma_start3A_43 = arith.constant 0 : i32
      %dma_start3A_44 = tpu.memref_slice %arg7[%add3A_14, %dma_start3A_43] : memref<10240x128xf32, #tpu.memory_space<vmem_shared>> -> memref<128x128xf32, #tpu.memory_space<vmem_shared>>
      %dma_start3A_45 = arith.constant 0 : i32
      %dma_start3A_46 = tpu.memref_slice %arg7[%add3A_14, %dma_start3A_45] : memref<10240x128xf32, #tpu.memory_space<vmem_shared>> -> memref<128x128xf32, #tpu.memory_space<vmem_shared>>
      %dma_start3A_47 = arith.constant 0 : i32
      %dma_start3A_48 = arith.constant 0 : i32
      %dma_start3A_49 = tpu.memref_slice %arg6[%run_scoped3A_15, %dma_start3A_47, %dma_start3A_48] : memref<2x128x128xf32, #tpu.memory_space<vmem>> -> memref<1x128x128xf32, #tpu.memory_space<vmem>>
      %dma_start3A_50 = tpu.memref_squeeze %dma_start3A_49 : memref<1x128x128xf32, #tpu.memory_space<vmem>> -> memref<128x128xf32, #tpu.memory_space<vmem>>
      tpu.enqueue_dma source(%dma_start3A_50 : memref<128x128xf32, #tpu.memory_space<vmem>>) target(%dma_start3A_46 : memref<128x128xf32, #tpu.memory_space<vmem_shared>>) target_semaphore(%run_scoped3A_39 : memref<!tpu.dma_semaphore, #tpu.memory_space<semaphore_mem>>)
      %dma_wait3A = arith.constant 0 : i32
      %dma_wait3A_51 = arith.constant 0 : i32
      %dma_wait3A_52 = tpu.memref_slice %arg6[%run_scoped3A_15, %dma_wait3A, %dma_wait3A_51] : memref<2x128x128xf32, #tpu.memory_space<vmem>> -> memref<1x128x128xf32, #tpu.memory_space<vmem>>
      %dma_wait3A_53 = tpu.memref_squeeze %dma_wait3A_52 : memref<1x128x128xf32, #tpu.memory_space<vmem>> -> memref<128x128xf32, #tpu.memory_space<vmem>>
      %dma_wait3A_54 = arith.constant 0 : i32
      %dma_wait3A_55 = tpu.memref_slice %arg7[%add3A_14, %dma_wait3A_54] : memref<10240x128xf32, #tpu.memory_space<vmem_shared>> -> memref<128x128xf32, #tpu.memory_space<vmem_shared>>
      %dma_wait3A_56 = arith.constant 0 : i32
      %dma_wait3A_57 = tpu.memref_slice %arg7[%add3A_14, %dma_wait3A_56] : memref<10240x128xf32, #tpu.memory_space<vmem_shared>> -> memref<128x128xf32, #tpu.memory_space<vmem_shared>>
      %dma_wait3A_58 = arith.constant 0 : i32
      %dma_wait3A_59 = arith.constant 0 : i32
      %dma_wait3A_60 = tpu.memref_slice %arg6[%run_scoped3A_15, %dma_wait3A_58, %dma_wait3A_59] : memref<2x128x128xf32, #tpu.memory_space<vmem>> -> memref<1x128x128xf32, #tpu.memory_space<vmem>>
      %dma_wait3A_61 = tpu.memref_squeeze %dma_wait3A_60 : memref<1x128x128xf32, #tpu.memory_space<vmem>> -> memref<128x128xf32, #tpu.memory_space<vmem>>
      tpu.wait_dma2 semaphore(%run_scoped3A_39 : memref<!tpu.dma_semaphore, #tpu.memory_space<semaphore_mem>>) src(%dma_wait3A_61 : memref<128x128xf32, #tpu.memory_space<vmem>>) dst(%dma_wait3A_57 : memref<128x128xf32, #tpu.memory_space<vmem_shared>>)
      tpu.yield
    }) : () -> ()
    %add3A_16 = arith.constant 384 : i32
    %add3A_17 = arith.addi %mul3A_7, %add3A_16 : i32
    %run_scoped3A_18 = arith.constant 0 : i32
    "tpu.region"() ({
      %run_scoped3A_39 = tpu.sem_alloc : memref<!tpu.dma_semaphore, #tpu.memory_space<semaphore_mem>>
      %dma_start3A = arith.constant 0 : i32
      %dma_start3A_40 = arith.constant 0 : i32
      %dma_start3A_41 = tpu.memref_slice %arg6[%run_scoped3A_18, %dma_start3A, %dma_start3A_40] : memref<2x128x128xf32, #tpu.memory_space<vmem>> -> memref<1x128x128xf32, #tpu.memory_space<vmem>>
      %dma_start3A_42 = tpu.memref_squeeze %dma_start3A_41 : memref<1x128x128xf32, #tpu.memory_space<vmem>> -> memref<128x128xf32, #tpu.memory_space<vmem>>
      %dma_start3A_43 = arith.constant 0 : i32
      %dma_start3A_44 = tpu.memref_slice %arg7[%add3A_17, %dma_start3A_43] : memref<10240x128xf32, #tpu.memory_space<vmem_shared>> -> memref<128x128xf32, #tpu.memory_space<vmem_shared>>
      %dma_start3A_45 = arith.constant 0 : i32
      %dma_start3A_46 = tpu.memref_slice %arg7[%add3A_17, %dma_start3A_45] : memref<10240x128xf32, #tpu.memory_space<vmem_shared>> -> memref<128x128xf32, #tpu.memory_space<vmem_shared>>
      %dma_start3A_47 = arith.constant 0 : i32
      %dma_start3A_48 = arith.constant 0 : i32
      %dma_start3A_49 = tpu.memref_slice %arg6[%run_scoped3A_18, %dma_start3A_47, %dma_start3A_48] : memref<2x128x128xf32, #tpu.memory_space<vmem>> -> memref<1x128x128xf32, #tpu.memory_space<vmem>>
      %dma_start3A_50 = tpu.memref_squeeze %dma_start3A_49 : memref<1x128x128xf32, #tpu.memory_space<vmem>> -> memref<128x128xf32, #tpu.memory_space<vmem>>
      tpu.enqueue_dma source(%dma_start3A_50 : memref<128x128xf32, #tpu.memory_space<vmem>>) target(%dma_start3A_46 : memref<128x128xf32, #tpu.memory_space<vmem_shared>>) target_semaphore(%run_scoped3A_39 : memref<!tpu.dma_semaphore, #tpu.memory_space<semaphore_mem>>)
      %dma_wait3A = arith.constant 0 : i32
      %dma_wait3A_51 = arith.constant 0 : i32
      %dma_wait3A_52 = tpu.memref_slice %arg6[%run_scoped3A_18, %dma_wait3A, %dma_wait3A_51] : memref<2x128x128xf32, #tpu.memory_space<vmem>> -> memref<1x128x128xf32, #tpu.memory_space<vmem>>
      %dma_wait3A_53 = tpu.memref_squeeze %dma_wait3A_52 : memref<1x128x128xf32, #tpu.memory_space<vmem>> -> memref<128x128xf32, #tpu.memory_space<vmem>>
      %dma_wait3A_54 = arith.constant 0 : i32
      %dma_wait3A_55 = tpu.memref_slice %arg7[%add3A_17, %dma_wait3A_54] : memref<10240x128xf32, #tpu.memory_space<vmem_shared>> -> memref<128x128xf32, #tpu.memory_space<vmem_shared>>
      %dma_wait3A_56 = arith.constant 0 : i32
      %dma_wait3A_57 = tpu.memref_slice %arg7[%add3A_17, %dma_wait3A_56] : memref<10240x128xf32, #tpu.memory_space<vmem_shared>> -> memref<128x128xf32, #tpu.memory_space<vmem_shared>>
      %dma_wait3A_58 = arith.constant 0 : i32
      %dma_wait3A_59 = arith.constant 0 : i32
      %dma_wait3A_60 = tpu.memref_slice %arg6[%run_scoped3A_18, %dma_wait3A_58, %dma_wait3A_59] : memref<2x128x128xf32, #tpu.memory_space<vmem>> -> memref<1x128x128xf32, #tpu.memory_space<vmem>>
      %dma_wait3A_61 = tpu.memref_squeeze %dma_wait3A_60 : memref<1x128x128xf32, #tpu.memory_space<vmem>> -> memref<128x128xf32, #tpu.memory_space<vmem>>
      tpu.wait_dma2 semaphore(%run_scoped3A_39 : memref<!tpu.dma_semaphore, #tpu.memory_space<semaphore_mem>>) src(%dma_wait3A_61 : memref<128x128xf32, #tpu.memory_space<vmem>>) dst(%dma_wait3A_57 : memref<128x128xf32, #tpu.memory_space<vmem_shared>>)
      tpu.yield
    }) : () -> ()
    %add3A_19 = arith.constant 512 : i32
    %add3A_20 = arith.addi %mul3A_7, %add3A_19 : i32
    %run_scoped3A_21 = arith.constant 0 : i32
    "tpu.region"() ({
      %run_scoped3A_39 = tpu.sem_alloc : memref<!tpu.dma_semaphore, #tpu.memory_space<semaphore_mem>>
      %dma_start3A = arith.constant 0 : i32
      %dma_start3A_40 = arith.constant 0 : i32
      %dma_start3A_41 = tpu.memref_slice %arg6[%run_scoped3A_21, %dma_start3A, %dma_start3A_40] : memref<2x128x128xf32, #tpu.memory_space<vmem>> -> memref<1x128x128xf32, #tpu.memory_space<vmem>>
      %dma_start3A_42 = tpu.memref_squeeze %dma_start3A_41 : memref<1x128x128xf32, #tpu.memory_space<vmem>> -> memref<128x128xf32, #tpu.memory_space<vmem>>
      %dma_start3A_43 = arith.constant 0 : i32
      %dma_start3A_44 = tpu.memref_slice %arg7[%add3A_20, %dma_start3A_43] : memref<10240x128xf32, #tpu.memory_space<vmem_shared>> -> memref<128x128xf32, #tpu.memory_space<vmem_shared>>
      %dma_start3A_45 = arith.constant 0 : i32
      %dma_start3A_46 = tpu.memref_slice %arg7[%add3A_20, %dma_start3A_45] : memref<10240x128xf32, #tpu.memory_space<vmem_shared>> -> memref<128x128xf32, #tpu.memory_space<vmem_shared>>
      %dma_start3A_47 = arith.constant 0 : i32
      %dma_start3A_48 = arith.constant 0 : i32
      %dma_start3A_49 = tpu.memref_slice %arg6[%run_scoped3A_21, %dma_start3A_47, %dma_start3A_48] : memref<2x128x128xf32, #tpu.memory_space<vmem>> -> memref<1x128x128xf32, #tpu.memory_space<vmem>>
      %dma_start3A_50 = tpu.memref_squeeze %dma_start3A_49 : memref<1x128x128xf32, #tpu.memory_space<vmem>> -> memref<128x128xf32, #tpu.memory_space<vmem>>
      tpu.enqueue_dma source(%dma_start3A_50 : memref<128x128xf32, #tpu.memory_space<vmem>>) target(%dma_start3A_46 : memref<128x128xf32, #tpu.memory_space<vmem_shared>>) target_semaphore(%run_scoped3A_39 : memref<!tpu.dma_semaphore, #tpu.memory_space<semaphore_mem>>)
      %dma_wait3A = arith.constant 0 : i32
      %dma_wait3A_51 = arith.constant 0 : i32
      %dma_wait3A_52 = tpu.memref_slice %arg6[%run_scoped3A_21, %dma_wait3A, %dma_wait3A_51] : memref<2x128x128xf32, #tpu.memory_space<vmem>> -> memref<1x128x128xf32, #tpu.memory_space<vmem>>
      %dma_wait3A_53 = tpu.memref_squeeze %dma_wait3A_52 : memref<1x128x128xf32, #tpu.memory_space<vmem>> -> memref<128x128xf32, #tpu.memory_space<vmem>>
      %dma_wait3A_54 = arith.constant 0 : i32
      %dma_wait3A_55 = tpu.memref_slice %arg7[%add3A_20, %dma_wait3A_54] : memref<10240x128xf32, #tpu.memory_space<vmem_shared>> -> memref<128x128xf32, #tpu.memory_space<vmem_shared>>
      %dma_wait3A_56 = arith.constant 0 : i32
      %dma_wait3A_57 = tpu.memref_slice %arg7[%add3A_20, %dma_wait3A_56] : memref<10240x128xf32, #tpu.memory_space<vmem_shared>> -> memref<128x128xf32, #tpu.memory_space<vmem_shared>>
      %dma_wait3A_58 = arith.constant 0 : i32
      %dma_wait3A_59 = arith.constant 0 : i32
      %dma_wait3A_60 = tpu.memref_slice %arg6[%run_scoped3A_21, %dma_wait3A_58, %dma_wait3A_59] : memref<2x128x128xf32, #tpu.memory_space<vmem>> -> memref<1x128x128xf32, #tpu.memory_space<vmem>>
      %dma_wait3A_61 = tpu.memref_squeeze %dma_wait3A_60 : memref<1x128x128xf32, #tpu.memory_space<vmem>> -> memref<128x128xf32, #tpu.memory_space<vmem>>
      tpu.wait_dma2 semaphore(%run_scoped3A_39 : memref<!tpu.dma_semaphore, #tpu.memory_space<semaphore_mem>>) src(%dma_wait3A_61 : memref<128x128xf32, #tpu.memory_space<vmem>>) dst(%dma_wait3A_57 : memref<128x128xf32, #tpu.memory_space<vmem_shared>>)
      tpu.yield
    }) : () -> ()
    %barrier3A = arith.constant 0 : index
    tpu.barrier barrier_id(%barrier3A)
    %scan3A_22 = arith.constant 0 : i32
    %scan3A_23 = arith.constant 0 : i32
    %scan3A_24 = arith.constant 10 : i32
    %scan3A_25 = arith.addi %scan3A_23, %scan3A_24 : i32
    %scan3A_26 = arith.constant 1 : i32
    scf.for %scan3A_39 = %scan3A_23 to %scan3A_25 step %scan3A_26  : i32 {
      %mul3A_40 = arith.constant 10 : i32
      %mul3A_41 = arith.muli %add3A, %mul3A_40 : i32
      %add3A_42 = arith.addi %mul3A_41, %scan3A_39 : i32
      "tpu.region"() ({
        %run_scoped3A_521 = tpu.sem_alloc : memref<!tpu.dma_semaphore, #tpu.memory_space<semaphore_mem>>
        %dma_start3A_522 = arith.constant 0 : i32
        %dma_start3A_523 = arith.constant 0 : i32
        %dma_start3A_524 = tpu.memref_slice %arg3[%add3A_42, %dma_start3A_522, %dma_start3A_523] : memref<320x16x128xi32, #tpu.memory_space<hbm>> -> memref<1x16x128xi32, #tpu.memory_space<hbm>>
        %dma_start3A_525 = tpu.memref_squeeze %dma_start3A_524 : memref<1x16x128xi32, #tpu.memory_space<hbm>> -> memref<16x128xi32, #tpu.memory_space<hbm>>
        %dma_start3A_526 = arith.constant 0 : i32
        %dma_start3A_527 = arith.constant 0 : i32
        %dma_start3A_528 = tpu.memref_slice %arg3[%add3A_42, %dma_start3A_526, %dma_start3A_527] : memref<320x16x128xi32, #tpu.memory_space<hbm>> -> memref<1x16x128xi32, #tpu.memory_space<hbm>>
        %dma_start3A_529 = tpu.memref_squeeze %dma_start3A_528 : memref<1x16x128xi32, #tpu.memory_space<hbm>> -> memref<16x128xi32, #tpu.memory_space<hbm>>
        tpu.enqueue_dma source(%dma_start3A_529 : memref<16x128xi32, #tpu.memory_space<hbm>>) target(%arg5 : memref<16x128xi32, #tpu.memory_space<vmem>>) target_semaphore(%run_scoped3A_521 : memref<!tpu.dma_semaphore, #tpu.memory_space<semaphore_mem>>)
        %dma_wait3A_530 = arith.constant 0 : i32
        %dma_wait3A_531 = arith.constant 0 : i32
        %dma_wait3A_532 = tpu.memref_slice %arg3[%add3A_42, %dma_wait3A_530, %dma_wait3A_531] : memref<320x16x128xi32, #tpu.memory_space<hbm>> -> memref<1x16x128xi32, #tpu.memory_space<hbm>>
        %dma_wait3A_533 = tpu.memref_squeeze %dma_wait3A_532 : memref<1x16x128xi32, #tpu.memory_space<hbm>> -> memref<16x128xi32, #tpu.memory_space<hbm>>
        %dma_wait3A_534 = arith.constant 0 : i32
        %dma_wait3A_535 = arith.constant 0 : i32
        %dma_wait3A_536 = tpu.memref_slice %arg3[%add3A_42, %dma_wait3A_534, %dma_wait3A_535] : memref<320x16x128xi32, #tpu.memory_space<hbm>> -> memref<1x16x128xi32, #tpu.memory_space<hbm>>
        %dma_wait3A_537 = tpu.memref_squeeze %dma_wait3A_536 : memref<1x16x128xi32, #tpu.memory_space<hbm>> -> memref<16x128xi32, #tpu.memory_space<hbm>>
        tpu.wait_dma2 semaphore(%run_scoped3A_521 : memref<!tpu.dma_semaphore, #tpu.memory_space<semaphore_mem>>) src(%dma_wait3A_537 : memref<16x128xi32, #tpu.memory_space<hbm>>) dst(%arg5 : memref<16x128xi32, #tpu.memory_space<vmem>>)
        tpu.yield
      }) : () -> ()
      %dma_start3A = arith.constant 0 : i32
      %dma_start3A_43 = arith.constant 0 : i32
      %dma_start3A_44 = arith.constant 0 : i32
      %dma_start3A_45 = arith.constant 0 : i32
      %dma_start3A_46 = arith.constant 0 : i32
      %dma_start3A_47 = tpu.memref_slice %arg6[%dma_start3A_43, %dma_start3A_45, %dma_start3A_46] : memref<2x128x128xf32, #tpu.memory_space<vmem>> -> memref<1x128x128xf32, #tpu.memory_space<vmem>>
      %dma_start3A_48 = tpu.memref_squeeze %dma_start3A_47 : memref<1x128x128xf32, #tpu.memory_space<vmem>> -> memref<128x128xf32, #tpu.memory_space<vmem>>
      %dma_start3A_49 = arith.constant 0 : i32
      %dma_start3A_50 = tpu.memref_slice %arg5[%dma_start3A, %dma_start3A_49] : memref<16x128xi32, #tpu.memory_space<vmem>> -> memref<1x128xi32, #tpu.memory_space<vmem>>
      %dma_start3A_51 = tpu.memref_squeeze %dma_start3A_50 : memref<1x128xi32, #tpu.memory_space<vmem>> -> memref<128xi32, #tpu.memory_space<vmem>>
      %dma_start3A_52 = arith.constant 0 : i32
      %dma_start3A_53 = arith.constant 0 : i32
      %dma_start3A_54 = tpu.memref_slice %arg2[%dma_start3A_52, %dma_start3A_53] : memref<10240x128xf32, #tpu.memory_space<hbm>> -> memref<10240x128xf32, #tpu.memory_space<hbm>>
      %dma_start3A_55 = tpu.memref_slice %arg8[%dma_start3A_44] : memref<2x!tpu.dma_semaphore, #tpu.memory_space<semaphore_mem>> -> memref<1x!tpu.dma_semaphore, #tpu.memory_space<semaphore_mem>>
      %dma_start3A_56 = tpu.memref_squeeze %dma_start3A_55 : memref<1x!tpu.dma_semaphore, #tpu.memory_space<semaphore_mem>> -> memref<!tpu.dma_semaphore, #tpu.memory_space<semaphore_mem>>
      tpu.enqueue_indirect_dma source(%dma_start3A_54 : memref<10240x128xf32, #tpu.memory_space<hbm>>) target(%dma_start3A_48 : memref<128x128xf32, #tpu.memory_space<vmem>>) offsets(%dma_start3A_51 : memref<128xi32, #tpu.memory_space<vmem>>) semaphore(%dma_start3A_56 : memref<!tpu.dma_semaphore, #tpu.memory_space<semaphore_mem>>)
      %dma_wait3A = arith.constant 0 : i32
      %dma_wait3A_57 = arith.constant 0 : i32
      %dma_wait3A_58 = arith.constant 0 : i32
      %dma_wait3A_59 = arith.constant 0 : i32
      %dma_wait3A_60 = arith.constant 0 : i32
      %dma_wait3A_61 = tpu.memref_slice %arg6[%dma_wait3A_57, %dma_wait3A_59, %dma_wait3A_60] : memref<2x128x128xf32, #tpu.memory_space<vmem>> -> memref<1x128x128xf32, #tpu.memory_space<vmem>>
      %dma_wait3A_62 = tpu.memref_squeeze %dma_wait3A_61 : memref<1x128x128xf32, #tpu.memory_space<vmem>> -> memref<128x128xf32, #tpu.memory_space<vmem>>
      %dma_wait3A_63 = arith.constant 0 : i32
      %dma_wait3A_64 = tpu.memref_slice %arg5[%dma_wait3A, %dma_wait3A_63] : memref<16x128xi32, #tpu.memory_space<vmem>> -> memref<1x128xi32, #tpu.memory_space<vmem>>
      %dma_wait3A_65 = tpu.memref_squeeze %dma_wait3A_64 : memref<1x128xi32, #tpu.memory_space<vmem>> -> memref<128xi32, #tpu.memory_space<vmem>>
      %dma_wait3A_66 = arith.constant 0 : i32
      %dma_wait3A_67 = arith.constant 0 : i32
      %dma_wait3A_68 = tpu.memref_slice %arg2[%dma_wait3A_66, %dma_wait3A_67] : memref<10240x128xf32, #tpu.memory_space<hbm>> -> memref<10240x128xf32, #tpu.memory_space<hbm>>
      %dma_wait3A_69 = tpu.memref_slice %arg8[%dma_wait3A_58] : memref<2x!tpu.dma_semaphore, #tpu.memory_space<semaphore_mem>> -> memref<1x!tpu.dma_semaphore, #tpu.memory_space<semaphore_mem>>
      %dma_wait3A_70 = tpu.memref_squeeze %dma_wait3A_69 : memref<1x!tpu.dma_semaphore, #tpu.memory_space<semaphore_mem>> -> memref<!tpu.dma_semaphore, #tpu.memory_space<semaphore_mem>>
      tpu.wait_indirect_dma semaphore(%dma_wait3A_70 : memref<!tpu.dma_semaphore, #tpu.memory_space<semaphore_mem>>) src(%dma_wait3A_68 : memref<10240x128xf32, #tpu.memory_space<hbm>>) dst(%dma_wait3A_62 : memref<128x128xf32, #tpu.memory_space<vmem>>)
      %dma_start3A_71 = arith.constant 0 : i32
      %dma_start3A_72 = arith.constant 8 : i32
      %dma_start3A_73 = arith.constant 0 : i32
      %dma_start3A_74 = arith.constant 0 : i32
      %dma_start3A_75 = arith.constant 0 : i32
      %dma_start3A_76 = tpu.memref_slice %arg6[%dma_start3A_71, %dma_start3A_74, %dma_start3A_75] : memref<2x128x128xf32, #tpu.memory_space<vmem>> -> memref<1x128x128xf32, #tpu.memory_space<vmem>>
      %dma_start3A_77 = tpu.memref_squeeze %dma_start3A_76 : memref<1x128x128xf32, #tpu.memory_space<vmem>> -> memref<128x128xf32, #tpu.memory_space<vmem>>
      %dma_start3A_78 = arith.constant 0 : i32
      %dma_start3A_79 = tpu.memref_slice %arg5[%dma_start3A_72, %dma_start3A_78] : memref<16x128xi32, #tpu.memory_space<vmem>> -> memref<1x128xi32, #tpu.memory_space<vmem>>
      %dma_start3A_80 = tpu.memref_squeeze %dma_start3A_79 : memref<1x128xi32, #tpu.memory_space<vmem>> -> memref<128xi32, #tpu.memory_space<vmem>>
      %dma_start3A_81 = arith.constant 0 : i32
      %dma_start3A_82 = arith.constant 0 : i32
      %dma_start3A_83 = tpu.memref_slice %arg7[%dma_start3A_81, %dma_start3A_82] : memref<10240x128xf32, #tpu.memory_space<vmem_shared>> -> memref<10240x128xf32, #tpu.memory_space<vmem_shared>>
      %dma_start3A_84 = tpu.memref_slice %arg9[%dma_start3A_73] : memref<2x!tpu.dma_semaphore, #tpu.memory_space<semaphore_mem>> -> memref<1x!tpu.dma_semaphore, #tpu.memory_space<semaphore_mem>>
      %dma_start3A_85 = tpu.memref_squeeze %dma_start3A_84 : memref<1x!tpu.dma_semaphore, #tpu.memory_space<semaphore_mem>> -> memref<!tpu.dma_semaphore, #tpu.memory_space<semaphore_mem>>
      tpu.enqueue_indirect_dma source(%dma_start3A_77 : memref<128x128xf32, #tpu.memory_space<vmem>>) target(%dma_start3A_83 : memref<10240x128xf32, #tpu.memory_space<vmem_shared>>) offsets(%dma_start3A_80 : memref<128xi32, #tpu.memory_space<vmem>>) semaphore(%dma_start3A_85 : memref<!tpu.dma_semaphore, #tpu.memory_space<semaphore_mem>>) {add = true}
      %dma_start3A_86 = arith.constant 1 : i32
      %dma_start3A_87 = arith.constant 1 : i32
      %dma_start3A_88 = arith.constant 1 : i32
      %dma_start3A_89 = arith.constant 0 : i32
      %dma_start3A_90 = arith.constant 0 : i32
      %dma_start3A_91 = tpu.memref_slice %arg6[%dma_start3A_87, %dma_start3A_89, %dma_start3A_90] : memref<2x128x128xf32, #tpu.memory_space<vmem>> -> memref<1x128x128xf32, #tpu.memory_space<vmem>>
      %dma_start3A_92 = tpu.memref_squeeze %dma_start3A_91 : memref<1x128x128xf32, #tpu.memory_space<vmem>> -> memref<128x128xf32, #tpu.memory_space<vmem>>
      %dma_start3A_93 = arith.constant 0 : i32
      %dma_start3A_94 = tpu.memref_slice %arg5[%dma_start3A_86, %dma_start3A_93] : memref<16x128xi32, #tpu.memory_space<vmem>> -> memref<1x128xi32, #tpu.memory_space<vmem>>
      %dma_start3A_95 = tpu.memref_squeeze %dma_start3A_94 : memref<1x128xi32, #tpu.memory_space<vmem>> -> memref<128xi32, #tpu.memory_space<vmem>>
      %dma_start3A_96 = arith.constant 0 : i32
      %dma_start3A_97 = arith.constant 0 : i32
      %dma_start3A_98 = tpu.memref_slice %arg2[%dma_start3A_96, %dma_start3A_97] : memref<10240x128xf32, #tpu.memory_space<hbm>> -> memref<10240x128xf32, #tpu.memory_space<hbm>>
      %dma_start3A_99 = tpu.memref_slice %arg8[%dma_start3A_88] : memref<2x!tpu.dma_semaphore, #tpu.memory_space<semaphore_mem>> -> memref<1x!tpu.dma_semaphore, #tpu.memory_space<semaphore_mem>>
      %dma_start3A_100 = tpu.memref_squeeze %dma_start3A_99 : memref<1x!tpu.dma_semaphore, #tpu.memory_space<semaphore_mem>> -> memref<!tpu.dma_semaphore, #tpu.memory_space<semaphore_mem>>
      tpu.enqueue_indirect_dma source(%dma_start3A_98 : memref<10240x128xf32, #tpu.memory_space<hbm>>) target(%dma_start3A_92 : memref<128x128xf32, #tpu.memory_space<vmem>>) offsets(%dma_start3A_95 : memref<128xi32, #tpu.memory_space<vmem>>) semaphore(%dma_start3A_100 : memref<!tpu.dma_semaphore, #tpu.memory_space<semaphore_mem>>)
      %dma_wait3A_101 = arith.constant 1 : i32
      %dma_wait3A_102 = arith.constant 1 : i32
      %dma_wait3A_103 = arith.constant 1 : i32
      %dma_wait3A_104 = arith.constant 0 : i32
      %dma_wait3A_105 = arith.constant 0 : i32
      %dma_wait3A_106 = tpu.memref_slice %arg6[%dma_wait3A_102, %dma_wait3A_104, %dma_wait3A_105] : memref<2x128x128xf32, #tpu.memory_space<vmem>> -> memref<1x128x128xf32, #tpu.memory_space<vmem>>
      %dma_wait3A_107 = tpu.memref_squeeze %dma_wait3A_106 : memref<1x128x128xf32, #tpu.memory_space<vmem>> -> memref<128x128xf32, #tpu.memory_space<vmem>>
      %dma_wait3A_108 = arith.constant 0 : i32
      %dma_wait3A_109 = tpu.memref_slice %arg5[%dma_wait3A_101, %dma_wait3A_108] : memref<16x128xi32, #tpu.memory_space<vmem>> -> memref<1x128xi32, #tpu.memory_space<vmem>>
      %dma_wait3A_110 = tpu.memref_squeeze %dma_wait3A_109 : memref<1x128xi32, #tpu.memory_space<vmem>> -> memref<128xi32, #tpu.memory_space<vmem>>
      %dma_wait3A_111 = arith.constant 0 : i32
      %dma_wait3A_112 = arith.constant 0 : i32
      %dma_wait3A_113 = tpu.memref_slice %arg2[%dma_wait3A_111, %dma_wait3A_112] : memref<10240x128xf32, #tpu.memory_space<hbm>> -> memref<10240x128xf32, #tpu.memory_space<hbm>>
      %dma_wait3A_114 = tpu.memref_slice %arg8[%dma_wait3A_103] : memref<2x!tpu.dma_semaphore, #tpu.memory_space<semaphore_mem>> -> memref<1x!tpu.dma_semaphore, #tpu.memory_space<semaphore_mem>>
      %dma_wait3A_115 = tpu.memref_squeeze %dma_wait3A_114 : memref<1x!tpu.dma_semaphore, #tpu.memory_space<semaphore_mem>> -> memref<!tpu.dma_semaphore, #tpu.memory_space<semaphore_mem>>
      tpu.wait_indirect_dma semaphore(%dma_wait3A_115 : memref<!tpu.dma_semaphore, #tpu.memory_space<semaphore_mem>>) src(%dma_wait3A_113 : memref<10240x128xf32, #tpu.memory_space<hbm>>) dst(%dma_wait3A_107 : memref<128x128xf32, #tpu.memory_space<vmem>>)
      %dma_start3A_116 = arith.constant 1 : i32
      %dma_start3A_117 = arith.constant 9 : i32
      %dma_start3A_118 = arith.constant 1 : i32
      %dma_start3A_119 = arith.constant 0 : i32
      %dma_start3A_120 = arith.constant 0 : i32
      %dma_start3A_121 = tpu.memref_slice %arg6[%dma_start3A_116, %dma_start3A_119, %dma_start3A_120] : memref<2x128x128xf32, #tpu.memory_space<vmem>> -> memref<1x128x128xf32, #tpu.memory_space<vmem>>
      %dma_start3A_122 = tpu.memref_squeeze %dma_start3A_121 : memref<1x128x128xf32, #tpu.memory_space<vmem>> -> memref<128x128xf32, #tpu.memory_space<vmem>>
      %dma_start3A_123 = arith.constant 0 : i32
      %dma_start3A_124 = tpu.memref_slice %arg5[%dma_start3A_117, %dma_start3A_123] : memref<16x128xi32, #tpu.memory_space<vmem>> -> memref<1x128xi32, #tpu.memory_space<vmem>>
      %dma_start3A_125 = tpu.memref_squeeze %dma_start3A_124 : memref<1x128xi32, #tpu.memory_space<vmem>> -> memref<128xi32, #tpu.memory_space<vmem>>
      %dma_start3A_126 = arith.constant 0 : i32
      %dma_start3A_127 = arith.constant 0 : i32
      %dma_start3A_128 = tpu.memref_slice %arg7[%dma_start3A_126, %dma_start3A_127] : memref<10240x128xf32, #tpu.memory_space<vmem_shared>> -> memref<10240x128xf32, #tpu.memory_space<vmem_shared>>
      %dma_start3A_129 = tpu.memref_slice %arg9[%dma_start3A_118] : memref<2x!tpu.dma_semaphore, #tpu.memory_space<semaphore_mem>> -> memref<1x!tpu.dma_semaphore, #tpu.memory_space<semaphore_mem>>
      %dma_start3A_130 = tpu.memref_squeeze %dma_start3A_129 : memref<1x!tpu.dma_semaphore, #tpu.memory_space<semaphore_mem>> -> memref<!tpu.dma_semaphore, #tpu.memory_space<semaphore_mem>>
      tpu.enqueue_indirect_dma source(%dma_start3A_122 : memref<128x128xf32, #tpu.memory_space<vmem>>) target(%dma_start3A_128 : memref<10240x128xf32, #tpu.memory_space<vmem_shared>>) offsets(%dma_start3A_125 : memref<128xi32, #tpu.memory_space<vmem>>) semaphore(%dma_start3A_130 : memref<!tpu.dma_semaphore, #tpu.memory_space<semaphore_mem>>) {add = true}
      %dma_wait3A_131 = arith.constant 0 : i32
      %dma_wait3A_132 = arith.constant 8 : i32
      %dma_wait3A_133 = arith.constant 0 : i32
      %dma_wait3A_134 = arith.constant 0 : i32
      %dma_wait3A_135 = arith.constant 0 : i32
      %dma_wait3A_136 = tpu.memref_slice %arg6[%dma_wait3A_131, %dma_wait3A_134, %dma_wait3A_135] : memref<2x128x128xf32, #tpu.memory_space<vmem>> -> memref<1x128x128xf32, #tpu.memory_space<vmem>>
      %dma_wait3A_137 = tpu.memref_squeeze %dma_wait3A_136 : memref<1x128x128xf32, #tpu.memory_space<vmem>> -> memref<128x128xf32, #tpu.memory_space<vmem>>
      %dma_wait3A_138 = arith.constant 0 : i32
      %dma_wait3A_139 = tpu.memref_slice %arg5[%dma_wait3A_132, %dma_wait3A_138] : memref<16x128xi32, #tpu.memory_space<vmem>> -> memref<1x128xi32, #tpu.memory_space<vmem>>
      %dma_wait3A_140 = tpu.memref_squeeze %dma_wait3A_139 : memref<1x128xi32, #tpu.memory_space<vmem>> -> memref<128xi32, #tpu.memory_space<vmem>>
      %dma_wait3A_141 = arith.constant 0 : i32
      %dma_wait3A_142 = arith.constant 0 : i32
      %dma_wait3A_143 = tpu.memref_slice %arg7[%dma_wait3A_141, %dma_wait3A_142] : memref<10240x128xf32, #tpu.memory_space<vmem_shared>> -> memref<10240x128xf32, #tpu.memory_space<vmem_shared>>
      %dma_wait3A_144 = tpu.memref_slice %arg9[%dma_wait3A_133] : memref<2x!tpu.dma_semaphore, #tpu.memory_space<semaphore_mem>> -> memref<1x!tpu.dma_semaphore, #tpu.memory_space<semaphore_mem>>
      %dma_wait3A_145 = tpu.memref_squeeze %dma_wait3A_144 : memref<1x!tpu.dma_semaphore, #tpu.memory_space<semaphore_mem>> -> memref<!tpu.dma_semaphore, #tpu.memory_space<semaphore_mem>>
      tpu.wait_indirect_dma semaphore(%dma_wait3A_145 : memref<!tpu.dma_semaphore, #tpu.memory_space<semaphore_mem>>) src(%dma_wait3A_137 : memref<128x128xf32, #tpu.memory_space<vmem>>) dst(%dma_wait3A_143 : memref<10240x128xf32, #tpu.memory_space<vmem_shared>>)
      %dma_start3A_146 = arith.constant 2 : i32
      %dma_start3A_147 = arith.constant 0 : i32
      %dma_start3A_148 = arith.constant 0 : i32
      %dma_start3A_149 = arith.constant 0 : i32
      %dma_start3A_150 = arith.constant 0 : i32
      %dma_start3A_151 = tpu.memref_slice %arg6[%dma_start3A_147, %dma_start3A_149, %dma_start3A_150] : memref<2x128x128xf32, #tpu.memory_space<vmem>> -> memref<1x128x128xf32, #tpu.memory_space<vmem>>
      %dma_start3A_152 = tpu.memref_squeeze %dma_start3A_151 : memref<1x128x128xf32, #tpu.memory_space<vmem>> -> memref<128x128xf32, #tpu.memory_space<vmem>>
      %dma_start3A_153 = arith.constant 0 : i32
      %dma_start3A_154 = tpu.memref_slice %arg5[%dma_start3A_146, %dma_start3A_153] : memref<16x128xi32, #tpu.memory_space<vmem>> -> memref<1x128xi32, #tpu.memory_space<vmem>>
      %dma_start3A_155 = tpu.memref_squeeze %dma_start3A_154 : memref<1x128xi32, #tpu.memory_space<vmem>> -> memref<128xi32, #tpu.memory_space<vmem>>
      %dma_start3A_156 = arith.constant 0 : i32
      %dma_start3A_157 = arith.constant 0 : i32
      %dma_start3A_158 = tpu.memref_slice %arg2[%dma_start3A_156, %dma_start3A_157] : memref<10240x128xf32, #tpu.memory_space<hbm>> -> memref<10240x128xf32, #tpu.memory_space<hbm>>
      %dma_start3A_159 = tpu.memref_slice %arg8[%dma_start3A_148] : memref<2x!tpu.dma_semaphore, #tpu.memory_space<semaphore_mem>> -> memref<1x!tpu.dma_semaphore, #tpu.memory_space<semaphore_mem>>
      %dma_start3A_160 = tpu.memref_squeeze %dma_start3A_159 : memref<1x!tpu.dma_semaphore, #tpu.memory_space<semaphore_mem>> -> memref<!tpu.dma_semaphore, #tpu.memory_space<semaphore_mem>>
      tpu.enqueue_indirect_dma source(%dma_start3A_158 : memref<10240x128xf32, #tpu.memory_space<hbm>>) target(%dma_start3A_152 : memref<128x128xf32, #tpu.memory_space<vmem>>) offsets(%dma_start3A_155 : memref<128xi32, #tpu.memory_space<vmem>>) semaphore(%dma_start3A_160 : memref<!tpu.dma_semaphore, #tpu.memory_space<semaphore_mem>>)
      %dma_wait3A_161 = arith.constant 2 : i32
      %dma_wait3A_162 = arith.constant 0 : i32
      %dma_wait3A_163 = arith.constant 0 : i32
      %dma_wait3A_164 = arith.constant 0 : i32
      %dma_wait3A_165 = arith.constant 0 : i32
      %dma_wait3A_166 = tpu.memref_slice %arg6[%dma_wait3A_162, %dma_wait3A_164, %dma_wait3A_165] : memref<2x128x128xf32, #tpu.memory_space<vmem>> -> memref<1x128x128xf32, #tpu.memory_space<vmem>>
      %dma_wait3A_167 = tpu.memref_squeeze %dma_wait3A_166 : memref<1x128x128xf32, #tpu.memory_space<vmem>> -> memref<128x128xf32, #tpu.memory_space<vmem>>
      %dma_wait3A_168 = arith.constant 0 : i32
      %dma_wait3A_169 = tpu.memref_slice %arg5[%dma_wait3A_161, %dma_wait3A_168] : memref<16x128xi32, #tpu.memory_space<vmem>> -> memref<1x128xi32, #tpu.memory_space<vmem>>
      %dma_wait3A_170 = tpu.memref_squeeze %dma_wait3A_169 : memref<1x128xi32, #tpu.memory_space<vmem>> -> memref<128xi32, #tpu.memory_space<vmem>>
      %dma_wait3A_171 = arith.constant 0 : i32
      %dma_wait3A_172 = arith.constant 0 : i32
      %dma_wait3A_173 = tpu.memref_slice %arg2[%dma_wait3A_171, %dma_wait3A_172] : memref<10240x128xf32, #tpu.memory_space<hbm>> -> memref<10240x128xf32, #tpu.memory_space<hbm>>
      %dma_wait3A_174 = tpu.memref_slice %arg8[%dma_wait3A_163] : memref<2x!tpu.dma_semaphore, #tpu.memory_space<semaphore_mem>> -> memref<1x!tpu.dma_semaphore, #tpu.memory_space<semaphore_mem>>
      %dma_wait3A_175 = tpu.memref_squeeze %dma_wait3A_174 : memref<1x!tpu.dma_semaphore, #tpu.memory_space<semaphore_mem>> -> memref<!tpu.dma_semaphore, #tpu.memory_space<semaphore_mem>>
      tpu.wait_indirect_dma semaphore(%dma_wait3A_175 : memref<!tpu.dma_semaphore, #tpu.memory_space<semaphore_mem>>) src(%dma_wait3A_173 : memref<10240x128xf32, #tpu.memory_space<hbm>>) dst(%dma_wait3A_167 : memref<128x128xf32, #tpu.memory_space<vmem>>)
      %dma_start3A_176 = arith.constant 0 : i32
      %dma_start3A_177 = arith.constant 10 : i32
      %dma_start3A_178 = arith.constant 0 : i32
      %dma_start3A_179 = arith.constant 0 : i32
      %dma_start3A_180 = arith.constant 0 : i32
      %dma_start3A_181 = tpu.memref_slice %arg6[%dma_start3A_176, %dma_start3A_179, %dma_start3A_180] : memref<2x128x128xf32, #tpu.memory_space<vmem>> -> memref<1x128x128xf32, #tpu.memory_space<vmem>>
      %dma_start3A_182 = tpu.memref_squeeze %dma_start3A_181 : memref<1x128x128xf32, #tpu.memory_space<vmem>> -> memref<128x128xf32, #tpu.memory_space<vmem>>
      %dma_start3A_183 = arith.constant 0 : i32
      %dma_start3A_184 = tpu.memref_slice %arg5[%dma_start3A_177, %dma_start3A_183] : memref<16x128xi32, #tpu.memory_space<vmem>> -> memref<1x128xi32, #tpu.memory_space<vmem>>
      %dma_start3A_185 = tpu.memref_squeeze %dma_start3A_184 : memref<1x128xi32, #tpu.memory_space<vmem>> -> memref<128xi32, #tpu.memory_space<vmem>>
      %dma_start3A_186 = arith.constant 0 : i32
      %dma_start3A_187 = arith.constant 0 : i32
      %dma_start3A_188 = tpu.memref_slice %arg7[%dma_start3A_186, %dma_start3A_187] : memref<10240x128xf32, #tpu.memory_space<vmem_shared>> -> memref<10240x128xf32, #tpu.memory_space<vmem_shared>>
      %dma_start3A_189 = tpu.memref_slice %arg9[%dma_start3A_178] : memref<2x!tpu.dma_semaphore, #tpu.memory_space<semaphore_mem>> -> memref<1x!tpu.dma_semaphore, #tpu.memory_space<semaphore_mem>>
      %dma_start3A_190 = tpu.memref_squeeze %dma_start3A_189 : memref<1x!tpu.dma_semaphore, #tpu.memory_space<semaphore_mem>> -> memref<!tpu.dma_semaphore, #tpu.memory_space<semaphore_mem>>
      tpu.enqueue_indirect_dma source(%dma_start3A_182 : memref<128x128xf32, #tpu.memory_space<vmem>>) target(%dma_start3A_188 : memref<10240x128xf32, #tpu.memory_space<vmem_shared>>) offsets(%dma_start3A_185 : memref<128xi32, #tpu.memory_space<vmem>>) semaphore(%dma_start3A_190 : memref<!tpu.dma_semaphore, #tpu.memory_space<semaphore_mem>>) {add = true}
      %dma_wait3A_191 = arith.constant 1 : i32
      %dma_wait3A_192 = arith.constant 9 : i32
      %dma_wait3A_193 = arith.constant 1 : i32
      %dma_wait3A_194 = arith.constant 0 : i32
      %dma_wait3A_195 = arith.constant 0 : i32
      %dma_wait3A_196 = tpu.memref_slice %arg6[%dma_wait3A_191, %dma_wait3A_194, %dma_wait3A_195] : memref<2x128x128xf32, #tpu.memory_space<vmem>> -> memref<1x128x128xf32, #tpu.memory_space<vmem>>
      %dma_wait3A_197 = tpu.memref_squeeze %dma_wait3A_196 : memref<1x128x128xf32, #tpu.memory_space<vmem>> -> memref<128x128xf32, #tpu.memory_space<vmem>>
      %dma_wait3A_198 = arith.constant 0 : i32
      %dma_wait3A_199 = tpu.memref_slice %arg5[%dma_wait3A_192, %dma_wait3A_198] : memref<16x128xi32, #tpu.memory_space<vmem>> -> memref<1x128xi32, #tpu.memory_space<vmem>>
      %dma_wait3A_200 = tpu.memref_squeeze %dma_wait3A_199 : memref<1x128xi32, #tpu.memory_space<vmem>> -> memref<128xi32, #tpu.memory_space<vmem>>
      %dma_wait3A_201 = arith.constant 0 : i32
      %dma_wait3A_202 = arith.constant 0 : i32
      %dma_wait3A_203 = tpu.memref_slice %arg7[%dma_wait3A_201, %dma_wait3A_202] : memref<10240x128xf32, #tpu.memory_space<vmem_shared>> -> memref<10240x128xf32, #tpu.memory_space<vmem_shared>>
      %dma_wait3A_204 = tpu.memref_slice %arg9[%dma_wait3A_193] : memref<2x!tpu.dma_semaphore, #tpu.memory_space<semaphore_mem>> -> memref<1x!tpu.dma_semaphore, #tpu.memory_space<semaphore_mem>>
      %dma_wait3A_205 = tpu.memref_squeeze %dma_wait3A_204 : memref<1x!tpu.dma_semaphore, #tpu.memory_space<semaphore_mem>> -> memref<!tpu.dma_semaphore, #tpu.memory_space<semaphore_mem>>
      tpu.wait_indirect_dma semaphore(%dma_wait3A_205 : memref<!tpu.dma_semaphore, #tpu.memory_space<semaphore_mem>>) src(%dma_wait3A_197 : memref<128x128xf32, #tpu.memory_space<vmem>>) dst(%dma_wait3A_203 : memref<10240x128xf32, #tpu.memory_space<vmem_shared>>)
      %dma_start3A_206 = arith.constant 3 : i32
      %dma_start3A_207 = arith.constant 1 : i32
      %dma_start3A_208 = arith.constant 1 : i32
      %dma_start3A_209 = arith.constant 0 : i32
      %dma_start3A_210 = arith.constant 0 : i32
      %dma_start3A_211 = tpu.memref_slice %arg6[%dma_start3A_207, %dma_start3A_209, %dma_start3A_210] : memref<2x128x128xf32, #tpu.memory_space<vmem>> -> memref<1x128x128xf32, #tpu.memory_space<vmem>>
      %dma_start3A_212 = tpu.memref_squeeze %dma_start3A_211 : memref<1x128x128xf32, #tpu.memory_space<vmem>> -> memref<128x128xf32, #tpu.memory_space<vmem>>
      %dma_start3A_213 = arith.constant 0 : i32
      %dma_start3A_214 = tpu.memref_slice %arg5[%dma_start3A_206, %dma_start3A_213] : memref<16x128xi32, #tpu.memory_space<vmem>> -> memref<1x128xi32, #tpu.memory_space<vmem>>
      %dma_start3A_215 = tpu.memref_squeeze %dma_start3A_214 : memref<1x128xi32, #tpu.memory_space<vmem>> -> memref<128xi32, #tpu.memory_space<vmem>>
      %dma_start3A_216 = arith.constant 0 : i32
      %dma_start3A_217 = arith.constant 0 : i32
      %dma_start3A_218 = tpu.memref_slice %arg2[%dma_start3A_216, %dma_start3A_217] : memref<10240x128xf32, #tpu.memory_space<hbm>> -> memref<10240x128xf32, #tpu.memory_space<hbm>>
      %dma_start3A_219 = tpu.memref_slice %arg8[%dma_start3A_208] : memref<2x!tpu.dma_semaphore, #tpu.memory_space<semaphore_mem>> -> memref<1x!tpu.dma_semaphore, #tpu.memory_space<semaphore_mem>>
      %dma_start3A_220 = tpu.memref_squeeze %dma_start3A_219 : memref<1x!tpu.dma_semaphore, #tpu.memory_space<semaphore_mem>> -> memref<!tpu.dma_semaphore, #tpu.memory_space<semaphore_mem>>
      tpu.enqueue_indirect_dma source(%dma_start3A_218 : memref<10240x128xf32, #tpu.memory_space<hbm>>) target(%dma_start3A_212 : memref<128x128xf32, #tpu.memory_space<vmem>>) offsets(%dma_start3A_215 : memref<128xi32, #tpu.memory_space<vmem>>) semaphore(%dma_start3A_220 : memref<!tpu.dma_semaphore, #tpu.memory_space<semaphore_mem>>)
      %dma_wait3A_221 = arith.constant 3 : i32
      %dma_wait3A_222 = arith.constant 1 : i32
      %dma_wait3A_223 = arith.constant 1 : i32
      %dma_wait3A_224 = arith.constant 0 : i32
      %dma_wait3A_225 = arith.constant 0 : i32
      %dma_wait3A_226 = tpu.memref_slice %arg6[%dma_wait3A_222, %dma_wait3A_224, %dma_wait3A_225] : memref<2x128x128xf32, #tpu.memory_space<vmem>> -> memref<1x128x128xf32, #tpu.memory_space<vmem>>
      %dma_wait3A_227 = tpu.memref_squeeze %dma_wait3A_226 : memref<1x128x128xf32, #tpu.memory_space<vmem>> -> memref<128x128xf32, #tpu.memory_space<vmem>>
      %dma_wait3A_228 = arith.constant 0 : i32
      %dma_wait3A_229 = tpu.memref_slice %arg5[%dma_wait3A_221, %dma_wait3A_228] : memref<16x128xi32, #tpu.memory_space<vmem>> -> memref<1x128xi32, #tpu.memory_space<vmem>>
      %dma_wait3A_230 = tpu.memref_squeeze %dma_wait3A_229 : memref<1x128xi32, #tpu.memory_space<vmem>> -> memref<128xi32, #tpu.memory_space<vmem>>
      %dma_wait3A_231 = arith.constant 0 : i32
      %dma_wait3A_232 = arith.constant 0 : i32
      %dma_wait3A_233 = tpu.memref_slice %arg2[%dma_wait3A_231, %dma_wait3A_232] : memref<10240x128xf32, #tpu.memory_space<hbm>> -> memref<10240x128xf32, #tpu.memory_space<hbm>>
      %dma_wait3A_234 = tpu.memref_slice %arg8[%dma_wait3A_223] : memref<2x!tpu.dma_semaphore, #tpu.memory_space<semaphore_mem>> -> memref<1x!tpu.dma_semaphore, #tpu.memory_space<semaphore_mem>>
      %dma_wait3A_235 = tpu.memref_squeeze %dma_wait3A_234 : memref<1x!tpu.dma_semaphore, #tpu.memory_space<semaphore_mem>> -> memref<!tpu.dma_semaphore, #tpu.memory_space<semaphore_mem>>
      tpu.wait_indirect_dma semaphore(%dma_wait3A_235 : memref<!tpu.dma_semaphore, #tpu.memory_space<semaphore_mem>>) src(%dma_wait3A_233 : memref<10240x128xf32, #tpu.memory_space<hbm>>) dst(%dma_wait3A_227 : memref<128x128xf32, #tpu.memory_space<vmem>>)
      %dma_start3A_236 = arith.constant 1 : i32
      %dma_start3A_237 = arith.constant 11 : i32
      %dma_start3A_238 = arith.constant 1 : i32
      %dma_start3A_239 = arith.constant 0 : i32
      %dma_start3A_240 = arith.constant 0 : i32
      %dma_start3A_241 = tpu.memref_slice %arg6[%dma_start3A_236, %dma_start3A_239, %dma_start3A_240] : memref<2x128x128xf32, #tpu.memory_space<vmem>> -> memref<1x128x128xf32, #tpu.memory_space<vmem>>
      %dma_start3A_242 = tpu.memref_squeeze %dma_start3A_241 : memref<1x128x128xf32, #tpu.memory_space<vmem>> -> memref<128x128xf32, #tpu.memory_space<vmem>>
      %dma_start3A_243 = arith.constant 0 : i32
      %dma_start3A_244 = tpu.memref_slice %arg5[%dma_start3A_237, %dma_start3A_243] : memref<16x128xi32, #tpu.memory_space<vmem>> -> memref<1x128xi32, #tpu.memory_space<vmem>>
      %dma_start3A_245 = tpu.memref_squeeze %dma_start3A_244 : memref<1x128xi32, #tpu.memory_space<vmem>> -> memref<128xi32, #tpu.memory_space<vmem>>
      %dma_start3A_246 = arith.constant 0 : i32
      %dma_start3A_247 = arith.constant 0 : i32
      %dma_start3A_248 = tpu.memref_slice %arg7[%dma_start3A_246, %dma_start3A_247] : memref<10240x128xf32, #tpu.memory_space<vmem_shared>> -> memref<10240x128xf32, #tpu.memory_space<vmem_shared>>
      %dma_start3A_249 = tpu.memref_slice %arg9[%dma_start3A_238] : memref<2x!tpu.dma_semaphore, #tpu.memory_space<semaphore_mem>> -> memref<1x!tpu.dma_semaphore, #tpu.memory_space<semaphore_mem>>
      %dma_start3A_250 = tpu.memref_squeeze %dma_start3A_249 : memref<1x!tpu.dma_semaphore, #tpu.memory_space<semaphore_mem>> -> memref<!tpu.dma_semaphore, #tpu.memory_space<semaphore_mem>>
      tpu.enqueue_indirect_dma source(%dma_start3A_242 : memref<128x128xf32, #tpu.memory_space<vmem>>) target(%dma_start3A_248 : memref<10240x128xf32, #tpu.memory_space<vmem_shared>>) offsets(%dma_start3A_245 : memref<128xi32, #tpu.memory_space<vmem>>) semaphore(%dma_start3A_250 : memref<!tpu.dma_semaphore, #tpu.memory_space<semaphore_mem>>) {add = true}
      %dma_wait3A_251 = arith.constant 0 : i32
      %dma_wait3A_252 = arith.constant 10 : i32
      %dma_wait3A_253 = arith.constant 0 : i32
      %dma_wait3A_254 = arith.constant 0 : i32
      %dma_wait3A_255 = arith.constant 0 : i32
      %dma_wait3A_256 = tpu.memref_slice %arg6[%dma_wait3A_251, %dma_wait3A_254, %dma_wait3A_255] : memref<2x128x128xf32, #tpu.memory_space<vmem>> -> memref<1x128x128xf32, #tpu.memory_space<vmem>>
      %dma_wait3A_257 = tpu.memref_squeeze %dma_wait3A_256 : memref<1x128x128xf32, #tpu.memory_space<vmem>> -> memref<128x128xf32, #tpu.memory_space<vmem>>
      %dma_wait3A_258 = arith.constant 0 : i32
      %dma_wait3A_259 = tpu.memref_slice %arg5[%dma_wait3A_252, %dma_wait3A_258] : memref<16x128xi32, #tpu.memory_space<vmem>> -> memref<1x128xi32, #tpu.memory_space<vmem>>
      %dma_wait3A_260 = tpu.memref_squeeze %dma_wait3A_259 : memref<1x128xi32, #tpu.memory_space<vmem>> -> memref<128xi32, #tpu.memory_space<vmem>>
      %dma_wait3A_261 = arith.constant 0 : i32
      %dma_wait3A_262 = arith.constant 0 : i32
      %dma_wait3A_263 = tpu.memref_slice %arg7[%dma_wait3A_261, %dma_wait3A_262] : memref<10240x128xf32, #tpu.memory_space<vmem_shared>> -> memref<10240x128xf32, #tpu.memory_space<vmem_shared>>
      %dma_wait3A_264 = tpu.memref_slice %arg9[%dma_wait3A_253] : memref<2x!tpu.dma_semaphore, #tpu.memory_space<semaphore_mem>> -> memref<1x!tpu.dma_semaphore, #tpu.memory_space<semaphore_mem>>
      %dma_wait3A_265 = tpu.memref_squeeze %dma_wait3A_264 : memref<1x!tpu.dma_semaphore, #tpu.memory_space<semaphore_mem>> -> memref<!tpu.dma_semaphore, #tpu.memory_space<semaphore_mem>>
      tpu.wait_indirect_dma semaphore(%dma_wait3A_265 : memref<!tpu.dma_semaphore, #tpu.memory_space<semaphore_mem>>) src(%dma_wait3A_257 : memref<128x128xf32, #tpu.memory_space<vmem>>) dst(%dma_wait3A_263 : memref<10240x128xf32, #tpu.memory_space<vmem_shared>>)
      %dma_start3A_266 = arith.constant 4 : i32
      %dma_start3A_267 = arith.constant 0 : i32
      %dma_start3A_268 = arith.constant 0 : i32
      %dma_start3A_269 = arith.constant 0 : i32
      %dma_start3A_270 = arith.constant 0 : i32
      %dma_start3A_271 = tpu.memref_slice %arg6[%dma_start3A_267, %dma_start3A_269, %dma_start3A_270] : memref<2x128x128xf32, #tpu.memory_space<vmem>> -> memref<1x128x128xf32, #tpu.memory_space<vmem>>
      %dma_start3A_272 = tpu.memref_squeeze %dma_start3A_271 : memref<1x128x128xf32, #tpu.memory_space<vmem>> -> memref<128x128xf32, #tpu.memory_space<vmem>>
      %dma_start3A_273 = arith.constant 0 : i32
      %dma_start3A_274 = tpu.memref_slice %arg5[%dma_start3A_266, %dma_start3A_273] : memref<16x128xi32, #tpu.memory_space<vmem>> -> memref<1x128xi32, #tpu.memory_space<vmem>>
      %dma_start3A_275 = tpu.memref_squeeze %dma_start3A_274 : memref<1x128xi32, #tpu.memory_space<vmem>> -> memref<128xi32, #tpu.memory_space<vmem>>
      %dma_start3A_276 = arith.constant 0 : i32
      %dma_start3A_277 = arith.constant 0 : i32
      %dma_start3A_278 = tpu.memref_slice %arg2[%dma_start3A_276, %dma_start3A_277] : memref<10240x128xf32, #tpu.memory_space<hbm>> -> memref<10240x128xf32, #tpu.memory_space<hbm>>
      %dma_start3A_279 = tpu.memref_slice %arg8[%dma_start3A_268] : memref<2x!tpu.dma_semaphore, #tpu.memory_space<semaphore_mem>> -> memref<1x!tpu.dma_semaphore, #tpu.memory_space<semaphore_mem>>
      %dma_start3A_280 = tpu.memref_squeeze %dma_start3A_279 : memref<1x!tpu.dma_semaphore, #tpu.memory_space<semaphore_mem>> -> memref<!tpu.dma_semaphore, #tpu.memory_space<semaphore_mem>>
      tpu.enqueue_indirect_dma source(%dma_start3A_278 : memref<10240x128xf32, #tpu.memory_space<hbm>>) target(%dma_start3A_272 : memref<128x128xf32, #tpu.memory_space<vmem>>) offsets(%dma_start3A_275 : memref<128xi32, #tpu.memory_space<vmem>>) semaphore(%dma_start3A_280 : memref<!tpu.dma_semaphore, #tpu.memory_space<semaphore_mem>>)
      %dma_wait3A_281 = arith.constant 4 : i32
      %dma_wait3A_282 = arith.constant 0 : i32
      %dma_wait3A_283 = arith.constant 0 : i32
      %dma_wait3A_284 = arith.constant 0 : i32
      %dma_wait3A_285 = arith.constant 0 : i32
      %dma_wait3A_286 = tpu.memref_slice %arg6[%dma_wait3A_282, %dma_wait3A_284, %dma_wait3A_285] : memref<2x128x128xf32, #tpu.memory_space<vmem>> -> memref<1x128x128xf32, #tpu.memory_space<vmem>>
      %dma_wait3A_287 = tpu.memref_squeeze %dma_wait3A_286 : memref<1x128x128xf32, #tpu.memory_space<vmem>> -> memref<128x128xf32, #tpu.memory_space<vmem>>
      %dma_wait3A_288 = arith.constant 0 : i32
      %dma_wait3A_289 = tpu.memref_slice %arg5[%dma_wait3A_281, %dma_wait3A_288] : memref<16x128xi32, #tpu.memory_space<vmem>> -> memref<1x128xi32, #tpu.memory_space<vmem>>
      %dma_wait3A_290 = tpu.memref_squeeze %dma_wait3A_289 : memref<1x128xi32, #tpu.memory_space<vmem>> -> memref<128xi32, #tpu.memory_space<vmem>>
      %dma_wait3A_291 = arith.constant 0 : i32
      %dma_wait3A_292 = arith.constant 0 : i32
      %dma_wait3A_293 = tpu.memref_slice %arg2[%dma_wait3A_291, %dma_wait3A_292] : memref<10240x128xf32, #tpu.memory_space<hbm>> -> memref<10240x128xf32, #tpu.memory_space<hbm>>
      %dma_wait3A_294 = tpu.memref_slice %arg8[%dma_wait3A_283] : memref<2x!tpu.dma_semaphore, #tpu.memory_space<semaphore_mem>> -> memref<1x!tpu.dma_semaphore, #tpu.memory_space<semaphore_mem>>
      %dma_wait3A_295 = tpu.memref_squeeze %dma_wait3A_294 : memref<1x!tpu.dma_semaphore, #tpu.memory_space<semaphore_mem>> -> memref<!tpu.dma_semaphore, #tpu.memory_space<semaphore_mem>>
      tpu.wait_indirect_dma semaphore(%dma_wait3A_295 : memref<!tpu.dma_semaphore, #tpu.memory_space<semaphore_mem>>) src(%dma_wait3A_293 : memref<10240x128xf32, #tpu.memory_space<hbm>>) dst(%dma_wait3A_287 : memref<128x128xf32, #tpu.memory_space<vmem>>)
      %dma_start3A_296 = arith.constant 0 : i32
      %dma_start3A_297 = arith.constant 12 : i32
      %dma_start3A_298 = arith.constant 0 : i32
      %dma_start3A_299 = arith.constant 0 : i32
      %dma_start3A_300 = arith.constant 0 : i32
      %dma_start3A_301 = tpu.memref_slice %arg6[%dma_start3A_296, %dma_start3A_299, %dma_start3A_300] : memref<2x128x128xf32, #tpu.memory_space<vmem>> -> memref<1x128x128xf32, #tpu.memory_space<vmem>>
      %dma_start3A_302 = tpu.memref_squeeze %dma_start3A_301 : memref<1x128x128xf32, #tpu.memory_space<vmem>> -> memref<128x128xf32, #tpu.memory_space<vmem>>
      %dma_start3A_303 = arith.constant 0 : i32
      %dma_start3A_304 = tpu.memref_slice %arg5[%dma_start3A_297, %dma_start3A_303] : memref<16x128xi32, #tpu.memory_space<vmem>> -> memref<1x128xi32, #tpu.memory_space<vmem>>
      %dma_start3A_305 = tpu.memref_squeeze %dma_start3A_304 : memref<1x128xi32, #tpu.memory_space<vmem>> -> memref<128xi32, #tpu.memory_space<vmem>>
      %dma_start3A_306 = arith.constant 0 : i32
      %dma_start3A_307 = arith.constant 0 : i32
      %dma_start3A_308 = tpu.memref_slice %arg7[%dma_start3A_306, %dma_start3A_307] : memref<10240x128xf32, #tpu.memory_space<vmem_shared>> -> memref<10240x128xf32, #tpu.memory_space<vmem_shared>>
      %dma_start3A_309 = tpu.memref_slice %arg9[%dma_start3A_298] : memref<2x!tpu.dma_semaphore, #tpu.memory_space<semaphore_mem>> -> memref<1x!tpu.dma_semaphore, #tpu.memory_space<semaphore_mem>>
      %dma_start3A_310 = tpu.memref_squeeze %dma_start3A_309 : memref<1x!tpu.dma_semaphore, #tpu.memory_space<semaphore_mem>> -> memref<!tpu.dma_semaphore, #tpu.memory_space<semaphore_mem>>
      tpu.enqueue_indirect_dma source(%dma_start3A_302 : memref<128x128xf32, #tpu.memory_space<vmem>>) target(%dma_start3A_308 : memref<10240x128xf32, #tpu.memory_space<vmem_shared>>) offsets(%dma_start3A_305 : memref<128xi32, #tpu.memory_space<vmem>>) semaphore(%dma_start3A_310 : memref<!tpu.dma_semaphore, #tpu.memory_space<semaphore_mem>>) {add = true}
      %dma_wait3A_311 = arith.constant 1 : i32
      %dma_wait3A_312 = arith.constant 11 : i32
      %dma_wait3A_313 = arith.constant 1 : i32
      %dma_wait3A_314 = arith.constant 0 : i32
      %dma_wait3A_315 = arith.constant 0 : i32
      %dma_wait3A_316 = tpu.memref_slice %arg6[%dma_wait3A_311, %dma_wait3A_314, %dma_wait3A_315] : memref<2x128x128xf32, #tpu.memory_space<vmem>> -> memref<1x128x128xf32, #tpu.memory_space<vmem>>
      %dma_wait3A_317 = tpu.memref_squeeze %dma_wait3A_316 : memref<1x128x128xf32, #tpu.memory_space<vmem>> -> memref<128x128xf32, #tpu.memory_space<vmem>>
      %dma_wait3A_318 = arith.constant 0 : i32
      %dma_wait3A_319 = tpu.memref_slice %arg5[%dma_wait3A_312, %dma_wait3A_318] : memref<16x128xi32, #tpu.memory_space<vmem>> -> memref<1x128xi32, #tpu.memory_space<vmem>>
      %dma_wait3A_320 = tpu.memref_squeeze %dma_wait3A_319 : memref<1x128xi32, #tpu.memory_space<vmem>> -> memref<128xi32, #tpu.memory_space<vmem>>
      %dma_wait3A_321 = arith.constant 0 : i32
      %dma_wait3A_322 = arith.constant 0 : i32
      %dma_wait3A_323 = tpu.memref_slice %arg7[%dma_wait3A_321, %dma_wait3A_322] : memref<10240x128xf32, #tpu.memory_space<vmem_shared>> -> memref<10240x128xf32, #tpu.memory_space<vmem_shared>>
      %dma_wait3A_324 = tpu.memref_slice %arg9[%dma_wait3A_313] : memref<2x!tpu.dma_semaphore, #tpu.memory_space<semaphore_mem>> -> memref<1x!tpu.dma_semaphore, #tpu.memory_space<semaphore_mem>>
      %dma_wait3A_325 = tpu.memref_squeeze %dma_wait3A_324 : memref<1x!tpu.dma_semaphore, #tpu.memory_space<semaphore_mem>> -> memref<!tpu.dma_semaphore, #tpu.memory_space<semaphore_mem>>
      tpu.wait_indirect_dma semaphore(%dma_wait3A_325 : memref<!tpu.dma_semaphore, #tpu.memory_space<semaphore_mem>>) src(%dma_wait3A_317 : memref<128x128xf32, #tpu.memory_space<vmem>>) dst(%dma_wait3A_323 : memref<10240x128xf32, #tpu.memory_space<vmem_shared>>)
      %dma_start3A_326 = arith.constant 5 : i32
      %dma_start3A_327 = arith.constant 1 : i32
      %dma_start3A_328 = arith.constant 1 : i32
      %dma_start3A_329 = arith.constant 0 : i32
      %dma_start3A_330 = arith.constant 0 : i32
      %dma_start3A_331 = tpu.memref_slice %arg6[%dma_start3A_327, %dma_start3A_329, %dma_start3A_330] : memref<2x128x128xf32, #tpu.memory_space<vmem>> -> memref<1x128x128xf32, #tpu.memory_space<vmem>>
      %dma_start3A_332 = tpu.memref_squeeze %dma_start3A_331 : memref<1x128x128xf32, #tpu.memory_space<vmem>> -> memref<128x128xf32, #tpu.memory_space<vmem>>
      %dma_start3A_333 = arith.constant 0 : i32
      %dma_start3A_334 = tpu.memref_slice %arg5[%dma_start3A_326, %dma_start3A_333] : memref<16x128xi32, #tpu.memory_space<vmem>> -> memref<1x128xi32, #tpu.memory_space<vmem>>
      %dma_start3A_335 = tpu.memref_squeeze %dma_start3A_334 : memref<1x128xi32, #tpu.memory_space<vmem>> -> memref<128xi32, #tpu.memory_space<vmem>>
      %dma_start3A_336 = arith.constant 0 : i32
      %dma_start3A_337 = arith.constant 0 : i32
      %dma_start3A_338 = tpu.memref_slice %arg2[%dma_start3A_336, %dma_start3A_337] : memref<10240x128xf32, #tpu.memory_space<hbm>> -> memref<10240x128xf32, #tpu.memory_space<hbm>>
      %dma_start3A_339 = tpu.memref_slice %arg8[%dma_start3A_328] : memref<2x!tpu.dma_semaphore, #tpu.memory_space<semaphore_mem>> -> memref<1x!tpu.dma_semaphore, #tpu.memory_space<semaphore_mem>>
      %dma_start3A_340 = tpu.memref_squeeze %dma_start3A_339 : memref<1x!tpu.dma_semaphore, #tpu.memory_space<semaphore_mem>> -> memref<!tpu.dma_semaphore, #tpu.memory_space<semaphore_mem>>
      tpu.enqueue_indirect_dma source(%dma_start3A_338 : memref<10240x128xf32, #tpu.memory_space<hbm>>) target(%dma_start3A_332 : memref<128x128xf32, #tpu.memory_space<vmem>>) offsets(%dma_start3A_335 : memref<128xi32, #tpu.memory_space<vmem>>) semaphore(%dma_start3A_340 : memref<!tpu.dma_semaphore, #tpu.memory_space<semaphore_mem>>)
      %dma_wait3A_341 = arith.constant 5 : i32
      %dma_wait3A_342 = arith.constant 1 : i32
      %dma_wait3A_343 = arith.constant 1 : i32
      %dma_wait3A_344 = arith.constant 0 : i32
      %dma_wait3A_345 = arith.constant 0 : i32
      %dma_wait3A_346 = tpu.memref_slice %arg6[%dma_wait3A_342, %dma_wait3A_344, %dma_wait3A_345] : memref<2x128x128xf32, #tpu.memory_space<vmem>> -> memref<1x128x128xf32, #tpu.memory_space<vmem>>
      %dma_wait3A_347 = tpu.memref_squeeze %dma_wait3A_346 : memref<1x128x128xf32, #tpu.memory_space<vmem>> -> memref<128x128xf32, #tpu.memory_space<vmem>>
      %dma_wait3A_348 = arith.constant 0 : i32
      %dma_wait3A_349 = tpu.memref_slice %arg5[%dma_wait3A_341, %dma_wait3A_348] : memref<16x128xi32, #tpu.memory_space<vmem>> -> memref<1x128xi32, #tpu.memory_space<vmem>>
      %dma_wait3A_350 = tpu.memref_squeeze %dma_wait3A_349 : memref<1x128xi32, #tpu.memory_space<vmem>> -> memref<128xi32, #tpu.memory_space<vmem>>
      %dma_wait3A_351 = arith.constant 0 : i32
      %dma_wait3A_352 = arith.constant 0 : i32
      %dma_wait3A_353 = tpu.memref_slice %arg2[%dma_wait3A_351, %dma_wait3A_352] : memref<10240x128xf32, #tpu.memory_space<hbm>> -> memref<10240x128xf32, #tpu.memory_space<hbm>>
      %dma_wait3A_354 = tpu.memref_slice %arg8[%dma_wait3A_343] : memref<2x!tpu.dma_semaphore, #tpu.memory_space<semaphore_mem>> -> memref<1x!tpu.dma_semaphore, #tpu.memory_space<semaphore_mem>>
      %dma_wait3A_355 = tpu.memref_squeeze %dma_wait3A_354 : memref<1x!tpu.dma_semaphore, #tpu.memory_space<semaphore_mem>> -> memref<!tpu.dma_semaphore, #tpu.memory_space<semaphore_mem>>
      tpu.wait_indirect_dma semaphore(%dma_wait3A_355 : memref<!tpu.dma_semaphore, #tpu.memory_space<semaphore_mem>>) src(%dma_wait3A_353 : memref<10240x128xf32, #tpu.memory_space<hbm>>) dst(%dma_wait3A_347 : memref<128x128xf32, #tpu.memory_space<vmem>>)
      %dma_start3A_356 = arith.constant 1 : i32
      %dma_start3A_357 = arith.constant 13 : i32
      %dma_start3A_358 = arith.constant 1 : i32
      %dma_start3A_359 = arith.constant 0 : i32
      %dma_start3A_360 = arith.constant 0 : i32
      %dma_start3A_361 = tpu.memref_slice %arg6[%dma_start3A_356, %dma_start3A_359, %dma_start3A_360] : memref<2x128x128xf32, #tpu.memory_space<vmem>> -> memref<1x128x128xf32, #tpu.memory_space<vmem>>
      %dma_start3A_362 = tpu.memref_squeeze %dma_start3A_361 : memref<1x128x128xf32, #tpu.memory_space<vmem>> -> memref<128x128xf32, #tpu.memory_space<vmem>>
      %dma_start3A_363 = arith.constant 0 : i32
      %dma_start3A_364 = tpu.memref_slice %arg5[%dma_start3A_357, %dma_start3A_363] : memref<16x128xi32, #tpu.memory_space<vmem>> -> memref<1x128xi32, #tpu.memory_space<vmem>>
      %dma_start3A_365 = tpu.memref_squeeze %dma_start3A_364 : memref<1x128xi32, #tpu.memory_space<vmem>> -> memref<128xi32, #tpu.memory_space<vmem>>
      %dma_start3A_366 = arith.constant 0 : i32
      %dma_start3A_367 = arith.constant 0 : i32
      %dma_start3A_368 = tpu.memref_slice %arg7[%dma_start3A_366, %dma_start3A_367] : memref<10240x128xf32, #tpu.memory_space<vmem_shared>> -> memref<10240x128xf32, #tpu.memory_space<vmem_shared>>
      %dma_start3A_369 = tpu.memref_slice %arg9[%dma_start3A_358] : memref<2x!tpu.dma_semaphore, #tpu.memory_space<semaphore_mem>> -> memref<1x!tpu.dma_semaphore, #tpu.memory_space<semaphore_mem>>
      %dma_start3A_370 = tpu.memref_squeeze %dma_start3A_369 : memref<1x!tpu.dma_semaphore, #tpu.memory_space<semaphore_mem>> -> memref<!tpu.dma_semaphore, #tpu.memory_space<semaphore_mem>>
      tpu.enqueue_indirect_dma source(%dma_start3A_362 : memref<128x128xf32, #tpu.memory_space<vmem>>) target(%dma_start3A_368 : memref<10240x128xf32, #tpu.memory_space<vmem_shared>>) offsets(%dma_start3A_365 : memref<128xi32, #tpu.memory_space<vmem>>) semaphore(%dma_start3A_370 : memref<!tpu.dma_semaphore, #tpu.memory_space<semaphore_mem>>) {add = true}
      %dma_wait3A_371 = arith.constant 0 : i32
      %dma_wait3A_372 = arith.constant 12 : i32
      %dma_wait3A_373 = arith.constant 0 : i32
      %dma_wait3A_374 = arith.constant 0 : i32
      %dma_wait3A_375 = arith.constant 0 : i32
      %dma_wait3A_376 = tpu.memref_slice %arg6[%dma_wait3A_371, %dma_wait3A_374, %dma_wait3A_375] : memref<2x128x128xf32, #tpu.memory_space<vmem>> -> memref<1x128x128xf32, #tpu.memory_space<vmem>>
      %dma_wait3A_377 = tpu.memref_squeeze %dma_wait3A_376 : memref<1x128x128xf32, #tpu.memory_space<vmem>> -> memref<128x128xf32, #tpu.memory_space<vmem>>
      %dma_wait3A_378 = arith.constant 0 : i32
      %dma_wait3A_379 = tpu.memref_slice %arg5[%dma_wait3A_372, %dma_wait3A_378] : memref<16x128xi32, #tpu.memory_space<vmem>> -> memref<1x128xi32, #tpu.memory_space<vmem>>
      %dma_wait3A_380 = tpu.memref_squeeze %dma_wait3A_379 : memref<1x128xi32, #tpu.memory_space<vmem>> -> memref<128xi32, #tpu.memory_space<vmem>>
      %dma_wait3A_381 = arith.constant 0 : i32
      %dma_wait3A_382 = arith.constant 0 : i32
      %dma_wait3A_383 = tpu.memref_slice %arg7[%dma_wait3A_381, %dma_wait3A_382] : memref<10240x128xf32, #tpu.memory_space<vmem_shared>> -> memref<10240x128xf32, #tpu.memory_space<vmem_shared>>
      %dma_wait3A_384 = tpu.memref_slice %arg9[%dma_wait3A_373] : memref<2x!tpu.dma_semaphore, #tpu.memory_space<semaphore_mem>> -> memref<1x!tpu.dma_semaphore, #tpu.memory_space<semaphore_mem>>
      %dma_wait3A_385 = tpu.memref_squeeze %dma_wait3A_384 : memref<1x!tpu.dma_semaphore, #tpu.memory_space<semaphore_mem>> -> memref<!tpu.dma_semaphore, #tpu.memory_space<semaphore_mem>>
      tpu.wait_indirect_dma semaphore(%dma_wait3A_385 : memref<!tpu.dma_semaphore, #tpu.memory_space<semaphore_mem>>) src(%dma_wait3A_377 : memref<128x128xf32, #tpu.memory_space<vmem>>) dst(%dma_wait3A_383 : memref<10240x128xf32, #tpu.memory_space<vmem_shared>>)
      %dma_start3A_386 = arith.constant 6 : i32
      %dma_start3A_387 = arith.constant 0 : i32
      %dma_start3A_388 = arith.constant 0 : i32
      %dma_start3A_389 = arith.constant 0 : i32
      %dma_start3A_390 = arith.constant 0 : i32
      %dma_start3A_391 = tpu.memref_slice %arg6[%dma_start3A_387, %dma_start3A_389, %dma_start3A_390] : memref<2x128x128xf32, #tpu.memory_space<vmem>> -> memref<1x128x128xf32, #tpu.memory_space<vmem>>
      %dma_start3A_392 = tpu.memref_squeeze %dma_start3A_391 : memref<1x128x128xf32, #tpu.memory_space<vmem>> -> memref<128x128xf32, #tpu.memory_space<vmem>>
      %dma_start3A_393 = arith.constant 0 : i32
      %dma_start3A_394 = tpu.memref_slice %arg5[%dma_start3A_386, %dma_start3A_393] : memref<16x128xi32, #tpu.memory_space<vmem>> -> memref<1x128xi32, #tpu.memory_space<vmem>>
      %dma_start3A_395 = tpu.memref_squeeze %dma_start3A_394 : memref<1x128xi32, #tpu.memory_space<vmem>> -> memref<128xi32, #tpu.memory_space<vmem>>
      %dma_start3A_396 = arith.constant 0 : i32
      %dma_start3A_397 = arith.constant 0 : i32
      %dma_start3A_398 = tpu.memref_slice %arg2[%dma_start3A_396, %dma_start3A_397] : memref<10240x128xf32, #tpu.memory_space<hbm>> -> memref<10240x128xf32, #tpu.memory_space<hbm>>
      %dma_start3A_399 = tpu.memref_slice %arg8[%dma_start3A_388] : memref<2x!tpu.dma_semaphore, #tpu.memory_space<semaphore_mem>> -> memref<1x!tpu.dma_semaphore, #tpu.memory_space<semaphore_mem>>
      %dma_start3A_400 = tpu.memref_squeeze %dma_start3A_399 : memref<1x!tpu.dma_semaphore, #tpu.memory_space<semaphore_mem>> -> memref<!tpu.dma_semaphore, #tpu.memory_space<semaphore_mem>>
      tpu.enqueue_indirect_dma source(%dma_start3A_398 : memref<10240x128xf32, #tpu.memory_space<hbm>>) target(%dma_start3A_392 : memref<128x128xf32, #tpu.memory_space<vmem>>) offsets(%dma_start3A_395 : memref<128xi32, #tpu.memory_space<vmem>>) semaphore(%dma_start3A_400 : memref<!tpu.dma_semaphore, #tpu.memory_space<semaphore_mem>>)
      %dma_wait3A_401 = arith.constant 6 : i32
      %dma_wait3A_402 = arith.constant 0 : i32
      %dma_wait3A_403 = arith.constant 0 : i32
      %dma_wait3A_404 = arith.constant 0 : i32
      %dma_wait3A_405 = arith.constant 0 : i32
      %dma_wait3A_406 = tpu.memref_slice %arg6[%dma_wait3A_402, %dma_wait3A_404, %dma_wait3A_405] : memref<2x128x128xf32, #tpu.memory_space<vmem>> -> memref<1x128x128xf32, #tpu.memory_space<vmem>>
      %dma_wait3A_407 = tpu.memref_squeeze %dma_wait3A_406 : memref<1x128x128xf32, #tpu.memory_space<vmem>> -> memref<128x128xf32, #tpu.memory_space<vmem>>
      %dma_wait3A_408 = arith.constant 0 : i32
      %dma_wait3A_409 = tpu.memref_slice %arg5[%dma_wait3A_401, %dma_wait3A_408] : memref<16x128xi32, #tpu.memory_space<vmem>> -> memref<1x128xi32, #tpu.memory_space<vmem>>
      %dma_wait3A_410 = tpu.memref_squeeze %dma_wait3A_409 : memref<1x128xi32, #tpu.memory_space<vmem>> -> memref<128xi32, #tpu.memory_space<vmem>>
      %dma_wait3A_411 = arith.constant 0 : i32
      %dma_wait3A_412 = arith.constant 0 : i32
      %dma_wait3A_413 = tpu.memref_slice %arg2[%dma_wait3A_411, %dma_wait3A_412] : memref<10240x128xf32, #tpu.memory_space<hbm>> -> memref<10240x128xf32, #tpu.memory_space<hbm>>
      %dma_wait3A_414 = tpu.memref_slice %arg8[%dma_wait3A_403] : memref<2x!tpu.dma_semaphore, #tpu.memory_space<semaphore_mem>> -> memref<1x!tpu.dma_semaphore, #tpu.memory_space<semaphore_mem>>
      %dma_wait3A_415 = tpu.memref_squeeze %dma_wait3A_414 : memref<1x!tpu.dma_semaphore, #tpu.memory_space<semaphore_mem>> -> memref<!tpu.dma_semaphore, #tpu.memory_space<semaphore_mem>>
      tpu.wait_indirect_dma semaphore(%dma_wait3A_415 : memref<!tpu.dma_semaphore, #tpu.memory_space<semaphore_mem>>) src(%dma_wait3A_413 : memref<10240x128xf32, #tpu.memory_space<hbm>>) dst(%dma_wait3A_407 : memref<128x128xf32, #tpu.memory_space<vmem>>)
      %dma_start3A_416 = arith.constant 0 : i32
      %dma_start3A_417 = arith.constant 14 : i32
      %dma_start3A_418 = arith.constant 0 : i32
      %dma_start3A_419 = arith.constant 0 : i32
      %dma_start3A_420 = arith.constant 0 : i32
      %dma_start3A_421 = tpu.memref_slice %arg6[%dma_start3A_416, %dma_start3A_419, %dma_start3A_420] : memref<2x128x128xf32, #tpu.memory_space<vmem>> -> memref<1x128x128xf32, #tpu.memory_space<vmem>>
      %dma_start3A_422 = tpu.memref_squeeze %dma_start3A_421 : memref<1x128x128xf32, #tpu.memory_space<vmem>> -> memref<128x128xf32, #tpu.memory_space<vmem>>
      %dma_start3A_423 = arith.constant 0 : i32
      %dma_start3A_424 = tpu.memref_slice %arg5[%dma_start3A_417, %dma_start3A_423] : memref<16x128xi32, #tpu.memory_space<vmem>> -> memref<1x128xi32, #tpu.memory_space<vmem>>
      %dma_start3A_425 = tpu.memref_squeeze %dma_start3A_424 : memref<1x128xi32, #tpu.memory_space<vmem>> -> memref<128xi32, #tpu.memory_space<vmem>>
      %dma_start3A_426 = arith.constant 0 : i32
      %dma_start3A_427 = arith.constant 0 : i32
      %dma_start3A_428 = tpu.memref_slice %arg7[%dma_start3A_426, %dma_start3A_427] : memref<10240x128xf32, #tpu.memory_space<vmem_shared>> -> memref<10240x128xf32, #tpu.memory_space<vmem_shared>>
      %dma_start3A_429 = tpu.memref_slice %arg9[%dma_start3A_418] : memref<2x!tpu.dma_semaphore, #tpu.memory_space<semaphore_mem>> -> memref<1x!tpu.dma_semaphore, #tpu.memory_space<semaphore_mem>>
      %dma_start3A_430 = tpu.memref_squeeze %dma_start3A_429 : memref<1x!tpu.dma_semaphore, #tpu.memory_space<semaphore_mem>> -> memref<!tpu.dma_semaphore, #tpu.memory_space<semaphore_mem>>
      tpu.enqueue_indirect_dma source(%dma_start3A_422 : memref<128x128xf32, #tpu.memory_space<vmem>>) target(%dma_start3A_428 : memref<10240x128xf32, #tpu.memory_space<vmem_shared>>) offsets(%dma_start3A_425 : memref<128xi32, #tpu.memory_space<vmem>>) semaphore(%dma_start3A_430 : memref<!tpu.dma_semaphore, #tpu.memory_space<semaphore_mem>>) {add = true}
      %dma_wait3A_431 = arith.constant 1 : i32
      %dma_wait3A_432 = arith.constant 13 : i32
      %dma_wait3A_433 = arith.constant 1 : i32
      %dma_wait3A_434 = arith.constant 0 : i32
      %dma_wait3A_435 = arith.constant 0 : i32
      %dma_wait3A_436 = tpu.memref_slice %arg6[%dma_wait3A_431, %dma_wait3A_434, %dma_wait3A_435] : memref<2x128x128xf32, #tpu.memory_space<vmem>> -> memref<1x128x128xf32, #tpu.memory_space<vmem>>
      %dma_wait3A_437 = tpu.memref_squeeze %dma_wait3A_436 : memref<1x128x128xf32, #tpu.memory_space<vmem>> -> memref<128x128xf32, #tpu.memory_space<vmem>>
      %dma_wait3A_438 = arith.constant 0 : i32
      %dma_wait3A_439 = tpu.memref_slice %arg5[%dma_wait3A_432, %dma_wait3A_438] : memref<16x128xi32, #tpu.memory_space<vmem>> -> memref<1x128xi32, #tpu.memory_space<vmem>>
      %dma_wait3A_440 = tpu.memref_squeeze %dma_wait3A_439 : memref<1x128xi32, #tpu.memory_space<vmem>> -> memref<128xi32, #tpu.memory_space<vmem>>
      %dma_wait3A_441 = arith.constant 0 : i32
      %dma_wait3A_442 = arith.constant 0 : i32
      %dma_wait3A_443 = tpu.memref_slice %arg7[%dma_wait3A_441, %dma_wait3A_442] : memref<10240x128xf32, #tpu.memory_space<vmem_shared>> -> memref<10240x128xf32, #tpu.memory_space<vmem_shared>>
      %dma_wait3A_444 = tpu.memref_slice %arg9[%dma_wait3A_433] : memref<2x!tpu.dma_semaphore, #tpu.memory_space<semaphore_mem>> -> memref<1x!tpu.dma_semaphore, #tpu.memory_space<semaphore_mem>>
      %dma_wait3A_445 = tpu.memref_squeeze %dma_wait3A_444 : memref<1x!tpu.dma_semaphore, #tpu.memory_space<semaphore_mem>> -> memref<!tpu.dma_semaphore, #tpu.memory_space<semaphore_mem>>
      tpu.wait_indirect_dma semaphore(%dma_wait3A_445 : memref<!tpu.dma_semaphore, #tpu.memory_space<semaphore_mem>>) src(%dma_wait3A_437 : memref<128x128xf32, #tpu.memory_space<vmem>>) dst(%dma_wait3A_443 : memref<10240x128xf32, #tpu.memory_space<vmem_shared>>)
      %dma_start3A_446 = arith.constant 7 : i32
      %dma_start3A_447 = arith.constant 1 : i32
      %dma_start3A_448 = arith.constant 1 : i32
      %dma_start3A_449 = arith.constant 0 : i32
      %dma_start3A_450 = arith.constant 0 : i32
      %dma_start3A_451 = tpu.memref_slice %arg6[%dma_start3A_447, %dma_start3A_449, %dma_start3A_450] : memref<2x128x128xf32, #tpu.memory_space<vmem>> -> memref<1x128x128xf32, #tpu.memory_space<vmem>>
      %dma_start3A_452 = tpu.memref_squeeze %dma_start3A_451 : memref<1x128x128xf32, #tpu.memory_space<vmem>> -> memref<128x128xf32, #tpu.memory_space<vmem>>
      %dma_start3A_453 = arith.constant 0 : i32
      %dma_start3A_454 = tpu.memref_slice %arg5[%dma_start3A_446, %dma_start3A_453] : memref<16x128xi32, #tpu.memory_space<vmem>> -> memref<1x128xi32, #tpu.memory_space<vmem>>
      %dma_start3A_455 = tpu.memref_squeeze %dma_start3A_454 : memref<1x128xi32, #tpu.memory_space<vmem>> -> memref<128xi32, #tpu.memory_space<vmem>>
      %dma_start3A_456 = arith.constant 0 : i32
      %dma_start3A_457 = arith.constant 0 : i32
      %dma_start3A_458 = tpu.memref_slice %arg2[%dma_start3A_456, %dma_start3A_457] : memref<10240x128xf32, #tpu.memory_space<hbm>> -> memref<10240x128xf32, #tpu.memory_space<hbm>>
      %dma_start3A_459 = tpu.memref_slice %arg8[%dma_start3A_448] : memref<2x!tpu.dma_semaphore, #tpu.memory_space<semaphore_mem>> -> memref<1x!tpu.dma_semaphore, #tpu.memory_space<semaphore_mem>>
      %dma_start3A_460 = tpu.memref_squeeze %dma_start3A_459 : memref<1x!tpu.dma_semaphore, #tpu.memory_space<semaphore_mem>> -> memref<!tpu.dma_semaphore, #tpu.memory_space<semaphore_mem>>
      tpu.enqueue_indirect_dma source(%dma_start3A_458 : memref<10240x128xf32, #tpu.memory_space<hbm>>) target(%dma_start3A_452 : memref<128x128xf32, #tpu.memory_space<vmem>>) offsets(%dma_start3A_455 : memref<128xi32, #tpu.memory_space<vmem>>) semaphore(%dma_start3A_460 : memref<!tpu.dma_semaphore, #tpu.memory_space<semaphore_mem>>)
      %dma_wait3A_461 = arith.constant 7 : i32
      %dma_wait3A_462 = arith.constant 1 : i32
      %dma_wait3A_463 = arith.constant 1 : i32
      %dma_wait3A_464 = arith.constant 0 : i32
      %dma_wait3A_465 = arith.constant 0 : i32
      %dma_wait3A_466 = tpu.memref_slice %arg6[%dma_wait3A_462, %dma_wait3A_464, %dma_wait3A_465] : memref<2x128x128xf32, #tpu.memory_space<vmem>> -> memref<1x128x128xf32, #tpu.memory_space<vmem>>
      %dma_wait3A_467 = tpu.memref_squeeze %dma_wait3A_466 : memref<1x128x128xf32, #tpu.memory_space<vmem>> -> memref<128x128xf32, #tpu.memory_space<vmem>>
      %dma_wait3A_468 = arith.constant 0 : i32
      %dma_wait3A_469 = tpu.memref_slice %arg5[%dma_wait3A_461, %dma_wait3A_468] : memref<16x128xi32, #tpu.memory_space<vmem>> -> memref<1x128xi32, #tpu.memory_space<vmem>>
      %dma_wait3A_470 = tpu.memref_squeeze %dma_wait3A_469 : memref<1x128xi32, #tpu.memory_space<vmem>> -> memref<128xi32, #tpu.memory_space<vmem>>
      %dma_wait3A_471 = arith.constant 0 : i32
      %dma_wait3A_472 = arith.constant 0 : i32
      %dma_wait3A_473 = tpu.memref_slice %arg2[%dma_wait3A_471, %dma_wait3A_472] : memref<10240x128xf32, #tpu.memory_space<hbm>> -> memref<10240x128xf32, #tpu.memory_space<hbm>>
      %dma_wait3A_474 = tpu.memref_slice %arg8[%dma_wait3A_463] : memref<2x!tpu.dma_semaphore, #tpu.memory_space<semaphore_mem>> -> memref<1x!tpu.dma_semaphore, #tpu.memory_space<semaphore_mem>>
      %dma_wait3A_475 = tpu.memref_squeeze %dma_wait3A_474 : memref<1x!tpu.dma_semaphore, #tpu.memory_space<semaphore_mem>> -> memref<!tpu.dma_semaphore, #tpu.memory_space<semaphore_mem>>
      tpu.wait_indirect_dma semaphore(%dma_wait3A_475 : memref<!tpu.dma_semaphore, #tpu.memory_space<semaphore_mem>>) src(%dma_wait3A_473 : memref<10240x128xf32, #tpu.memory_space<hbm>>) dst(%dma_wait3A_467 : memref<128x128xf32, #tpu.memory_space<vmem>>)
      %dma_start3A_476 = arith.constant 1 : i32
      %dma_start3A_477 = arith.constant 15 : i32
      %dma_start3A_478 = arith.constant 1 : i32
      %dma_start3A_479 = arith.constant 0 : i32
      %dma_start3A_480 = arith.constant 0 : i32
      %dma_start3A_481 = tpu.memref_slice %arg6[%dma_start3A_476, %dma_start3A_479, %dma_start3A_480] : memref<2x128x128xf32, #tpu.memory_space<vmem>> -> memref<1x128x128xf32, #tpu.memory_space<vmem>>
      %dma_start3A_482 = tpu.memref_squeeze %dma_start3A_481 : memref<1x128x128xf32, #tpu.memory_space<vmem>> -> memref<128x128xf32, #tpu.memory_space<vmem>>
      %dma_start3A_483 = arith.constant 0 : i32
      %dma_start3A_484 = tpu.memref_slice %arg5[%dma_start3A_477, %dma_start3A_483] : memref<16x128xi32, #tpu.memory_space<vmem>> -> memref<1x128xi32, #tpu.memory_space<vmem>>
      %dma_start3A_485 = tpu.memref_squeeze %dma_start3A_484 : memref<1x128xi32, #tpu.memory_space<vmem>> -> memref<128xi32, #tpu.memory_space<vmem>>
      %dma_start3A_486 = arith.constant 0 : i32
      %dma_start3A_487 = arith.constant 0 : i32
      %dma_start3A_488 = tpu.memref_slice %arg7[%dma_start3A_486, %dma_start3A_487] : memref<10240x128xf32, #tpu.memory_space<vmem_shared>> -> memref<10240x128xf32, #tpu.memory_space<vmem_shared>>
      %dma_start3A_489 = tpu.memref_slice %arg9[%dma_start3A_478] : memref<2x!tpu.dma_semaphore, #tpu.memory_space<semaphore_mem>> -> memref<1x!tpu.dma_semaphore, #tpu.memory_space<semaphore_mem>>
      %dma_start3A_490 = tpu.memref_squeeze %dma_start3A_489 : memref<1x!tpu.dma_semaphore, #tpu.memory_space<semaphore_mem>> -> memref<!tpu.dma_semaphore, #tpu.memory_space<semaphore_mem>>
      tpu.enqueue_indirect_dma source(%dma_start3A_482 : memref<128x128xf32, #tpu.memory_space<vmem>>) target(%dma_start3A_488 : memref<10240x128xf32, #tpu.memory_space<vmem_shared>>) offsets(%dma_start3A_485 : memref<128xi32, #tpu.memory_space<vmem>>) semaphore(%dma_start3A_490 : memref<!tpu.dma_semaphore, #tpu.memory_space<semaphore_mem>>) {add = true}
      %dma_wait3A_491 = arith.constant 0 : i32
      %dma_wait3A_492 = arith.constant 14 : i32
      %dma_wait3A_493 = arith.constant 0 : i32
      %dma_wait3A_494 = arith.constant 0 : i32
      %dma_wait3A_495 = arith.constant 0 : i32
      %dma_wait3A_496 = tpu.memref_slice %arg6[%dma_wait3A_491, %dma_wait3A_494, %dma_wait3A_495] : memref<2x128x128xf32, #tpu.memory_space<vmem>> -> memref<1x128x128xf32, #tpu.memory_space<vmem>>
      %dma_wait3A_497 = tpu.memref_squeeze %dma_wait3A_496 : memref<1x128x128xf32, #tpu.memory_space<vmem>> -> memref<128x128xf32, #tpu.memory_space<vmem>>
      %dma_wait3A_498 = arith.constant 0 : i32
      %dma_wait3A_499 = tpu.memref_slice %arg5[%dma_wait3A_492, %dma_wait3A_498] : memref<16x128xi32, #tpu.memory_space<vmem>> -> memref<1x128xi32, #tpu.memory_space<vmem>>
      %dma_wait3A_500 = tpu.memref_squeeze %dma_wait3A_499 : memref<1x128xi32, #tpu.memory_space<vmem>> -> memref<128xi32, #tpu.memory_space<vmem>>
      %dma_wait3A_501 = arith.constant 0 : i32
      %dma_wait3A_502 = arith.constant 0 : i32
      %dma_wait3A_503 = tpu.memref_slice %arg7[%dma_wait3A_501, %dma_wait3A_502] : memref<10240x128xf32, #tpu.memory_space<vmem_shared>> -> memref<10240x128xf32, #tpu.memory_space<vmem_shared>>
      %dma_wait3A_504 = tpu.memref_slice %arg9[%dma_wait3A_493] : memref<2x!tpu.dma_semaphore, #tpu.memory_space<semaphore_mem>> -> memref<1x!tpu.dma_semaphore, #tpu.memory_space<semaphore_mem>>
      %dma_wait3A_505 = tpu.memref_squeeze %dma_wait3A_504 : memref<1x!tpu.dma_semaphore, #tpu.memory_space<semaphore_mem>> -> memref<!tpu.dma_semaphore, #tpu.memory_space<semaphore_mem>>
      tpu.wait_indirect_dma semaphore(%dma_wait3A_505 : memref<!tpu.dma_semaphore, #tpu.memory_space<semaphore_mem>>) src(%dma_wait3A_497 : memref<128x128xf32, #tpu.memory_space<vmem>>) dst(%dma_wait3A_503 : memref<10240x128xf32, #tpu.memory_space<vmem_shared>>)
      %dma_wait3A_506 = arith.constant 1 : i32
      %dma_wait3A_507 = arith.constant 15 : i32
      %dma_wait3A_508 = arith.constant 1 : i32
      %dma_wait3A_509 = arith.constant 0 : i32
      %dma_wait3A_510 = arith.constant 0 : i32
      %dma_wait3A_511 = tpu.memref_slice %arg6[%dma_wait3A_506, %dma_wait3A_509, %dma_wait3A_510] : memref<2x128x128xf32, #tpu.memory_space<vmem>> -> memref<1x128x128xf32, #tpu.memory_space<vmem>>
      %dma_wait3A_512 = tpu.memref_squeeze %dma_wait3A_511 : memref<1x128x128xf32, #tpu.memory_space<vmem>> -> memref<128x128xf32, #tpu.memory_space<vmem>>
      %dma_wait3A_513 = arith.constant 0 : i32
      %dma_wait3A_514 = tpu.memref_slice %arg5[%dma_wait3A_507, %dma_wait3A_513] : memref<16x128xi32, #tpu.memory_space<vmem>> -> memref<1x128xi32, #tpu.memory_space<vmem>>
      %dma_wait3A_515 = tpu.memref_squeeze %dma_wait3A_514 : memref<1x128xi32, #tpu.memory_space<vmem>> -> memref<128xi32, #tpu.memory_space<vmem>>
      %dma_wait3A_516 = arith.constant 0 : i32
      %dma_wait3A_517 = arith.constant 0 : i32
      %dma_wait3A_518 = tpu.memref_slice %arg7[%dma_wait3A_516, %dma_wait3A_517] : memref<10240x128xf32, #tpu.memory_space<vmem_shared>> -> memref<10240x128xf32, #tpu.memory_space<vmem_shared>>
      %dma_wait3A_519 = tpu.memref_slice %arg9[%dma_wait3A_508] : memref<2x!tpu.dma_semaphore, #tpu.memory_space<semaphore_mem>> -> memref<1x!tpu.dma_semaphore, #tpu.memory_space<semaphore_mem>>
      %dma_wait3A_520 = tpu.memref_squeeze %dma_wait3A_519 : memref<1x!tpu.dma_semaphore, #tpu.memory_space<semaphore_mem>> -> memref<!tpu.dma_semaphore, #tpu.memory_space<semaphore_mem>>
      tpu.wait_indirect_dma semaphore(%dma_wait3A_520 : memref<!tpu.dma_semaphore, #tpu.memory_space<semaphore_mem>>) src(%dma_wait3A_512 : memref<128x128xf32, #tpu.memory_space<vmem>>) dst(%dma_wait3A_518 : memref<10240x128xf32, #tpu.memory_space<vmem_shared>>)
    }
    %scan3A_27 = arith.constant 10 : i32
    %barrier3A_28 = arith.constant 0 : index
    tpu.barrier barrier_id(%barrier3A_28)
    %add3A_29 = arith.constant 0 : i32
    %add3A_30 = arith.addi %mul3A_7, %add3A_29 : i32
    "tpu.region"() ({
      %run_scoped3A_39 = tpu.sem_alloc : memref<!tpu.dma_semaphore, #tpu.memory_space<semaphore_mem>>
      %dma_start3A = arith.constant 0 : i32
      %dma_start3A_40 = tpu.memref_slice %arg4[%arg0, %add3A_30, %dma_start3A] : memref<2x10240x128xf32, #tpu.memory_space<hbm>> -> memref<1x128x128xf32, #tpu.memory_space<hbm>>
      %dma_start3A_41 = tpu.memref_squeeze %dma_start3A_40 : memref<1x128x128xf32, #tpu.memory_space<hbm>> -> memref<128x128xf32, #tpu.memory_space<hbm>>
      %dma_start3A_42 = arith.constant 0 : i32
      %dma_start3A_43 = tpu.memref_slice %arg7[%add3A_30, %dma_start3A_42] : memref<10240x128xf32, #tpu.memory_space<vmem_shared>> -> memref<128x128xf32, #tpu.memory_space<vmem_shared>>
      tpu.enqueue_dma source(%dma_start3A_43 : memref<128x128xf32, #tpu.memory_space<vmem_shared>>) target(%dma_start3A_41 : memref<128x128xf32, #tpu.memory_space<hbm>>) target_semaphore(%run_scoped3A_39 : memref<!tpu.dma_semaphore, #tpu.memory_space<semaphore_mem>>)
      %dma_wait3A = arith.constant 0 : i32
      %dma_wait3A_44 = tpu.memref_slice %arg4[%arg0, %add3A_30, %dma_wait3A] : memref<2x10240x128xf32, #tpu.memory_space<hbm>> -> memref<1x128x128xf32, #tpu.memory_space<hbm>>
      %dma_wait3A_45 = tpu.memref_squeeze %dma_wait3A_44 : memref<1x128x128xf32, #tpu.memory_space<hbm>> -> memref<128x128xf32, #tpu.memory_space<hbm>>
      %dma_wait3A_46 = arith.constant 0 : i32
      %dma_wait3A_47 = tpu.memref_slice %arg7[%add3A_30, %dma_wait3A_46] : memref<10240x128xf32, #tpu.memory_space<vmem_shared>> -> memref<128x128xf32, #tpu.memory_space<vmem_shared>>
      tpu.wait_dma2 semaphore(%run_scoped3A_39 : memref<!tpu.dma_semaphore, #tpu.memory_space<semaphore_mem>>) src(%dma_wait3A_47 : memref<128x128xf32, #tpu.memory_space<vmem_shared>>) dst(%dma_wait3A_45 : memref<128x128xf32, #tpu.memory_space<hbm>>)
      tpu.yield
    }) : () -> ()
    %add3A_31 = arith.constant 128 : i32
    %add3A_32 = arith.addi %mul3A_7, %add3A_31 : i32
    "tpu.region"() ({
      %run_scoped3A_39 = tpu.sem_alloc : memref<!tpu.dma_semaphore, #tpu.memory_space<semaphore_mem>>
      %dma_start3A = arith.constant 0 : i32
      %dma_start3A_40 = tpu.memref_slice %arg4[%arg0, %add3A_32, %dma_start3A] : memref<2x10240x128xf32, #tpu.memory_space<hbm>> -> memref<1x128x128xf32, #tpu.memory_space<hbm>>
      %dma_start3A_41 = tpu.memref_squeeze %dma_start3A_40 : memref<1x128x128xf32, #tpu.memory_space<hbm>> -> memref<128x128xf32, #tpu.memory_space<hbm>>
      %dma_start3A_42 = arith.constant 0 : i32
      %dma_start3A_43 = tpu.memref_slice %arg7[%add3A_32, %dma_start3A_42] : memref<10240x128xf32, #tpu.memory_space<vmem_shared>> -> memref<128x128xf32, #tpu.memory_space<vmem_shared>>
      tpu.enqueue_dma source(%dma_start3A_43 : memref<128x128xf32, #tpu.memory_space<vmem_shared>>) target(%dma_start3A_41 : memref<128x128xf32, #tpu.memory_space<hbm>>) target_semaphore(%run_scoped3A_39 : memref<!tpu.dma_semaphore, #tpu.memory_space<semaphore_mem>>)
      %dma_wait3A = arith.constant 0 : i32
      %dma_wait3A_44 = tpu.memref_slice %arg4[%arg0, %add3A_32, %dma_wait3A] : memref<2x10240x128xf32, #tpu.memory_space<hbm>> -> memref<1x128x128xf32, #tpu.memory_space<hbm>>
      %dma_wait3A_45 = tpu.memref_squeeze %dma_wait3A_44 : memref<1x128x128xf32, #tpu.memory_space<hbm>> -> memref<128x128xf32, #tpu.memory_space<hbm>>
      %dma_wait3A_46 = arith.constant 0 : i32
      %dma_wait3A_47 = tpu.memref_slice %arg7[%add3A_32, %dma_wait3A_46] : memref<10240x128xf32, #tpu.memory_space<vmem_shared>> -> memref<128x128xf32, #tpu.memory_space<vmem_shared>>
      tpu.wait_dma2 semaphore(%run_scoped3A_39 : memref<!tpu.dma_semaphore, #tpu.memory_space<semaphore_mem>>) src(%dma_wait3A_47 : memref<128x128xf32, #tpu.memory_space<vmem_shared>>) dst(%dma_wait3A_45 : memref<128x128xf32, #tpu.memory_space<hbm>>)
      tpu.yield
    }) : () -> ()
    %add3A_33 = arith.constant 256 : i32
    %add3A_34 = arith.addi %mul3A_7, %add3A_33 : i32
    "tpu.region"() ({
      %run_scoped3A_39 = tpu.sem_alloc : memref<!tpu.dma_semaphore, #tpu.memory_space<semaphore_mem>>
      %dma_start3A = arith.constant 0 : i32
      %dma_start3A_40 = tpu.memref_slice %arg4[%arg0, %add3A_34, %dma_start3A] : memref<2x10240x128xf32, #tpu.memory_space<hbm>> -> memref<1x128x128xf32, #tpu.memory_space<hbm>>
      %dma_start3A_41 = tpu.memref_squeeze %dma_start3A_40 : memref<1x128x128xf32, #tpu.memory_space<hbm>> -> memref<128x128xf32, #tpu.memory_space<hbm>>
      %dma_start3A_42 = arith.constant 0 : i32
      %dma_start3A_43 = tpu.memref_slice %arg7[%add3A_34, %dma_start3A_42] : memref<10240x128xf32, #tpu.memory_space<vmem_shared>> -> memref<128x128xf32, #tpu.memory_space<vmem_shared>>
      tpu.enqueue_dma source(%dma_start3A_43 : memref<128x128xf32, #tpu.memory_space<vmem_shared>>) target(%dma_start3A_41 : memref<128x128xf32, #tpu.memory_space<hbm>>) target_semaphore(%run_scoped3A_39 : memref<!tpu.dma_semaphore, #tpu.memory_space<semaphore_mem>>)
      %dma_wait3A = arith.constant 0 : i32
      %dma_wait3A_44 = tpu.memref_slice %arg4[%arg0, %add3A_34, %dma_wait3A] : memref<2x10240x128xf32, #tpu.memory_space<hbm>> -> memref<1x128x128xf32, #tpu.memory_space<hbm>>
      %dma_wait3A_45 = tpu.memref_squeeze %dma_wait3A_44 : memref<1x128x128xf32, #tpu.memory_space<hbm>> -> memref<128x128xf32, #tpu.memory_space<hbm>>
      %dma_wait3A_46 = arith.constant 0 : i32
      %dma_wait3A_47 = tpu.memref_slice %arg7[%add3A_34, %dma_wait3A_46] : memref<10240x128xf32, #tpu.memory_space<vmem_shared>> -> memref<128x128xf32, #tpu.memory_space<vmem_shared>>
      tpu.wait_dma2 semaphore(%run_scoped3A_39 : memref<!tpu.dma_semaphore, #tpu.memory_space<semaphore_mem>>) src(%dma_wait3A_47 : memref<128x128xf32, #tpu.memory_space<vmem_shared>>) dst(%dma_wait3A_45 : memref<128x128xf32, #tpu.memory_space<hbm>>)
      tpu.yield
    }) : () -> ()
    %add3A_35 = arith.constant 384 : i32
    %add3A_36 = arith.addi %mul3A_7, %add3A_35 : i32
    "tpu.region"() ({
      %run_scoped3A_39 = tpu.sem_alloc : memref<!tpu.dma_semaphore, #tpu.memory_space<semaphore_mem>>
      %dma_start3A = arith.constant 0 : i32
      %dma_start3A_40 = tpu.memref_slice %arg4[%arg0, %add3A_36, %dma_start3A] : memref<2x10240x128xf32, #tpu.memory_space<hbm>> -> memref<1x128x128xf32, #tpu.memory_space<hbm>>
      %dma_start3A_41 = tpu.memref_squeeze %dma_start3A_40 : memref<1x128x128xf32, #tpu.memory_space<hbm>> -> memref<128x128xf32, #tpu.memory_space<hbm>>
      %dma_start3A_42 = arith.constant 0 : i32
      %dma_start3A_43 = tpu.memref_slice %arg7[%add3A_36, %dma_start3A_42] : memref<10240x128xf32, #tpu.memory_space<vmem_shared>> -> memref<128x128xf32, #tpu.memory_space<vmem_shared>>
      tpu.enqueue_dma source(%dma_start3A_43 : memref<128x128xf32, #tpu.memory_space<vmem_shared>>) target(%dma_start3A_41 : memref<128x128xf32, #tpu.memory_space<hbm>>) target_semaphore(%run_scoped3A_39 : memref<!tpu.dma_semaphore, #tpu.memory_space<semaphore_mem>>)
      %dma_wait3A = arith.constant 0 : i32
      %dma_wait3A_44 = tpu.memref_slice %arg4[%arg0, %add3A_36, %dma_wait3A] : memref<2x10240x128xf32, #tpu.memory_space<hbm>> -> memref<1x128x128xf32, #tpu.memory_space<hbm>>
      %dma_wait3A_45 = tpu.memref_squeeze %dma_wait3A_44 : memref<1x128x128xf32, #tpu.memory_space<hbm>> -> memref<128x128xf32, #tpu.memory_space<hbm>>
      %dma_wait3A_46 = arith.constant 0 : i32
      %dma_wait3A_47 = tpu.memref_slice %arg7[%add3A_36, %dma_wait3A_46] : memref<10240x128xf32, #tpu.memory_space<vmem_shared>> -> memref<128x128xf32, #tpu.memory_space<vmem_shared>>
      tpu.wait_dma2 semaphore(%run_scoped3A_39 : memref<!tpu.dma_semaphore, #tpu.memory_space<semaphore_mem>>) src(%dma_wait3A_47 : memref<128x128xf32, #tpu.memory_space<vmem_shared>>) dst(%dma_wait3A_45 : memref<128x128xf32, #tpu.memory_space<hbm>>)
      tpu.yield
    }) : () -> ()
    %add3A_37 = arith.constant 512 : i32
    %add3A_38 = arith.addi %mul3A_7, %add3A_37 : i32
    "tpu.region"() ({
      %run_scoped3A_39 = tpu.sem_alloc : memref<!tpu.dma_semaphore, #tpu.memory_space<semaphore_mem>>
      %dma_start3A = arith.constant 0 : i32
      %dma_start3A_40 = tpu.memref_slice %arg4[%arg0, %add3A_38, %dma_start3A] : memref<2x10240x128xf32, #tpu.memory_space<hbm>> -> memref<1x128x128xf32, #tpu.memory_space<hbm>>
      %dma_start3A_41 = tpu.memref_squeeze %dma_start3A_40 : memref<1x128x128xf32, #tpu.memory_space<hbm>> -> memref<128x128xf32, #tpu.memory_space<hbm>>
      %dma_start3A_42 = arith.constant 0 : i32
      %dma_start3A_43 = tpu.memref_slice %arg7[%add3A_38, %dma_start3A_42] : memref<10240x128xf32, #tpu.memory_space<vmem_shared>> -> memref<128x128xf32, #tpu.memory_space<vmem_shared>>
      tpu.enqueue_dma source(%dma_start3A_43 : memref<128x128xf32, #tpu.memory_space<vmem_shared>>) target(%dma_start3A_41 : memref<128x128xf32, #tpu.memory_space<hbm>>) target_semaphore(%run_scoped3A_39 : memref<!tpu.dma_semaphore, #tpu.memory_space<semaphore_mem>>)
      %dma_wait3A = arith.constant 0 : i32
      %dma_wait3A_44 = tpu.memref_slice %arg4[%arg0, %add3A_38, %dma_wait3A] : memref<2x10240x128xf32, #tpu.memory_space<hbm>> -> memref<1x128x128xf32, #tpu.memory_space<hbm>>
      %dma_wait3A_45 = tpu.memref_squeeze %dma_wait3A_44 : memref<1x128x128xf32, #tpu.memory_space<hbm>> -> memref<128x128xf32, #tpu.memory_space<hbm>>
      %dma_wait3A_46 = arith.constant 0 : i32
      %dma_wait3A_47 = tpu.memref_slice %arg7[%add3A_38, %dma_wait3A_46] : memref<10240x128xf32, #tpu.memory_space<vmem_shared>> -> memref<128x128xf32, #tpu.memory_space<vmem_shared>>
      tpu.wait_dma2 semaphore(%run_scoped3A_39 : memref<!tpu.dma_semaphore, #tpu.memory_space<semaphore_mem>>) src(%dma_wait3A_47 : memref<128x128xf32, #tpu.memory_space<vmem_shared>>) dst(%dma_wait3A_45 : memref<128x128xf32, #tpu.memory_space<hbm>>)
      tpu.yield
    }) : () -> ()
    return
  }
}

#map = affine_map<(d0, d1) -> (0, 0)>
#map1 = affine_map<(d0, d1) -> (0, 0, 0)>
module attributes {stable_mosaic.version = 14 : i64} {
  func.func @_seg_body(%arg0: i32, %arg1: i32, %arg2: memref<10240x128xf32, #tpu.memory_space<hbm>>, %arg3: memref<320x16x128xi32, #tpu.memory_space<hbm>>, %arg4: memref<2x10240x128xf32, #tpu.memory_space<hbm>>, %arg5: memref<16x128xi32, #tpu.memory_space<vmem>>, %arg6: memref<2x128x128xf32, #tpu.memory_space<vmem>>, %arg7: memref<10240x128xf32, #tpu.memory_space<vmem_shared>>, %arg8: memref<2x!tpu.dma_semaphore, #tpu.memory_space<semaphore_mem>>, %arg9: memref<2x!tpu.dma_semaphore, #tpu.memory_space<semaphore_mem>>) attributes {dimension_semantics = [#tpu.dimension_semantics<core_parallel>, #tpu.dimension_semantics<subcore_parallel>], iteration_bounds = array<i64: 2, 16>, scalar_prefetch = 0 : i64, scratch_operands = 5 : i64, tpu.core_type = #tpu.core_type<sc_vector_subcore>, window_params = [{transform_indices = #map}, {transform_indices = #map1}, {transform_indices = #map1}]} {
    %mul3A = arith.constant 16 : i32
    %mul3A_0 = arith.muli %arg0, %mul3A : i32
    %add3A = arith.addi %mul3A_0, %arg1 : i32
    %scan3A = arith.constant 0 : i32
    %scan3A_1 = arith.constant 0 : i32
    %scan3A_2 = arith.constant 128 : i32
    %scan3A_3 = arith.addi %scan3A_1, %scan3A_2 : i32
    %scan3A_4 = arith.constant 1 : i32
    scf.for %scan3A_39 = %scan3A_1 to %scan3A_3 step %scan3A_4  : i32 {
      %broadcast_in_dim3A = arith.constant 0.000000e+00 : f32
      %broadcast_in_dim3A_40 = vector.broadcast %broadcast_in_dim3A : f32 to vector<16xf32>
      %swap3A = arith.constant 0 : i32
      %swap3A_41 = arith.index_cast %swap3A : i32 to index
      %swap3A_42 = arith.index_cast %scan3A_39 : i32 to index
      %swap3A_43 = arith.constant 0 : index
      %swap3A_44 = tpu.vector_load %arg6[%swap3A_41, %swap3A_42, %swap3A_43] {strides = array<i32>} : memref<2x128x128xf32, #tpu.memory_space<vmem>>, vector<1x1x16xf32>,
      %swap3A_45 = vector.shape_cast %swap3A_44 : vector<1x1x16xf32> to vector<16xf32>
      %swap3A_46 = vector.shape_cast %broadcast_in_dim3A_40 : vector<16xf32> to vector<1x1x16xf32>
      tpu.vector_store %arg6[%swap3A_41, %swap3A_42, %swap3A_43], %swap3A_46 {strides = array<i32>} : memref<2x128x128xf32, #tpu.memory_space<vmem>>, vector<1x1x16xf32>,
      %broadcast_in_dim3A_47 = arith.constant 0.000000e+00 : f32
      %broadcast_in_dim3A_48 = vector.broadcast %broadcast_in_dim3A_47 : f32 to vector<16xf32>
      %swap3A_49 = arith.constant 0 : i32
      %swap3A_50 = arith.index_cast %swap3A_49 : i32 to index
      %swap3A_51 = arith.index_cast %scan3A_39 : i32 to index
      %swap3A_52 = arith.constant 16 : index
      %swap3A_53 = tpu.vector_load %arg6[%swap3A_50, %swap3A_51, %swap3A_52] {strides = array<i32>} : memref<2x128x128xf32, #tpu.memory_space<vmem>>, vector<1x1x16xf32>,
      %swap3A_54 = vector.shape_cast %swap3A_53 : vector<1x1x16xf32> to vector<16xf32>
      %swap3A_55 = vector.shape_cast %broadcast_in_dim3A_48 : vector<16xf32> to vector<1x1x16xf32>
      tpu.vector_store %arg6[%swap3A_50, %swap3A_51, %swap3A_52], %swap3A_55 {strides = array<i32>} : memref<2x128x128xf32, #tpu.memory_space<vmem>>, vector<1x1x16xf32>,
      %broadcast_in_dim3A_56 = arith.constant 0.000000e+00 : f32
      %broadcast_in_dim3A_57 = vector.broadcast %broadcast_in_dim3A_56 : f32 to vector<16xf32>
      %swap3A_58 = arith.constant 0 : i32
      %swap3A_59 = arith.index_cast %swap3A_58 : i32 to index
      %swap3A_60 = arith.index_cast %scan3A_39 : i32 to index
      %swap3A_61 = arith.constant 32 : index
      %swap3A_62 = tpu.vector_load %arg6[%swap3A_59, %swap3A_60, %swap3A_61] {strides = array<i32>} : memref<2x128x128xf32, #tpu.memory_space<vmem>>, vector<1x1x16xf32>,
      %swap3A_63 = vector.shape_cast %swap3A_62 : vector<1x1x16xf32> to vector<16xf32>
      %swap3A_64 = vector.shape_cast %broadcast_in_dim3A_57 : vector<16xf32> to vector<1x1x16xf32>
      tpu.vector_store %arg6[%swap3A_59, %swap3A_60, %swap3A_61], %swap3A_64 {strides = array<i32>} : memref<2x128x128xf32, #tpu.memory_space<vmem>>, vector<1x1x16xf32>,
      %broadcast_in_dim3A_65 = arith.constant 0.000000e+00 : f32
      %broadcast_in_dim3A_66 = vector.broadcast %broadcast_in_dim3A_65 : f32 to vector<16xf32>
      %swap3A_67 = arith.constant 0 : i32
      %swap3A_68 = arith.index_cast %swap3A_67 : i32 to index
      %swap3A_69 = arith.index_cast %scan3A_39 : i32 to index
      %swap3A_70 = arith.constant 48 : index
      %swap3A_71 = tpu.vector_load %arg6[%swap3A_68, %swap3A_69, %swap3A_70] {strides = array<i32>} : memref<2x128x128xf32, #tpu.memory_space<vmem>>, vector<1x1x16xf32>,
      %swap3A_72 = vector.shape_cast %swap3A_71 : vector<1x1x16xf32> to vector<16xf32>
      %swap3A_73 = vector.shape_cast %broadcast_in_dim3A_66 : vector<16xf32> to vector<1x1x16xf32>
      tpu.vector_store %arg6[%swap3A_68, %swap3A_69, %swap3A_70], %swap3A_73 {strides = array<i32>} : memref<2x128x128xf32, #tpu.memory_space<vmem>>, vector<1x1x16xf32>,
      %broadcast_in_dim3A_74 = arith.constant 0.000000e+00 : f32
      %broadcast_in_dim3A_75 = vector.broadcast %broadcast_in_dim3A_74 : f32 to vector<16xf32>
      %swap3A_76 = arith.constant 0 : i32
      %swap3A_77 = arith.index_cast %swap3A_76 : i32 to index
      %swap3A_78 = arith.index_cast %scan3A_39 : i32 to index
      %swap3A_79 = arith.constant 64 : index
      %swap3A_80 = tpu.vector_load %arg6[%swap3A_77, %swap3A_78, %swap3A_79] {strides = array<i32>} : memref<2x128x128xf32, #tpu.memory_space<vmem>>, vector<1x1x16xf32>,
      %swap3A_81 = vector.shape_cast %swap3A_80 : vector<1x1x16xf32> to vector<16xf32>
      %swap3A_82 = vector.shape_cast %broadcast_in_dim3A_75 : vector<16xf32> to vector<1x1x16xf32>
      tpu.vector_store %arg6[%swap3A_77, %swap3A_78, %swap3A_79], %swap3A_82 {strides = array<i32>} : memref<2x128x128xf32, #tpu.memory_space<vmem>>, vector<1x1x16xf32>,
      %broadcast_in_dim3A_83 = arith.constant 0.000000e+00 : f32
      %broadcast_in_dim3A_84 = vector.broadcast %broadcast_in_dim3A_83 : f32 to vector<16xf32>
      %swap3A_85 = arith.constant 0 : i32
      %swap3A_86 = arith.index_cast %swap3A_85 : i32 to index
      %swap3A_87 = arith.index_cast %scan3A_39 : i32 to index
      %swap3A_88 = arith.constant 80 : index
      %swap3A_89 = tpu.vector_load %arg6[%swap3A_86, %swap3A_87, %swap3A_88] {strides = array<i32>} : memref<2x128x128xf32, #tpu.memory_space<vmem>>, vector<1x1x16xf32>,
      %swap3A_90 = vector.shape_cast %swap3A_89 : vector<1x1x16xf32> to vector<16xf32>
      %swap3A_91 = vector.shape_cast %broadcast_in_dim3A_84 : vector<16xf32> to vector<1x1x16xf32>
      tpu.vector_store %arg6[%swap3A_86, %swap3A_87, %swap3A_88], %swap3A_91 {strides = array<i32>} : memref<2x128x128xf32, #tpu.memory_space<vmem>>, vector<1x1x16xf32>,
      %broadcast_in_dim3A_92 = arith.constant 0.000000e+00 : f32
      %broadcast_in_dim3A_93 = vector.broadcast %broadcast_in_dim3A_92 : f32 to vector<16xf32>
      %swap3A_94 = arith.constant 0 : i32
      %swap3A_95 = arith.index_cast %swap3A_94 : i32 to index
      %swap3A_96 = arith.index_cast %scan3A_39 : i32 to index
      %swap3A_97 = arith.constant 96 : index
      %swap3A_98 = tpu.vector_load %arg6[%swap3A_95, %swap3A_96, %swap3A_97] {strides = array<i32>} : memref<2x128x128xf32, #tpu.memory_space<vmem>>, vector<1x1x16xf32>,
      %swap3A_99 = vector.shape_cast %swap3A_98 : vector<1x1x16xf32> to vector<16xf32>
      %swap3A_100 = vector.shape_cast %broadcast_in_dim3A_93 : vector<16xf32> to vector<1x1x16xf32>
      tpu.vector_store %arg6[%swap3A_95, %swap3A_96, %swap3A_97], %swap3A_100 {strides = array<i32>} : memref<2x128x128xf32, #tpu.memory_space<vmem>>, vector<1x1x16xf32>,
      %broadcast_in_dim3A_101 = arith.constant 0.000000e+00 : f32
      %broadcast_in_dim3A_102 = vector.broadcast %broadcast_in_dim3A_101 : f32 to vector<16xf32>
      %swap3A_103 = arith.constant 0 : i32
      %swap3A_104 = arith.index_cast %swap3A_103 : i32 to index
      %swap3A_105 = arith.index_cast %scan3A_39 : i32 to index
      %swap3A_106 = arith.constant 112 : index
      %swap3A_107 = tpu.vector_load %arg6[%swap3A_104, %swap3A_105, %swap3A_106] {strides = array<i32>} : memref<2x128x128xf32, #tpu.memory_space<vmem>>, vector<1x1x16xf32>,
      %swap3A_108 = vector.shape_cast %swap3A_107 : vector<1x1x16xf32> to vector<16xf32>
      %swap3A_109 = vector.shape_cast %broadcast_in_dim3A_102 : vector<16xf32> to vector<1x1x16xf32>
      tpu.vector_store %arg6[%swap3A_104, %swap3A_105, %swap3A_106], %swap3A_109 {strides = array<i32>} : memref<2x128x128xf32, #tpu.memory_space<vmem>>, vector<1x1x16xf32>,
    }
    %scan3A_5 = arith.constant 128 : i32
    %mul3A_6 = arith.constant 640 : i32
    %mul3A_7 = arith.muli %arg1, %mul3A_6 : i32
    %add3A_8 = arith.constant 0 : i32
    %add3A_9 = arith.addi %mul3A_7, %add3A_8 : i32
    %run_scoped3A = arith.constant 0 : i32
    "tpu.region"() ({
      %run_scoped3A_39 = tpu.sem_alloc : memref<!tpu.dma_semaphore, #tpu.memory_space<semaphore_mem>>
      %dma_start3A = arith.constant 0 : i32
      %dma_start3A_40 = arith.constant 0 : i32
      %dma_start3A_41 = tpu.memref_slice %arg6[%run_scoped3A, %dma_start3A, %dma_start3A_40] : memref<2x128x128xf32, #tpu.memory_space<vmem>> -> memref<1x128x128xf32, #tpu.memory_space<vmem>>
      %dma_start3A_42 = tpu.memref_squeeze %dma_start3A_41 : memref<1x128x128xf32, #tpu.memory_space<vmem>> -> memref<128x128xf32, #tpu.memory_space<vmem>>
      %dma_start3A_43 = arith.constant 0 : i32
      %dma_start3A_44 = tpu.memref_slice %arg7[%add3A_9, %dma_start3A_43] : memref<10240x128xf32, #tpu.memory_space<vmem_shared>> -> memref<128x128xf32, #tpu.memory_space<vmem_shared>>
      %dma_start3A_45 = arith.constant 0 : i32
      %dma_start3A_46 = tpu.memref_slice %arg7[%add3A_9, %dma_start3A_45] : memref<10240x128xf32, #tpu.memory_space<vmem_shared>> -> memref<128x128xf32, #tpu.memory_space<vmem_shared>>
      %dma_start3A_47 = arith.constant 0 : i32
      %dma_start3A_48 = arith.constant 0 : i32
      %dma_start3A_49 = tpu.memref_slice %arg6[%run_scoped3A, %dma_start3A_47, %dma_start3A_48] : memref<2x128x128xf32, #tpu.memory_space<vmem>> -> memref<1x128x128xf32, #tpu.memory_space<vmem>>
      %dma_start3A_50 = tpu.memref_squeeze %dma_start3A_49 : memref<1x128x128xf32, #tpu.memory_space<vmem>> -> memref<128x128xf32, #tpu.memory_space<vmem>>
      tpu.enqueue_dma source(%dma_start3A_50 : memref<128x128xf32, #tpu.memory_space<vmem>>) target(%dma_start3A_46 : memref<128x128xf32, #tpu.memory_space<vmem_shared>>) target_semaphore(%run_scoped3A_39 : memref<!tpu.dma_semaphore, #tpu.memory_space<semaphore_mem>>)
      %dma_wait3A = arith.constant 0 : i32
      %dma_wait3A_51 = arith.constant 0 : i32
      %dma_wait3A_52 = tpu.memref_slice %arg6[%run_scoped3A, %dma_wait3A, %dma_wait3A_51] : memref<2x128x128xf32, #tpu.memory_space<vmem>> -> memref<1x128x128xf32, #tpu.memory_space<vmem>>
      %dma_wait3A_53 = tpu.memref_squeeze %dma_wait3A_52 : memref<1x128x128xf32, #tpu.memory_space<vmem>> -> memref<128x128xf32, #tpu.memory_space<vmem>>
      %dma_wait3A_54 = arith.constant 0 : i32
      %dma_wait3A_55 = tpu.memref_slice %arg7[%add3A_9, %dma_wait3A_54] : memref<10240x128xf32, #tpu.memory_space<vmem_shared>> -> memref<128x128xf32, #tpu.memory_space<vmem_shared>>
      %dma_wait3A_56 = arith.constant 0 : i32
      %dma_wait3A_57 = tpu.memref_slice %arg7[%add3A_9, %dma_wait3A_56] : memref<10240x128xf32, #tpu.memory_space<vmem_shared>> -> memref<128x128xf32, #tpu.memory_space<vmem_shared>>
      %dma_wait3A_58 = arith.constant 0 : i32
      %dma_wait3A_59 = arith.constant 0 : i32
      %dma_wait3A_60 = tpu.memref_slice %arg6[%run_scoped3A, %dma_wait3A_58, %dma_wait3A_59] : memref<2x128x128xf32, #tpu.memory_space<vmem>> -> memref<1x128x128xf32, #tpu.memory_space<vmem>>
      %dma_wait3A_61 = tpu.memref_squeeze %dma_wait3A_60 : memref<1x128x128xf32, #tpu.memory_space<vmem>> -> memref<128x128xf32, #tpu.memory_space<vmem>>
      tpu.wait_dma2 semaphore(%run_scoped3A_39 : memref<!tpu.dma_semaphore, #tpu.memory_space<semaphore_mem>>) src(%dma_wait3A_61 : memref<128x128xf32, #tpu.memory_space<vmem>>) dst(%dma_wait3A_57 : memref<128x128xf32, #tpu.memory_space<vmem_shared>>)
      tpu.yield
    }) : () -> ()
    %add3A_10 = arith.constant 128 : i32
    %add3A_11 = arith.addi %mul3A_7, %add3A_10 : i32
    %run_scoped3A_12 = arith.constant 0 : i32
    "tpu.region"() ({
      %run_scoped3A_39 = tpu.sem_alloc : memref<!tpu.dma_semaphore, #tpu.memory_space<semaphore_mem>>
      %dma_start3A = arith.constant 0 : i32
      %dma_start3A_40 = arith.constant 0 : i32
      %dma_start3A_41 = tpu.memref_slice %arg6[%run_scoped3A_12, %dma_start3A, %dma_start3A_40] : memref<2x128x128xf32, #tpu.memory_space<vmem>> -> memref<1x128x128xf32, #tpu.memory_space<vmem>>
      %dma_start3A_42 = tpu.memref_squeeze %dma_start3A_41 : memref<1x128x128xf32, #tpu.memory_space<vmem>> -> memref<128x128xf32, #tpu.memory_space<vmem>>
      %dma_start3A_43 = arith.constant 0 : i32
      %dma_start3A_44 = tpu.memref_slice %arg7[%add3A_11, %dma_start3A_43] : memref<10240x128xf32, #tpu.memory_space<vmem_shared>> -> memref<128x128xf32, #tpu.memory_space<vmem_shared>>
      %dma_start3A_45 = arith.constant 0 : i32
      %dma_start3A_46 = tpu.memref_slice %arg7[%add3A_11, %dma_start3A_45] : memref<10240x128xf32, #tpu.memory_space<vmem_shared>> -> memref<128x128xf32, #tpu.memory_space<vmem_shared>>
      %dma_start3A_47 = arith.constant 0 : i32
      %dma_start3A_48 = arith.constant 0 : i32
      %dma_start3A_49 = tpu.memref_slice %arg6[%run_scoped3A_12, %dma_start3A_47, %dma_start3A_48] : memref<2x128x128xf32, #tpu.memory_space<vmem>> -> memref<1x128x128xf32, #tpu.memory_space<vmem>>
      %dma_start3A_50 = tpu.memref_squeeze %dma_start3A_49 : memref<1x128x128xf32, #tpu.memory_space<vmem>> -> memref<128x128xf32, #tpu.memory_space<vmem>>
      tpu.enqueue_dma source(%dma_start3A_50 : memref<128x128xf32, #tpu.memory_space<vmem>>) target(%dma_start3A_46 : memref<128x128xf32, #tpu.memory_space<vmem_shared>>) target_semaphore(%run_scoped3A_39 : memref<!tpu.dma_semaphore, #tpu.memory_space<semaphore_mem>>)
      %dma_wait3A = arith.constant 0 : i32
      %dma_wait3A_51 = arith.constant 0 : i32
      %dma_wait3A_52 = tpu.memref_slice %arg6[%run_scoped3A_12, %dma_wait3A, %dma_wait3A_51] : memref<2x128x128xf32, #tpu.memory_space<vmem>> -> memref<1x128x128xf32, #tpu.memory_space<vmem>>
      %dma_wait3A_53 = tpu.memref_squeeze %dma_wait3A_52 : memref<1x128x128xf32, #tpu.memory_space<vmem>> -> memref<128x128xf32, #tpu.memory_space<vmem>>
      %dma_wait3A_54 = arith.constant 0 : i32
      %dma_wait3A_55 = tpu.memref_slice %arg7[%add3A_11, %dma_wait3A_54] : memref<10240x128xf32, #tpu.memory_space<vmem_shared>> -> memref<128x128xf32, #tpu.memory_space<vmem_shared>>
      %dma_wait3A_56 = arith.constant 0 : i32
      %dma_wait3A_57 = tpu.memref_slice %arg7[%add3A_11, %dma_wait3A_56] : memref<10240x128xf32, #tpu.memory_space<vmem_shared>> -> memref<128x128xf32, #tpu.memory_space<vmem_shared>>
      %dma_wait3A_58 = arith.constant 0 : i32
      %dma_wait3A_59 = arith.constant 0 : i32
      %dma_wait3A_60 = tpu.memref_slice %arg6[%run_scoped3A_12, %dma_wait3A_58, %dma_wait3A_59] : memref<2x128x128xf32, #tpu.memory_space<vmem>> -> memref<1x128x128xf32, #tpu.memory_space<vmem>>
      %dma_wait3A_61 = tpu.memref_squeeze %dma_wait3A_60 : memref<1x128x128xf32, #tpu.memory_space<vmem>> -> memref<128x128xf32, #tpu.memory_space<vmem>>
      tpu.wait_dma2 semaphore(%run_scoped3A_39 : memref<!tpu.dma_semaphore, #tpu.memory_space<semaphore_mem>>) src(%dma_wait3A_61 : memref<128x128xf32, #tpu.memory_space<vmem>>) dst(%dma_wait3A_57 : memref<128x128xf32, #tpu.memory_space<vmem_shared>>)
      tpu.yield
    }) : () -> ()
    %add3A_13 = arith.constant 256 : i32
    %add3A_14 = arith.addi %mul3A_7, %add3A_13 : i32
    %run_scoped3A_15 = arith.constant 0 : i32
    "tpu.region"() ({
      %run_scoped3A_39 = tpu.sem_alloc : memref<!tpu.dma_semaphore, #tpu.memory_space<semaphore_mem>>
      %dma_start3A = arith.constant 0 : i32
      %dma_start3A_40 = arith.constant 0 : i32
      %dma_start3A_41 = tpu.memref_slice %arg6[%run_scoped3A_15, %dma_start3A, %dma_start3A_40] : memref<2x128x128xf32, #tpu.memory_space<vmem>> -> memref<1x128x128xf32, #tpu.memory_space<vmem>>
      %dma_start3A_42 = tpu.memref_squeeze %dma_start3A_41 : memref<1x128x128xf32, #tpu.memory_space<vmem>> -> memref<128x128xf32, #tpu.memory_space<vmem>>
      %dma_start3A_43 = arith.constant 0 : i32
      %dma_start3A_44 = tpu.memref_slice %arg7[%add3A_14, %dma_start3A_43] : memref<10240x128xf32, #tpu.memory_space<vmem_shared>> -> memref<128x128xf32, #tpu.memory_space<vmem_shared>>
      %dma_start3A_45 = arith.constant 0 : i32
      %dma_start3A_46 = tpu.memref_slice %arg7[%add3A_14, %dma_start3A_45] : memref<10240x128xf32, #tpu.memory_space<vmem_shared>> -> memref<128x128xf32, #tpu.memory_space<vmem_shared>>
      %dma_start3A_47 = arith.constant 0 : i32
      %dma_start3A_48 = arith.constant 0 : i32
      %dma_start3A_49 = tpu.memref_slice %arg6[%run_scoped3A_15, %dma_start3A_47, %dma_start3A_48] : memref<2x128x128xf32, #tpu.memory_space<vmem>> -> memref<1x128x128xf32, #tpu.memory_space<vmem>>
      %dma_start3A_50 = tpu.memref_squeeze %dma_start3A_49 : memref<1x128x128xf32, #tpu.memory_space<vmem>> -> memref<128x128xf32, #tpu.memory_space<vmem>>
      tpu.enqueue_dma source(%dma_start3A_50 : memref<128x128xf32, #tpu.memory_space<vmem>>) target(%dma_start3A_46 : memref<128x128xf32, #tpu.memory_space<vmem_shared>>) target_semaphore(%run_scoped3A_39 : memref<!tpu.dma_semaphore, #tpu.memory_space<semaphore_mem>>)
      %dma_wait3A = arith.constant 0 : i32
      %dma_wait3A_51 = arith.constant 0 : i32
      %dma_wait3A_52 = tpu.memref_slice %arg6[%run_scoped3A_15, %dma_wait3A, %dma_wait3A_51] : memref<2x128x128xf32, #tpu.memory_space<vmem>> -> memref<1x128x128xf32, #tpu.memory_space<vmem>>
      %dma_wait3A_53 = tpu.memref_squeeze %dma_wait3A_52 : memref<1x128x128xf32, #tpu.memory_space<vmem>> -> memref<128x128xf32, #tpu.memory_space<vmem>>
      %dma_wait3A_54 = arith.constant 0 : i32
      %dma_wait3A_55 = tpu.memref_slice %arg7[%add3A_14, %dma_wait3A_54] : memref<10240x128xf32, #tpu.memory_space<vmem_shared>> -> memref<128x128xf32, #tpu.memory_space<vmem_shared>>
      %dma_wait3A_56 = arith.constant 0 : i32
      %dma_wait3A_57 = tpu.memref_slice %arg7[%add3A_14, %dma_wait3A_56] : memref<10240x128xf32, #tpu.memory_space<vmem_shared>> -> memref<128x128xf32, #tpu.memory_space<vmem_shared>>
      %dma_wait3A_58 = arith.constant 0 : i32
      %dma_wait3A_59 = arith.constant 0 : i32
      %dma_wait3A_60 = tpu.memref_slice %arg6[%run_scoped3A_15, %dma_wait3A_58, %dma_wait3A_59] : memref<2x128x128xf32, #tpu.memory_space<vmem>> -> memref<1x128x128xf32, #tpu.memory_space<vmem>>
      %dma_wait3A_61 = tpu.memref_squeeze %dma_wait3A_60 : memref<1x128x128xf32, #tpu.memory_space<vmem>> -> memref<128x128xf32, #tpu.memory_space<vmem>>
      tpu.wait_dma2 semaphore(%run_scoped3A_39 : memref<!tpu.dma_semaphore, #tpu.memory_space<semaphore_mem>>) src(%dma_wait3A_61 : memref<128x128xf32, #tpu.memory_space<vmem>>) dst(%dma_wait3A_57 : memref<128x128xf32, #tpu.memory_space<vmem_shared>>)
      tpu.yield
    }) : () -> ()
    %add3A_16 = arith.constant 384 : i32
    %add3A_17 = arith.addi %mul3A_7, %add3A_16 : i32
    %run_scoped3A_18 = arith.constant 0 : i32
    "tpu.region"() ({
      %run_scoped3A_39 = tpu.sem_alloc : memref<!tpu.dma_semaphore, #tpu.memory_space<semaphore_mem>>
      %dma_start3A = arith.constant 0 : i32
      %dma_start3A_40 = arith.constant 0 : i32
      %dma_start3A_41 = tpu.memref_slice %arg6[%run_scoped3A_18, %dma_start3A, %dma_start3A_40] : memref<2x128x128xf32, #tpu.memory_space<vmem>> -> memref<1x128x128xf32, #tpu.memory_space<vmem>>
      %dma_start3A_42 = tpu.memref_squeeze %dma_start3A_41 : memref<1x128x128xf32, #tpu.memory_space<vmem>> -> memref<128x128xf32, #tpu.memory_space<vmem>>
      %dma_start3A_43 = arith.constant 0 : i32
      %dma_start3A_44 = tpu.memref_slice %arg7[%add3A_17, %dma_start3A_43] : memref<10240x128xf32, #tpu.memory_space<vmem_shared>> -> memref<128x128xf32, #tpu.memory_space<vmem_shared>>
      %dma_start3A_45 = arith.constant 0 : i32
      %dma_start3A_46 = tpu.memref_slice %arg7[%add3A_17, %dma_start3A_45] : memref<10240x128xf32, #tpu.memory_space<vmem_shared>> -> memref<128x128xf32, #tpu.memory_space<vmem_shared>>
      %dma_start3A_47 = arith.constant 0 : i32
      %dma_start3A_48 = arith.constant 0 : i32
      %dma_start3A_49 = tpu.memref_slice %arg6[%run_scoped3A_18, %dma_start3A_47, %dma_start3A_48] : memref<2x128x128xf32, #tpu.memory_space<vmem>> -> memref<1x128x128xf32, #tpu.memory_space<vmem>>
      %dma_start3A_50 = tpu.memref_squeeze %dma_start3A_49 : memref<1x128x128xf32, #tpu.memory_space<vmem>> -> memref<128x128xf32, #tpu.memory_space<vmem>>
      tpu.enqueue_dma source(%dma_start3A_50 : memref<128x128xf32, #tpu.memory_space<vmem>>) target(%dma_start3A_46 : memref<128x128xf32, #tpu.memory_space<vmem_shared>>) target_semaphore(%run_scoped3A_39 : memref<!tpu.dma_semaphore, #tpu.memory_space<semaphore_mem>>)
      %dma_wait3A = arith.constant 0 : i32
      %dma_wait3A_51 = arith.constant 0 : i32
      %dma_wait3A_52 = tpu.memref_slice %arg6[%run_scoped3A_18, %dma_wait3A, %dma_wait3A_51] : memref<2x128x128xf32, #tpu.memory_space<vmem>> -> memref<1x128x128xf32, #tpu.memory_space<vmem>>
      %dma_wait3A_53 = tpu.memref_squeeze %dma_wait3A_52 : memref<1x128x128xf32, #tpu.memory_space<vmem>> -> memref<128x128xf32, #tpu.memory_space<vmem>>
      %dma_wait3A_54 = arith.constant 0 : i32
      %dma_wait3A_55 = tpu.memref_slice %arg7[%add3A_17, %dma_wait3A_54] : memref<10240x128xf32, #tpu.memory_space<vmem_shared>> -> memref<128x128xf32, #tpu.memory_space<vmem_shared>>
      %dma_wait3A_56 = arith.constant 0 : i32
      %dma_wait3A_57 = tpu.memref_slice %arg7[%add3A_17, %dma_wait3A_56] : memref<10240x128xf32, #tpu.memory_space<vmem_shared>> -> memref<128x128xf32, #tpu.memory_space<vmem_shared>>
      %dma_wait3A_58 = arith.constant 0 : i32
      %dma_wait3A_59 = arith.constant 0 : i32
      %dma_wait3A_60 = tpu.memref_slice %arg6[%run_scoped3A_18, %dma_wait3A_58, %dma_wait3A_59] : memref<2x128x128xf32, #tpu.memory_space<vmem>> -> memref<1x128x128xf32, #tpu.memory_space<vmem>>
      %dma_wait3A_61 = tpu.memref_squeeze %dma_wait3A_60 : memref<1x128x128xf32, #tpu.memory_space<vmem>> -> memref<128x128xf32, #tpu.memory_space<vmem>>
      tpu.wait_dma2 semaphore(%run_scoped3A_39 : memref<!tpu.dma_semaphore, #tpu.memory_space<semaphore_mem>>) src(%dma_wait3A_61 : memref<128x128xf32, #tpu.memory_space<vmem>>) dst(%dma_wait3A_57 : memref<128x128xf32, #tpu.memory_space<vmem_shared>>)
      tpu.yield
    }) : () -> ()
    %add3A_19 = arith.constant 512 : i32
    %add3A_20 = arith.addi %mul3A_7, %add3A_19 : i32
    %run_scoped3A_21 = arith.constant 0 : i32
    "tpu.region"() ({
      %run_scoped3A_39 = tpu.sem_alloc : memref<!tpu.dma_semaphore, #tpu.memory_space<semaphore_mem>>
      %dma_start3A = arith.constant 0 : i32
      %dma_start3A_40 = arith.constant 0 : i32
      %dma_start3A_41 = tpu.memref_slice %arg6[%run_scoped3A_21, %dma_start3A, %dma_start3A_40] : memref<2x128x128xf32, #tpu.memory_space<vmem>> -> memref<1x128x128xf32, #tpu.memory_space<vmem>>
      %dma_start3A_42 = tpu.memref_squeeze %dma_start3A_41 : memref<1x128x128xf32, #tpu.memory_space<vmem>> -> memref<128x128xf32, #tpu.memory_space<vmem>>
      %dma_start3A_43 = arith.constant 0 : i32
      %dma_start3A_44 = tpu.memref_slice %arg7[%add3A_20, %dma_start3A_43] : memref<10240x128xf32, #tpu.memory_space<vmem_shared>> -> memref<128x128xf32, #tpu.memory_space<vmem_shared>>
      %dma_start3A_45 = arith.constant 0 : i32
      %dma_start3A_46 = tpu.memref_slice %arg7[%add3A_20, %dma_start3A_45] : memref<10240x128xf32, #tpu.memory_space<vmem_shared>> -> memref<128x128xf32, #tpu.memory_space<vmem_shared>>
      %dma_start3A_47 = arith.constant 0 : i32
      %dma_start3A_48 = arith.constant 0 : i32
      %dma_start3A_49 = tpu.memref_slice %arg6[%run_scoped3A_21, %dma_start3A_47, %dma_start3A_48] : memref<2x128x128xf32, #tpu.memory_space<vmem>> -> memref<1x128x128xf32, #tpu.memory_space<vmem>>
      %dma_start3A_50 = tpu.memref_squeeze %dma_start3A_49 : memref<1x128x128xf32, #tpu.memory_space<vmem>> -> memref<128x128xf32, #tpu.memory_space<vmem>>
      tpu.enqueue_dma source(%dma_start3A_50 : memref<128x128xf32, #tpu.memory_space<vmem>>) target(%dma_start3A_46 : memref<128x128xf32, #tpu.memory_space<vmem_shared>>) target_semaphore(%run_scoped3A_39 : memref<!tpu.dma_semaphore, #tpu.memory_space<semaphore_mem>>)
      %dma_wait3A = arith.constant 0 : i32
      %dma_wait3A_51 = arith.constant 0 : i32
      %dma_wait3A_52 = tpu.memref_slice %arg6[%run_scoped3A_21, %dma_wait3A, %dma_wait3A_51] : memref<2x128x128xf32, #tpu.memory_space<vmem>> -> memref<1x128x128xf32, #tpu.memory_space<vmem>>
      %dma_wait3A_53 = tpu.memref_squeeze %dma_wait3A_52 : memref<1x128x128xf32, #tpu.memory_space<vmem>> -> memref<128x128xf32, #tpu.memory_space<vmem>>
      %dma_wait3A_54 = arith.constant 0 : i32
      %dma_wait3A_55 = tpu.memref_slice %arg7[%add3A_20, %dma_wait3A_54] : memref<10240x128xf32, #tpu.memory_space<vmem_shared>> -> memref<128x128xf32, #tpu.memory_space<vmem_shared>>
      %dma_wait3A_56 = arith.constant 0 : i32
      %dma_wait3A_57 = tpu.memref_slice %arg7[%add3A_20, %dma_wait3A_56] : memref<10240x128xf32, #tpu.memory_space<vmem_shared>> -> memref<128x128xf32, #tpu.memory_space<vmem_shared>>
      %dma_wait3A_58 = arith.constant 0 : i32
      %dma_wait3A_59 = arith.constant 0 : i32
      %dma_wait3A_60 = tpu.memref_slice %arg6[%run_scoped3A_21, %dma_wait3A_58, %dma_wait3A_59] : memref<2x128x128xf32, #tpu.memory_space<vmem>> -> memref<1x128x128xf32, #tpu.memory_space<vmem>>
      %dma_wait3A_61 = tpu.memref_squeeze %dma_wait3A_60 : memref<1x128x128xf32, #tpu.memory_space<vmem>> -> memref<128x128xf32, #tpu.memory_space<vmem>>
      tpu.wait_dma2 semaphore(%run_scoped3A_39 : memref<!tpu.dma_semaphore, #tpu.memory_space<semaphore_mem>>) src(%dma_wait3A_61 : memref<128x128xf32, #tpu.memory_space<vmem>>) dst(%dma_wait3A_57 : memref<128x128xf32, #tpu.memory_space<vmem_shared>>)
      tpu.yield
    }) : () -> ()
    %barrier3A = arith.constant 0 : index
    tpu.barrier barrier_id(%barrier3A)
    %scan3A_22 = arith.constant 0 : i32
    %scan3A_23 = arith.constant 0 : i32
    %scan3A_24 = arith.constant 10 : i32
    %scan3A_25 = arith.addi %scan3A_23, %scan3A_24 : i32
    %scan3A_26 = arith.constant 1 : i32
    scf.for %scan3A_39 = %scan3A_23 to %scan3A_25 step %scan3A_26  : i32 {
      %mul3A_40 = arith.constant 10 : i32
      %mul3A_41 = arith.muli %add3A, %mul3A_40 : i32
      %add3A_42 = arith.addi %mul3A_41, %scan3A_39 : i32
      "tpu.region"() ({
        %run_scoped3A_521 = tpu.sem_alloc : memref<!tpu.dma_semaphore, #tpu.memory_space<semaphore_mem>>
        %dma_start3A_522 = arith.constant 0 : i32
        %dma_start3A_523 = arith.constant 0 : i32
        %dma_start3A_524 = tpu.memref_slice %arg3[%add3A_42, %dma_start3A_522, %dma_start3A_523] : memref<320x16x128xi32, #tpu.memory_space<hbm>> -> memref<1x16x128xi32, #tpu.memory_space<hbm>>
        %dma_start3A_525 = tpu.memref_squeeze %dma_start3A_524 : memref<1x16x128xi32, #tpu.memory_space<hbm>> -> memref<16x128xi32, #tpu.memory_space<hbm>>
        %dma_start3A_526 = arith.constant 0 : i32
        %dma_start3A_527 = arith.constant 0 : i32
        %dma_start3A_528 = tpu.memref_slice %arg3[%add3A_42, %dma_start3A_526, %dma_start3A_527] : memref<320x16x128xi32, #tpu.memory_space<hbm>> -> memref<1x16x128xi32, #tpu.memory_space<hbm>>
        %dma_start3A_529 = tpu.memref_squeeze %dma_start3A_528 : memref<1x16x128xi32, #tpu.memory_space<hbm>> -> memref<16x128xi32, #tpu.memory_space<hbm>>
        tpu.enqueue_dma source(%dma_start3A_529 : memref<16x128xi32, #tpu.memory_space<hbm>>) target(%arg5 : memref<16x128xi32, #tpu.memory_space<vmem>>) target_semaphore(%run_scoped3A_521 : memref<!tpu.dma_semaphore, #tpu.memory_space<semaphore_mem>>)
        %dma_wait3A_530 = arith.constant 0 : i32
        %dma_wait3A_531 = arith.constant 0 : i32
        %dma_wait3A_532 = tpu.memref_slice %arg3[%add3A_42, %dma_wait3A_530, %dma_wait3A_531] : memref<320x16x128xi32, #tpu.memory_space<hbm>> -> memref<1x16x128xi32, #tpu.memory_space<hbm>>
        %dma_wait3A_533 = tpu.memref_squeeze %dma_wait3A_532 : memref<1x16x128xi32, #tpu.memory_space<hbm>> -> memref<16x128xi32, #tpu.memory_space<hbm>>
        %dma_wait3A_534 = arith.constant 0 : i32
        %dma_wait3A_535 = arith.constant 0 : i32
        %dma_wait3A_536 = tpu.memref_slice %arg3[%add3A_42, %dma_wait3A_534, %dma_wait3A_535] : memref<320x16x128xi32, #tpu.memory_space<hbm>> -> memref<1x16x128xi32, #tpu.memory_space<hbm>>
        %dma_wait3A_537 = tpu.memref_squeeze %dma_wait3A_536 : memref<1x16x128xi32, #tpu.memory_space<hbm>> -> memref<16x128xi32, #tpu.memory_space<hbm>>
        tpu.wait_dma2 semaphore(%run_scoped3A_521 : memref<!tpu.dma_semaphore, #tpu.memory_space<semaphore_mem>>) src(%dma_wait3A_537 : memref<16x128xi32, #tpu.memory_space<hbm>>) dst(%arg5 : memref<16x128xi32, #tpu.memory_space<vmem>>)
        tpu.yield
      }) : () -> ()
      %dma_start3A = arith.constant 0 : i32
      %dma_start3A_43 = arith.constant 0 : i32
      %dma_start3A_44 = arith.constant 0 : i32
      %dma_start3A_45 = arith.constant 0 : i32
      %dma_start3A_46 = arith.constant 0 : i32
      %dma_start3A_47 = tpu.memref_slice %arg6[%dma_start3A_43, %dma_start3A_45, %dma_start3A_46] : memref<2x128x128xf32, #tpu.memory_space<vmem>> -> memref<1x128x128xf32, #tpu.memory_space<vmem>>
      %dma_start3A_48 = tpu.memref_squeeze %dma_start3A_47 : memref<1x128x128xf32, #tpu.memory_space<vmem>> -> memref<128x128xf32, #tpu.memory_space<vmem>>
      %dma_start3A_49 = arith.constant 0 : i32
      %dma_start3A_50 = tpu.memref_slice %arg5[%dma_start3A, %dma_start3A_49] : memref<16x128xi32, #tpu.memory_space<vmem>> -> memref<1x128xi32, #tpu.memory_space<vmem>>
      %dma_start3A_51 = tpu.memref_squeeze %dma_start3A_50 : memref<1x128xi32, #tpu.memory_space<vmem>> -> memref<128xi32, #tpu.memory_space<vmem>>
      %dma_start3A_52 = arith.constant 0 : i32
      %dma_start3A_53 = arith.constant 0 : i32
      %dma_start3A_54 = tpu.memref_slice %arg2[%dma_start3A_52, %dma_start3A_53] : memref<10240x128xf32, #tpu.memory_space<hbm>> -> memref<10240x128xf32, #tpu.memory_space<hbm>>
      %dma_start3A_55 = tpu.memref_slice %arg8[%dma_start3A_44] : memref<2x!tpu.dma_semaphore, #tpu.memory_space<semaphore_mem>> -> memref<1x!tpu.dma_semaphore, #tpu.memory_space<semaphore_mem>>
      %dma_start3A_56 = tpu.memref_squeeze %dma_start3A_55 : memref<1x!tpu.dma_semaphore, #tpu.memory_space<semaphore_mem>> -> memref<!tpu.dma_semaphore, #tpu.memory_space<semaphore_mem>>
      tpu.enqueue_indirect_dma source(%dma_start3A_54 : memref<10240x128xf32, #tpu.memory_space<hbm>>) target(%dma_start3A_48 : memref<128x128xf32, #tpu.memory_space<vmem>>) offsets(%dma_start3A_51 : memref<128xi32, #tpu.memory_space<vmem>>) semaphore(%dma_start3A_56 : memref<!tpu.dma_semaphore, #tpu.memory_space<semaphore_mem>>)
      %dma_wait3A = arith.constant 0 : i32
      %dma_wait3A_57 = arith.constant 0 : i32
      %dma_wait3A_58 = arith.constant 0 : i32
      %dma_wait3A_59 = arith.constant 0 : i32
      %dma_wait3A_60 = arith.constant 0 : i32
      %dma_wait3A_61 = tpu.memref_slice %arg6[%dma_wait3A_57, %dma_wait3A_59, %dma_wait3A_60] : memref<2x128x128xf32, #tpu.memory_space<vmem>> -> memref<1x128x128xf32, #tpu.memory_space<vmem>>
      %dma_wait3A_62 = tpu.memref_squeeze %dma_wait3A_61 : memref<1x128x128xf32, #tpu.memory_space<vmem>> -> memref<128x128xf32, #tpu.memory_space<vmem>>
      %dma_wait3A_63 = arith.constant 0 : i32
      %dma_wait3A_64 = tpu.memref_slice %arg5[%dma_wait3A, %dma_wait3A_63] : memref<16x128xi32, #tpu.memory_space<vmem>> -> memref<1x128xi32, #tpu.memory_space<vmem>>
      %dma_wait3A_65 = tpu.memref_squeeze %dma_wait3A_64 : memref<1x128xi32, #tpu.memory_space<vmem>> -> memref<128xi32, #tpu.memory_space<vmem>>
      %dma_wait3A_66 = arith.constant 0 : i32
      %dma_wait3A_67 = arith.constant 0 : i32
      %dma_wait3A_68 = tpu.memref_slice %arg2[%dma_wait3A_66, %dma_wait3A_67] : memref<10240x128xf32, #tpu.memory_space<hbm>> -> memref<10240x128xf32, #tpu.memory_space<hbm>>
      %dma_wait3A_69 = tpu.memref_slice %arg8[%dma_wait3A_58] : memref<2x!tpu.dma_semaphore, #tpu.memory_space<semaphore_mem>> -> memref<1x!tpu.dma_semaphore, #tpu.memory_space<semaphore_mem>>
      %dma_wait3A_70 = tpu.memref_squeeze %dma_wait3A_69 : memref<1x!tpu.dma_semaphore, #tpu.memory_space<semaphore_mem>> -> memref<!tpu.dma_semaphore, #tpu.memory_space<semaphore_mem>>
      tpu.wait_indirect_dma semaphore(%dma_wait3A_70 : memref<!tpu.dma_semaphore, #tpu.memory_space<semaphore_mem>>) src(%dma_wait3A_68 : memref<10240x128xf32, #tpu.memory_space<hbm>>) dst(%dma_wait3A_62 : memref<128x128xf32, #tpu.memory_space<vmem>>)
      %dma_start3A_71 = arith.constant 0 : i32
      %dma_start3A_72 = arith.constant 8 : i32
      %dma_start3A_73 = arith.constant 0 : i32
      %dma_start3A_74 = arith.constant 0 : i32
      %dma_start3A_75 = arith.constant 0 : i32
      %dma_start3A_76 = tpu.memref_slice %arg6[%dma_start3A_71, %dma_start3A_74, %dma_start3A_75] : memref<2x128x128xf32, #tpu.memory_space<vmem>> -> memref<1x128x128xf32, #tpu.memory_space<vmem>>
      %dma_start3A_77 = tpu.memref_squeeze %dma_start3A_76 : memref<1x128x128xf32, #tpu.memory_space<vmem>> -> memref<128x128xf32, #tpu.memory_space<vmem>>
      %dma_start3A_78 = arith.constant 0 : i32
      %dma_start3A_79 = tpu.memref_slice %arg5[%dma_start3A_72, %dma_start3A_78] : memref<16x128xi32, #tpu.memory_space<vmem>> -> memref<1x128xi32, #tpu.memory_space<vmem>>
      %dma_start3A_80 = tpu.memref_squeeze %dma_start3A_79 : memref<1x128xi32, #tpu.memory_space<vmem>> -> memref<128xi32, #tpu.memory_space<vmem>>
      %dma_start3A_81 = arith.constant 0 : i32
      %dma_start3A_82 = arith.constant 0 : i32
      %dma_start3A_83 = tpu.memref_slice %arg7[%dma_start3A_81, %dma_start3A_82] : memref<10240x128xf32, #tpu.memory_space<vmem_shared>> -> memref<10240x128xf32, #tpu.memory_space<vmem_shared>>
      %dma_start3A_84 = tpu.memref_slice %arg9[%dma_start3A_73] : memref<2x!tpu.dma_semaphore, #tpu.memory_space<semaphore_mem>> -> memref<1x!tpu.dma_semaphore, #tpu.memory_space<semaphore_mem>>
      %dma_start3A_85 = tpu.memref_squeeze %dma_start3A_84 : memref<1x!tpu.dma_semaphore, #tpu.memory_space<semaphore_mem>> -> memref<!tpu.dma_semaphore, #tpu.memory_space<semaphore_mem>>
      tpu.enqueue_indirect_dma source(%dma_start3A_77 : memref<128x128xf32, #tpu.memory_space<vmem>>) target(%dma_start3A_83 : memref<10240x128xf32, #tpu.memory_space<vmem_shared>>) offsets(%dma_start3A_80 : memref<128xi32, #tpu.memory_space<vmem>>) semaphore(%dma_start3A_85 : memref<!tpu.dma_semaphore, #tpu.memory_space<semaphore_mem>>) {add = true}
      %dma_start3A_86 = arith.constant 1 : i32
      %dma_start3A_87 = arith.constant 1 : i32
      %dma_start3A_88 = arith.constant 1 : i32
      %dma_start3A_89 = arith.constant 0 : i32
      %dma_start3A_90 = arith.constant 0 : i32
      %dma_start3A_91 = tpu.memref_slice %arg6[%dma_start3A_87, %dma_start3A_89, %dma_start3A_90] : memref<2x128x128xf32, #tpu.memory_space<vmem>> -> memref<1x128x128xf32, #tpu.memory_space<vmem>>
      %dma_start3A_92 = tpu.memref_squeeze %dma_start3A_91 : memref<1x128x128xf32, #tpu.memory_space<vmem>> -> memref<128x128xf32, #tpu.memory_space<vmem>>
      %dma_start3A_93 = arith.constant 0 : i32
      %dma_start3A_94 = tpu.memref_slice %arg5[%dma_start3A_86, %dma_start3A_93] : memref<16x128xi32, #tpu.memory_space<vmem>> -> memref<1x128xi32, #tpu.memory_space<vmem>>
      %dma_start3A_95 = tpu.memref_squeeze %dma_start3A_94 : memref<1x128xi32, #tpu.memory_space<vmem>> -> memref<128xi32, #tpu.memory_space<vmem>>
      %dma_start3A_96 = arith.constant 0 : i32
      %dma_start3A_97 = arith.constant 0 : i32
      %dma_start3A_98 = tpu.memref_slice %arg2[%dma_start3A_96, %dma_start3A_97] : memref<10240x128xf32, #tpu.memory_space<hbm>> -> memref<10240x128xf32, #tpu.memory_space<hbm>>
      %dma_start3A_99 = tpu.memref_slice %arg8[%dma_start3A_88] : memref<2x!tpu.dma_semaphore, #tpu.memory_space<semaphore_mem>> -> memref<1x!tpu.dma_semaphore, #tpu.memory_space<semaphore_mem>>
      %dma_start3A_100 = tpu.memref_squeeze %dma_start3A_99 : memref<1x!tpu.dma_semaphore, #tpu.memory_space<semaphore_mem>> -> memref<!tpu.dma_semaphore, #tpu.memory_space<semaphore_mem>>
      tpu.enqueue_indirect_dma source(%dma_start3A_98 : memref<10240x128xf32, #tpu.memory_space<hbm>>) target(%dma_start3A_92 : memref<128x128xf32, #tpu.memory_space<vmem>>) offsets(%dma_start3A_95 : memref<128xi32, #tpu.memory_space<vmem>>) semaphore(%dma_start3A_100 : memref<!tpu.dma_semaphore, #tpu.memory_space<semaphore_mem>>)
      %dma_wait3A_101 = arith.constant 1 : i32
      %dma_wait3A_102 = arith.constant 1 : i32
      %dma_wait3A_103 = arith.constant 1 : i32
      %dma_wait3A_104 = arith.constant 0 : i32
      %dma_wait3A_105 = arith.constant 0 : i32
      %dma_wait3A_106 = tpu.memref_slice %arg6[%dma_wait3A_102, %dma_wait3A_104, %dma_wait3A_105] : memref<2x128x128xf32, #tpu.memory_space<vmem>> -> memref<1x128x128xf32, #tpu.memory_space<vmem>>
      %dma_wait3A_107 = tpu.memref_squeeze %dma_wait3A_106 : memref<1x128x128xf32, #tpu.memory_space<vmem>> -> memref<128x128xf32, #tpu.memory_space<vmem>>
      %dma_wait3A_108 = arith.constant 0 : i32
      %dma_wait3A_109 = tpu.memref_slice %arg5[%dma_wait3A_101, %dma_wait3A_108] : memref<16x128xi32, #tpu.memory_space<vmem>> -> memref<1x128xi32, #tpu.memory_space<vmem>>
      %dma_wait3A_110 = tpu.memref_squeeze %dma_wait3A_109 : memref<1x128xi32, #tpu.memory_space<vmem>> -> memref<128xi32, #tpu.memory_space<vmem>>
      %dma_wait3A_111 = arith.constant 0 : i32
      %dma_wait3A_112 = arith.constant 0 : i32
      %dma_wait3A_113 = tpu.memref_slice %arg2[%dma_wait3A_111, %dma_wait3A_112] : memref<10240x128xf32, #tpu.memory_space<hbm>> -> memref<10240x128xf32, #tpu.memory_space<hbm>>
      %dma_wait3A_114 = tpu.memref_slice %arg8[%dma_wait3A_103] : memref<2x!tpu.dma_semaphore, #tpu.memory_space<semaphore_mem>> -> memref<1x!tpu.dma_semaphore, #tpu.memory_space<semaphore_mem>>
      %dma_wait3A_115 = tpu.memref_squeeze %dma_wait3A_114 : memref<1x!tpu.dma_semaphore, #tpu.memory_space<semaphore_mem>> -> memref<!tpu.dma_semaphore, #tpu.memory_space<semaphore_mem>>
      tpu.wait_indirect_dma semaphore(%dma_wait3A_115 : memref<!tpu.dma_semaphore, #tpu.memory_space<semaphore_mem>>) src(%dma_wait3A_113 : memref<10240x128xf32, #tpu.memory_space<hbm>>) dst(%dma_wait3A_107 : memref<128x128xf32, #tpu.memory_space<vmem>>)
      %dma_start3A_116 = arith.constant 1 : i32
      %dma_start3A_117 = arith.constant 9 : i32
      %dma_start3A_118 = arith.constant 1 : i32
      %dma_start3A_119 = arith.constant 0 : i32
      %dma_start3A_120 = arith.constant 0 : i32
      %dma_start3A_121 = tpu.memref_slice %arg6[%dma_start3A_116, %dma_start3A_119, %dma_start3A_120] : memref<2x128x128xf32, #tpu.memory_space<vmem>> -> memref<1x128x128xf32, #tpu.memory_space<vmem>>
      %dma_start3A_122 = tpu.memref_squeeze %dma_start3A_121 : memref<1x128x128xf32, #tpu.memory_space<vmem>> -> memref<128x128xf32, #tpu.memory_space<vmem>>
      %dma_start3A_123 = arith.constant 0 : i32
      %dma_start3A_124 = tpu.memref_slice %arg5[%dma_start3A_117, %dma_start3A_123] : memref<16x128xi32, #tpu.memory_space<vmem>> -> memref<1x128xi32, #tpu.memory_space<vmem>>
      %dma_start3A_125 = tpu.memref_squeeze %dma_start3A_124 : memref<1x128xi32, #tpu.memory_space<vmem>> -> memref<128xi32, #tpu.memory_space<vmem>>
      %dma_start3A_126 = arith.constant 0 : i32
      %dma_start3A_127 = arith.constant 0 : i32
      %dma_start3A_128 = tpu.memref_slice %arg7[%dma_start3A_126, %dma_start3A_127] : memref<10240x128xf32, #tpu.memory_space<vmem_shared>> -> memref<10240x128xf32, #tpu.memory_space<vmem_shared>>
      %dma_start3A_129 = tpu.memref_slice %arg9[%dma_start3A_118] : memref<2x!tpu.dma_semaphore, #tpu.memory_space<semaphore_mem>> -> memref<1x!tpu.dma_semaphore, #tpu.memory_space<semaphore_mem>>
      %dma_start3A_130 = tpu.memref_squeeze %dma_start3A_129 : memref<1x!tpu.dma_semaphore, #tpu.memory_space<semaphore_mem>> -> memref<!tpu.dma_semaphore, #tpu.memory_space<semaphore_mem>>
      tpu.enqueue_indirect_dma source(%dma_start3A_122 : memref<128x128xf32, #tpu.memory_space<vmem>>) target(%dma_start3A_128 : memref<10240x128xf32, #tpu.memory_space<vmem_shared>>) offsets(%dma_start3A_125 : memref<128xi32, #tpu.memory_space<vmem>>) semaphore(%dma_start3A_130 : memref<!tpu.dma_semaphore, #tpu.memory_space<semaphore_mem>>) {add = true}
      %dma_wait3A_131 = arith.constant 0 : i32
      %dma_wait3A_132 = arith.constant 8 : i32
      %dma_wait3A_133 = arith.constant 0 : i32
      %dma_wait3A_134 = arith.constant 0 : i32
      %dma_wait3A_135 = arith.constant 0 : i32
      %dma_wait3A_136 = tpu.memref_slice %arg6[%dma_wait3A_131, %dma_wait3A_134, %dma_wait3A_135] : memref<2x128x128xf32, #tpu.memory_space<vmem>> -> memref<1x128x128xf32, #tpu.memory_space<vmem>>
      %dma_wait3A_137 = tpu.memref_squeeze %dma_wait3A_136 : memref<1x128x128xf32, #tpu.memory_space<vmem>> -> memref<128x128xf32, #tpu.memory_space<vmem>>
      %dma_wait3A_138 = arith.constant 0 : i32
      %dma_wait3A_139 = tpu.memref_slice %arg5[%dma_wait3A_132, %dma_wait3A_138] : memref<16x128xi32, #tpu.memory_space<vmem>> -> memref<1x128xi32, #tpu.memory_space<vmem>>
      %dma_wait3A_140 = tpu.memref_squeeze %dma_wait3A_139 : memref<1x128xi32, #tpu.memory_space<vmem>> -> memref<128xi32, #tpu.memory_space<vmem>>
      %dma_wait3A_141 = arith.constant 0 : i32
      %dma_wait3A_142 = arith.constant 0 : i32
      %dma_wait3A_143 = tpu.memref_slice %arg7[%dma_wait3A_141, %dma_wait3A_142] : memref<10240x128xf32, #tpu.memory_space<vmem_shared>> -> memref<10240x128xf32, #tpu.memory_space<vmem_shared>>
      %dma_wait3A_144 = tpu.memref_slice %arg9[%dma_wait3A_133] : memref<2x!tpu.dma_semaphore, #tpu.memory_space<semaphore_mem>> -> memref<1x!tpu.dma_semaphore, #tpu.memory_space<semaphore_mem>>
      %dma_wait3A_145 = tpu.memref_squeeze %dma_wait3A_144 : memref<1x!tpu.dma_semaphore, #tpu.memory_space<semaphore_mem>> -> memref<!tpu.dma_semaphore, #tpu.memory_space<semaphore_mem>>
      tpu.wait_indirect_dma semaphore(%dma_wait3A_145 : memref<!tpu.dma_semaphore, #tpu.memory_space<semaphore_mem>>) src(%dma_wait3A_137 : memref<128x128xf32, #tpu.memory_space<vmem>>) dst(%dma_wait3A_143 : memref<10240x128xf32, #tpu.memory_space<vmem_shared>>)
      %dma_start3A_146 = arith.constant 2 : i32
      %dma_start3A_147 = arith.constant 0 : i32
      %dma_start3A_148 = arith.constant 0 : i32
      %dma_start3A_149 = arith.constant 0 : i32
      %dma_start3A_150 = arith.constant 0 : i32
      %dma_start3A_151 = tpu.memref_slice %arg6[%dma_start3A_147, %dma_start3A_149, %dma_start3A_150] : memref<2x128x128xf32, #tpu.memory_space<vmem>> -> memref<1x128x128xf32, #tpu.memory_space<vmem>>
      %dma_start3A_152 = tpu.memref_squeeze %dma_start3A_151 : memref<1x128x128xf32, #tpu.memory_space<vmem>> -> memref<128x128xf32, #tpu.memory_space<vmem>>
      %dma_start3A_153 = arith.constant 0 : i32
      %dma_start3A_154 = tpu.memref_slice %arg5[%dma_start3A_146, %dma_start3A_153] : memref<16x128xi32, #tpu.memory_space<vmem>> -> memref<1x128xi32, #tpu.memory_space<vmem>>
      %dma_start3A_155 = tpu.memref_squeeze %dma_start3A_154 : memref<1x128xi32, #tpu.memory_space<vmem>> -> memref<128xi32, #tpu.memory_space<vmem>>
      %dma_start3A_156 = arith.constant 0 : i32
      %dma_start3A_157 = arith.constant 0 : i32
      %dma_start3A_158 = tpu.memref_slice %arg2[%dma_start3A_156, %dma_start3A_157] : memref<10240x128xf32, #tpu.memory_space<hbm>> -> memref<10240x128xf32, #tpu.memory_space<hbm>>
      %dma_start3A_159 = tpu.memref_slice %arg8[%dma_start3A_148] : memref<2x!tpu.dma_semaphore, #tpu.memory_space<semaphore_mem>> -> memref<1x!tpu.dma_semaphore, #tpu.memory_space<semaphore_mem>>
      %dma_start3A_160 = tpu.memref_squeeze %dma_start3A_159 : memref<1x!tpu.dma_semaphore, #tpu.memory_space<semaphore_mem>> -> memref<!tpu.dma_semaphore, #tpu.memory_space<semaphore_mem>>
      tpu.enqueue_indirect_dma source(%dma_start3A_158 : memref<10240x128xf32, #tpu.memory_space<hbm>>) target(%dma_start3A_152 : memref<128x128xf32, #tpu.memory_space<vmem>>) offsets(%dma_start3A_155 : memref<128xi32, #tpu.memory_space<vmem>>) semaphore(%dma_start3A_160 : memref<!tpu.dma_semaphore, #tpu.memory_space<semaphore_mem>>)
      %dma_wait3A_161 = arith.constant 2 : i32
      %dma_wait3A_162 = arith.constant 0 : i32
      %dma_wait3A_163 = arith.constant 0 : i32
      %dma_wait3A_164 = arith.constant 0 : i32
      %dma_wait3A_165 = arith.constant 0 : i32
      %dma_wait3A_166 = tpu.memref_slice %arg6[%dma_wait3A_162, %dma_wait3A_164, %dma_wait3A_165] : memref<2x128x128xf32, #tpu.memory_space<vmem>> -> memref<1x128x128xf32, #tpu.memory_space<vmem>>
      %dma_wait3A_167 = tpu.memref_squeeze %dma_wait3A_166 : memref<1x128x128xf32, #tpu.memory_space<vmem>> -> memref<128x128xf32, #tpu.memory_space<vmem>>
      %dma_wait3A_168 = arith.constant 0 : i32
      %dma_wait3A_169 = tpu.memref_slice %arg5[%dma_wait3A_161, %dma_wait3A_168] : memref<16x128xi32, #tpu.memory_space<vmem>> -> memref<1x128xi32, #tpu.memory_space<vmem>>
      %dma_wait3A_170 = tpu.memref_squeeze %dma_wait3A_169 : memref<1x128xi32, #tpu.memory_space<vmem>> -> memref<128xi32, #tpu.memory_space<vmem>>
      %dma_wait3A_171 = arith.constant 0 : i32
      %dma_wait3A_172 = arith.constant 0 : i32
      %dma_wait3A_173 = tpu.memref_slice %arg2[%dma_wait3A_171, %dma_wait3A_172] : memref<10240x128xf32, #tpu.memory_space<hbm>> -> memref<10240x128xf32, #tpu.memory_space<hbm>>
      %dma_wait3A_174 = tpu.memref_slice %arg8[%dma_wait3A_163] : memref<2x!tpu.dma_semaphore, #tpu.memory_space<semaphore_mem>> -> memref<1x!tpu.dma_semaphore, #tpu.memory_space<semaphore_mem>>
      %dma_wait3A_175 = tpu.memref_squeeze %dma_wait3A_174 : memref<1x!tpu.dma_semaphore, #tpu.memory_space<semaphore_mem>> -> memref<!tpu.dma_semaphore, #tpu.memory_space<semaphore_mem>>
      tpu.wait_indirect_dma semaphore(%dma_wait3A_175 : memref<!tpu.dma_semaphore, #tpu.memory_space<semaphore_mem>>) src(%dma_wait3A_173 : memref<10240x128xf32, #tpu.memory_space<hbm>>) dst(%dma_wait3A_167 : memref<128x128xf32, #tpu.memory_space<vmem>>)
      %dma_start3A_176 = arith.constant 0 : i32
      %dma_start3A_177 = arith.constant 10 : i32
      %dma_start3A_178 = arith.constant 0 : i32
      %dma_start3A_179 = arith.constant 0 : i32
      %dma_start3A_180 = arith.constant 0 : i32
      %dma_start3A_181 = tpu.memref_slice %arg6[%dma_start3A_176, %dma_start3A_179, %dma_start3A_180] : memref<2x128x128xf32, #tpu.memory_space<vmem>> -> memref<1x128x128xf32, #tpu.memory_space<vmem>>
      %dma_start3A_182 = tpu.memref_squeeze %dma_start3A_181 : memref<1x128x128xf32, #tpu.memory_space<vmem>> -> memref<128x128xf32, #tpu.memory_space<vmem>>
      %dma_start3A_183 = arith.constant 0 : i32
      %dma_start3A_184 = tpu.memref_slice %arg5[%dma_start3A_177, %dma_start3A_183] : memref<16x128xi32, #tpu.memory_space<vmem>> -> memref<1x128xi32, #tpu.memory_space<vmem>>
      %dma_start3A_185 = tpu.memref_squeeze %dma_start3A_184 : memref<1x128xi32, #tpu.memory_space<vmem>> -> memref<128xi32, #tpu.memory_space<vmem>>
      %dma_start3A_186 = arith.constant 0 : i32
      %dma_start3A_187 = arith.constant 0 : i32
      %dma_start3A_188 = tpu.memref_slice %arg7[%dma_start3A_186, %dma_start3A_187] : memref<10240x128xf32, #tpu.memory_space<vmem_shared>> -> memref<10240x128xf32, #tpu.memory_space<vmem_shared>>
      %dma_start3A_189 = tpu.memref_slice %arg9[%dma_start3A_178] : memref<2x!tpu.dma_semaphore, #tpu.memory_space<semaphore_mem>> -> memref<1x!tpu.dma_semaphore, #tpu.memory_space<semaphore_mem>>
      %dma_start3A_190 = tpu.memref_squeeze %dma_start3A_189 : memref<1x!tpu.dma_semaphore, #tpu.memory_space<semaphore_mem>> -> memref<!tpu.dma_semaphore, #tpu.memory_space<semaphore_mem>>
      tpu.enqueue_indirect_dma source(%dma_start3A_182 : memref<128x128xf32, #tpu.memory_space<vmem>>) target(%dma_start3A_188 : memref<10240x128xf32, #tpu.memory_space<vmem_shared>>) offsets(%dma_start3A_185 : memref<128xi32, #tpu.memory_space<vmem>>) semaphore(%dma_start3A_190 : memref<!tpu.dma_semaphore, #tpu.memory_space<semaphore_mem>>) {add = true}
      %dma_wait3A_191 = arith.constant 1 : i32
      %dma_wait3A_192 = arith.constant 9 : i32
      %dma_wait3A_193 = arith.constant 1 : i32
      %dma_wait3A_194 = arith.constant 0 : i32
      %dma_wait3A_195 = arith.constant 0 : i32
      %dma_wait3A_196 = tpu.memref_slice %arg6[%dma_wait3A_191, %dma_wait3A_194, %dma_wait3A_195] : memref<2x128x128xf32, #tpu.memory_space<vmem>> -> memref<1x128x128xf32, #tpu.memory_space<vmem>>
      %dma_wait3A_197 = tpu.memref_squeeze %dma_wait3A_196 : memref<1x128x128xf32, #tpu.memory_space<vmem>> -> memref<128x128xf32, #tpu.memory_space<vmem>>
      %dma_wait3A_198 = arith.constant 0 : i32
      %dma_wait3A_199 = tpu.memref_slice %arg5[%dma_wait3A_192, %dma_wait3A_198] : memref<16x128xi32, #tpu.memory_space<vmem>> -> memref<1x128xi32, #tpu.memory_space<vmem>>
      %dma_wait3A_200 = tpu.memref_squeeze %dma_wait3A_199 : memref<1x128xi32, #tpu.memory_space<vmem>> -> memref<128xi32, #tpu.memory_space<vmem>>
      %dma_wait3A_201 = arith.constant 0 : i32
      %dma_wait3A_202 = arith.constant 0 : i32
      %dma_wait3A_203 = tpu.memref_slice %arg7[%dma_wait3A_201, %dma_wait3A_202] : memref<10240x128xf32, #tpu.memory_space<vmem_shared>> -> memref<10240x128xf32, #tpu.memory_space<vmem_shared>>
      %dma_wait3A_204 = tpu.memref_slice %arg9[%dma_wait3A_193] : memref<2x!tpu.dma_semaphore, #tpu.memory_space<semaphore_mem>> -> memref<1x!tpu.dma_semaphore, #tpu.memory_space<semaphore_mem>>
      %dma_wait3A_205 = tpu.memref_squeeze %dma_wait3A_204 : memref<1x!tpu.dma_semaphore, #tpu.memory_space<semaphore_mem>> -> memref<!tpu.dma_semaphore, #tpu.memory_space<semaphore_mem>>
      tpu.wait_indirect_dma semaphore(%dma_wait3A_205 : memref<!tpu.dma_semaphore, #tpu.memory_space<semaphore_mem>>) src(%dma_wait3A_197 : memref<128x128xf32, #tpu.memory_space<vmem>>) dst(%dma_wait3A_203 : memref<10240x128xf32, #tpu.memory_space<vmem_shared>>)
      %dma_start3A_206 = arith.constant 3 : i32
      %dma_start3A_207 = arith.constant 1 : i32
      %dma_start3A_208 = arith.constant 1 : i32
      %dma_start3A_209 = arith.constant 0 : i32
      %dma_start3A_210 = arith.constant 0 : i32
      %dma_start3A_211 = tpu.memref_slice %arg6[%dma_start3A_207, %dma_start3A_209, %dma_start3A_210] : memref<2x128x128xf32, #tpu.memory_space<vmem>> -> memref<1x128x128xf32, #tpu.memory_space<vmem>>
      %dma_start3A_212 = tpu.memref_squeeze %dma_start3A_211 : memref<1x128x128xf32, #tpu.memory_space<vmem>> -> memref<128x128xf32, #tpu.memory_space<vmem>>
      %dma_start3A_213 = arith.constant 0 : i32
      %dma_start3A_214 = tpu.memref_slice %arg5[%dma_start3A_206, %dma_start3A_213] : memref<16x128xi32, #tpu.memory_space<vmem>> -> memref<1x128xi32, #tpu.memory_space<vmem>>
      %dma_start3A_215 = tpu.memref_squeeze %dma_start3A_214 : memref<1x128xi32, #tpu.memory_space<vmem>> -> memref<128xi32, #tpu.memory_space<vmem>>
      %dma_start3A_216 = arith.constant 0 : i32
      %dma_start3A_217 = arith.constant 0 : i32
      %dma_start3A_218 = tpu.memref_slice %arg2[%dma_start3A_216, %dma_start3A_217] : memref<10240x128xf32, #tpu.memory_space<hbm>> -> memref<10240x128xf32, #tpu.memory_space<hbm>>
      %dma_start3A_219 = tpu.memref_slice %arg8[%dma_start3A_208] : memref<2x!tpu.dma_semaphore, #tpu.memory_space<semaphore_mem>> -> memref<1x!tpu.dma_semaphore, #tpu.memory_space<semaphore_mem>>
      %dma_start3A_220 = tpu.memref_squeeze %dma_start3A_219 : memref<1x!tpu.dma_semaphore, #tpu.memory_space<semaphore_mem>> -> memref<!tpu.dma_semaphore, #tpu.memory_space<semaphore_mem>>
      tpu.enqueue_indirect_dma source(%dma_start3A_218 : memref<10240x128xf32, #tpu.memory_space<hbm>>) target(%dma_start3A_212 : memref<128x128xf32, #tpu.memory_space<vmem>>) offsets(%dma_start3A_215 : memref<128xi32, #tpu.memory_space<vmem>>) semaphore(%dma_start3A_220 : memref<!tpu.dma_semaphore, #tpu.memory_space<semaphore_mem>>)
      %dma_wait3A_221 = arith.constant 3 : i32
      %dma_wait3A_222 = arith.constant 1 : i32
      %dma_wait3A_223 = arith.constant 1 : i32
      %dma_wait3A_224 = arith.constant 0 : i32
      %dma_wait3A_225 = arith.constant 0 : i32
      %dma_wait3A_226 = tpu.memref_slice %arg6[%dma_wait3A_222, %dma_wait3A_224, %dma_wait3A_225] : memref<2x128x128xf32, #tpu.memory_space<vmem>> -> memref<1x128x128xf32, #tpu.memory_space<vmem>>
      %dma_wait3A_227 = tpu.memref_squeeze %dma_wait3A_226 : memref<1x128x128xf32, #tpu.memory_space<vmem>> -> memref<128x128xf32, #tpu.memory_space<vmem>>
      %dma_wait3A_228 = arith.constant 0 : i32
      %dma_wait3A_229 = tpu.memref_slice %arg5[%dma_wait3A_221, %dma_wait3A_228] : memref<16x128xi32, #tpu.memory_space<vmem>> -> memref<1x128xi32, #tpu.memory_space<vmem>>
      %dma_wait3A_230 = tpu.memref_squeeze %dma_wait3A_229 : memref<1x128xi32, #tpu.memory_space<vmem>> -> memref<128xi32, #tpu.memory_space<vmem>>
      %dma_wait3A_231 = arith.constant 0 : i32
      %dma_wait3A_232 = arith.constant 0 : i32
      %dma_wait3A_233 = tpu.memref_slice %arg2[%dma_wait3A_231, %dma_wait3A_232] : memref<10240x128xf32, #tpu.memory_space<hbm>> -> memref<10240x128xf32, #tpu.memory_space<hbm>>
      %dma_wait3A_234 = tpu.memref_slice %arg8[%dma_wait3A_223] : memref<2x!tpu.dma_semaphore, #tpu.memory_space<semaphore_mem>> -> memref<1x!tpu.dma_semaphore, #tpu.memory_space<semaphore_mem>>
      %dma_wait3A_235 = tpu.memref_squeeze %dma_wait3A_234 : memref<1x!tpu.dma_semaphore, #tpu.memory_space<semaphore_mem>> -> memref<!tpu.dma_semaphore, #tpu.memory_space<semaphore_mem>>
      tpu.wait_indirect_dma semaphore(%dma_wait3A_235 : memref<!tpu.dma_semaphore, #tpu.memory_space<semaphore_mem>>) src(%dma_wait3A_233 : memref<10240x128xf32, #tpu.memory_space<hbm>>) dst(%dma_wait3A_227 : memref<128x128xf32, #tpu.memory_space<vmem>>)
      %dma_start3A_236 = arith.constant 1 : i32
      %dma_start3A_237 = arith.constant 11 : i32
      %dma_start3A_238 = arith.constant 1 : i32
      %dma_start3A_239 = arith.constant 0 : i32
      %dma_start3A_240 = arith.constant 0 : i32
      %dma_start3A_241 = tpu.memref_slice %arg6[%dma_start3A_236, %dma_start3A_239, %dma_start3A_240] : memref<2x128x128xf32, #tpu.memory_space<vmem>> -> memref<1x128x128xf32, #tpu.memory_space<vmem>>
      %dma_start3A_242 = tpu.memref_squeeze %dma_start3A_241 : memref<1x128x128xf32, #tpu.memory_space<vmem>> -> memref<128x128xf32, #tpu.memory_space<vmem>>
      %dma_start3A_243 = arith.constant 0 : i32
      %dma_start3A_244 = tpu.memref_slice %arg5[%dma_start3A_237, %dma_start3A_243] : memref<16x128xi32, #tpu.memory_space<vmem>> -> memref<1x128xi32, #tpu.memory_space<vmem>>
      %dma_start3A_245 = tpu.memref_squeeze %dma_start3A_244 : memref<1x128xi32, #tpu.memory_space<vmem>> -> memref<128xi32, #tpu.memory_space<vmem>>
      %dma_start3A_246 = arith.constant 0 : i32
      %dma_start3A_247 = arith.constant 0 : i32
      %dma_start3A_248 = tpu.memref_slice %arg7[%dma_start3A_246, %dma_start3A_247] : memref<10240x128xf32, #tpu.memory_space<vmem_shared>> -> memref<10240x128xf32, #tpu.memory_space<vmem_shared>>
      %dma_start3A_249 = tpu.memref_slice %arg9[%dma_start3A_238] : memref<2x!tpu.dma_semaphore, #tpu.memory_space<semaphore_mem>> -> memref<1x!tpu.dma_semaphore, #tpu.memory_space<semaphore_mem>>
      %dma_start3A_250 = tpu.memref_squeeze %dma_start3A_249 : memref<1x!tpu.dma_semaphore, #tpu.memory_space<semaphore_mem>> -> memref<!tpu.dma_semaphore, #tpu.memory_space<semaphore_mem>>
      tpu.enqueue_indirect_dma source(%dma_start3A_242 : memref<128x128xf32, #tpu.memory_space<vmem>>) target(%dma_start3A_248 : memref<10240x128xf32, #tpu.memory_space<vmem_shared>>) offsets(%dma_start3A_245 : memref<128xi32, #tpu.memory_space<vmem>>) semaphore(%dma_start3A_250 : memref<!tpu.dma_semaphore, #tpu.memory_space<semaphore_mem>>) {add = true}
      %dma_wait3A_251 = arith.constant 0 : i32
      %dma_wait3A_252 = arith.constant 10 : i32
      %dma_wait3A_253 = arith.constant 0 : i32
      %dma_wait3A_254 = arith.constant 0 : i32
      %dma_wait3A_255 = arith.constant 0 : i32
      %dma_wait3A_256 = tpu.memref_slice %arg6[%dma_wait3A_251, %dma_wait3A_254, %dma_wait3A_255] : memref<2x128x128xf32, #tpu.memory_space<vmem>> -> memref<1x128x128xf32, #tpu.memory_space<vmem>>
      %dma_wait3A_257 = tpu.memref_squeeze %dma_wait3A_256 : memref<1x128x128xf32, #tpu.memory_space<vmem>> -> memref<128x128xf32, #tpu.memory_space<vmem>>
      %dma_wait3A_258 = arith.constant 0 : i32
      %dma_wait3A_259 = tpu.memref_slice %arg5[%dma_wait3A_252, %dma_wait3A_258] : memref<16x128xi32, #tpu.memory_space<vmem>> -> memref<1x128xi32, #tpu.memory_space<vmem>>
      %dma_wait3A_260 = tpu.memref_squeeze %dma_wait3A_259 : memref<1x128xi32, #tpu.memory_space<vmem>> -> memref<128xi32, #tpu.memory_space<vmem>>
      %dma_wait3A_261 = arith.constant 0 : i32
      %dma_wait3A_262 = arith.constant 0 : i32
      %dma_wait3A_263 = tpu.memref_slice %arg7[%dma_wait3A_261, %dma_wait3A_262] : memref<10240x128xf32, #tpu.memory_space<vmem_shared>> -> memref<10240x128xf32, #tpu.memory_space<vmem_shared>>
      %dma_wait3A_264 = tpu.memref_slice %arg9[%dma_wait3A_253] : memref<2x!tpu.dma_semaphore, #tpu.memory_space<semaphore_mem>> -> memref<1x!tpu.dma_semaphore, #tpu.memory_space<semaphore_mem>>
      %dma_wait3A_265 = tpu.memref_squeeze %dma_wait3A_264 : memref<1x!tpu.dma_semaphore, #tpu.memory_space<semaphore_mem>> -> memref<!tpu.dma_semaphore, #tpu.memory_space<semaphore_mem>>
      tpu.wait_indirect_dma semaphore(%dma_wait3A_265 : memref<!tpu.dma_semaphore, #tpu.memory_space<semaphore_mem>>) src(%dma_wait3A_257 : memref<128x128xf32, #tpu.memory_space<vmem>>) dst(%dma_wait3A_263 : memref<10240x128xf32, #tpu.memory_space<vmem_shared>>)
      %dma_start3A_266 = arith.constant 4 : i32
      %dma_start3A_267 = arith.constant 0 : i32
      %dma_start3A_268 = arith.constant 0 : i32
      %dma_start3A_269 = arith.constant 0 : i32
      %dma_start3A_270 = arith.constant 0 : i32
      %dma_start3A_271 = tpu.memref_slice %arg6[%dma_start3A_267, %dma_start3A_269, %dma_start3A_270] : memref<2x128x128xf32, #tpu.memory_space<vmem>> -> memref<1x128x128xf32, #tpu.memory_space<vmem>>
      %dma_start3A_272 = tpu.memref_squeeze %dma_start3A_271 : memref<1x128x128xf32, #tpu.memory_space<vmem>> -> memref<128x128xf32, #tpu.memory_space<vmem>>
      %dma_start3A_273 = arith.constant 0 : i32
      %dma_start3A_274 = tpu.memref_slice %arg5[%dma_start3A_266, %dma_start3A_273] : memref<16x128xi32, #tpu.memory_space<vmem>> -> memref<1x128xi32, #tpu.memory_space<vmem>>
      %dma_start3A_275 = tpu.memref_squeeze %dma_start3A_274 : memref<1x128xi32, #tpu.memory_space<vmem>> -> memref<128xi32, #tpu.memory_space<vmem>>
      %dma_start3A_276 = arith.constant 0 : i32
      %dma_start3A_277 = arith.constant 0 : i32
      %dma_start3A_278 = tpu.memref_slice %arg2[%dma_start3A_276, %dma_start3A_277] : memref<10240x128xf32, #tpu.memory_space<hbm>> -> memref<10240x128xf32, #tpu.memory_space<hbm>>
      %dma_start3A_279 = tpu.memref_slice %arg8[%dma_start3A_268] : memref<2x!tpu.dma_semaphore, #tpu.memory_space<semaphore_mem>> -> memref<1x!tpu.dma_semaphore, #tpu.memory_space<semaphore_mem>>
      %dma_start3A_280 = tpu.memref_squeeze %dma_start3A_279 : memref<1x!tpu.dma_semaphore, #tpu.memory_space<semaphore_mem>> -> memref<!tpu.dma_semaphore, #tpu.memory_space<semaphore_mem>>
      tpu.enqueue_indirect_dma source(%dma_start3A_278 : memref<10240x128xf32, #tpu.memory_space<hbm>>) target(%dma_start3A_272 : memref<128x128xf32, #tpu.memory_space<vmem>>) offsets(%dma_start3A_275 : memref<128xi32, #tpu.memory_space<vmem>>) semaphore(%dma_start3A_280 : memref<!tpu.dma_semaphore, #tpu.memory_space<semaphore_mem>>)
      %dma_wait3A_281 = arith.constant 4 : i32
      %dma_wait3A_282 = arith.constant 0 : i32
      %dma_wait3A_283 = arith.constant 0 : i32
      %dma_wait3A_284 = arith.constant 0 : i32
      %dma_wait3A_285 = arith.constant 0 : i32
      %dma_wait3A_286 = tpu.memref_slice %arg6[%dma_wait3A_282, %dma_wait3A_284, %dma_wait3A_285] : memref<2x128x128xf32, #tpu.memory_space<vmem>> -> memref<1x128x128xf32, #tpu.memory_space<vmem>>
      %dma_wait3A_287 = tpu.memref_squeeze %dma_wait3A_286 : memref<1x128x128xf32, #tpu.memory_space<vmem>> -> memref<128x128xf32, #tpu.memory_space<vmem>>
      %dma_wait3A_288 = arith.constant 0 : i32
      %dma_wait3A_289 = tpu.memref_slice %arg5[%dma_wait3A_281, %dma_wait3A_288] : memref<16x128xi32, #tpu.memory_space<vmem>> -> memref<1x128xi32, #tpu.memory_space<vmem>>
      %dma_wait3A_290 = tpu.memref_squeeze %dma_wait3A_289 : memref<1x128xi32, #tpu.memory_space<vmem>> -> memref<128xi32, #tpu.memory_space<vmem>>
      %dma_wait3A_291 = arith.constant 0 : i32
      %dma_wait3A_292 = arith.constant 0 : i32
      %dma_wait3A_293 = tpu.memref_slice %arg2[%dma_wait3A_291, %dma_wait3A_292] : memref<10240x128xf32, #tpu.memory_space<hbm>> -> memref<10240x128xf32, #tpu.memory_space<hbm>>
      %dma_wait3A_294 = tpu.memref_slice %arg8[%dma_wait3A_283] : memref<2x!tpu.dma_semaphore, #tpu.memory_space<semaphore_mem>> -> memref<1x!tpu.dma_semaphore, #tpu.memory_space<semaphore_mem>>
      %dma_wait3A_295 = tpu.memref_squeeze %dma_wait3A_294 : memref<1x!tpu.dma_semaphore, #tpu.memory_space<semaphore_mem>> -> memref<!tpu.dma_semaphore, #tpu.memory_space<semaphore_mem>>
      tpu.wait_indirect_dma semaphore(%dma_wait3A_295 : memref<!tpu.dma_semaphore, #tpu.memory_space<semaphore_mem>>) src(%dma_wait3A_293 : memref<10240x128xf32, #tpu.memory_space<hbm>>) dst(%dma_wait3A_287 : memref<128x128xf32, #tpu.memory_space<vmem>>)
      %dma_start3A_296 = arith.constant 0 : i32
      %dma_start3A_297 = arith.constant 12 : i32
      %dma_start3A_298 = arith.constant 0 : i32
      %dma_start3A_299 = arith.constant 0 : i32
      %dma_start3A_300 = arith.constant 0 : i32
      %dma_start3A_301 = tpu.memref_slice %arg6[%dma_start3A_296, %dma_start3A_299, %dma_start3A_300] : memref<2x128x128xf32, #tpu.memory_space<vmem>> -> memref<1x128x128xf32, #tpu.memory_space<vmem>>
      %dma_start3A_302 = tpu.memref_squeeze %dma_start3A_301 : memref<1x128x128xf32, #tpu.memory_space<vmem>> -> memref<128x128xf32, #tpu.memory_space<vmem>>
      %dma_start3A_303 = arith.constant 0 : i32
      %dma_start3A_304 = tpu.memref_slice %arg5[%dma_start3A_297, %dma_start3A_303] : memref<16x128xi32, #tpu.memory_space<vmem>> -> memref<1x128xi32, #tpu.memory_space<vmem>>
      %dma_start3A_305 = tpu.memref_squeeze %dma_start3A_304 : memref<1x128xi32, #tpu.memory_space<vmem>> -> memref<128xi32, #tpu.memory_space<vmem>>
      %dma_start3A_306 = arith.constant 0 : i32
      %dma_start3A_307 = arith.constant 0 : i32
      %dma_start3A_308 = tpu.memref_slice %arg7[%dma_start3A_306, %dma_start3A_307] : memref<10240x128xf32, #tpu.memory_space<vmem_shared>> -> memref<10240x128xf32, #tpu.memory_space<vmem_shared>>
      %dma_start3A_309 = tpu.memref_slice %arg9[%dma_start3A_298] : memref<2x!tpu.dma_semaphore, #tpu.memory_space<semaphore_mem>> -> memref<1x!tpu.dma_semaphore, #tpu.memory_space<semaphore_mem>>
      %dma_start3A_310 = tpu.memref_squeeze %dma_start3A_309 : memref<1x!tpu.dma_semaphore, #tpu.memory_space<semaphore_mem>> -> memref<!tpu.dma_semaphore, #tpu.memory_space<semaphore_mem>>
      tpu.enqueue_indirect_dma source(%dma_start3A_302 : memref<128x128xf32, #tpu.memory_space<vmem>>) target(%dma_start3A_308 : memref<10240x128xf32, #tpu.memory_space<vmem_shared>>) offsets(%dma_start3A_305 : memref<128xi32, #tpu.memory_space<vmem>>) semaphore(%dma_start3A_310 : memref<!tpu.dma_semaphore, #tpu.memory_space<semaphore_mem>>) {add = true}
      %dma_wait3A_311 = arith.constant 1 : i32
      %dma_wait3A_312 = arith.constant 11 : i32
      %dma_wait3A_313 = arith.constant 1 : i32
      %dma_wait3A_314 = arith.constant 0 : i32
      %dma_wait3A_315 = arith.constant 0 : i32
      %dma_wait3A_316 = tpu.memref_slice %arg6[%dma_wait3A_311, %dma_wait3A_314, %dma_wait3A_315] : memref<2x128x128xf32, #tpu.memory_space<vmem>> -> memref<1x128x128xf32, #tpu.memory_space<vmem>>
      %dma_wait3A_317 = tpu.memref_squeeze %dma_wait3A_316 : memref<1x128x128xf32, #tpu.memory_space<vmem>> -> memref<128x128xf32, #tpu.memory_space<vmem>>
      %dma_wait3A_318 = arith.constant 0 : i32
      %dma_wait3A_319 = tpu.memref_slice %arg5[%dma_wait3A_312, %dma_wait3A_318] : memref<16x128xi32, #tpu.memory_space<vmem>> -> memref<1x128xi32, #tpu.memory_space<vmem>>
      %dma_wait3A_320 = tpu.memref_squeeze %dma_wait3A_319 : memref<1x128xi32, #tpu.memory_space<vmem>> -> memref<128xi32, #tpu.memory_space<vmem>>
      %dma_wait3A_321 = arith.constant 0 : i32
      %dma_wait3A_322 = arith.constant 0 : i32
      %dma_wait3A_323 = tpu.memref_slice %arg7[%dma_wait3A_321, %dma_wait3A_322] : memref<10240x128xf32, #tpu.memory_space<vmem_shared>> -> memref<10240x128xf32, #tpu.memory_space<vmem_shared>>
      %dma_wait3A_324 = tpu.memref_slice %arg9[%dma_wait3A_313] : memref<2x!tpu.dma_semaphore, #tpu.memory_space<semaphore_mem>> -> memref<1x!tpu.dma_semaphore, #tpu.memory_space<semaphore_mem>>
      %dma_wait3A_325 = tpu.memref_squeeze %dma_wait3A_324 : memref<1x!tpu.dma_semaphore, #tpu.memory_space<semaphore_mem>> -> memref<!tpu.dma_semaphore, #tpu.memory_space<semaphore_mem>>
      tpu.wait_indirect_dma semaphore(%dma_wait3A_325 : memref<!tpu.dma_semaphore, #tpu.memory_space<semaphore_mem>>) src(%dma_wait3A_317 : memref<128x128xf32, #tpu.memory_space<vmem>>) dst(%dma_wait3A_323 : memref<10240x128xf32, #tpu.memory_space<vmem_shared>>)
      %dma_start3A_326 = arith.constant 5 : i32
      %dma_start3A_327 = arith.constant 1 : i32
      %dma_start3A_328 = arith.constant 1 : i32
      %dma_start3A_329 = arith.constant 0 : i32
      %dma_start3A_330 = arith.constant 0 : i32
      %dma_start3A_331 = tpu.memref_slice %arg6[%dma_start3A_327, %dma_start3A_329, %dma_start3A_330] : memref<2x128x128xf32, #tpu.memory_space<vmem>> -> memref<1x128x128xf32, #tpu.memory_space<vmem>>
      %dma_start3A_332 = tpu.memref_squeeze %dma_start3A_331 : memref<1x128x128xf32, #tpu.memory_space<vmem>> -> memref<128x128xf32, #tpu.memory_space<vmem>>
      %dma_start3A_333 = arith.constant 0 : i32
      %dma_start3A_334 = tpu.memref_slice %arg5[%dma_start3A_326, %dma_start3A_333] : memref<16x128xi32, #tpu.memory_space<vmem>> -> memref<1x128xi32, #tpu.memory_space<vmem>>
      %dma_start3A_335 = tpu.memref_squeeze %dma_start3A_334 : memref<1x128xi32, #tpu.memory_space<vmem>> -> memref<128xi32, #tpu.memory_space<vmem>>
      %dma_start3A_336 = arith.constant 0 : i32
      %dma_start3A_337 = arith.constant 0 : i32
      %dma_start3A_338 = tpu.memref_slice %arg2[%dma_start3A_336, %dma_start3A_337] : memref<10240x128xf32, #tpu.memory_space<hbm>> -> memref<10240x128xf32, #tpu.memory_space<hbm>>
      %dma_start3A_339 = tpu.memref_slice %arg8[%dma_start3A_328] : memref<2x!tpu.dma_semaphore, #tpu.memory_space<semaphore_mem>> -> memref<1x!tpu.dma_semaphore, #tpu.memory_space<semaphore_mem>>
      %dma_start3A_340 = tpu.memref_squeeze %dma_start3A_339 : memref<1x!tpu.dma_semaphore, #tpu.memory_space<semaphore_mem>> -> memref<!tpu.dma_semaphore, #tpu.memory_space<semaphore_mem>>
      tpu.enqueue_indirect_dma source(%dma_start3A_338 : memref<10240x128xf32, #tpu.memory_space<hbm>>) target(%dma_start3A_332 : memref<128x128xf32, #tpu.memory_space<vmem>>) offsets(%dma_start3A_335 : memref<128xi32, #tpu.memory_space<vmem>>) semaphore(%dma_start3A_340 : memref<!tpu.dma_semaphore, #tpu.memory_space<semaphore_mem>>)
      %dma_wait3A_341 = arith.constant 5 : i32
      %dma_wait3A_342 = arith.constant 1 : i32
      %dma_wait3A_343 = arith.constant 1 : i32
      %dma_wait3A_344 = arith.constant 0 : i32
      %dma_wait3A_345 = arith.constant 0 : i32
      %dma_wait3A_346 = tpu.memref_slice %arg6[%dma_wait3A_342, %dma_wait3A_344, %dma_wait3A_345] : memref<2x128x128xf32, #tpu.memory_space<vmem>> -> memref<1x128x128xf32, #tpu.memory_space<vmem>>
      %dma_wait3A_347 = tpu.memref_squeeze %dma_wait3A_346 : memref<1x128x128xf32, #tpu.memory_space<vmem>> -> memref<128x128xf32, #tpu.memory_space<vmem>>
      %dma_wait3A_348 = arith.constant 0 : i32
      %dma_wait3A_349 = tpu.memref_slice %arg5[%dma_wait3A_341, %dma_wait3A_348] : memref<16x128xi32, #tpu.memory_space<vmem>> -> memref<1x128xi32, #tpu.memory_space<vmem>>
      %dma_wait3A_350 = tpu.memref_squeeze %dma_wait3A_349 : memref<1x128xi32, #tpu.memory_space<vmem>> -> memref<128xi32, #tpu.memory_space<vmem>>
      %dma_wait3A_351 = arith.constant 0 : i32
      %dma_wait3A_352 = arith.constant 0 : i32
      %dma_wait3A_353 = tpu.memref_slice %arg2[%dma_wait3A_351, %dma_wait3A_352] : memref<10240x128xf32, #tpu.memory_space<hbm>> -> memref<10240x128xf32, #tpu.memory_space<hbm>>
      %dma_wait3A_354 = tpu.memref_slice %arg8[%dma_wait3A_343] : memref<2x!tpu.dma_semaphore, #tpu.memory_space<semaphore_mem>> -> memref<1x!tpu.dma_semaphore, #tpu.memory_space<semaphore_mem>>
      %dma_wait3A_355 = tpu.memref_squeeze %dma_wait3A_354 : memref<1x!tpu.dma_semaphore, #tpu.memory_space<semaphore_mem>> -> memref<!tpu.dma_semaphore, #tpu.memory_space<semaphore_mem>>
      tpu.wait_indirect_dma semaphore(%dma_wait3A_355 : memref<!tpu.dma_semaphore, #tpu.memory_space<semaphore_mem>>) src(%dma_wait3A_353 : memref<10240x128xf32, #tpu.memory_space<hbm>>) dst(%dma_wait3A_347 : memref<128x128xf32, #tpu.memory_space<vmem>>)
      %dma_start3A_356 = arith.constant 1 : i32
      %dma_start3A_357 = arith.constant 13 : i32
      %dma_start3A_358 = arith.constant 1 : i32
      %dma_start3A_359 = arith.constant 0 : i32
      %dma_start3A_360 = arith.constant 0 : i32
      %dma_start3A_361 = tpu.memref_slice %arg6[%dma_start3A_356, %dma_start3A_359, %dma_start3A_360] : memref<2x128x128xf32, #tpu.memory_space<vmem>> -> memref<1x128x128xf32, #tpu.memory_space<vmem>>
      %dma_start3A_362 = tpu.memref_squeeze %dma_start3A_361 : memref<1x128x128xf32, #tpu.memory_space<vmem>> -> memref<128x128xf32, #tpu.memory_space<vmem>>
      %dma_start3A_363 = arith.constant 0 : i32
      %dma_start3A_364 = tpu.memref_slice %arg5[%dma_start3A_357, %dma_start3A_363] : memref<16x128xi32, #tpu.memory_space<vmem>> -> memref<1x128xi32, #tpu.memory_space<vmem>>
      %dma_start3A_365 = tpu.memref_squeeze %dma_start3A_364 : memref<1x128xi32, #tpu.memory_space<vmem>> -> memref<128xi32, #tpu.memory_space<vmem>>
      %dma_start3A_366 = arith.constant 0 : i32
      %dma_start3A_367 = arith.constant 0 : i32
      %dma_start3A_368 = tpu.memref_slice %arg7[%dma_start3A_366, %dma_start3A_367] : memref<10240x128xf32, #tpu.memory_space<vmem_shared>> -> memref<10240x128xf32, #tpu.memory_space<vmem_shared>>
      %dma_start3A_369 = tpu.memref_slice %arg9[%dma_start3A_358] : memref<2x!tpu.dma_semaphore, #tpu.memory_space<semaphore_mem>> -> memref<1x!tpu.dma_semaphore, #tpu.memory_space<semaphore_mem>>
      %dma_start3A_370 = tpu.memref_squeeze %dma_start3A_369 : memref<1x!tpu.dma_semaphore, #tpu.memory_space<semaphore_mem>> -> memref<!tpu.dma_semaphore, #tpu.memory_space<semaphore_mem>>
      tpu.enqueue_indirect_dma source(%dma_start3A_362 : memref<128x128xf32, #tpu.memory_space<vmem>>) target(%dma_start3A_368 : memref<10240x128xf32, #tpu.memory_space<vmem_shared>>) offsets(%dma_start3A_365 : memref<128xi32, #tpu.memory_space<vmem>>) semaphore(%dma_start3A_370 : memref<!tpu.dma_semaphore, #tpu.memory_space<semaphore_mem>>) {add = true}
      %dma_wait3A_371 = arith.constant 0 : i32
      %dma_wait3A_372 = arith.constant 12 : i32
      %dma_wait3A_373 = arith.constant 0 : i32
      %dma_wait3A_374 = arith.constant 0 : i32
      %dma_wait3A_375 = arith.constant 0 : i32
      %dma_wait3A_376 = tpu.memref_slice %arg6[%dma_wait3A_371, %dma_wait3A_374, %dma_wait3A_375] : memref<2x128x128xf32, #tpu.memory_space<vmem>> -> memref<1x128x128xf32, #tpu.memory_space<vmem>>
      %dma_wait3A_377 = tpu.memref_squeeze %dma_wait3A_376 : memref<1x128x128xf32, #tpu.memory_space<vmem>> -> memref<128x128xf32, #tpu.memory_space<vmem>>
      %dma_wait3A_378 = arith.constant 0 : i32
      %dma_wait3A_379 = tpu.memref_slice %arg5[%dma_wait3A_372, %dma_wait3A_378] : memref<16x128xi32, #tpu.memory_space<vmem>> -> memref<1x128xi32, #tpu.memory_space<vmem>>
      %dma_wait3A_380 = tpu.memref_squeeze %dma_wait3A_379 : memref<1x128xi32, #tpu.memory_space<vmem>> -> memref<128xi32, #tpu.memory_space<vmem>>
      %dma_wait3A_381 = arith.constant 0 : i32
      %dma_wait3A_382 = arith.constant 0 : i32
      %dma_wait3A_383 = tpu.memref_slice %arg7[%dma_wait3A_381, %dma_wait3A_382] : memref<10240x128xf32, #tpu.memory_space<vmem_shared>> -> memref<10240x128xf32, #tpu.memory_space<vmem_shared>>
      %dma_wait3A_384 = tpu.memref_slice %arg9[%dma_wait3A_373] : memref<2x!tpu.dma_semaphore, #tpu.memory_space<semaphore_mem>> -> memref<1x!tpu.dma_semaphore, #tpu.memory_space<semaphore_mem>>
      %dma_wait3A_385 = tpu.memref_squeeze %dma_wait3A_384 : memref<1x!tpu.dma_semaphore, #tpu.memory_space<semaphore_mem>> -> memref<!tpu.dma_semaphore, #tpu.memory_space<semaphore_mem>>
      tpu.wait_indirect_dma semaphore(%dma_wait3A_385 : memref<!tpu.dma_semaphore, #tpu.memory_space<semaphore_mem>>) src(%dma_wait3A_377 : memref<128x128xf32, #tpu.memory_space<vmem>>) dst(%dma_wait3A_383 : memref<10240x128xf32, #tpu.memory_space<vmem_shared>>)
      %dma_start3A_386 = arith.constant 6 : i32
      %dma_start3A_387 = arith.constant 0 : i32
      %dma_start3A_388 = arith.constant 0 : i32
      %dma_start3A_389 = arith.constant 0 : i32
      %dma_start3A_390 = arith.constant 0 : i32
      %dma_start3A_391 = tpu.memref_slice %arg6[%dma_start3A_387, %dma_start3A_389, %dma_start3A_390] : memref<2x128x128xf32, #tpu.memory_space<vmem>> -> memref<1x128x128xf32, #tpu.memory_space<vmem>>
      %dma_start3A_392 = tpu.memref_squeeze %dma_start3A_391 : memref<1x128x128xf32, #tpu.memory_space<vmem>> -> memref<128x128xf32, #tpu.memory_space<vmem>>
      %dma_start3A_393 = arith.constant 0 : i32
      %dma_start3A_394 = tpu.memref_slice %arg5[%dma_start3A_386, %dma_start3A_393] : memref<16x128xi32, #tpu.memory_space<vmem>> -> memref<1x128xi32, #tpu.memory_space<vmem>>
      %dma_start3A_395 = tpu.memref_squeeze %dma_start3A_394 : memref<1x128xi32, #tpu.memory_space<vmem>> -> memref<128xi32, #tpu.memory_space<vmem>>
      %dma_start3A_396 = arith.constant 0 : i32
      %dma_start3A_397 = arith.constant 0 : i32
      %dma_start3A_398 = tpu.memref_slice %arg2[%dma_start3A_396, %dma_start3A_397] : memref<10240x128xf32, #tpu.memory_space<hbm>> -> memref<10240x128xf32, #tpu.memory_space<hbm>>
      %dma_start3A_399 = tpu.memref_slice %arg8[%dma_start3A_388] : memref<2x!tpu.dma_semaphore, #tpu.memory_space<semaphore_mem>> -> memref<1x!tpu.dma_semaphore, #tpu.memory_space<semaphore_mem>>
      %dma_start3A_400 = tpu.memref_squeeze %dma_start3A_399 : memref<1x!tpu.dma_semaphore, #tpu.memory_space<semaphore_mem>> -> memref<!tpu.dma_semaphore, #tpu.memory_space<semaphore_mem>>
      tpu.enqueue_indirect_dma source(%dma_start3A_398 : memref<10240x128xf32, #tpu.memory_space<hbm>>) target(%dma_start3A_392 : memref<128x128xf32, #tpu.memory_space<vmem>>) offsets(%dma_start3A_395 : memref<128xi32, #tpu.memory_space<vmem>>) semaphore(%dma_start3A_400 : memref<!tpu.dma_semaphore, #tpu.memory_space<semaphore_mem>>)
      %dma_wait3A_401 = arith.constant 6 : i32
      %dma_wait3A_402 = arith.constant 0 : i32
      %dma_wait3A_403 = arith.constant 0 : i32
      %dma_wait3A_404 = arith.constant 0 : i32
      %dma_wait3A_405 = arith.constant 0 : i32
      %dma_wait3A_406 = tpu.memref_slice %arg6[%dma_wait3A_402, %dma_wait3A_404, %dma_wait3A_405] : memref<2x128x128xf32, #tpu.memory_space<vmem>> -> memref<1x128x128xf32, #tpu.memory_space<vmem>>
      %dma_wait3A_407 = tpu.memref_squeeze %dma_wait3A_406 : memref<1x128x128xf32, #tpu.memory_space<vmem>> -> memref<128x128xf32, #tpu.memory_space<vmem>>
      %dma_wait3A_408 = arith.constant 0 : i32
      %dma_wait3A_409 = tpu.memref_slice %arg5[%dma_wait3A_401, %dma_wait3A_408] : memref<16x128xi32, #tpu.memory_space<vmem>> -> memref<1x128xi32, #tpu.memory_space<vmem>>
      %dma_wait3A_410 = tpu.memref_squeeze %dma_wait3A_409 : memref<1x128xi32, #tpu.memory_space<vmem>> -> memref<128xi32, #tpu.memory_space<vmem>>
      %dma_wait3A_411 = arith.constant 0 : i32
      %dma_wait3A_412 = arith.constant 0 : i32
      %dma_wait3A_413 = tpu.memref_slice %arg2[%dma_wait3A_411, %dma_wait3A_412] : memref<10240x128xf32, #tpu.memory_space<hbm>> -> memref<10240x128xf32, #tpu.memory_space<hbm>>
      %dma_wait3A_414 = tpu.memref_slice %arg8[%dma_wait3A_403] : memref<2x!tpu.dma_semaphore, #tpu.memory_space<semaphore_mem>> -> memref<1x!tpu.dma_semaphore, #tpu.memory_space<semaphore_mem>>
      %dma_wait3A_415 = tpu.memref_squeeze %dma_wait3A_414 : memref<1x!tpu.dma_semaphore, #tpu.memory_space<semaphore_mem>> -> memref<!tpu.dma_semaphore, #tpu.memory_space<semaphore_mem>>
      tpu.wait_indirect_dma semaphore(%dma_wait3A_415 : memref<!tpu.dma_semaphore, #tpu.memory_space<semaphore_mem>>) src(%dma_wait3A_413 : memref<10240x128xf32, #tpu.memory_space<hbm>>) dst(%dma_wait3A_407 : memref<128x128xf32, #tpu.memory_space<vmem>>)
      %dma_start3A_416 = arith.constant 0 : i32
      %dma_start3A_417 = arith.constant 14 : i32
      %dma_start3A_418 = arith.constant 0 : i32
      %dma_start3A_419 = arith.constant 0 : i32
      %dma_start3A_420 = arith.constant 0 : i32
      %dma_start3A_421 = tpu.memref_slice %arg6[%dma_start3A_416, %dma_start3A_419, %dma_start3A_420] : memref<2x128x128xf32, #tpu.memory_space<vmem>> -> memref<1x128x128xf32, #tpu.memory_space<vmem>>
      %dma_start3A_422 = tpu.memref_squeeze %dma_start3A_421 : memref<1x128x128xf32, #tpu.memory_space<vmem>> -> memref<128x128xf32, #tpu.memory_space<vmem>>
      %dma_start3A_423 = arith.constant 0 : i32
      %dma_start3A_424 = tpu.memref_slice %arg5[%dma_start3A_417, %dma_start3A_423] : memref<16x128xi32, #tpu.memory_space<vmem>> -> memref<1x128xi32, #tpu.memory_space<vmem>>
      %dma_start3A_425 = tpu.memref_squeeze %dma_start3A_424 : memref<1x128xi32, #tpu.memory_space<vmem>> -> memref<128xi32, #tpu.memory_space<vmem>>
      %dma_start3A_426 = arith.constant 0 : i32
      %dma_start3A_427 = arith.constant 0 : i32
      %dma_start3A_428 = tpu.memref_slice %arg7[%dma_start3A_426, %dma_start3A_427] : memref<10240x128xf32, #tpu.memory_space<vmem_shared>> -> memref<10240x128xf32, #tpu.memory_space<vmem_shared>>
      %dma_start3A_429 = tpu.memref_slice %arg9[%dma_start3A_418] : memref<2x!tpu.dma_semaphore, #tpu.memory_space<semaphore_mem>> -> memref<1x!tpu.dma_semaphore, #tpu.memory_space<semaphore_mem>>
      %dma_start3A_430 = tpu.memref_squeeze %dma_start3A_429 : memref<1x!tpu.dma_semaphore, #tpu.memory_space<semaphore_mem>> -> memref<!tpu.dma_semaphore, #tpu.memory_space<semaphore_mem>>
      tpu.enqueue_indirect_dma source(%dma_start3A_422 : memref<128x128xf32, #tpu.memory_space<vmem>>) target(%dma_start3A_428 : memref<10240x128xf32, #tpu.memory_space<vmem_shared>>) offsets(%dma_start3A_425 : memref<128xi32, #tpu.memory_space<vmem>>) semaphore(%dma_start3A_430 : memref<!tpu.dma_semaphore, #tpu.memory_space<semaphore_mem>>) {add = true}
      %dma_wait3A_431 = arith.constant 1 : i32
      %dma_wait3A_432 = arith.constant 13 : i32
      %dma_wait3A_433 = arith.constant 1 : i32
      %dma_wait3A_434 = arith.constant 0 : i32
      %dma_wait3A_435 = arith.constant 0 : i32
      %dma_wait3A_436 = tpu.memref_slice %arg6[%dma_wait3A_431, %dma_wait3A_434, %dma_wait3A_435] : memref<2x128x128xf32, #tpu.memory_space<vmem>> -> memref<1x128x128xf32, #tpu.memory_space<vmem>>
      %dma_wait3A_437 = tpu.memref_squeeze %dma_wait3A_436 : memref<1x128x128xf32, #tpu.memory_space<vmem>> -> memref<128x128xf32, #tpu.memory_space<vmem>>
      %dma_wait3A_438 = arith.constant 0 : i32
      %dma_wait3A_439 = tpu.memref_slice %arg5[%dma_wait3A_432, %dma_wait3A_438] : memref<16x128xi32, #tpu.memory_space<vmem>> -> memref<1x128xi32, #tpu.memory_space<vmem>>
      %dma_wait3A_440 = tpu.memref_squeeze %dma_wait3A_439 : memref<1x128xi32, #tpu.memory_space<vmem>> -> memref<128xi32, #tpu.memory_space<vmem>>
      %dma_wait3A_441 = arith.constant 0 : i32
      %dma_wait3A_442 = arith.constant 0 : i32
      %dma_wait3A_443 = tpu.memref_slice %arg7[%dma_wait3A_441, %dma_wait3A_442] : memref<10240x128xf32, #tpu.memory_space<vmem_shared>> -> memref<10240x128xf32, #tpu.memory_space<vmem_shared>>
      %dma_wait3A_444 = tpu.memref_slice %arg9[%dma_wait3A_433] : memref<2x!tpu.dma_semaphore, #tpu.memory_space<semaphore_mem>> -> memref<1x!tpu.dma_semaphore, #tpu.memory_space<semaphore_mem>>
      %dma_wait3A_445 = tpu.memref_squeeze %dma_wait3A_444 : memref<1x!tpu.dma_semaphore, #tpu.memory_space<semaphore_mem>> -> memref<!tpu.dma_semaphore, #tpu.memory_space<semaphore_mem>>
      tpu.wait_indirect_dma semaphore(%dma_wait3A_445 : memref<!tpu.dma_semaphore, #tpu.memory_space<semaphore_mem>>) src(%dma_wait3A_437 : memref<128x128xf32, #tpu.memory_space<vmem>>) dst(%dma_wait3A_443 : memref<10240x128xf32, #tpu.memory_space<vmem_shared>>)
      %dma_start3A_446 = arith.constant 7 : i32
      %dma_start3A_447 = arith.constant 1 : i32
      %dma_start3A_448 = arith.constant 1 : i32
      %dma_start3A_449 = arith.constant 0 : i32
      %dma_start3A_450 = arith.constant 0 : i32
      %dma_start3A_451 = tpu.memref_slice %arg6[%dma_start3A_447, %dma_start3A_449, %dma_start3A_450] : memref<2x128x128xf32, #tpu.memory_space<vmem>> -> memref<1x128x128xf32, #tpu.memory_space<vmem>>
      %dma_start3A_452 = tpu.memref_squeeze %dma_start3A_451 : memref<1x128x128xf32, #tpu.memory_space<vmem>> -> memref<128x128xf32, #tpu.memory_space<vmem>>
      %dma_start3A_453 = arith.constant 0 : i32
      %dma_start3A_454 = tpu.memref_slice %arg5[%dma_start3A_446, %dma_start3A_453] : memref<16x128xi32, #tpu.memory_space<vmem>> -> memref<1x128xi32, #tpu.memory_space<vmem>>
      %dma_start3A_455 = tpu.memref_squeeze %dma_start3A_454 : memref<1x128xi32, #tpu.memory_space<vmem>> -> memref<128xi32, #tpu.memory_space<vmem>>
      %dma_start3A_456 = arith.constant 0 : i32
      %dma_start3A_457 = arith.constant 0 : i32
      %dma_start3A_458 = tpu.memref_slice %arg2[%dma_start3A_456, %dma_start3A_457] : memref<10240x128xf32, #tpu.memory_space<hbm>> -> memref<10240x128xf32, #tpu.memory_space<hbm>>
      %dma_start3A_459 = tpu.memref_slice %arg8[%dma_start3A_448] : memref<2x!tpu.dma_semaphore, #tpu.memory_space<semaphore_mem>> -> memref<1x!tpu.dma_semaphore, #tpu.memory_space<semaphore_mem>>
      %dma_start3A_460 = tpu.memref_squeeze %dma_start3A_459 : memref<1x!tpu.dma_semaphore, #tpu.memory_space<semaphore_mem>> -> memref<!tpu.dma_semaphore, #tpu.memory_space<semaphore_mem>>
      tpu.enqueue_indirect_dma source(%dma_start3A_458 : memref<10240x128xf32, #tpu.memory_space<hbm>>) target(%dma_start3A_452 : memref<128x128xf32, #tpu.memory_space<vmem>>) offsets(%dma_start3A_455 : memref<128xi32, #tpu.memory_space<vmem>>) semaphore(%dma_start3A_460 : memref<!tpu.dma_semaphore, #tpu.memory_space<semaphore_mem>>)
      %dma_wait3A_461 = arith.constant 7 : i32
      %dma_wait3A_462 = arith.constant 1 : i32
      %dma_wait3A_463 = arith.constant 1 : i32
      %dma_wait3A_464 = arith.constant 0 : i32
      %dma_wait3A_465 = arith.constant 0 : i32
      %dma_wait3A_466 = tpu.memref_slice %arg6[%dma_wait3A_462, %dma_wait3A_464, %dma_wait3A_465] : memref<2x128x128xf32, #tpu.memory_space<vmem>> -> memref<1x128x128xf32, #tpu.memory_space<vmem>>
      %dma_wait3A_467 = tpu.memref_squeeze %dma_wait3A_466 : memref<1x128x128xf32, #tpu.memory_space<vmem>> -> memref<128x128xf32, #tpu.memory_space<vmem>>
      %dma_wait3A_468 = arith.constant 0 : i32
      %dma_wait3A_469 = tpu.memref_slice %arg5[%dma_wait3A_461, %dma_wait3A_468] : memref<16x128xi32, #tpu.memory_space<vmem>> -> memref<1x128xi32, #tpu.memory_space<vmem>>
      %dma_wait3A_470 = tpu.memref_squeeze %dma_wait3A_469 : memref<1x128xi32, #tpu.memory_space<vmem>> -> memref<128xi32, #tpu.memory_space<vmem>>
      %dma_wait3A_471 = arith.constant 0 : i32
      %dma_wait3A_472 = arith.constant 0 : i32
      %dma_wait3A_473 = tpu.memref_slice %arg2[%dma_wait3A_471, %dma_wait3A_472] : memref<10240x128xf32, #tpu.memory_space<hbm>> -> memref<10240x128xf32, #tpu.memory_space<hbm>>
      %dma_wait3A_474 = tpu.memref_slice %arg8[%dma_wait3A_463] : memref<2x!tpu.dma_semaphore, #tpu.memory_space<semaphore_mem>> -> memref<1x!tpu.dma_semaphore, #tpu.memory_space<semaphore_mem>>
      %dma_wait3A_475 = tpu.memref_squeeze %dma_wait3A_474 : memref<1x!tpu.dma_semaphore, #tpu.memory_space<semaphore_mem>> -> memref<!tpu.dma_semaphore, #tpu.memory_space<semaphore_mem>>
      tpu.wait_indirect_dma semaphore(%dma_wait3A_475 : memref<!tpu.dma_semaphore, #tpu.memory_space<semaphore_mem>>) src(%dma_wait3A_473 : memref<10240x128xf32, #tpu.memory_space<hbm>>) dst(%dma_wait3A_467 : memref<128x128xf32, #tpu.memory_space<vmem>>)
      %dma_start3A_476 = arith.constant 1 : i32
      %dma_start3A_477 = arith.constant 15 : i32
      %dma_start3A_478 = arith.constant 1 : i32
      %dma_start3A_479 = arith.constant 0 : i32
      %dma_start3A_480 = arith.constant 0 : i32
      %dma_start3A_481 = tpu.memref_slice %arg6[%dma_start3A_476, %dma_start3A_479, %dma_start3A_480] : memref<2x128x128xf32, #tpu.memory_space<vmem>> -> memref<1x128x128xf32, #tpu.memory_space<vmem>>
      %dma_start3A_482 = tpu.memref_squeeze %dma_start3A_481 : memref<1x128x128xf32, #tpu.memory_space<vmem>> -> memref<128x128xf32, #tpu.memory_space<vmem>>
      %dma_start3A_483 = arith.constant 0 : i32
      %dma_start3A_484 = tpu.memref_slice %arg5[%dma_start3A_477, %dma_start3A_483] : memref<16x128xi32, #tpu.memory_space<vmem>> -> memref<1x128xi32, #tpu.memory_space<vmem>>
      %dma_start3A_485 = tpu.memref_squeeze %dma_start3A_484 : memref<1x128xi32, #tpu.memory_space<vmem>> -> memref<128xi32, #tpu.memory_space<vmem>>
      %dma_start3A_486 = arith.constant 0 : i32
      %dma_start3A_487 = arith.constant 0 : i32
      %dma_start3A_488 = tpu.memref_slice %arg7[%dma_start3A_486, %dma_start3A_487] : memref<10240x128xf32, #tpu.memory_space<vmem_shared>> -> memref<10240x128xf32, #tpu.memory_space<vmem_shared>>
      %dma_start3A_489 = tpu.memref_slice %arg9[%dma_start3A_478] : memref<2x!tpu.dma_semaphore, #tpu.memory_space<semaphore_mem>> -> memref<1x!tpu.dma_semaphore, #tpu.memory_space<semaphore_mem>>
      %dma_start3A_490 = tpu.memref_squeeze %dma_start3A_489 : memref<1x!tpu.dma_semaphore, #tpu.memory_space<semaphore_mem>> -> memref<!tpu.dma_semaphore, #tpu.memory_space<semaphore_mem>>
      tpu.enqueue_indirect_dma source(%dma_start3A_482 : memref<128x128xf32, #tpu.memory_space<vmem>>) target(%dma_start3A_488 : memref<10240x128xf32, #tpu.memory_space<vmem_shared>>) offsets(%dma_start3A_485 : memref<128xi32, #tpu.memory_space<vmem>>) semaphore(%dma_start3A_490 : memref<!tpu.dma_semaphore, #tpu.memory_space<semaphore_mem>>) {add = true}
      %dma_wait3A_491 = arith.constant 0 : i32
      %dma_wait3A_492 = arith.constant 14 : i32
      %dma_wait3A_493 = arith.constant 0 : i32
      %dma_wait3A_494 = arith.constant 0 : i32
      %dma_wait3A_495 = arith.constant 0 : i32
      %dma_wait3A_496 = tpu.memref_slice %arg6[%dma_wait3A_491, %dma_wait3A_494, %dma_wait3A_495] : memref<2x128x128xf32, #tpu.memory_space<vmem>> -> memref<1x128x128xf32, #tpu.memory_space<vmem>>
      %dma_wait3A_497 = tpu.memref_squeeze %dma_wait3A_496 : memref<1x128x128xf32, #tpu.memory_space<vmem>> -> memref<128x128xf32, #tpu.memory_space<vmem>>
      %dma_wait3A_498 = arith.constant 0 : i32
      %dma_wait3A_499 = tpu.memref_slice %arg5[%dma_wait3A_492, %dma_wait3A_498] : memref<16x128xi32, #tpu.memory_space<vmem>> -> memref<1x128xi32, #tpu.memory_space<vmem>>
      %dma_wait3A_500 = tpu.memref_squeeze %dma_wait3A_499 : memref<1x128xi32, #tpu.memory_space<vmem>> -> memref<128xi32, #tpu.memory_space<vmem>>
      %dma_wait3A_501 = arith.constant 0 : i32
      %dma_wait3A_502 = arith.constant 0 : i32
      %dma_wait3A_503 = tpu.memref_slice %arg7[%dma_wait3A_501, %dma_wait3A_502] : memref<10240x128xf32, #tpu.memory_space<vmem_shared>> -> memref<10240x128xf32, #tpu.memory_space<vmem_shared>>
      %dma_wait3A_504 = tpu.memref_slice %arg9[%dma_wait3A_493] : memref<2x!tpu.dma_semaphore, #tpu.memory_space<semaphore_mem>> -> memref<1x!tpu.dma_semaphore, #tpu.memory_space<semaphore_mem>>
      %dma_wait3A_505 = tpu.memref_squeeze %dma_wait3A_504 : memref<1x!tpu.dma_semaphore, #tpu.memory_space<semaphore_mem>> -> memref<!tpu.dma_semaphore, #tpu.memory_space<semaphore_mem>>
      tpu.wait_indirect_dma semaphore(%dma_wait3A_505 : memref<!tpu.dma_semaphore, #tpu.memory_space<semaphore_mem>>) src(%dma_wait3A_497 : memref<128x128xf32, #tpu.memory_space<vmem>>) dst(%dma_wait3A_503 : memref<10240x128xf32, #tpu.memory_space<vmem_shared>>)
      %dma_wait3A_506 = arith.constant 1 : i32
      %dma_wait3A_507 = arith.constant 15 : i32
      %dma_wait3A_508 = arith.constant 1 : i32
      %dma_wait3A_509 = arith.constant 0 : i32
      %dma_wait3A_510 = arith.constant 0 : i32
      %dma_wait3A_511 = tpu.memref_slice %arg6[%dma_wait3A_506, %dma_wait3A_509, %dma_wait3A_510] : memref<2x128x128xf32, #tpu.memory_space<vmem>> -> memref<1x128x128xf32, #tpu.memory_space<vmem>>
      %dma_wait3A_512 = tpu.memref_squeeze %dma_wait3A_511 : memref<1x128x128xf32, #tpu.memory_space<vmem>> -> memref<128x128xf32, #tpu.memory_space<vmem>>
      %dma_wait3A_513 = arith.constant 0 : i32
      %dma_wait3A_514 = tpu.memref_slice %arg5[%dma_wait3A_507, %dma_wait3A_513] : memref<16x128xi32, #tpu.memory_space<vmem>> -> memref<1x128xi32, #tpu.memory_space<vmem>>
      %dma_wait3A_515 = tpu.memref_squeeze %dma_wait3A_514 : memref<1x128xi32, #tpu.memory_space<vmem>> -> memref<128xi32, #tpu.memory_space<vmem>>
      %dma_wait3A_516 = arith.constant 0 : i32
      %dma_wait3A_517 = arith.constant 0 : i32
      %dma_wait3A_518 = tpu.memref_slice %arg7[%dma_wait3A_516, %dma_wait3A_517] : memref<10240x128xf32, #tpu.memory_space<vmem_shared>> -> memref<10240x128xf32, #tpu.memory_space<vmem_shared>>
      %dma_wait3A_519 = tpu.memref_slice %arg9[%dma_wait3A_508] : memref<2x!tpu.dma_semaphore, #tpu.memory_space<semaphore_mem>> -> memref<1x!tpu.dma_semaphore, #tpu.memory_space<semaphore_mem>>
      %dma_wait3A_520 = tpu.memref_squeeze %dma_wait3A_519 : memref<1x!tpu.dma_semaphore, #tpu.memory_space<semaphore_mem>> -> memref<!tpu.dma_semaphore, #tpu.memory_space<semaphore_mem>>
      tpu.wait_indirect_dma semaphore(%dma_wait3A_520 : memref<!tpu.dma_semaphore, #tpu.memory_space<semaphore_mem>>) src(%dma_wait3A_512 : memref<128x128xf32, #tpu.memory_space<vmem>>) dst(%dma_wait3A_518 : memref<10240x128xf32, #tpu.memory_space<vmem_shared>>)
    }
    %scan3A_27 = arith.constant 10 : i32
    %barrier3A_28 = arith.constant 0 : index
    tpu.barrier barrier_id(%barrier3A_28)
    %add3A_29 = arith.constant 0 : i32
    %add3A_30 = arith.addi %mul3A_7, %add3A_29 : i32
    "tpu.region"() ({
      %run_scoped3A_39 = tpu.sem_alloc : memref<!tpu.dma_semaphore, #tpu.memory_space<semaphore_mem>>
      %dma_start3A = arith.constant 0 : i32
      %dma_start3A_40 = tpu.memref_slice %arg4[%arg0, %add3A_30, %dma_start3A] : memref<2x10240x128xf32, #tpu.memory_space<hbm>> -> memref<1x128x128xf32, #tpu.memory_space<hbm>>
      %dma_start3A_41 = tpu.memref_squeeze %dma_start3A_40 : memref<1x128x128xf32, #tpu.memory_space<hbm>> -> memref<128x128xf32, #tpu.memory_space<hbm>>
      %dma_start3A_42 = arith.constant 0 : i32
      %dma_start3A_43 = tpu.memref_slice %arg7[%add3A_30, %dma_start3A_42] : memref<10240x128xf32, #tpu.memory_space<vmem_shared>> -> memref<128x128xf32, #tpu.memory_space<vmem_shared>>
      tpu.enqueue_dma source(%dma_start3A_43 : memref<128x128xf32, #tpu.memory_space<vmem_shared>>) target(%dma_start3A_41 : memref<128x128xf32, #tpu.memory_space<hbm>>) target_semaphore(%run_scoped3A_39 : memref<!tpu.dma_semaphore, #tpu.memory_space<semaphore_mem>>)
      %dma_wait3A = arith.constant 0 : i32
      %dma_wait3A_44 = tpu.memref_slice %arg4[%arg0, %add3A_30, %dma_wait3A] : memref<2x10240x128xf32, #tpu.memory_space<hbm>> -> memref<1x128x128xf32, #tpu.memory_space<hbm>>
      %dma_wait3A_45 = tpu.memref_squeeze %dma_wait3A_44 : memref<1x128x128xf32, #tpu.memory_space<hbm>> -> memref<128x128xf32, #tpu.memory_space<hbm>>
      %dma_wait3A_46 = arith.constant 0 : i32
      %dma_wait3A_47 = tpu.memref_slice %arg7[%add3A_30, %dma_wait3A_46] : memref<10240x128xf32, #tpu.memory_space<vmem_shared>> -> memref<128x128xf32, #tpu.memory_space<vmem_shared>>
      tpu.wait_dma2 semaphore(%run_scoped3A_39 : memref<!tpu.dma_semaphore, #tpu.memory_space<semaphore_mem>>) src(%dma_wait3A_47 : memref<128x128xf32, #tpu.memory_space<vmem_shared>>) dst(%dma_wait3A_45 : memref<128x128xf32, #tpu.memory_space<hbm>>)
      tpu.yield
    }) : () -> ()
    %add3A_31 = arith.constant 128 : i32
    %add3A_32 = arith.addi %mul3A_7, %add3A_31 : i32
    "tpu.region"() ({
      %run_scoped3A_39 = tpu.sem_alloc : memref<!tpu.dma_semaphore, #tpu.memory_space<semaphore_mem>>
      %dma_start3A = arith.constant 0 : i32
      %dma_start3A_40 = tpu.memref_slice %arg4[%arg0, %add3A_32, %dma_start3A] : memref<2x10240x128xf32, #tpu.memory_space<hbm>> -> memref<1x128x128xf32, #tpu.memory_space<hbm>>
      %dma_start3A_41 = tpu.memref_squeeze %dma_start3A_40 : memref<1x128x128xf32, #tpu.memory_space<hbm>> -> memref<128x128xf32, #tpu.memory_space<hbm>>
      %dma_start3A_42 = arith.constant 0 : i32
      %dma_start3A_43 = tpu.memref_slice %arg7[%add3A_32, %dma_start3A_42] : memref<10240x128xf32, #tpu.memory_space<vmem_shared>> -> memref<128x128xf32, #tpu.memory_space<vmem_shared>>
      tpu.enqueue_dma source(%dma_start3A_43 : memref<128x128xf32, #tpu.memory_space<vmem_shared>>) target(%dma_start3A_41 : memref<128x128xf32, #tpu.memory_space<hbm>>) target_semaphore(%run_scoped3A_39 : memref<!tpu.dma_semaphore, #tpu.memory_space<semaphore_mem>>)
      %dma_wait3A = arith.constant 0 : i32
      %dma_wait3A_44 = tpu.memref_slice %arg4[%arg0, %add3A_32, %dma_wait3A] : memref<2x10240x128xf32, #tpu.memory_space<hbm>> -> memref<1x128x128xf32, #tpu.memory_space<hbm>>
      %dma_wait3A_45 = tpu.memref_squeeze %dma_wait3A_44 : memref<1x128x128xf32, #tpu.memory_space<hbm>> -> memref<128x128xf32, #tpu.memory_space<hbm>>
      %dma_wait3A_46 = arith.constant 0 : i32
      %dma_wait3A_47 = tpu.memref_slice %arg7[%add3A_32, %dma_wait3A_46] : memref<10240x128xf32, #tpu.memory_space<vmem_shared>> -> memref<128x128xf32, #tpu.memory_space<vmem_shared>>
      tpu.wait_dma2 semaphore(%run_scoped3A_39 : memref<!tpu.dma_semaphore, #tpu.memory_space<semaphore_mem>>) src(%dma_wait3A_47 : memref<128x128xf32, #tpu.memory_space<vmem_shared>>) dst(%dma_wait3A_45 : memref<128x128xf32, #tpu.memory_space<hbm>>)
      tpu.yield
    }) : () -> ()
    %add3A_33 = arith.constant 256 : i32
    %add3A_34 = arith.addi %mul3A_7, %add3A_33 : i32
    "tpu.region"() ({
      %run_scoped3A_39 = tpu.sem_alloc : memref<!tpu.dma_semaphore, #tpu.memory_space<semaphore_mem>>
      %dma_start3A = arith.constant 0 : i32
      %dma_start3A_40 = tpu.memref_slice %arg4[%arg0, %add3A_34, %dma_start3A] : memref<2x10240x128xf32, #tpu.memory_space<hbm>> -> memref<1x128x128xf32, #tpu.memory_space<hbm>>
      %dma_start3A_41 = tpu.memref_squeeze %dma_start3A_40 : memref<1x128x128xf32, #tpu.memory_space<hbm>> -> memref<128x128xf32, #tpu.memory_space<hbm>>
      %dma_start3A_42 = arith.constant 0 : i32
      %dma_start3A_43 = tpu.memref_slice %arg7[%add3A_34, %dma_start3A_42] : memref<10240x128xf32, #tpu.memory_space<vmem_shared>> -> memref<128x128xf32, #tpu.memory_space<vmem_shared>>
      tpu.enqueue_dma source(%dma_start3A_43 : memref<128x128xf32, #tpu.memory_space<vmem_shared>>) target(%dma_start3A_41 : memref<128x128xf32, #tpu.memory_space<hbm>>) target_semaphore(%run_scoped3A_39 : memref<!tpu.dma_semaphore, #tpu.memory_space<semaphore_mem>>)
      %dma_wait3A = arith.constant 0 : i32
      %dma_wait3A_44 = tpu.memref_slice %arg4[%arg0, %add3A_34, %dma_wait3A] : memref<2x10240x128xf32, #tpu.memory_space<hbm>> -> memref<1x128x128xf32, #tpu.memory_space<hbm>>
      %dma_wait3A_45 = tpu.memref_squeeze %dma_wait3A_44 : memref<1x128x128xf32, #tpu.memory_space<hbm>> -> memref<128x128xf32, #tpu.memory_space<hbm>>
      %dma_wait3A_46 = arith.constant 0 : i32
      %dma_wait3A_47 = tpu.memref_slice %arg7[%add3A_34, %dma_wait3A_46] : memref<10240x128xf32, #tpu.memory_space<vmem_shared>> -> memref<128x128xf32, #tpu.memory_space<vmem_shared>>
      tpu.wait_dma2 semaphore(%run_scoped3A_39 : memref<!tpu.dma_semaphore, #tpu.memory_space<semaphore_mem>>) src(%dma_wait3A_47 : memref<128x128xf32, #tpu.memory_space<vmem_shared>>) dst(%dma_wait3A_45 : memref<128x128xf32, #tpu.memory_space<hbm>>)
      tpu.yield
    }) : () -> ()
    %add3A_35 = arith.constant 384 : i32
    %add3A_36 = arith.addi %mul3A_7, %add3A_35 : i32
    "tpu.region"() ({
      %run_scoped3A_39 = tpu.sem_alloc : memref<!tpu.dma_semaphore, #tpu.memory_space<semaphore_mem>>
      %dma_start3A = arith.constant 0 : i32
      %dma_start3A_40 = tpu.memref_slice %arg4[%arg0, %add3A_36, %dma_start3A] : memref<2x10240x128xf32, #tpu.memory_space<hbm>> -> memref<1x128x128xf32, #tpu.memory_space<hbm>>
      %dma_start3A_41 = tpu.memref_squeeze %dma_start3A_40 : memref<1x128x128xf32, #tpu.memory_space<hbm>> -> memref<128x128xf32, #tpu.memory_space<hbm>>
      %dma_start3A_42 = arith.constant 0 : i32
      %dma_start3A_43 = tpu.memref_slice %arg7[%add3A_36, %dma_start3A_42] : memref<10240x128xf32, #tpu.memory_space<vmem_shared>> -> memref<128x128xf32, #tpu.memory_space<vmem_shared>>
      tpu.enqueue_dma source(%dma_start3A_43 : memref<128x128xf32, #tpu.memory_space<vmem_shared>>) target(%dma_start3A_41 : memref<128x128xf32, #tpu.memory_space<hbm>>) target_semaphore(%run_scoped3A_39 : memref<!tpu.dma_semaphore, #tpu.memory_space<semaphore_mem>>)
      %dma_wait3A = arith.constant 0 : i32
      %dma_wait3A_44 = tpu.memref_slice %arg4[%arg0, %add3A_36, %dma_wait3A] : memref<2x10240x128xf32, #tpu.memory_space<hbm>> -> memref<1x128x128xf32, #tpu.memory_space<hbm>>
      %dma_wait3A_45 = tpu.memref_squeeze %dma_wait3A_44 : memref<1x128x128xf32, #tpu.memory_space<hbm>> -> memref<128x128xf32, #tpu.memory_space<hbm>>
      %dma_wait3A_46 = arith.constant 0 : i32
      %dma_wait3A_47 = tpu.memref_slice %arg7[%add3A_36, %dma_wait3A_46] : memref<10240x128xf32, #tpu.memory_space<vmem_shared>> -> memref<128x128xf32, #tpu.memory_space<vmem_shared>>
      tpu.wait_dma2 semaphore(%run_scoped3A_39 : memref<!tpu.dma_semaphore, #tpu.memory_space<semaphore_mem>>) src(%dma_wait3A_47 : memref<128x128xf32, #tpu.memory_space<vmem_shared>>) dst(%dma_wait3A_45 : memref<128x128xf32, #tpu.memory_space<hbm>>)
      tpu.yield
    }) : () -> ()
    %add3A_37 = arith.constant 512 : i32
    %add3A_38 = arith.addi %mul3A_7, %add3A_37 : i32
    "tpu.region"() ({
      %run_scoped3A_39 = tpu.sem_alloc : memref<!tpu.dma_semaphore, #tpu.memory_space<semaphore_mem>>
      %dma_start3A = arith.constant 0 : i32
      %dma_start3A_40 = tpu.memref_slice %arg4[%arg0, %add3A_38, %dma_start3A] : memref<2x10240x128xf32, #tpu.memory_space<hbm>> -> memref<1x128x128xf32, #tpu.memory_space<hbm>>
      %dma_start3A_41 = tpu.memref_squeeze %dma_start3A_40 : memref<1x128x128xf32, #tpu.memory_space<hbm>> -> memref<128x128xf32, #tpu.memory_space<hbm>>
      %dma_start3A_42 = arith.constant 0 : i32
      %dma_start3A_43 = tpu.memref_slice %arg7[%add3A_38, %dma_start3A_42] : memref<10240x128xf32, #tpu.memory_space<vmem_shared>> -> memref<128x128xf32, #tpu.memory_space<vmem_shared>>
      tpu.enqueue_dma source(%dma_start3A_43 : memref<128x128xf32, #tpu.memory_space<vmem_shared>>) target(%dma_start3A_41 : memref<128x128xf32, #tpu.memory_space<hbm>>) target_semaphore(%run_scoped3A_39 : memref<!tpu.dma_semaphore, #tpu.memory_space<semaphore_mem>>)
      %dma_wait3A = arith.constant 0 : i32
      %dma_wait3A_44 = tpu.memref_slice %arg4[%arg0, %add3A_38, %dma_wait3A] : memref<2x10240x128xf32, #tpu.memory_space<hbm>> -> memref<1x128x128xf32, #tpu.memory_space<hbm>>
      %dma_wait3A_45 = tpu.memref_squeeze %dma_wait3A_44 : memref<1x128x128xf32, #tpu.memory_space<hbm>> -> memref<128x128xf32, #tpu.memory_space<hbm>>
      %dma_wait3A_46 = arith.constant 0 : i32
      %dma_wait3A_47 = tpu.memref_slice %arg7[%add3A_38, %dma_wait3A_46] : memref<10240x128xf32, #tpu.memory_space<vmem_shared>> -> memref<128x128xf32, #tpu.memory_space<vmem_shared>>
      tpu.wait_dma2 semaphore(%run_scoped3A_39 : memref<!tpu.dma_semaphore, #tpu.memory_space<semaphore_mem>>) src(%dma_wait3A_47 : memref<128x128xf32, #tpu.memory_space<vmem_shared>>) dst(%dma_wait3A_45 : memref<128x128xf32, #tpu.memory_space<hbm>>)
      tpu.yield
    }) : () -> ()
    return
  }
}

#map = affine_map<(d0, d1) -> (0, 0)>
#map1 = affine_map<(d0, d1) -> (0, 0, 0)>
module attributes {stable_mosaic.version = 14 : i64} {
  func.func @_deg_body(%arg0: i32, %arg1: i32, %arg2: memref<2560x128xi32, #tpu.memory_space<hbm>>, %arg3: memref<128x128xf32, #tpu.memory_space<hbm>>, %arg4: memref<128x128xf32, #tpu.memory_space<hbm>>, %arg5: memref<2x10240x128xf32, #tpu.memory_space<hbm>>, %arg6: memref<80x128xi32, #tpu.memory_space<vmem>>, %arg7: memref<128x128xf32, #tpu.memory_space<vmem>>, %arg8: memref<10240x128xf32, #tpu.memory_space<vmem_shared>>, %arg9: memref<!tpu.dma_semaphore, #tpu.memory_space<semaphore_mem>>) attributes {dimension_semantics = [#tpu.dimension_semantics<core_parallel>, #tpu.dimension_semantics<subcore_parallel>], iteration_bounds = array<i64: 2, 16>, scalar_prefetch = 0 : i64, scratch_operands = 4 : i64, tpu.core_type = #tpu.core_type<sc_vector_subcore>, window_params = [{transform_indices = #map}, {transform_indices = #map}, {transform_indices = #map}, {transform_indices = #map1}]} {
    %mul3A = arith.constant 16 : i32
    %mul3A_0 = arith.muli %arg0, %mul3A : i32
    %add3A = arith.addi %mul3A_0, %arg1 : i32
    %mul3A_1 = arith.constant 80 : i32
    %mul3A_2 = arith.muli %add3A, %mul3A_1 : i32
    "tpu.region"() ({
      %run_scoped3A = tpu.sem_alloc : memref<!tpu.dma_semaphore, #tpu.memory_space<semaphore_mem>>
      %dma_start3A_89 = arith.constant 0 : i32
      %dma_start3A_90 = tpu.memref_slice %arg2[%mul3A_2, %dma_start3A_89] : memref<2560x128xi32, #tpu.memory_space<hbm>> -> memref<80x128xi32, #tpu.memory_space<hbm>>
      %dma_start3A_91 = arith.constant 0 : i32
      %dma_start3A_92 = tpu.memref_slice %arg2[%mul3A_2, %dma_start3A_91] : memref<2560x128xi32, #tpu.memory_space<hbm>> -> memref<80x128xi32, #tpu.memory_space<hbm>>
      tpu.enqueue_dma source(%dma_start3A_92 : memref<80x128xi32, #tpu.memory_space<hbm>>) target(%arg6 : memref<80x128xi32, #tpu.memory_space<vmem>>) target_semaphore(%run_scoped3A : memref<!tpu.dma_semaphore, #tpu.memory_space<semaphore_mem>>)
      %dma_wait3A_93 = arith.constant 0 : i32
      %dma_wait3A_94 = tpu.memref_slice %arg2[%mul3A_2, %dma_wait3A_93] : memref<2560x128xi32, #tpu.memory_space<hbm>> -> memref<80x128xi32, #tpu.memory_space<hbm>>
      %dma_wait3A_95 = arith.constant 0 : i32
      %dma_wait3A_96 = tpu.memref_slice %arg2[%mul3A_2, %dma_wait3A_95] : memref<2560x128xi32, #tpu.memory_space<hbm>> -> memref<80x128xi32, #tpu.memory_space<hbm>>
      tpu.wait_dma2 semaphore(%run_scoped3A : memref<!tpu.dma_semaphore, #tpu.memory_space<semaphore_mem>>) src(%dma_wait3A_96 : memref<80x128xi32, #tpu.memory_space<hbm>>) dst(%arg6 : memref<80x128xi32, #tpu.memory_space<vmem>>)
      tpu.yield
    }) : () -> ()
    "tpu.region"() ({
      %run_scoped3A = tpu.sem_alloc : memref<!tpu.dma_semaphore, #tpu.memory_space<semaphore_mem>>
      tpu.enqueue_dma source(%arg4 : memref<128x128xf32, #tpu.memory_space<hbm>>) target(%arg7 : memref<128x128xf32, #tpu.memory_space<vmem>>) target_semaphore(%run_scoped3A : memref<!tpu.dma_semaphore, #tpu.memory_space<semaphore_mem>>)
      tpu.wait_dma2 semaphore(%run_scoped3A : memref<!tpu.dma_semaphore, #tpu.memory_space<semaphore_mem>>) src(%arg4 : memref<128x128xf32, #tpu.memory_space<hbm>>) dst(%arg7 : memref<128x128xf32, #tpu.memory_space<vmem>>)
      tpu.yield
    }) : () -> ()
    %mul3A_3 = arith.constant 640 : i32
    %mul3A_4 = arith.muli %arg1, %mul3A_3 : i32
    %add3A_5 = arith.constant 0 : i32
    %add3A_6 = arith.addi %mul3A_4, %add3A_5 : i32
    "tpu.region"() ({
      %run_scoped3A = tpu.sem_alloc : memref<!tpu.dma_semaphore, #tpu.memory_space<semaphore_mem>>
      %dma_start3A_89 = arith.constant 0 : i32
      %dma_start3A_90 = tpu.memref_slice %arg8[%add3A_6, %dma_start3A_89] : memref<10240x128xf32, #tpu.memory_space<vmem_shared>> -> memref<128x128xf32, #tpu.memory_space<vmem_shared>>
      %dma_start3A_91 = arith.constant 0 : i32
      %dma_start3A_92 = tpu.memref_slice %arg8[%add3A_6, %dma_start3A_91] : memref<10240x128xf32, #tpu.memory_space<vmem_shared>> -> memref<128x128xf32, #tpu.memory_space<vmem_shared>>
      tpu.enqueue_dma source(%arg7 : memref<128x128xf32, #tpu.memory_space<vmem>>) target(%dma_start3A_92 : memref<128x128xf32, #tpu.memory_space<vmem_shared>>) target_semaphore(%run_scoped3A : memref<!tpu.dma_semaphore, #tpu.memory_space<semaphore_mem>>)
      %dma_wait3A_93 = arith.constant 0 : i32
      %dma_wait3A_94 = tpu.memref_slice %arg8[%add3A_6, %dma_wait3A_93] : memref<10240x128xf32, #tpu.memory_space<vmem_shared>> -> memref<128x128xf32, #tpu.memory_space<vmem_shared>>
      %dma_wait3A_95 = arith.constant 0 : i32
      %dma_wait3A_96 = tpu.memref_slice %arg8[%add3A_6, %dma_wait3A_95] : memref<10240x128xf32, #tpu.memory_space<vmem_shared>> -> memref<128x128xf32, #tpu.memory_space<vmem_shared>>
      tpu.wait_dma2 semaphore(%run_scoped3A : memref<!tpu.dma_semaphore, #tpu.memory_space<semaphore_mem>>) src(%arg7 : memref<128x128xf32, #tpu.memory_space<vmem>>) dst(%dma_wait3A_96 : memref<128x128xf32, #tpu.memory_space<vmem_shared>>)
      tpu.yield
    }) : () -> ()
    %add3A_7 = arith.constant 128 : i32
    %add3A_8 = arith.addi %mul3A_4, %add3A_7 : i32
    "tpu.region"() ({
      %run_scoped3A = tpu.sem_alloc : memref<!tpu.dma_semaphore, #tpu.memory_space<semaphore_mem>>
      %dma_start3A_89 = arith.constant 0 : i32
      %dma_start3A_90 = tpu.memref_slice %arg8[%add3A_8, %dma_start3A_89] : memref<10240x128xf32, #tpu.memory_space<vmem_shared>> -> memref<128x128xf32, #tpu.memory_space<vmem_shared>>
      %dma_start3A_91 = arith.constant 0 : i32
      %dma_start3A_92 = tpu.memref_slice %arg8[%add3A_8, %dma_start3A_91] : memref<10240x128xf32, #tpu.memory_space<vmem_shared>> -> memref<128x128xf32, #tpu.memory_space<vmem_shared>>
      tpu.enqueue_dma source(%arg7 : memref<128x128xf32, #tpu.memory_space<vmem>>) target(%dma_start3A_92 : memref<128x128xf32, #tpu.memory_space<vmem_shared>>) target_semaphore(%run_scoped3A : memref<!tpu.dma_semaphore, #tpu.memory_space<semaphore_mem>>)
      %dma_wait3A_93 = arith.constant 0 : i32
      %dma_wait3A_94 = tpu.memref_slice %arg8[%add3A_8, %dma_wait3A_93] : memref<10240x128xf32, #tpu.memory_space<vmem_shared>> -> memref<128x128xf32, #tpu.memory_space<vmem_shared>>
      %dma_wait3A_95 = arith.constant 0 : i32
      %dma_wait3A_96 = tpu.memref_slice %arg8[%add3A_8, %dma_wait3A_95] : memref<10240x128xf32, #tpu.memory_space<vmem_shared>> -> memref<128x128xf32, #tpu.memory_space<vmem_shared>>
      tpu.wait_dma2 semaphore(%run_scoped3A : memref<!tpu.dma_semaphore, #tpu.memory_space<semaphore_mem>>) src(%arg7 : memref<128x128xf32, #tpu.memory_space<vmem>>) dst(%dma_wait3A_96 : memref<128x128xf32, #tpu.memory_space<vmem_shared>>)
      tpu.yield
    }) : () -> ()
    %add3A_9 = arith.constant 256 : i32
    %add3A_10 = arith.addi %mul3A_4, %add3A_9 : i32
    "tpu.region"() ({
      %run_scoped3A = tpu.sem_alloc : memref<!tpu.dma_semaphore, #tpu.memory_space<semaphore_mem>>
      %dma_start3A_89 = arith.constant 0 : i32
      %dma_start3A_90 = tpu.memref_slice %arg8[%add3A_10, %dma_start3A_89] : memref<10240x128xf32, #tpu.memory_space<vmem_shared>> -> memref<128x128xf32, #tpu.memory_space<vmem_shared>>
      %dma_start3A_91 = arith.constant 0 : i32
      %dma_start3A_92 = tpu.memref_slice %arg8[%add3A_10, %dma_start3A_91] : memref<10240x128xf32, #tpu.memory_space<vmem_shared>> -> memref<128x128xf32, #tpu.memory_space<vmem_shared>>
      tpu.enqueue_dma source(%arg7 : memref<128x128xf32, #tpu.memory_space<vmem>>) target(%dma_start3A_92 : memref<128x128xf32, #tpu.memory_space<vmem_shared>>) target_semaphore(%run_scoped3A : memref<!tpu.dma_semaphore, #tpu.memory_space<semaphore_mem>>)
      %dma_wait3A_93 = arith.constant 0 : i32
      %dma_wait3A_94 = tpu.memref_slice %arg8[%add3A_10, %dma_wait3A_93] : memref<10240x128xf32, #tpu.memory_space<vmem_shared>> -> memref<128x128xf32, #tpu.memory_space<vmem_shared>>
      %dma_wait3A_95 = arith.constant 0 : i32
      %dma_wait3A_96 = tpu.memref_slice %arg8[%add3A_10, %dma_wait3A_95] : memref<10240x128xf32, #tpu.memory_space<vmem_shared>> -> memref<128x128xf32, #tpu.memory_space<vmem_shared>>
      tpu.wait_dma2 semaphore(%run_scoped3A : memref<!tpu.dma_semaphore, #tpu.memory_space<semaphore_mem>>) src(%arg7 : memref<128x128xf32, #tpu.memory_space<vmem>>) dst(%dma_wait3A_96 : memref<128x128xf32, #tpu.memory_space<vmem_shared>>)
      tpu.yield
    }) : () -> ()
    %add3A_11 = arith.constant 384 : i32
    %add3A_12 = arith.addi %mul3A_4, %add3A_11 : i32
    "tpu.region"() ({
      %run_scoped3A = tpu.sem_alloc : memref<!tpu.dma_semaphore, #tpu.memory_space<semaphore_mem>>
      %dma_start3A_89 = arith.constant 0 : i32
      %dma_start3A_90 = tpu.memref_slice %arg8[%add3A_12, %dma_start3A_89] : memref<10240x128xf32, #tpu.memory_space<vmem_shared>> -> memref<128x128xf32, #tpu.memory_space<vmem_shared>>
      %dma_start3A_91 = arith.constant 0 : i32
      %dma_start3A_92 = tpu.memref_slice %arg8[%add3A_12, %dma_start3A_91] : memref<10240x128xf32, #tpu.memory_space<vmem_shared>> -> memref<128x128xf32, #tpu.memory_space<vmem_shared>>
      tpu.enqueue_dma source(%arg7 : memref<128x128xf32, #tpu.memory_space<vmem>>) target(%dma_start3A_92 : memref<128x128xf32, #tpu.memory_space<vmem_shared>>) target_semaphore(%run_scoped3A : memref<!tpu.dma_semaphore, #tpu.memory_space<semaphore_mem>>)
      %dma_wait3A_93 = arith.constant 0 : i32
      %dma_wait3A_94 = tpu.memref_slice %arg8[%add3A_12, %dma_wait3A_93] : memref<10240x128xf32, #tpu.memory_space<vmem_shared>> -> memref<128x128xf32, #tpu.memory_space<vmem_shared>>
      %dma_wait3A_95 = arith.constant 0 : i32
      %dma_wait3A_96 = tpu.memref_slice %arg8[%add3A_12, %dma_wait3A_95] : memref<10240x128xf32, #tpu.memory_space<vmem_shared>> -> memref<128x128xf32, #tpu.memory_space<vmem_shared>>
      tpu.wait_dma2 semaphore(%run_scoped3A : memref<!tpu.dma_semaphore, #tpu.memory_space<semaphore_mem>>) src(%arg7 : memref<128x128xf32, #tpu.memory_space<vmem>>) dst(%dma_wait3A_96 : memref<128x128xf32, #tpu.memory_space<vmem_shared>>)
      tpu.yield
    }) : () -> ()
    %add3A_13 = arith.constant 512 : i32
    %add3A_14 = arith.addi %mul3A_4, %add3A_13 : i32
    "tpu.region"() ({
      %run_scoped3A = tpu.sem_alloc : memref<!tpu.dma_semaphore, #tpu.memory_space<semaphore_mem>>
      %dma_start3A_89 = arith.constant 0 : i32
      %dma_start3A_90 = tpu.memref_slice %arg8[%add3A_14, %dma_start3A_89] : memref<10240x128xf32, #tpu.memory_space<vmem_shared>> -> memref<128x128xf32, #tpu.memory_space<vmem_shared>>
      %dma_start3A_91 = arith.constant 0 : i32
      %dma_start3A_92 = tpu.memref_slice %arg8[%add3A_14, %dma_start3A_91] : memref<10240x128xf32, #tpu.memory_space<vmem_shared>> -> memref<128x128xf32, #tpu.memory_space<vmem_shared>>
      tpu.enqueue_dma source(%arg7 : memref<128x128xf32, #tpu.memory_space<vmem>>) target(%dma_start3A_92 : memref<128x128xf32, #tpu.memory_space<vmem_shared>>) target_semaphore(%run_scoped3A : memref<!tpu.dma_semaphore, #tpu.memory_space<semaphore_mem>>)
      %dma_wait3A_93 = arith.constant 0 : i32
      %dma_wait3A_94 = tpu.memref_slice %arg8[%add3A_14, %dma_wait3A_93] : memref<10240x128xf32, #tpu.memory_space<vmem_shared>> -> memref<128x128xf32, #tpu.memory_space<vmem_shared>>
      %dma_wait3A_95 = arith.constant 0 : i32
      %dma_wait3A_96 = tpu.memref_slice %arg8[%add3A_14, %dma_wait3A_95] : memref<10240x128xf32, #tpu.memory_space<vmem_shared>> -> memref<128x128xf32, #tpu.memory_space<vmem_shared>>
      tpu.wait_dma2 semaphore(%run_scoped3A : memref<!tpu.dma_semaphore, #tpu.memory_space<semaphore_mem>>) src(%arg7 : memref<128x128xf32, #tpu.memory_space<vmem>>) dst(%dma_wait3A_96 : memref<128x128xf32, #tpu.memory_space<vmem_shared>>)
      tpu.yield
    }) : () -> ()
    "tpu.region"() ({
      %run_scoped3A = tpu.sem_alloc : memref<!tpu.dma_semaphore, #tpu.memory_space<semaphore_mem>>
      tpu.enqueue_dma source(%arg3 : memref<128x128xf32, #tpu.memory_space<hbm>>) target(%arg7 : memref<128x128xf32, #tpu.memory_space<vmem>>) target_semaphore(%run_scoped3A : memref<!tpu.dma_semaphore, #tpu.memory_space<semaphore_mem>>)
      tpu.wait_dma2 semaphore(%run_scoped3A : memref<!tpu.dma_semaphore, #tpu.memory_space<semaphore_mem>>) src(%arg3 : memref<128x128xf32, #tpu.memory_space<hbm>>) dst(%arg7 : memref<128x128xf32, #tpu.memory_space<vmem>>)
      tpu.yield
    }) : () -> ()
    %barrier3A = arith.constant 0 : index
    tpu.barrier barrier_id(%barrier3A)
    %dma_start3A = arith.constant 0 : i32
    %dma_start3A_15 = arith.constant 0 : i32
    %dma_start3A_16 = tpu.memref_slice %arg6[%dma_start3A, %dma_start3A_15] : memref<80x128xi32, #tpu.memory_space<vmem>> -> memref<1x128xi32, #tpu.memory_space<vmem>>
    %dma_start3A_17 = tpu.memref_squeeze %dma_start3A_16 : memref<1x128xi32, #tpu.memory_space<vmem>> -> memref<128xi32, #tpu.memory_space<vmem>>
    %dma_start3A_18 = arith.constant 0 : i32
    %dma_start3A_19 = arith.constant 0 : i32
    %dma_start3A_20 = tpu.memref_slice %arg8[%dma_start3A_18, %dma_start3A_19] : memref<10240x128xf32, #tpu.memory_space<vmem_shared>> -> memref<10240x128xf32, #tpu.memory_space<vmem_shared>>
    tpu.enqueue_indirect_dma source(%arg7 : memref<128x128xf32, #tpu.memory_space<vmem>>) target(%dma_start3A_20 : memref<10240x128xf32, #tpu.memory_space<vmem_shared>>) offsets(%dma_start3A_17 : memref<128xi32, #tpu.memory_space<vmem>>) semaphore(%arg9 : memref<!tpu.dma_semaphore, #tpu.memory_space<semaphore_mem>>) {add = true}
    %dma_start3A_21 = arith.constant 1 : i32
    %dma_start3A_22 = arith.constant 0 : i32
    %dma_start3A_23 = tpu.memref_slice %arg6[%dma_start3A_21, %dma_start3A_22] : memref<80x128xi32, #tpu.memory_space<vmem>> -> memref<1x128xi32, #tpu.memory_space<vmem>>
    %dma_start3A_24 = tpu.memref_squeeze %dma_start3A_23 : memref<1x128xi32, #tpu.memory_space<vmem>> -> memref<128xi32, #tpu.memory_space<vmem>>
    %dma_start3A_25 = arith.constant 0 : i32
    %dma_start3A_26 = arith.constant 0 : i32
    %dma_start3A_27 = tpu.memref_slice %arg8[%dma_start3A_25, %dma_start3A_26] : memref<10240x128xf32, #tpu.memory_space<vmem_shared>> -> memref<10240x128xf32, #tpu.memory_space<vmem_shared>>
    tpu.enqueue_indirect_dma source(%arg7 : memref<128x128xf32, #tpu.memory_space<vmem>>) target(%dma_start3A_27 : memref<10240x128xf32, #tpu.memory_space<vmem_shared>>) offsets(%dma_start3A_24 : memref<128xi32, #tpu.memory_space<vmem>>) semaphore(%arg9 : memref<!tpu.dma_semaphore, #tpu.memory_space<semaphore_mem>>) {add = true}
    %dma_start3A_28 = arith.constant 2 : i32
    %dma_start3A_29 = arith.constant 0 : i32
    %dma_start3A_30 = tpu.memref_slice %arg6[%dma_start3A_28, %dma_start3A_29] : memref<80x128xi32, #tpu.memory_space<vmem>> -> memref<1x128xi32, #tpu.memory_space<vmem>>
    %dma_start3A_31 = tpu.memref_squeeze %dma_start3A_30 : memref<1x128xi32, #tpu.memory_space<vmem>> -> memref<128xi32, #tpu.memory_space<vmem>>
    %dma_start3A_32 = arith.constant 0 : i32
    %dma_start3A_33 = arith.constant 0 : i32
    %dma_start3A_34 = tpu.memref_slice %arg8[%dma_start3A_32, %dma_start3A_33] : memref<10240x128xf32, #tpu.memory_space<vmem_shared>> -> memref<10240x128xf32, #tpu.memory_space<vmem_shared>>
    tpu.enqueue_indirect_dma source(%arg7 : memref<128x128xf32, #tpu.memory_space<vmem>>) target(%dma_start3A_34 : memref<10240x128xf32, #tpu.memory_space<vmem_shared>>) offsets(%dma_start3A_31 : memref<128xi32, #tpu.memory_space<vmem>>) semaphore(%arg9 : memref<!tpu.dma_semaphore, #tpu.memory_space<semaphore_mem>>) {add = true}
    %dma_start3A_35 = arith.constant 3 : i32
    %dma_start3A_36 = arith.constant 0 : i32
    %dma_start3A_37 = tpu.memref_slice %arg6[%dma_start3A_35, %dma_start3A_36] : memref<80x128xi32, #tpu.memory_space<vmem>> -> memref<1x128xi32, #tpu.memory_space<vmem>>
    %dma_start3A_38 = tpu.memref_squeeze %dma_start3A_37 : memref<1x128xi32, #tpu.memory_space<vmem>> -> memref<128xi32, #tpu.memory_space<vmem>>
    %dma_start3A_39 = arith.constant 0 : i32
    %dma_start3A_40 = arith.constant 0 : i32
    %dma_start3A_41 = tpu.memref_slice %arg8[%dma_start3A_39, %dma_start3A_40] : memref<10240x128xf32, #tpu.memory_space<vmem_shared>> -> memref<10240x128xf32, #tpu.memory_space<vmem_shared>>
    tpu.enqueue_indirect_dma source(%arg7 : memref<128x128xf32, #tpu.memory_space<vmem>>) target(%dma_start3A_41 : memref<10240x128xf32, #tpu.memory_space<vmem_shared>>) offsets(%dma_start3A_38 : memref<128xi32, #tpu.memory_space<vmem>>) semaphore(%arg9 : memref<!tpu.dma_semaphore, #tpu.memory_space<semaphore_mem>>) {add = true}
    %scan3A = arith.constant 0 : i32
    %scan3A_42 = arith.constant 0 : i32
    %scan3A_43 = arith.constant 38 : i32
    %scan3A_44 = arith.addi %scan3A_42, %scan3A_43 : i32
    %scan3A_45 = arith.constant 1 : i32
    scf.for %scan3A_89 = %scan3A_42 to %scan3A_44 step %scan3A_45  : i32 {
      %mul3A_90 = arith.constant 2 : i32
      %mul3A_91 = arith.muli %mul3A_90, %scan3A_89 : i32
      %add3A_92 = arith.constant 4 : i32
      %add3A_93 = arith.addi %add3A_92, %mul3A_91 : i32
      %dma_wait3A_94 = arith.constant 0 : i32
      %dma_wait3A_95 = arith.constant 0 : i32
      %dma_wait3A_96 = tpu.memref_slice %arg5[%arg0, %dma_wait3A_94, %dma_wait3A_95] : memref<2x10240x128xf32, #tpu.memory_space<hbm>> -> memref<1x128x128xf32, #tpu.memory_space<hbm>>
      %dma_wait3A_97 = tpu.memref_squeeze %dma_wait3A_96 : memref<1x128x128xf32, #tpu.memory_space<hbm>> -> memref<128x128xf32, #tpu.memory_space<hbm>>
      %dma_wait3A_98 = arith.constant 0 : i32
      %dma_wait3A_99 = arith.constant 0 : i32
      %dma_wait3A_100 = tpu.memref_slice %arg5[%arg0, %dma_wait3A_98, %dma_wait3A_99] : memref<2x10240x128xf32, #tpu.memory_space<hbm>> -> memref<1x128x128xf32, #tpu.memory_space<hbm>>
      %dma_wait3A_101 = tpu.memref_squeeze %dma_wait3A_100 : memref<1x128x128xf32, #tpu.memory_space<hbm>> -> memref<128x128xf32, #tpu.memory_space<hbm>>
      tpu.wait_dma2 semaphore(%arg9 : memref<!tpu.dma_semaphore, #tpu.memory_space<semaphore_mem>>) src(%dma_wait3A_101 : memref<128x128xf32, #tpu.memory_space<hbm>>) dst(%arg7 : memref<128x128xf32, #tpu.memory_space<vmem>>)
      %dma_wait3A_102 = arith.constant 0 : i32
      %dma_wait3A_103 = arith.constant 0 : i32
      %dma_wait3A_104 = tpu.memref_slice %arg5[%arg0, %dma_wait3A_102, %dma_wait3A_103] : memref<2x10240x128xf32, #tpu.memory_space<hbm>> -> memref<1x128x128xf32, #tpu.memory_space<hbm>>
      %dma_wait3A_105 = tpu.memref_squeeze %dma_wait3A_104 : memref<1x128x128xf32, #tpu.memory_space<hbm>> -> memref<128x128xf32, #tpu.memory_space<hbm>>
      %dma_wait3A_106 = arith.constant 0 : i32
      %dma_wait3A_107 = arith.constant 0 : i32
      %dma_wait3A_108 = tpu.memref_slice %arg5[%arg0, %dma_wait3A_106, %dma_wait3A_107] : memref<2x10240x128xf32, #tpu.memory_space<hbm>> -> memref<1x128x128xf32, #tpu.memory_space<hbm>>
      %dma_wait3A_109 = tpu.memref_squeeze %dma_wait3A_108 : memref<1x128x128xf32, #tpu.memory_space<hbm>> -> memref<128x128xf32, #tpu.memory_space<hbm>>
      tpu.wait_dma2 semaphore(%arg9 : memref<!tpu.dma_semaphore, #tpu.memory_space<semaphore_mem>>) src(%dma_wait3A_109 : memref<128x128xf32, #tpu.memory_space<hbm>>) dst(%arg7 : memref<128x128xf32, #tpu.memory_space<vmem>>)
      %dma_start3A_110 = arith.constant 0 : i32
      %dma_start3A_111 = tpu.memref_slice %arg6[%add3A_93, %dma_start3A_110] : memref<80x128xi32, #tpu.memory_space<vmem>> -> memref<1x128xi32, #tpu.memory_space<vmem>>
      %dma_start3A_112 = tpu.memref_squeeze %dma_start3A_111 : memref<1x128xi32, #tpu.memory_space<vmem>> -> memref<128xi32, #tpu.memory_space<vmem>>
      %dma_start3A_113 = arith.constant 0 : i32
      %dma_start3A_114 = arith.constant 0 : i32
      %dma_start3A_115 = tpu.memref_slice %arg8[%dma_start3A_113, %dma_start3A_114] : memref<10240x128xf32, #tpu.memory_space<vmem_shared>> -> memref<10240x128xf32, #tpu.memory_space<vmem_shared>>
      tpu.enqueue_indirect_dma source(%arg7 : memref<128x128xf32, #tpu.memory_space<vmem>>) target(%dma_start3A_115 : memref<10240x128xf32, #tpu.memory_space<vmem_shared>>) offsets(%dma_start3A_112 : memref<128xi32, #tpu.memory_space<vmem>>) semaphore(%arg9 : memref<!tpu.dma_semaphore, #tpu.memory_space<semaphore_mem>>) {add = true}
      %add3A_116 = arith.constant 1 : i32
      %add3A_117 = arith.addi %add3A_93, %add3A_116 : i32
      %dma_start3A_118 = arith.constant 0 : i32
      %dma_start3A_119 = tpu.memref_slice %arg6[%add3A_117, %dma_start3A_118] : memref<80x128xi32, #tpu.memory_space<vmem>> -> memref<1x128xi32, #tpu.memory_space<vmem>>
      %dma_start3A_120 = tpu.memref_squeeze %dma_start3A_119 : memref<1x128xi32, #tpu.memory_space<vmem>> -> memref<128xi32, #tpu.memory_space<vmem>>
      %dma_start3A_121 = arith.constant 0 : i32
      %dma_start3A_122 = arith.constant 0 : i32
      %dma_start3A_123 = tpu.memref_slice %arg8[%dma_start3A_121, %dma_start3A_122] : memref<10240x128xf32, #tpu.memory_space<vmem_shared>> -> memref<10240x128xf32, #tpu.memory_space<vmem_shared>>
      tpu.enqueue_indirect_dma source(%arg7 : memref<128x128xf32, #tpu.memory_space<vmem>>) target(%dma_start3A_123 : memref<10240x128xf32, #tpu.memory_space<vmem_shared>>) offsets(%dma_start3A_120 : memref<128xi32, #tpu.memory_space<vmem>>) semaphore(%arg9 : memref<!tpu.dma_semaphore, #tpu.memory_space<semaphore_mem>>) {add = true}
    }
    %scan3A_46 = arith.constant 38 : i32
    %dma_wait3A = arith.constant 0 : i32
    %dma_wait3A_47 = arith.constant 0 : i32
    %dma_wait3A_48 = tpu.memref_slice %arg5[%arg0, %dma_wait3A, %dma_wait3A_47] : memref<2x10240x128xf32, #tpu.memory_space<hbm>> -> memref<1x128x128xf32, #tpu.memory_space<hbm>>
    %dma_wait3A_49 = tpu.memref_squeeze %dma_wait3A_48 : memref<1x128x128xf32, #tpu.memory_space<hbm>> -> memref<128x128xf32, #tpu.memory_space<hbm>>
    %dma_wait3A_50 = arith.constant 0 : i32
    %dma_wait3A_51 = arith.constant 0 : i32
    %dma_wait3A_52 = tpu.memref_slice %arg5[%arg0, %dma_wait3A_50, %dma_wait3A_51] : memref<2x10240x128xf32, #tpu.memory_space<hbm>> -> memref<1x128x128xf32, #tpu.memory_space<hbm>>
    %dma_wait3A_53 = tpu.memref_squeeze %dma_wait3A_52 : memref<1x128x128xf32, #tpu.memory_space<hbm>> -> memref<128x128xf32, #tpu.memory_space<hbm>>
    tpu.wait_dma2 semaphore(%arg9 : memref<!tpu.dma_semaphore, #tpu.memory_space<semaphore_mem>>) src(%dma_wait3A_53 : memref<128x128xf32, #tpu.memory_space<hbm>>) dst(%arg7 : memref<128x128xf32, #tpu.memory_space<vmem>>)
    %dma_wait3A_54 = arith.constant 0 : i32
    %dma_wait3A_55 = arith.constant 0 : i32
    %dma_wait3A_56 = tpu.memref_slice %arg5[%arg0, %dma_wait3A_54, %dma_wait3A_55] : memref<2x10240x128xf32, #tpu.memory_space<hbm>> -> memref<1x128x128xf32, #tpu.memory_space<hbm>>
    %dma_wait3A_57 = tpu.memref_squeeze %dma_wait3A_56 : memref<1x128x128xf32, #tpu.memory_space<hbm>> -> memref<128x128xf32, #tpu.memory_space<hbm>>
    %dma_wait3A_58 = arith.constant 0 : i32
    %dma_wait3A_59 = arith.constant 0 : i32
    %dma_wait3A_60 = tpu.memref_slice %arg5[%arg0, %dma_wait3A_58, %dma_wait3A_59] : memref<2x10240x128xf32, #tpu.memory_space<hbm>> -> memref<1x128x128xf32, #tpu.memory_space<hbm>>
    %dma_wait3A_61 = tpu.memref_squeeze %dma_wait3A_60 : memref<1x128x128xf32, #tpu.memory_space<hbm>> -> memref<128x128xf32, #tpu.memory_space<hbm>>
    tpu.wait_dma2 semaphore(%arg9 : memref<!tpu.dma_semaphore, #tpu.memory_space<semaphore_mem>>) src(%dma_wait3A_61 : memref<128x128xf32, #tpu.memory_space<hbm>>) dst(%arg7 : memref<128x128xf32, #tpu.memory_space<vmem>>)
    %dma_wait3A_62 = arith.constant 0 : i32
    %dma_wait3A_63 = arith.constant 0 : i32
    %dma_wait3A_64 = tpu.memref_slice %arg5[%arg0, %dma_wait3A_62, %dma_wait3A_63] : memref<2x10240x128xf32, #tpu.memory_space<hbm>> -> memref<1x128x128xf32, #tpu.memory_space<hbm>>
    %dma_wait3A_65 = tpu.memref_squeeze %dma_wait3A_64 : memref<1x128x128xf32, #tpu.memory_space<hbm>> -> memref<128x128xf32, #tpu.memory_space<hbm>>
    %dma_wait3A_66 = arith.constant 0 : i32
    %dma_wait3A_67 = arith.constant 0 : i32
    %dma_wait3A_68 = tpu.memref_slice %arg5[%arg0, %dma_wait3A_66, %dma_wait3A_67] : memref<2x10240x128xf32, #tpu.memory_space<hbm>> -> memref<1x128x128xf32, #tpu.memory_space<hbm>>
    %dma_wait3A_69 = tpu.memref_squeeze %dma_wait3A_68 : memref<1x128x128xf32, #tpu.memory_space<hbm>> -> memref<128x128xf32, #tpu.memory_space<hbm>>
    tpu.wait_dma2 semaphore(%arg9 : memref<!tpu.dma_semaphore, #tpu.memory_space<semaphore_mem>>) src(%dma_wait3A_69 : memref<128x128xf32, #tpu.memory_space<hbm>>) dst(%arg7 : memref<128x128xf32, #tpu.memory_space<vmem>>)
    %dma_wait3A_70 = arith.constant 0 : i32
    %dma_wait3A_71 = arith.constant 0 : i32
    %dma_wait3A_72 = tpu.memref_slice %arg5[%arg0, %dma_wait3A_70, %dma_wait3A_71] : memref<2x10240x128xf32, #tpu.memory_space<hbm>> -> memref<1x128x128xf32, #tpu.memory_space<hbm>>
    %dma_wait3A_73 = tpu.memref_squeeze %dma_wait3A_72 : memref<1x128x128xf32, #tpu.memory_space<hbm>> -> memref<128x128xf32, #tpu.memory_space<hbm>>
    %dma_wait3A_74 = arith.constant 0 : i32
    %dma_wait3A_75 = arith.constant 0 : i32
    %dma_wait3A_76 = tpu.memref_slice %arg5[%arg0, %dma_wait3A_74, %dma_wait3A_75] : memref<2x10240x128xf32, #tpu.memory_space<hbm>> -> memref<1x128x128xf32, #tpu.memory_space<hbm>>
    %dma_wait3A_77 = tpu.memref_squeeze %dma_wait3A_76 : memref<1x128x128xf32, #tpu.memory_space<hbm>> -> memref<128x128xf32, #tpu.memory_space<hbm>>
    tpu.wait_dma2 semaphore(%arg9 : memref<!tpu.dma_semaphore, #tpu.memory_space<semaphore_mem>>) src(%dma_wait3A_77 : memref<128x128xf32, #tpu.memory_space<hbm>>) dst(%arg7 : memref<128x128xf32, #tpu.memory_space<vmem>>)
    %barrier3A_78 = arith.constant 0 : index
    tpu.barrier barrier_id(%barrier3A_78)
    %add3A_79 = arith.constant 0 : i32
    %add3A_80 = arith.addi %mul3A_4, %add3A_79 : i32
    "tpu.region"() ({
      %run_scoped3A = tpu.sem_alloc : memref<!tpu.dma_semaphore, #tpu.memory_space<semaphore_mem>>
      %dma_start3A_89 = arith.constant 0 : i32
      %dma_start3A_90 = tpu.memref_slice %arg5[%arg0, %add3A_80, %dma_start3A_89] : memref<2x10240x128xf32, #tpu.memory_space<hbm>> -> memref<1x128x128xf32, #tpu.memory_space<hbm>>
      %dma_start3A_91 = tpu.memref_squeeze %dma_start3A_90 : memref<1x128x128xf32, #tpu.memory_space<hbm>> -> memref<128x128xf32, #tpu.memory_space<hbm>>
      %dma_start3A_92 = arith.constant 0 : i32
      %dma_start3A_93 = tpu.memref_slice %arg8[%add3A_80, %dma_start3A_92] : memref<10240x128xf32, #tpu.memory_space<vmem_shared>> -> memref<128x128xf32, #tpu.memory_space<vmem_shared>>
      tpu.enqueue_dma source(%dma_start3A_93 : memref<128x128xf32, #tpu.memory_space<vmem_shared>>) target(%dma_start3A_91 : memref<128x128xf32, #tpu.memory_space<hbm>>) target_semaphore(%run_scoped3A : memref<!tpu.dma_semaphore, #tpu.memory_space<semaphore_mem>>)
      %dma_wait3A_94 = arith.constant 0 : i32
      %dma_wait3A_95 = tpu.memref_slice %arg5[%arg0, %add3A_80, %dma_wait3A_94] : memref<2x10240x128xf32, #tpu.memory_space<hbm>> -> memref<1x128x128xf32, #tpu.memory_space<hbm>>
      %dma_wait3A_96 = tpu.memref_squeeze %dma_wait3A_95 : memref<1x128x128xf32, #tpu.memory_space<hbm>> -> memref<128x128xf32, #tpu.memory_space<hbm>>
      %dma_wait3A_97 = arith.constant 0 : i32
      %dma_wait3A_98 = tpu.memref_slice %arg8[%add3A_80, %dma_wait3A_97] : memref<10240x128xf32, #tpu.memory_space<vmem_shared>> -> memref<128x128xf32, #tpu.memory_space<vmem_shared>>
      tpu.wait_dma2 semaphore(%run_scoped3A : memref<!tpu.dma_semaphore, #tpu.memory_space<semaphore_mem>>) src(%dma_wait3A_98 : memref<128x128xf32, #tpu.memory_space<vmem_shared>>) dst(%dma_wait3A_96 : memref<128x128xf32, #tpu.memory_space<hbm>>)
      tpu.yield
    }) : () -> ()
    %add3A_81 = arith.constant 128 : i32
    %add3A_82 = arith.addi %mul3A_4, %add3A_81 : i32
    "tpu.region"() ({
      %run_scoped3A = tpu.sem_alloc : memref<!tpu.dma_semaphore, #tpu.memory_space<semaphore_mem>>
      %dma_start3A_89 = arith.constant 0 : i32
      %dma_start3A_90 = tpu.memref_slice %arg5[%arg0, %add3A_82, %dma_start3A_89] : memref<2x10240x128xf32, #tpu.memory_space<hbm>> -> memref<1x128x128xf32, #tpu.memory_space<hbm>>
      %dma_start3A_91 = tpu.memref_squeeze %dma_start3A_90 : memref<1x128x128xf32, #tpu.memory_space<hbm>> -> memref<128x128xf32, #tpu.memory_space<hbm>>
      %dma_start3A_92 = arith.constant 0 : i32
      %dma_start3A_93 = tpu.memref_slice %arg8[%add3A_82, %dma_start3A_92] : memref<10240x128xf32, #tpu.memory_space<vmem_shared>> -> memref<128x128xf32, #tpu.memory_space<vmem_shared>>
      tpu.enqueue_dma source(%dma_start3A_93 : memref<128x128xf32, #tpu.memory_space<vmem_shared>>) target(%dma_start3A_91 : memref<128x128xf32, #tpu.memory_space<hbm>>) target_semaphore(%run_scoped3A : memref<!tpu.dma_semaphore, #tpu.memory_space<semaphore_mem>>)
      %dma_wait3A_94 = arith.constant 0 : i32
      %dma_wait3A_95 = tpu.memref_slice %arg5[%arg0, %add3A_82, %dma_wait3A_94] : memref<2x10240x128xf32, #tpu.memory_space<hbm>> -> memref<1x128x128xf32, #tpu.memory_space<hbm>>
      %dma_wait3A_96 = tpu.memref_squeeze %dma_wait3A_95 : memref<1x128x128xf32, #tpu.memory_space<hbm>> -> memref<128x128xf32, #tpu.memory_space<hbm>>
      %dma_wait3A_97 = arith.constant 0 : i32
      %dma_wait3A_98 = tpu.memref_slice %arg8[%add3A_82, %dma_wait3A_97] : memref<10240x128xf32, #tpu.memory_space<vmem_shared>> -> memref<128x128xf32, #tpu.memory_space<vmem_shared>>
      tpu.wait_dma2 semaphore(%run_scoped3A : memref<!tpu.dma_semaphore, #tpu.memory_space<semaphore_mem>>) src(%dma_wait3A_98 : memref<128x128xf32, #tpu.memory_space<vmem_shared>>) dst(%dma_wait3A_96 : memref<128x128xf32, #tpu.memory_space<hbm>>)
      tpu.yield
    }) : () -> ()
    %add3A_83 = arith.constant 256 : i32
    %add3A_84 = arith.addi %mul3A_4, %add3A_83 : i32
    "tpu.region"() ({
      %run_scoped3A = tpu.sem_alloc : memref<!tpu.dma_semaphore, #tpu.memory_space<semaphore_mem>>
      %dma_start3A_89 = arith.constant 0 : i32
      %dma_start3A_90 = tpu.memref_slice %arg5[%arg0, %add3A_84, %dma_start3A_89] : memref<2x10240x128xf32, #tpu.memory_space<hbm>> -> memref<1x128x128xf32, #tpu.memory_space<hbm>>
      %dma_start3A_91 = tpu.memref_squeeze %dma_start3A_90 : memref<1x128x128xf32, #tpu.memory_space<hbm>> -> memref<128x128xf32, #tpu.memory_space<hbm>>
      %dma_start3A_92 = arith.constant 0 : i32
      %dma_start3A_93 = tpu.memref_slice %arg8[%add3A_84, %dma_start3A_92] : memref<10240x128xf32, #tpu.memory_space<vmem_shared>> -> memref<128x128xf32, #tpu.memory_space<vmem_shared>>
      tpu.enqueue_dma source(%dma_start3A_93 : memref<128x128xf32, #tpu.memory_space<vmem_shared>>) target(%dma_start3A_91 : memref<128x128xf32, #tpu.memory_space<hbm>>) target_semaphore(%run_scoped3A : memref<!tpu.dma_semaphore, #tpu.memory_space<semaphore_mem>>)
      %dma_wait3A_94 = arith.constant 0 : i32
      %dma_wait3A_95 = tpu.memref_slice %arg5[%arg0, %add3A_84, %dma_wait3A_94] : memref<2x10240x128xf32, #tpu.memory_space<hbm>> -> memref<1x128x128xf32, #tpu.memory_space<hbm>>
      %dma_wait3A_96 = tpu.memref_squeeze %dma_wait3A_95 : memref<1x128x128xf32, #tpu.memory_space<hbm>> -> memref<128x128xf32, #tpu.memory_space<hbm>>
      %dma_wait3A_97 = arith.constant 0 : i32
      %dma_wait3A_98 = tpu.memref_slice %arg8[%add3A_84, %dma_wait3A_97] : memref<10240x128xf32, #tpu.memory_space<vmem_shared>> -> memref<128x128xf32, #tpu.memory_space<vmem_shared>>
      tpu.wait_dma2 semaphore(%run_scoped3A : memref<!tpu.dma_semaphore, #tpu.memory_space<semaphore_mem>>) src(%dma_wait3A_98 : memref<128x128xf32, #tpu.memory_space<vmem_shared>>) dst(%dma_wait3A_96 : memref<128x128xf32, #tpu.memory_space<hbm>>)
      tpu.yield
    }) : () -> ()
    %add3A_85 = arith.constant 384 : i32
    %add3A_86 = arith.addi %mul3A_4, %add3A_85 : i32
    "tpu.region"() ({
      %run_scoped3A = tpu.sem_alloc : memref<!tpu.dma_semaphore, #tpu.memory_space<semaphore_mem>>
      %dma_start3A_89 = arith.constant 0 : i32
      %dma_start3A_90 = tpu.memref_slice %arg5[%arg0, %add3A_86, %dma_start3A_89] : memref<2x10240x128xf32, #tpu.memory_space<hbm>> -> memref<1x128x128xf32, #tpu.memory_space<hbm>>
      %dma_start3A_91 = tpu.memref_squeeze %dma_start3A_90 : memref<1x128x128xf32, #tpu.memory_space<hbm>> -> memref<128x128xf32, #tpu.memory_space<hbm>>
      %dma_start3A_92 = arith.constant 0 : i32
      %dma_start3A_93 = tpu.memref_slice %arg8[%add3A_86, %dma_start3A_92] : memref<10240x128xf32, #tpu.memory_space<vmem_shared>> -> memref<128x128xf32, #tpu.memory_space<vmem_shared>>
      tpu.enqueue_dma source(%dma_start3A_93 : memref<128x128xf32, #tpu.memory_space<vmem_shared>>) target(%dma_start3A_91 : memref<128x128xf32, #tpu.memory_space<hbm>>) target_semaphore(%run_scoped3A : memref<!tpu.dma_semaphore, #tpu.memory_space<semaphore_mem>>)
      %dma_wait3A_94 = arith.constant 0 : i32
      %dma_wait3A_95 = tpu.memref_slice %arg5[%arg0, %add3A_86, %dma_wait3A_94] : memref<2x10240x128xf32, #tpu.memory_space<hbm>> -> memref<1x128x128xf32, #tpu.memory_space<hbm>>
      %dma_wait3A_96 = tpu.memref_squeeze %dma_wait3A_95 : memref<1x128x128xf32, #tpu.memory_space<hbm>> -> memref<128x128xf32, #tpu.memory_space<hbm>>
      %dma_wait3A_97 = arith.constant 0 : i32
      %dma_wait3A_98 = tpu.memref_slice %arg8[%add3A_86, %dma_wait3A_97] : memref<10240x128xf32, #tpu.memory_space<vmem_shared>> -> memref<128x128xf32, #tpu.memory_space<vmem_shared>>
      tpu.wait_dma2 semaphore(%run_scoped3A : memref<!tpu.dma_semaphore, #tpu.memory_space<semaphore_mem>>) src(%dma_wait3A_98 : memref<128x128xf32, #tpu.memory_space<vmem_shared>>) dst(%dma_wait3A_96 : memref<128x128xf32, #tpu.memory_space<hbm>>)
      tpu.yield
    }) : () -> ()
    %add3A_87 = arith.constant 512 : i32
    %add3A_88 = arith.addi %mul3A_4, %add3A_87 : i32
    "tpu.region"() ({
      %run_scoped3A = tpu.sem_alloc : memref<!tpu.dma_semaphore, #tpu.memory_space<semaphore_mem>>
      %dma_start3A_89 = arith.constant 0 : i32
      %dma_start3A_90 = tpu.memref_slice %arg5[%arg0, %add3A_88, %dma_start3A_89] : memref<2x10240x128xf32, #tpu.memory_space<hbm>> -> memref<1x128x128xf32, #tpu.memory_space<hbm>>
      %dma_start3A_91 = tpu.memref_squeeze %dma_start3A_90 : memref<1x128x128xf32, #tpu.memory_space<hbm>> -> memref<128x128xf32, #tpu.memory_space<hbm>>
      %dma_start3A_92 = arith.constant 0 : i32
      %dma_start3A_93 = tpu.memref_slice %arg8[%add3A_88, %dma_start3A_92] : memref<10240x128xf32, #tpu.memory_space<vmem_shared>> -> memref<128x128xf32, #tpu.memory_space<vmem_shared>>
      tpu.enqueue_dma source(%dma_start3A_93 : memref<128x128xf32, #tpu.memory_space<vmem_shared>>) target(%dma_start3A_91 : memref<128x128xf32, #tpu.memory_space<hbm>>) target_semaphore(%run_scoped3A : memref<!tpu.dma_semaphore, #tpu.memory_space<semaphore_mem>>)
      %dma_wait3A_94 = arith.constant 0 : i32
      %dma_wait3A_95 = tpu.memref_slice %arg5[%arg0, %add3A_88, %dma_wait3A_94] : memref<2x10240x128xf32, #tpu.memory_space<hbm>> -> memref<1x128x128xf32, #tpu.memory_space<hbm>>
      %dma_wait3A_96 = tpu.memref_squeeze %dma_wait3A_95 : memref<1x128x128xf32, #tpu.memory_space<hbm>> -> memref<128x128xf32, #tpu.memory_space<hbm>>
      %dma_wait3A_97 = arith.constant 0 : i32
      %dma_wait3A_98 = tpu.memref_slice %arg8[%add3A_88, %dma_wait3A_97] : memref<10240x128xf32, #tpu.memory_space<vmem_shared>> -> memref<128x128xf32, #tpu.memory_space<vmem_shared>>
      tpu.wait_dma2 semaphore(%run_scoped3A : memref<!tpu.dma_semaphore, #tpu.memory_space<semaphore_mem>>) src(%dma_wait3A_98 : memref<128x128xf32, #tpu.memory_space<vmem_shared>>) dst(%dma_wait3A_96 : memref<128x128xf32, #tpu.memory_space<hbm>>)
      tpu.yield
    }) : () -> ()
    return
  }
}

module attributes {stable_mosaic.version = 14 : i64} {
  func.func @_hmlp_body(%arg0: i32, %arg1: memref<320x128xf32, #tpu.memory_space<vmem>>, %arg2: memref<128x128xf32, #tpu.memory_space<vmem>>, %arg3: memref<1x128xf32, #tpu.memory_space<vmem>>, %arg4: memref<128x128xf32, #tpu.memory_space<vmem>>, %arg5: memref<1x128xf32, #tpu.memory_space<vmem>>, %arg6: memref<320x128xf32, #tpu.memory_space<vmem>>) attributes {dimension_semantics = [#tpu.dimension_semantics<arbitrary>], iteration_bounds = array<i64: 32>, scalar_prefetch = 0 : i64, scratch_operands = 0 : i64, tpu.core_type = #tpu.core_type<tc>, window_params = [{transform_indices = @transform_0, window_bounds = array<i64: 320, 128>}, {pipeline_mode = #tpu.pipeline_mode<synchronous>, transform_indices = @transform_1, window_bounds = array<i64: 128, 128>}, {pipeline_mode = #tpu.pipeline_mode<synchronous>, transform_indices = @transform_2, window_bounds = array<i64: 1, 128>}, {pipeline_mode = #tpu.pipeline_mode<synchronous>, transform_indices = @transform_3, window_bounds = array<i64: 128, 128>}, {pipeline_mode = #tpu.pipeline_mode<synchronous>, transform_indices = @transform_4, window_bounds = array<i64: 1, 128>}, {transform_indices = @transform_5, window_bounds = array<i64: 320, 128>}]} {
    %get3A = arith.constant 0 : index
    %get3A_0 = arith.constant 0 : index
    %get3A_1 = vector.load %arg1[%get3A, %get3A_0] : memref<320x128xf32, #tpu.memory_space<vmem>>, vector<320x128xf32>
    %get3A_2 = arith.constant 0 : index
    %get3A_3 = arith.constant 0 : index
    %get3A_4 = vector.load %arg2[%get3A_2, %get3A_3] : memref<128x128xf32, #tpu.memory_space<vmem>>, vector<128x128xf32>
    %dot_general3A = arith.constant dense<0.000000e+00> : vector<320x128xf32>
    %dot_general3A_5 = tpu.matmul %get3A_1, %get3A_4, %dot_general3A {dimension_numbers = #tpu.dot_dimension_numbers<[1], [0], [0], [1], [0, 0, 1, 1], [], []>, transpose_lhs_hint = false} : vector<320x128xf32>, vector<128x128xf32>, vector<320x128xf32> -> vector<320x128xf32>
    %get3A_6 = arith.constant 0 : index
    %get3A_7 = arith.constant 0 : index
    %get3A_8 = vector.load %arg3[%get3A_6, %get3A_7] : memref<1x128xf32, #tpu.memory_space<vmem>>, vector<1x128xf32>
    %add3A = vector.broadcast %get3A_8 : vector<1x128xf32> to vector<320x128xf32>
    %add3A_9 = arith.addf %dot_general3A_5, %add3A : vector<320x128xf32>
    %max3A = arith.constant 0.000000e+00 : f32
    %max3A_10 = vector.broadcast %max3A : f32 to vector<320x128xf32>
    %max3A_11 = arith.maximumf %add3A_9, %max3A_10 : vector<320x128xf32>
    %get3A_12 = arith.constant 0 : index
    %get3A_13 = arith.constant 0 : index
    %get3A_14 = vector.load %arg4[%get3A_12, %get3A_13] : memref<128x128xf32, #tpu.memory_space<vmem>>, vector<128x128xf32>
    %dot_general3A_15 = arith.constant dense<0.000000e+00> : vector<320x128xf32>
    %dot_general3A_16 = tpu.matmul %max3A_11, %get3A_14, %dot_general3A_15 {dimension_numbers = #tpu.dot_dimension_numbers<[1], [0], [0], [1], [0, 0, 1, 1], [], []>, transpose_lhs_hint = false} : vector<320x128xf32>, vector<128x128xf32>, vector<320x128xf32> -> vector<320x128xf32>
    %get3A_17 = arith.constant 0 : index
    %get3A_18 = arith.constant 0 : index
    %get3A_19 = vector.load %arg5[%get3A_17, %get3A_18] : memref<1x128xf32, #tpu.memory_space<vmem>>, vector<1x128xf32>
    %add3A_20 = vector.broadcast %get3A_19 : vector<1x128xf32> to vector<320x128xf32>
    %add3A_21 = arith.addf %dot_general3A_16, %add3A_20 : vector<320x128xf32>
    %max3A_22 = arith.constant 0.000000e+00 : f32
    %max3A_23 = vector.broadcast %max3A_22 : f32 to vector<320x128xf32>
    %max3A_24 = arith.maximumf %add3A_21, %max3A_23 : vector<320x128xf32>
    %swap3A = arith.constant 0 : index
    %swap3A_25 = arith.constant 0 : index
    %swap3A_26 = vector.load %arg6[%swap3A, %swap3A_25] : memref<320x128xf32, #tpu.memory_space<vmem>>, vector<320x128xf32>
    tpu.vector_store %arg6[%swap3A, %swap3A_25], %max3A_24 {strides = array<i32>} : memref<320x128xf32, #tpu.memory_space<vmem>>, vector<320x128xf32>,
    return
  }
  func.func @transform_0(%arg0: i32) -> (i32, i32) {
    %c0_i32 = arith.constant 0 : i32
    %c0_i32_0 = arith.constant 0 : i32
    return %arg0, %c0_i32 : i32, i32
  }
  func.func @transform_1(%arg0: i32) -> (i32, i32) {
    %c0_i32 = arith.constant 0 : i32
    %c0_i32_0 = arith.constant 0 : i32
    %c0_i32_1 = arith.constant 0 : i32
    return %c0_i32, %c0_i32_0 : i32, i32
  }
  func.func @transform_2(%arg0: i32) -> (i32, i32) {
    %c0_i32 = arith.constant 0 : i32
    %c0_i32_0 = arith.constant 0 : i32
    %c0_i32_1 = arith.constant 0 : i32
    return %c0_i32, %c0_i32_0 : i32, i32
  }
  func.func @transform_3(%arg0: i32) -> (i32, i32) {
    %c0_i32 = arith.constant 0 : i32
    %c0_i32_0 = arith.constant 0 : i32
    %c0_i32_1 = arith.constant 0 : i32
    return %c0_i32, %c0_i32_0 : i32, i32
  }
  func.func @transform_4(%arg0: i32) -> (i32, i32) {
    %c0_i32 = arith.constant 0 : i32
    %c0_i32_0 = arith.constant 0 : i32
    %c0_i32_1 = arith.constant 0 : i32
    return %c0_i32, %c0_i32_0 : i32, i32
  }
  func.func @transform_5(%arg0: i32) -> (i32, i32) {
    %c0_i32 = arith.constant 0 : i32
    %c0_i32_0 = arith.constant 0 : i32
    return %arg0, %c0_i32 : i32, i32
  }
}

module attributes {stable_mosaic.version = 14 : i64} {
  func.func @_scale_body(%arg0: i32, %arg1: memref<2x320x128xf32, #tpu.memory_space<vmem>>, %arg2: memref<320x128xf32, #tpu.memory_space<vmem>>, %arg3: memref<320x128xf32, #tpu.memory_space<vmem>>, %arg4: memref<320x1xf32, #tpu.memory_space<vmem>>) attributes {dimension_semantics = [#tpu.dimension_semantics<arbitrary>], iteration_bounds = array<i64: 32>, scalar_prefetch = 0 : i64, scratch_operands = 0 : i64, tpu.core_type = #tpu.core_type<tc>, window_params = [{transform_indices = @transform_0, window_bounds = array<i64: 2, 320, 128>}, {transform_indices = @transform_1, window_bounds = array<i64: 320, 128>}, {transform_indices = @transform_2, window_bounds = array<i64: 320, 128>}, {transform_indices = @transform_3, window_bounds = array<i64: 320, 1>}]} {
    %get3A = arith.constant 0 : index
    %get3A_0 = arith.constant 0 : index
    %get3A_1 = arith.constant 0 : index
    %get3A_2 = vector.load %arg1[%get3A, %get3A_0, %get3A_1] : memref<2x320x128xf32, #tpu.memory_space<vmem>>, vector<1x320x1xf32>
    %get3A_3 = vector.shape_cast %get3A_2 : vector<1x320x1xf32> to vector<320x1xf32>
    %get3A_4 = arith.constant 1 : index
    %get3A_5 = arith.constant 0 : index
    %get3A_6 = arith.constant 0 : index
    %get3A_7 = vector.load %arg1[%get3A_4, %get3A_5, %get3A_6] : memref<2x320x128xf32, #tpu.memory_space<vmem>>, vector<1x320x1xf32>
    %get3A_8 = vector.shape_cast %get3A_7 : vector<1x320x1xf32> to vector<320x1xf32>
    %add3A = arith.addf %get3A_3, %get3A_8 : vector<320x1xf32>
    %max3A = arith.constant 1.000000e+00 : f32
    %max3A_9 = vector.broadcast %max3A : f32 to vector<320x1xf32>
    %max3A_10 = arith.maximumf %add3A, %max3A_9 : vector<320x1xf32>
    %rsqrt3A = math.rsqrt %max3A_10 : vector<320x1xf32>
    %mul3A = arith.constant 320 : i32
    %mul3A_11 = arith.muli %arg0, %mul3A : i32
    %iota3A = tpu.iota {dimensions = array<i32: 0>} : vector<320x1xi32>
    %add3A_12 = vector.broadcast %mul3A_11 : i32 to vector<320x1xi32>
    %add3A_13 = arith.addi %add3A_12, %iota3A : vector<320x1xi32>
    %lt3A = arith.constant 10000 : i32
    %lt3A_14 = vector.broadcast %lt3A : i32 to vector<320x1xi32>
    %lt3A_15 = arith.cmpi slt, %add3A_13, %lt3A_14 : vector<320x1xi32>
    %get3A_16 = arith.constant 0 : index
    %get3A_17 = arith.constant 0 : index
    %get3A_18 = vector.load %arg2[%get3A_16, %get3A_17] : memref<320x128xf32, #tpu.memory_space<vmem>>, vector<320x128xf32>
    %mul3A_19 = vector.broadcast %rsqrt3A : vector<320x1xf32> to vector<320x128xf32>
    %mul3A_20 = arith.mulf %get3A_18, %mul3A_19 : vector<320x128xf32>
    %jit3A = arith.constant 0.000000e+00 : f32
    %broadcast_in_dim3A = vector.shape_cast %lt3A_15 : vector<320x1xi1> to vector<320x1xi1>
    %broadcast_in_dim3A_21 = vector.broadcast %broadcast_in_dim3A : vector<320x1xi1> to vector<320x128xi1>
    %broadcast_in_dim3A_22 = vector.broadcast %jit3A : f32 to vector<320x128xf32>
    %select_n3A = arith.select %broadcast_in_dim3A_21, %mul3A_20, %broadcast_in_dim3A_22 : vector<320x128xi1>, vector<320x128xf32>
    %swap3A = arith.constant 0 : index
    %swap3A_23 = arith.constant 0 : index
    %swap3A_24 = vector.load %arg3[%swap3A, %swap3A_23] : memref<320x128xf32, #tpu.memory_space<vmem>>, vector<320x128xf32>
    tpu.vector_store %arg3[%swap3A, %swap3A_23], %select_n3A {strides = array<i32>} : memref<320x128xf32, #tpu.memory_space<vmem>>, vector<320x128xf32>,
    %swap3A_25 = arith.constant 0 : index
    %swap3A_26 = arith.constant 0 : index
    %swap3A_27 = vector.load %arg4[%swap3A_25, %swap3A_26] : memref<320x1xf32, #tpu.memory_space<vmem>>, vector<320x1xf32>
    tpu.vector_store %arg4[%swap3A_25, %swap3A_26], %rsqrt3A {strides = array<i32>} : memref<320x1xf32, #tpu.memory_space<vmem>>, vector<320x1xf32>,
    return
  }
  func.func @transform_0(%arg0: i32) -> (i32, i32, i32) {
    %c0_i32 = arith.constant 0 : i32
    %c0_i32_0 = arith.constant 0 : i32
    %c0_i32_1 = arith.constant 0 : i32
    return %c0_i32, %arg0, %c0_i32_0 : i32, i32, i32
  }
  func.func @transform_1(%arg0: i32) -> (i32, i32) {
    %c0_i32 = arith.constant 0 : i32
    %c0_i32_0 = arith.constant 0 : i32
    return %arg0, %c0_i32 : i32, i32
  }
  func.func @transform_2(%arg0: i32) -> (i32, i32) {
    %c0_i32 = arith.constant 0 : i32
    %c0_i32_0 = arith.constant 0 : i32
    return %arg0, %c0_i32 : i32, i32
  }
  func.func @transform_3(%arg0: i32) -> (i32, i32) {
    %c0_i32 = arith.constant 0 : i32
    %c0_i32_0 = arith.constant 0 : i32
    return %arg0, %c0_i32 : i32, i32
  }
}

module attributes {stable_mosaic.version = 14 : i64} {
  func.func @_elem_body(%arg0: i32, %arg1: memref<320x128xf32, #tpu.memory_space<vmem>>, %arg2: memref<320x1xf32, #tpu.memory_space<vmem>>, %arg3: memref<2x320x128xf32, #tpu.memory_space<vmem>>, %arg4: memref<320x128xf32, #tpu.memory_space<vmem>>) attributes {dimension_semantics = [#tpu.dimension_semantics<arbitrary>], iteration_bounds = array<i64: 32>, scalar_prefetch = 0 : i64, scratch_operands = 0 : i64, tpu.core_type = #tpu.core_type<tc>, window_params = [{transform_indices = @transform_0, window_bounds = array<i64: 320, 128>}, {transform_indices = @transform_1, window_bounds = array<i64: 320, 1>}, {transform_indices = @transform_2, window_bounds = array<i64: 2, 320, 128>}, {transform_indices = @transform_3, window_bounds = array<i64: 320, 128>}]} {
    %get3A = arith.constant 0 : index
    %get3A_0 = arith.constant 0 : index
    %get3A_1 = vector.load %arg1[%get3A, %get3A_0] : memref<320x128xf32, #tpu.memory_space<vmem>>, vector<320x128xf32>
    %get3A_2 = arith.constant 0 : index
    %get3A_3 = arith.constant 0 : index
    %get3A_4 = vector.load %arg2[%get3A_2, %get3A_3] : memref<320x1xf32, #tpu.memory_space<vmem>>, vector<320x1xf32>
    %get3A_5 = arith.constant 0 : index
    %get3A_6 = arith.constant 0 : index
    %get3A_7 = arith.constant 0 : index
    %get3A_8 = vector.load %arg3[%get3A_5, %get3A_6, %get3A_7] : memref<2x320x128xf32, #tpu.memory_space<vmem>>, vector<1x320x128xf32>
    %get3A_9 = vector.shape_cast %get3A_8 : vector<1x320x128xf32> to vector<320x128xf32>
    %get3A_10 = arith.constant 1 : index
    %get3A_11 = arith.constant 0 : index
    %get3A_12 = arith.constant 0 : index
    %get3A_13 = vector.load %arg3[%get3A_10, %get3A_11, %get3A_12] : memref<2x320x128xf32, #tpu.memory_space<vmem>>, vector<1x320x128xf32>
    %get3A_14 = vector.shape_cast %get3A_13 : vector<1x320x128xf32> to vector<320x128xf32>
    %add3A = arith.addf %get3A_9, %get3A_14 : vector<320x128xf32>
    %mul3A = vector.broadcast %get3A_4 : vector<320x1xf32> to vector<320x128xf32>
    %mul3A_15 = arith.mulf %mul3A, %add3A : vector<320x128xf32>
    %sub3A = arith.subf %get3A_1, %mul3A_15 : vector<320x128xf32>
    %mul3A_16 = arith.constant 320 : i32
    %mul3A_17 = arith.muli %arg0, %mul3A_16 : i32
    %iota3A = tpu.iota {dimensions = array<i32: 0>} : vector<320x1xi32>
    %add3A_18 = vector.broadcast %mul3A_17 : i32 to vector<320x1xi32>
    %add3A_19 = arith.addi %add3A_18, %iota3A : vector<320x1xi32>
    %lt3A = arith.constant 10000 : i32
    %lt3A_20 = vector.broadcast %lt3A : i32 to vector<320x1xi32>
    %lt3A_21 = arith.cmpi slt, %add3A_19, %lt3A_20 : vector<320x1xi32>
    %mul3A_22 = vector.broadcast %get3A_4 : vector<320x1xf32> to vector<320x128xf32>
    %mul3A_23 = arith.mulf %sub3A, %mul3A_22 : vector<320x128xf32>
    %jit3A = arith.constant 0.000000e+00 : f32
    %broadcast_in_dim3A = vector.shape_cast %lt3A_21 : vector<320x1xi1> to vector<320x1xi1>
    %broadcast_in_dim3A_24 = vector.broadcast %broadcast_in_dim3A : vector<320x1xi1> to vector<320x128xi1>
    %broadcast_in_dim3A_25 = vector.broadcast %jit3A : f32 to vector<320x128xf32>
    %select_n3A = arith.select %broadcast_in_dim3A_24, %mul3A_23, %broadcast_in_dim3A_25 : vector<320x128xi1>, vector<320x128xf32>
    %swap3A = arith.constant 0 : index
    %swap3A_26 = arith.constant 0 : index
    %swap3A_27 = vector.load %arg4[%swap3A, %swap3A_26] : memref<320x128xf32, #tpu.memory_space<vmem>>, vector<320x128xf32>
    tpu.vector_store %arg4[%swap3A, %swap3A_26], %select_n3A {strides = array<i32>} : memref<320x128xf32, #tpu.memory_space<vmem>>, vector<320x128xf32>,
    return
  }
  func.func @transform_0(%arg0: i32) -> (i32, i32) {
    %c0_i32 = arith.constant 0 : i32
    %c0_i32_0 = arith.constant 0 : i32
    return %arg0, %c0_i32 : i32, i32
  }
  func.func @transform_1(%arg0: i32) -> (i32, i32) {
    %c0_i32 = arith.constant 0 : i32
    %c0_i32_0 = arith.constant 0 : i32
    return %arg0, %c0_i32 : i32, i32
  }
  func.func @transform_2(%arg0: i32) -> (i32, i32, i32) {
    %c0_i32 = arith.constant 0 : i32
    %c0_i32_0 = arith.constant 0 : i32
    %c0_i32_1 = arith.constant 0 : i32
    return %c0_i32, %arg0, %c0_i32_0 : i32, i32, i32
  }
  func.func @transform_3(%arg0: i32) -> (i32, i32) {
    %c0_i32 = arith.constant 0 : i32
    %c0_i32_0 = arith.constant 0 : i32
    return %arg0, %c0_i32 : i32, i32
  }
}

module attributes {stable_mosaic.version = 14 : i64} {
  func.func @_final_body(%arg0: i32, %arg1: memref<400x128xf32, #tpu.memory_space<vmem>>, %arg2: memref<400x1xf32, #tpu.memory_space<vmem>>, %arg3: memref<2x400x128xf32, #tpu.memory_space<vmem>>, %arg4: memref<2x400x128xf32, #tpu.memory_space<vmem>>, %arg5: memref<384x128xf32, #tpu.memory_space<vmem>>, %arg6: memref<1x128xf32, #tpu.memory_space<vmem>>, %arg7: memref<128x2xf32, #tpu.memory_space<vmem>>, %arg8: memref<1x2xf32, #tpu.memory_space<vmem>>, %arg9: memref<400x2xf32, #tpu.memory_space<vmem>>) attributes {dimension_semantics = [#tpu.dimension_semantics<arbitrary>], iteration_bounds = array<i64: 25>, scalar_prefetch = 0 : i64, scratch_operands = 0 : i64, tpu.core_type = #tpu.core_type<tc>, window_params = [{transform_indices = @transform_0, window_bounds = array<i64: 400, 128>}, {transform_indices = @transform_1, window_bounds = array<i64: 400, 1>}, {transform_indices = @transform_2, window_bounds = array<i64: 2, 400, 128>}, {transform_indices = @transform_3, window_bounds = array<i64: 2, 400, 128>}, {pipeline_mode = #tpu.pipeline_mode<synchronous>, transform_indices = @transform_4, window_bounds = array<i64: 384, 128>}, {pipeline_mode = #tpu.pipeline_mode<synchronous>, transform_indices = @transform_5, window_bounds = array<i64: 1, 128>}, {pipeline_mode = #tpu.pipeline_mode<synchronous>, transform_indices = @transform_6, window_bounds = array<i64: 128, 2>}, {pipeline_mode = #tpu.pipeline_mode<synchronous>, transform_indices = @transform_7, window_bounds = array<i64: 1, 2>}, {transform_indices = @transform_8, window_bounds = array<i64: 400, 2>}]} {
    %get3A = arith.constant 0 : index
    %get3A_0 = arith.constant 0 : index
    %get3A_1 = vector.load %arg1[%get3A, %get3A_0] : memref<400x128xf32, #tpu.memory_space<vmem>>, vector<400x128xf32>
    %get3A_2 = arith.constant 0 : index
    %get3A_3 = arith.constant 0 : index
    %get3A_4 = vector.load %arg2[%get3A_2, %get3A_3] : memref<400x1xf32, #tpu.memory_space<vmem>>, vector<400x1xf32>
    %get3A_5 = arith.constant 0 : index
    %get3A_6 = arith.constant 0 : index
    %get3A_7 = arith.constant 0 : index
    %get3A_8 = vector.load %arg3[%get3A_5, %get3A_6, %get3A_7] : memref<2x400x128xf32, #tpu.memory_space<vmem>>, vector<1x400x128xf32>
    %get3A_9 = vector.shape_cast %get3A_8 : vector<1x400x128xf32> to vector<400x128xf32>
    %get3A_10 = arith.constant 1 : index
    %get3A_11 = arith.constant 0 : index
    %get3A_12 = arith.constant 0 : index
    %get3A_13 = vector.load %arg3[%get3A_10, %get3A_11, %get3A_12] : memref<2x400x128xf32, #tpu.memory_space<vmem>>, vector<1x400x128xf32>
    %get3A_14 = vector.shape_cast %get3A_13 : vector<1x400x128xf32> to vector<400x128xf32>
    %add3A = arith.addf %get3A_9, %get3A_14 : vector<400x128xf32>
    %mul3A = vector.broadcast %get3A_4 : vector<400x1xf32> to vector<400x128xf32>
    %mul3A_15 = arith.mulf %mul3A, %add3A : vector<400x128xf32>
    %sub3A = arith.subf %get3A_1, %mul3A_15 : vector<400x128xf32>
    %get3A_16 = arith.constant 0 : index
    %get3A_17 = arith.constant 0 : index
    %get3A_18 = arith.constant 0 : index
    %get3A_19 = vector.load %arg4[%get3A_16, %get3A_17, %get3A_18] : memref<2x400x128xf32, #tpu.memory_space<vmem>>, vector<1x400x128xf32>
    %get3A_20 = vector.shape_cast %get3A_19 : vector<1x400x128xf32> to vector<400x128xf32>
    %get3A_21 = arith.constant 1 : index
    %get3A_22 = arith.constant 0 : index
    %get3A_23 = arith.constant 0 : index
    %get3A_24 = vector.load %arg4[%get3A_21, %get3A_22, %get3A_23] : memref<2x400x128xf32, #tpu.memory_space<vmem>>, vector<1x400x128xf32>
    %get3A_25 = vector.shape_cast %get3A_24 : vector<1x400x128xf32> to vector<400x128xf32>
    %add3A_26 = arith.addf %get3A_20, %get3A_25 : vector<400x128xf32>
    %mul3A_27 = vector.broadcast %get3A_4 : vector<400x1xf32> to vector<400x128xf32>
    %mul3A_28 = arith.mulf %mul3A_27, %add3A_26 : vector<400x128xf32>
    %sub3A_29 = arith.subf %sub3A, %mul3A_28 : vector<400x128xf32>
    %mul3A_30 = arith.constant 3.000000e+00 : f32
    %mul3A_31 = vector.broadcast %mul3A_30 : f32 to vector<400x128xf32>
    %mul3A_32 = arith.mulf %mul3A_31, %get3A_1 : vector<400x128xf32>
    %mul3A_33 = arith.constant 3.000000e+00 : f32
    %mul3A_34 = vector.broadcast %mul3A_33 : f32 to vector<400x128xf32>
    %mul3A_35 = arith.mulf %mul3A_34, %sub3A : vector<400x128xf32>
    %sub3A_36 = arith.subf %mul3A_32, %mul3A_35 : vector<400x128xf32>
    %mul3A_37 = arith.constant 7.500000e-01 : f32
    %mul3A_38 = vector.broadcast %mul3A_37 : f32 to vector<400x128xf32>
    %mul3A_39 = arith.mulf %mul3A_38, %sub3A_29 : vector<400x128xf32>
    %add3A_40 = arith.addf %sub3A_36, %mul3A_39 : vector<400x128xf32>
    %mul3A_41 = arith.constant 3.000000e+00 : f32
    %mul3A_42 = vector.broadcast %mul3A_41 : f32 to vector<400x128xf32>
    %mul3A_43 = arith.mulf %mul3A_42, %sub3A : vector<400x128xf32>
    %mul3A_44 = arith.constant 1.500000e+00 : f32
    %mul3A_45 = vector.broadcast %mul3A_44 : f32 to vector<400x128xf32>
    %mul3A_46 = arith.mulf %mul3A_45, %sub3A_29 : vector<400x128xf32>
    %sub3A_47 = arith.subf %mul3A_43, %mul3A_46 : vector<400x128xf32>
    %mul3A_48 = arith.constant 7.500000e-01 : f32
    %mul3A_49 = vector.broadcast %mul3A_48 : f32 to vector<400x128xf32>
    %mul3A_50 = arith.mulf %mul3A_49, %sub3A_29 : vector<400x128xf32>
    %concatenate3A = tpu.concatenate %add3A_40, %sub3A_47, %mul3A_50 in 1 : vector<400x128xf32>, vector<400x128xf32>, vector<400x128xf32> -> vector<400x384xf32>
    %get3A_51 = arith.constant 0 : index
    %get3A_52 = arith.constant 0 : index
    %get3A_53 = vector.load %arg5[%get3A_51, %get3A_52] : memref<384x128xf32, #tpu.memory_space<vmem>>, vector<384x128xf32>
    %dot_general3A = arith.constant dense<0.000000e+00> : vector<400x128xf32>
    %dot_general3A_54 = tpu.matmul %concatenate3A, %get3A_53, %dot_general3A {dimension_numbers = #tpu.dot_dimension_numbers<[1], [0], [0], [1], [0, 0, 1, 1], [], []>, transpose_lhs_hint = false} : vector<400x384xf32>, vector<384x128xf32>, vector<400x128xf32> -> vector<400x128xf32>
    %get3A_55 = arith.constant 0 : index
    %get3A_56 = arith.constant 0 : index
    %get3A_57 = vector.load %arg6[%get3A_55, %get3A_56] : memref<1x128xf32, #tpu.memory_space<vmem>>, vector<1x128xf32>
    %add3A_58 = vector.broadcast %get3A_57 : vector<1x128xf32> to vector<400x128xf32>
    %add3A_59 = arith.addf %dot_general3A_54, %add3A_58 : vector<400x128xf32>
    %max3A = arith.constant 0.000000e+00 : f32
    %max3A_60 = vector.broadcast %max3A : f32 to vector<400x128xf32>
    %max3A_61 = arith.maximumf %add3A_59, %max3A_60 : vector<400x128xf32>
    %get3A_62 = arith.constant 0 : index
    %get3A_63 = arith.constant 0 : index
    %get3A_64 = vector.load %arg7[%get3A_62, %get3A_63] : memref<128x2xf32, #tpu.memory_space<vmem>>, vector<128x2xf32>
    %dot_general3A_65 = arith.constant dense<0.000000e+00> : vector<400x2xf32>
    %dot_general3A_66 = tpu.matmul %max3A_61, %get3A_64, %dot_general3A_65 {dimension_numbers = #tpu.dot_dimension_numbers<[1], [0], [0], [1], [0, 0, 1, 1], [], []>, transpose_lhs_hint = false} : vector<400x128xf32>, vector<128x2xf32>, vector<400x2xf32> -> vector<400x2xf32>
    %get3A_67 = arith.constant 0 : index
    %get3A_68 = arith.constant 0 : index
    %get3A_69 = vector.load %arg8[%get3A_67, %get3A_68] : memref<1x2xf32, #tpu.memory_space<vmem>>, vector<1x2xf32>
    %add3A_70 = vector.broadcast %get3A_69 : vector<1x2xf32> to vector<400x2xf32>
    %add3A_71 = arith.addf %dot_general3A_66, %add3A_70 : vector<400x2xf32>
    %swap3A = arith.constant 0 : index
    %swap3A_72 = arith.constant 0 : index
    %swap3A_73 = vector.load %arg9[%swap3A, %swap3A_72] : memref<400x2xf32, #tpu.memory_space<vmem>>, vector<400x2xf32>
    tpu.vector_store %arg9[%swap3A, %swap3A_72], %add3A_71 {strides = array<i32>} : memref<400x2xf32, #tpu.memory_space<vmem>>, vector<400x2xf32>,
    return
  }
  func.func @transform_0(%arg0: i32) -> (i32, i32) {
    %c0_i32 = arith.constant 0 : i32
    %c0_i32_0 = arith.constant 0 : i32
    return %arg0, %c0_i32 : i32, i32
  }
  func.func @transform_1(%arg0: i32) -> (i32, i32) {
    %c0_i32 = arith.constant 0 : i32
    %c0_i32_0 = arith.constant 0 : i32
    return %arg0, %c0_i32 : i32, i32
  }
  func.func @transform_2(%arg0: i32) -> (i32, i32, i32) {
    %c0_i32 = arith.constant 0 : i32
    %c0_i32_0 = arith.constant 0 : i32
    %c0_i32_1 = arith.constant 0 : i32
    return %c0_i32, %arg0, %c0_i32_0 : i32, i32, i32
  }
  func.func @transform_3(%arg0: i32) -> (i32, i32, i32) {
    %c0_i32 = arith.constant 0 : i32
    %c0_i32_0 = arith.constant 0 : i32
    %c0_i32_1 = arith.constant 0 : i32
    return %c0_i32, %arg0, %c0_i32_0 : i32, i32, i32
  }
  func.func @transform_4(%arg0: i32) -> (i32, i32) {
    %c0_i32 = arith.constant 0 : i32
    %c0_i32_0 = arith.constant 0 : i32
    %c0_i32_1 = arith.constant 0 : i32
    return %c0_i32, %c0_i32_0 : i32, i32
  }
  func.func @transform_5(%arg0: i32) -> (i32, i32) {
    %c0_i32 = arith.constant 0 : i32
    %c0_i32_0 = arith.constant 0 : i32
    %c0_i32_1 = arith.constant 0 : i32
    return %c0_i32, %c0_i32_0 : i32, i32
  }
  func.func @transform_6(%arg0: i32) -> (i32, i32) {
    %c0_i32 = arith.constant 0 : i32
    %c0_i32_0 = arith.constant 0 : i32
    %c0_i32_1 = arith.constant 0 : i32
    return %c0_i32, %c0_i32_0 : i32, i32
  }
  func.func @transform_7(%arg0: i32) -> (i32, i32) {
    %c0_i32 = arith.constant 0 : i32
    %c0_i32_0 = arith.constant 0 : i32
    %c0_i32_1 = arith.constant 0 : i32
    return %c0_i32, %c0_i32_0 : i32, i32
  }
  func.func @transform_8(%arg0: i32) -> (i32, i32) {
    %c0_i32 = arith.constant 0 : i32
    %c0_i32_0 = arith.constant 0 : i32
    return %arg0, %c0_i32 : i32, i32
  }
}

</mosaic_0001>

<sc_bundles>
// kernel: kernel.12.cloned.1.call-start
scs
__scs_entry_jumppad:
0x0: {  	(pc) =	sbr.rel $0x88, $3  }
0x1: {  	(tag) =	ssettag $0x0;
	lr =	simm.s32 $0x1  }
0x2: {  	[smem:$0x3F97] =	sst lr;
	_ =	strace $0xD0000000  }
0x3: {  	_ = 	snop  }
0x4: {  	_ = 	snop  }
0x5: {  	_ = 	snop  }
0x6: {  	_ = 	snop  }
0x7: {  	_ = 	snop  }
__scs_overlays_trampoline_lowered:
0x8: {  	[smem:$0x3FA6] =	sst s0  }
0x9: {  	[smem:$0x3FA7] =	sst s1  }
0xa: {  	[smem:$0x3FA8] =	sst s2  }
0xb: {  	[smem:$0x3FA9] =	sst s3  }
0xc: {  	[smem:$0x3FAA] =	sst s4  }
0xd: {  	[smem:$0x3FAB] =	sst s5  }
0xe: {  	[smem:$0x3FAC] =	sst s6  }
0xf: {  	[smem:$0x3FAD] =	sst s7  }
0x10: {  	[smem:$0x3FAE] =	sst s8  }
0x11: {  	[smem:$0x3FAF] =	sst s9;
	s0 =	simm.s32 @!p0 $0x0  }
0x12: {  	s1 =	sld [smem:$0x3F95];
	s0 =	simm.s32 @p0 $0x1  }
0x13: {  	[smem:$0x3FB0] =	sst s0;
	s0 =	simm.s32 @!p1 $0x0  }
0x14: {  	s2 =	sld [smem:$0x3F94];
	s0 =	simm.s32 @p1 $0x1  }
0x15: {  	[smem:$0x3FB1] =	sst s0;
	s0 =	simm.s32 @!p2 $0x0  }
0x16: {  	s3 =	sld [smem:$0x3FDB];
	s0 =	simm.s32 @p2 $0x1  }
0x17: {  	s4 =	simm.s32 $0x1BF5;
	[smem:$0x3FB3] =	sst s0  }
0x18: {  	s0 =	sld [smem:$0x3F96];
	_ =	swait.ge [sflag:s4], $0x0  }
0x19: {  	s7 =	sld [smem:$0x3F97]  }
0x1a: {  	s8 =	sadd.s32 $0xFFFFE003, lr  }
0x1b: {  	s9 =	sadd.s32 $0xFFFFFEF7, lr;
	s5 =	simm.s32 $0xFFFFFFFF;
	p2 =	slt.u32 s8, $0xFFFFF086  }
0x1c: {  	p1 =	slt.u32 s9, $0xF7A;
	s5 =	simm.s32 @!p2 $0x0  }
0x1d: {  	s5 =	simm.s32 @p1 $0x1;
	p0 =	seq.s32 s7, s2  }
0x1e: {  	s7 =	smul.u32 @!p0 $0xF7A, s2;
	p2 =	seq.s32 @!p0 s5, $0x0  }
0x1f: {  	s9 =	smul.u32 $0xF7A, s1;
	s8 =	simm.s32 @!p0 $0x1BF5;
	p2 =	por !p2, p0  }
0x20: {  	[sflag:s8] =	ssyncset.s32 @!p0 $0xFFFFF086;
	s6 =	sadd.s32 @!p0 s3, s7;
	s7 =	simm.s32 @!p0 $0x108  }
0x21: {  	s3 =	sadd.s32 s3, s9;
	s6 =	sadd.s32 @!p0 $0x88, s6;
	s7 =	simm.s32 @p2 $0x1082  }
0x22: {  	[simem:s7], [sflag:s8] =	dma.local @!p0 [hbm:s6], $0xF7A  }
0x23: {  	s9 =	sor.u32 $0xD0000000, s2;
	s6 =	simm.s32 $0x108;
	_ =	swait.ge @!p0 [sflag:s8], $0x0  }
0x24: {  	s3 =	sadd.s32 $0x88, s3;
	s6 =	simm.s32 @!p1 $0x1082;
	[sflag:s4] =	ssyncset.s32 $0xFFFFF086  }
0x25: {  	[simem:s6], [sflag:s4] =	dma.local [hbm:s3], $0xF7A  }
0x26: {  	[smem:$0x3F97] =	sst s1;
	(tag) =	ssettag s2;
	_ =	strace s9  }
0x27: {  	s1 =	sld [smem:$0x3FA7]  }
0x28: {  	s2 =	sld [smem:$0x3FA8]  }
0x29: {  	s4 =	sld [smem:$0x3FAA]  }
0x2a: {  	p0 =	seq.s32 s5, $0x0;
	s5 =	sld [smem:$0x3FAB]  }
0x2b: {  	s6 =	sld [smem:$0x3FAC]  }
0x2c: {  	s7 =	sld [smem:$0x3FAD]  }
0x2d: {  	s3 =	simm.s32 $0x108;
	s8 =	sld [smem:$0x3FAE]  }
0x2e: {  	s3 =	simm.s32 @!p0 $0x1082;
	s9 =	sld [smem:$0x3FAF]  }
0x2f: {  	lr =	sadd.s32 s0, s3;
	s0 =	sld [smem:$0x3FA6]  }
0x30: {  	s3 =	sld [smem:$0x3FA9]  }
0x31: {  	[smem:$0x3FB2] =	sst s10  }
0x32: {  	s10 =	sld [smem:$0x3FB0];
	_ =	sdelay $0x3  }
0x33: {  	p0 =	seq.s32 s10, $0x1;
	s10 =	sld [smem:$0x3FB2];
	_ =	sdelay $0x3  }
0x34: {  	[smem:$0x3FB2] =	sst s10  }
0x35: {  	s10 =	sld [smem:$0x3FB1];
	_ =	sdelay $0x3  }
0x36: {  	p1 =	seq.s32 s10, $0x1;
	s10 =	sld [smem:$0x3FB2];
	_ =	sdelay $0x3  }
0x37: {  	[smem:$0x3FB2] =	sst s10  }
0x38: {  	s10 =	sld [smem:$0x3FB3]  }
0x39: {  	_ = 	snop;
	(pc) =	sbr.ind lr, $3  }
0x3a: {  	_ = 	snop  }
0x3b: {  	_ = 	snop  }
0x3c: {  	p2 =	seq.s32 s10, $0x1;
	s10 =	sld [smem:$0x3FB2]  }
0x3d: {  	_ =	shalt  }
0x3e: {  	_ =	shalt  }
0x3f: {  	_ =	shalt  }
0x40: {  	_ =	shalt  }
0x41: {  	_ =	shalt  }
0x42: {  	_ =	shalt  }
0x43: {  	_ =	shalt  }
0x44: {  	_ =	shalt  }
0x45: {  	_ =	shalt  }
0x46: {  	_ =	shalt  }
0x47: {  	_ =	shalt  }
0x48: {  	_ =	shalt  }
0x49: {  	_ =	shalt  }
0x4a: {  	_ =	shalt  }
0x4b: {  	_ =	shalt  }
0x4c: {  	_ =	shalt  }
0x4d: {  	_ =	shalt  }
0x4e: {  	_ =	shalt  }
0x4f: {  	_ =	shalt  }
0x50: {  	_ =	shalt  }
0x51: {  	_ =	shalt  }
0x52: {  	_ =	shalt  }
0x53: {  	_ =	shalt  }
0x54: {  	_ =	shalt  }
0x55: {  	_ =	shalt  }
0x56: {  	_ =	shalt  }
0x57: {  	_ =	shalt  }
0x58: {  	_ =	shalt  }
0x59: {  	_ =	shalt  }
0x5a: {  	_ =	shalt  }
0x5b: {  	_ =	shalt  }
0x5c: {  	_ =	shalt  }
0x5d: {  	_ =	shalt  }
0x5e: {  	_ =	shalt  }
0x5f: {  	_ =	shalt  }
0x60: {  	_ =	shalt  }
0x61: {  	_ =	shalt  }
0x62: {  	_ =	shalt  }
0x63: {  	_ =	shalt  }
0x64: {  	_ =	shalt  }
0x65: {  	_ =	shalt  }
0x66: {  	_ =	shalt  }
0x67: {  	_ =	shalt  }
0x68: {  	_ =	shalt  }
0x69: {  	_ =	shalt  }
0x6a: {  	_ =	shalt  }
0x6b: {  	_ =	shalt  }
0x6c: {  	_ =	shalt  }
0x6d: {  	_ =	shalt  }
0x6e: {  	_ =	shalt  }
0x6f: {  	_ =	shalt  }
0x70: {  	_ =	shalt  }
0x71: {  	_ =	shalt  }
0x72: {  	_ =	shalt  }
0x73: {  	_ =	shalt  }
0x74: {  	_ =	shalt  }
0x75: {  	_ =	shalt  }
0x76: {  	_ =	shalt  }
0x77: {  	_ =	shalt  }
0x78: {  	_ =	shalt  }
0x79: {  	_ =	shalt  }
0x7a: {  	_ =	shalt  }
0x7b: {  	_ =	shalt  }
0x7c: {  	_ =	shalt  }
0x7d: {  	_ =	shalt  }
0x7e: {  	_ =	shalt  }
0x7f: {  	_ =	shalt  }
0x80: {  	_ =	shalt  }
0x81: {  	_ =	shalt  }
0x82: {  	_ =	shalt  }
0x83: {  	_ =	shalt  }
0x84: {  	_ =	shalt  }
0x85: {  	_ =	shalt  }
0x86: {  	_ =	shalt  }
0x87: {  	_ =	shalt  }
.Lfunc_end0:
.L_simem_size_0:
called_computation.1_lowered:
.L_overlay_start_0:
0x88: {  	s2 =	sld [smem:$0x3FD9]  }
0x89: {  	s3 =	sld [smem:$0x3FFE];
	_ =	sdelay $0x1  }
0x8a: {  	s1 =	srdreg.scid  }
0x8b: {  	s0 =	sand.u32 $0x1, s1  }
0x8c: {  	s16 =	sshll.u32 s0, $0xA;
	s2 =	sadd.s32 s3, s2  }
0x8d: {  	s2 =	sadd.s32 s2, s16  }
0x8e: {  	[smem:$0x3FBE] =	sst s2  }
0x8f: {  	_ = 	snop  }
0x90: {  	(tm) =	ssettm $0x1  }
0x91: {  	s17 =	sld [smem:$0x3FFB];
	_ =	sdelay $0x3  }
0x92: {  	_ =	strace s17  }
0x93: {  	s2 =	sld [smem:$0x3FFC];
	_ =	sdelay $0x3  }
0x94: {  	_ =	strace s2  }
0x95: {  	s2 =	sld [smem:$0x3FFD];
	_ =	sdelay $0x3  }
0x96: {  	_ =	strace s2  }
0x97: {  	_ =	strace $0x8FFFFFFF  }
0x98: {  	s18 =	sld [smem:$0x3FDB];
	_ =	sdelay $0x1  }
0x99: {  	s19 =	simm.s32 $_scs_section_size  }
0x9a: {  	s4 =	simm.s32 $_size__tile_overlayer_lowered;
	s5 =	simm.s32 $_tile_overlayer_lowered  }
0x9b: {  	s22 =	simm.s32 $0x1BFF;
	s21 =	sshll.u32 s5, $0x1;
	s2 =	sadd.s32 s19, s18  }
0x9c: {  	s6 =	simm.s32 $0x0;
	s20 =	sshll.u32 s4, $0x1;
	s4 =	sadd.s32 s21, s2  }
0x9d: {  	[timem:s6], [sflag:s22] =	dma.local [hbm:s4], s20  }
0x9e: {  	_ =	swait.ge [sflag:s22], s20  }
0x9f: {  	s3 =	ssub.s32 $0x0, s20;
	[sflag:s22] =	ssyncset.done $0x0  }
0xa0: {  	[sflag:s22] =	ssyncadd.s32 s3;
	_ =	sdelay $0x1  }
0xa1: {  	s23 =	simm.s32 $0x1B8B  }
0xa2: {  	_ =	swait.ge [sflag:s23], $0x1  }
0xa3: {  	[sflag:s23] =	ssyncset.done $0x0  }
0xa4: {  	s25 =	simm.s32 $0x1B8E;
	s24 =	sld [smem:$0x3FFE];
	[sflag:s23] =	ssyncadd.s32 $0xFFFFFFFF  }
0xa5: {  	s26 =	simm.s32 $execute0_lowered;
	[smem:$0x3FD2] =	sst s25  }
0xa6: {  	s4 =	sshll.u32 s26, $0x1;
	_ =	strace $0x80000049;
	[dreg:$0x1] =	wrdreg $0xFFFFFFFF  }
0xa7: {  	s28 =	simm.s32 $_size_execute0_lowered;
	s2 =	sadd.s32 s2, s4;
	[dreg:$0x0] =	wrdreg $0x0  }
0xa8: {  	s4 =	sshll.u32 s28, $0x1;
	[dreg:$0x2] =	wrdreg s2  }
0xa9: {  	[dreg:$0x3] =	wrdreg s4  }
0xaa: {  	[dreg:$0x4] =	wrdreg $0xC0  }
0xab: {  	_ =	task [dreg:s6], $0x5FFFF  }
0xac: {  	[dreg:$0x1] =	wrdreg $0xFFFFFFFF  }
0xad: {  	[dreg:$0x0] =	wrdreg $0x60  }
0xae: {  	[dreg:$0x2] =	wrdreg s24  }
0xaf: {  	[dreg:$0x3] =	wrdreg $0x88000  }
0xb0: {  	[dreg:$0x4] =	wrdreg $0x9  }
0xb1: {  	_ =	task.clear_ibuf [dreg:s6], $0x5FFFF;
	_ =	strace $0x90000049  }
0xb2: {  	s29 =	simm.s32 $0x9;
	_ =	strace $0x8000004B  }
0xb3: {  	_ =	swait.ge [sflag:s29], $0x1  }
0xb4: {  	[sflag:s29] =	ssyncadd.s32 $0xFFFFFFFF  }
0xb5: {  	_ =	strace $0x9000004B  }
0xb6: {  	_ =	sfence  }
0xb7: {  	s30 =	sld [smem:$0x0];
	_ =	sdelay $0x2  }
0xb8: {  	s31 =	sshll.u32 s1, $0xD;
	s1 =	sshrl.u32 s1, $0x2  }
0xb9: {  	s3 =	sand.u32 $0x4000, s31;
	s1 =	sadd.s32 s1, s30  }
0xba: {  	s0 =	sor.u32 s3, s0;
	s1 =	sshll.u32 s1, $0x11  }
0xbb: {  	s0 =	sor.u32 s1, s0  }
0xbc: {  	s0 =	sadd.s32 $0x8F2B, s0  }
0xbd: {  	[sflag:s0] =	ssyncadd.remote.s32 $0x1  }
0xbe: {  	_ =	sfence.sel $0xFFFF  }
0xbf: {  	[dreg:$0x0] =	wrdreg $0xFFFFFFFF;
	(pc) =	sbr.abs _section_cstart, $3  }
0xc0: {  	[dreg:$0x1] =	wrdreg $0xFFFFFFFF  }
0xc1: {  	_ =	task.clear_ibuf [dreg:s6], $0x2FFFF;
	_ =	strace $0x9FFFFFFF  }
0xc2: {  	(tm) =	ssettm $0x7FFFFFFF  }
0xc3: {  	_ =	shalt  }
tec
execute0_lowered:
.L_overlay_start_1:
0x0: {  	(tag) =	ssettag $0x1  }
0x1: {  	s0 =	rddreg [dreg:$0x0]  }
0x2: {  	s1 =	rddreg [dreg:$0x1];
	s2 =	simm.s32 $0x0  }
0x3: {  	s3 =	srdreg.scid;
	s13 =	stileid.u32;
	s28 =	simm.s32 $0x500  }
0x4: {  	s29 =	simm.s32 $0x4;
	s30 =	simm.s32 $0x180;
	s31 =	simm.s32 $0x580  }
0x5: {  	s14 =	simm.s32 $0x380;
	s15 =	simm.s32 $0x780;
	s6 =	smul.u32 $0x50000, s13  }
0x6: {  	[smem:$0x7FF] =	sst s2;
	s3 =	sand.u32 $0x1, s3;
	s9 =	smul.u32 $0x14000, s13  }
0x7: {  	s4 =	sadd.s32 $0x2600, s0;
	s23 =	smul.u32 $0xA00, s13;
	s13 =	simm.s32 $0x700  }
0x8: {  	s5 =	smul.u32 $0xA000, s3;
	_ =	strace $0x8000004A;
	s7 =	ssub.s32 $0x2, s3  }
0x9: {  	s3 =	smul.u32 $0x140000, s3;
	s8 =	sshrl.u32 s7, $0x1;
	s6 =	sshrl.u32 s6, $0x2  }
0xa: {  	s16 =	sadd.s32 $0x4000, s9;
	s17 =	sadd.s32 $0x8000, s9;
	s19 =	sadd.s32 $0xC000, s9  }
0xb: {  	s20 =	sadd.s32 $0x10000, s9;
	s5 =	sadd.s32 s5, s0;
	s0 =	sadd.s32 $0x70E00, s0  }
0xc: {  	s7 =	ssub.s32 s7, s8;
	s6 =	sadd.s32 s6, s1;
	s10 =	sadd.s32 s16, s1  }
0xd: {  	s18 =	sadd.s32 s17, s1;
	s11 =	sadd.s32 s19, s1;
	[dreg:$0x3] =	wrdreg s6  }
0xe: {  	s12 =	sadd.s32 s9, s3;
	s9 =	sadd.s32 s20, s1;
	[dreg:$0x4] =	wrdreg s10  }
0xf: {  	s8 =	sadd.s32 s3, s17;
	s22 =	sadd.s32 s3, s19;
	[dreg:$0x5] =	wrdreg s18  }
0x10: {  	s17 =	simm.s32 $0x800;
	s19 =	simm.s32 $0x80;
	[dreg:$0x6] =	wrdreg s11  }
0x11: {  	s12 =	sshrl.u32 s12, $0x3;
	s6 =	sadd.s32 s3, s16;
	s21 =	sshrl.u32 s8, $0x3  }
0x12: {  	s8 =	sshrl.u32 s22, $0x3;
	s3 =	sadd.s32 s3, s20;
	s25 =	smax.u32 s7, $0x1  }
0x13: {  	s26 =	sadd.s32 s23, s5;
	s18 =	simm.s32 $0x5;
	s20 =	simm.s32 $0x1  }
0x14: {  	s22 =	simm.s32 $0x4800;
	s23 =	simm.s32 $0x2;
	s10 =	simm.s32 $0x280  }
0x15: {  	s11 =	simm.s32 $0x680;
	s5 =	simm.s32 $0x0;
	[dreg:$0x7] =	wrdreg s9  }
0x16: {  	s12 =	sadd.s32 s0, s12;
	s6 =	sshrl.u32 s6, $0x3;
	s24 =	sadd.s32 s0, s8  }
0x17: {  	s3 =	sshrl.u32 s3, $0x3;
	[dreg:$0xd] =	wrdreg s25;
	s16 =	sadd.s32 $0x5CE00, s26  }
0x18: {  	s25 =	simm.s32 $0x3;
	s26 =	simm.s32 $0x100;
	[dreg:$0x8] =	wrdreg s12  }
0x19: {  	s6 =	sadd.s32 s0, s6;
	[dreg:$0xb] =	wrdreg s24;
	s24 =	simm.s32 $0x480  }
0x1a: {  	s12 =	simm.s32 $0x300;
	[dreg:$0x9] =	wrdreg s6;
	s6 =	sadd.s32 s0, s21  }
0x1b: {  	s0 =	sadd.s32 s0, s3;
	s21 =	simm.s32 $0x400;
	[dreg:$0xa] =	wrdreg s6  }
0x1c: {  	v0 =	vimm.f32 $0.0e+00;
	s3 =	simm.s32 $0x600;
	[dreg:$0xc] =	wrdreg s0;
	s0 =	simm.s32 $0x200  }
.LBB2_1:
0x1d: {  	s6 =	simm.s32 $0x0;
	s7 =	simm.s32 $0x200  }
.LBB2_2:
0x1e: {  	p0 =	sne.s32 s7, $0xFE00;
	[tilespmem:s6+$0x870] =	vst v0  }
0x1f: {  	[tilespmem:s6+$0x800] =	vst v0  }
0x20: {  	[tilespmem:s6+$0x810] =	vst v0  }
.Ltmp0:
0x21: {  	[tilespmem:s6+$0x820] =	vst v0;
	(pc) =	sbr.rel @p0 .LBB2_2-.Ltmp0, $4  }
0x22: {  	[tilespmem:s6+$0x830] =	vst v0  }
0x23: {  	[tilespmem:s6+$0x840] =	vst v0  }
0x24: {  	[tilespmem:s6+$0x850] =	vst v0  }
0x25: {  	[tilespmem:s6+$0x860] =	vst v0;
	s6 =	sshra.s32 s7, $0x2;
	s7 =	sadd.s32 $0x200, s7  }
0x26: {  	[tilespmem:s6+$0x870] =	vst v0  }
0x27: {  	[tilespmem:s6+$0x800] =	vst v0  }
0x28: {  	[tilespmem:s6+$0x810] =	vst v0  }
0x29: {  	[tilespmem:s6+$0x820] =	vst v0  }
0x2a: {  	[tilespmem:s6+$0x830] =	vst v0  }
0x2b: {  	[tilespmem:s6+$0x840] =	vst v0  }
0x2c: {  	[tilespmem:s6+$0x850] =	vst v0  }
0x2d: {  	[tilespmem:s6+$0x860] =	vst v0;
	s7 =	rddreg [dreg:$0x3]  }
0x2e: {  	[spmem:s7] =	stream.linear.scatter [tilespmem:s17], [sflag:$0x5], $0x4000, $0x38;
	[tilespmem:$0x1C800] =	vst v63  }
0x2f: {  	_ =	swait.ge [sflag:s18], $0x4000  }
0x30: {  	[sflag:s18] =	ssyncset.done $0x0  }
0x31: {  	s8 =	rddreg [dreg:$0x4];
	[sflag:s18] =	ssyncadd.s32 $0xFFFFC000  }
0x32: {  	[spmem:s8] =	stream.linear.scatter [tilespmem:s17], [sflag:$0x5], $0x4000, $0x38;
	[tilespmem:$0x1C800] =	vst v63  }
0x33: {  	_ =	swait.ge [sflag:s18], $0x4000  }
0x34: {  	[sflag:s18] =	ssyncset.done $0x0  }
0x35: {  	s7 =	rddreg [dreg:$0x5];
	[sflag:s18] =	ssyncadd.s32 $0xFFFFC000  }
0x36: {  	[spmem:s7] =	stream.linear.scatter [tilespmem:s17], [sflag:$0x5], $0x4000, $0x38;
	[tilespmem:$0x1C800] =	vst v63  }
0x37: {  	_ =	swait.ge [sflag:s18], $0x4000  }
0x38: {  	[sflag:s18] =	ssyncset.done $0x0  }
0x39: {  	s8 =	rddreg [dreg:$0x6];
	[sflag:s18] =	ssyncadd.s32 $0xFFFFC000  }
0x3a: {  	[spmem:s8] =	stream.linear.scatter [tilespmem:s17], [sflag:$0x5], $0x4000, $0x38;
	[tilespmem:$0x1C800] =	vst v63  }
0x3b: {  	_ =	swait.ge [sflag:s18], $0x4000  }
0x3c: {  	[sflag:s18] =	ssyncset.done $0x0  }
0x3d: {  	[sflag:s18] =	ssyncadd.s32 $0xFFFFC000  }
0x3e: {  	[spmem:s9] =	stream.linear.scatter [tilespmem:s17], [sflag:$0x5], $0x4000, $0x38;
	[tilespmem:$0x1C800] =	vst v63  }
0x3f: {  	_ =	swait.ge [sflag:s18], $0x4000  }
0x40: {  	[sflag:s18] =	ssyncset.done $0x0  }
0x41: {  	[sflag:s18] =	ssyncadd.s32 $0xFFFFC000  }
0x42: {  	s9 =	sadd.s32 $0x0, s16;
	[bflag:$0x0] =	sbarrier.arrive $0xFFFF  }
0x43: {  	[tilespmem:s2], [sflag:$0x5] =	stream.linear.gather [hbm4b:s9+s2], $0x800, $0x38;
	[tilespmem:$0x1C800] =	vst v63  }
0x44: {  	_ =	swait.ge [sflag:s18], $0x800  }
0x45: {  	[sflag:s18] =	ssyncset.done $0x0  }
0x46: {  	[sflag:s18] =	ssyncadd.s32 $0xFFFFF800  }
0x47: {  	[tilespmem:s17], [sflag:$0x1] =	stream.indirect.gather [hbm4b:s4+s19], $0x80, s2, s19, $0xb8;
	[tilespmem:$0x1C800] =	vst v63  }
0x48: {  	_ =	swait.ge [sflag:s20], $0x4000  }
0x49: {  	[sflag:s20] =	ssyncset.done $0x0  }
0x4a: {  	[sflag:s20] =	ssyncadd.s32 $0xFFFFC000  }
0x4b: {  	[spmem:s1] =	stream.indirect.scatter.add.f32 [tilespmem:s17], [sflag:$0x3], $0x80, s21, s19, $0xb8;
	[tilespmem:$0x1C800] =	vst v63  }
0x4c: {  	_ = 	snop  }
0x4d: {  	[tilespmem:s22], [sflag:$0x2] =	stream.indirect.gather [hbm4b:s4+s19], $0x80, s19, s19, $0xb8;
	[tilespmem:$0x1C800] =	vst v63  }
0x4e: {  	_ =	swait.ge [sflag:s23], $0x4000  }
0x4f: {  	[sflag:s23] =	ssyncset.done $0x0  }
0x50: {  	[sflag:s23] =	ssyncadd.s32 $0xFFFFC000  }
0x51: {  	[spmem:s1] =	stream.indirect.scatter.add.f32 [tilespmem:s22], [sflag:$0x4], $0x80, s24, s19, $0xb8;
	[tilespmem:$0x1C800] =	vst v63  }
0x52: {  	_ =	swait.ge [sflag:s25], $0x4000  }
0x53: {  	[sflag:s25] =	ssyncset.done $0x0  }
0x54: {  	[sflag:s25] =	ssyncadd.s32 $0xFFFFC000  }
0x55: {  	[tilespmem:s17], [sflag:$0x1] =	stream.indirect.gather [hbm4b:s4+s19], $0x80, s26, s19, $0xb8;
	[tilespmem:$0x1C800] =	vst v63  }
0x56: {  	_ =	swait.ge [sflag:s20], $0x4000  }
0x57: {  	[sflag:s20] =	ssyncset.done $0x0  }
0x58: {  	[sflag:s20] =	ssyncadd.s32 $0xFFFFC000  }
0x59: {  	[spmem:s1] =	stream.indirect.scatter.add.f32 [tilespmem:s17], [sflag:$0x3], $0x80, s28, s19, $0xb8;
	[tilespmem:$0x1C800] =	vst v63  }
0x5a: {  	_ =	swait.ge [sflag:s29], $0x4000  }
0x5b: {  	[sflag:s29] =	ssyncset.done $0x0  }
0x5c: {  	[sflag:s29] =	ssyncadd.s32 $0xFFFFC000  }
0x5d: {  	[tilespmem:s22], [sflag:$0x2] =	stream.indirect.gather [hbm4b:s4+s19], $0x80, s30, s19, $0xb8;
	[tilespmem:$0x1C800] =	vst v63  }
0x5e: {  	_ =	swait.ge [sflag:s23], $0x4000  }
0x5f: {  	[sflag:s23] =	ssyncset.done $0x0  }
0x60: {  	[sflag:s23] =	ssyncadd.s32 $0xFFFFC000  }
0x61: {  	[spmem:s1] =	stream.indirect.scatter.add.f32 [tilespmem:s22], [sflag:$0x4], $0x80, s31, s19, $0xb8;
	[tilespmem:$0x1C800] =	vst v63  }
0x62: {  	_ =	swait.ge [sflag:s25], $0x4000  }
0x63: {  	[sflag:s25] =	ssyncset.done $0x0  }
0x64: {  	[sflag:s25] =	ssyncadd.s32 $0xFFFFC000  }
0x65: {  	[tilespmem:s17], [sflag:$0x1] =	stream.indirect.gather [hbm4b:s4+s19], $0x80, s0, s19, $0xb8;
	[tilespmem:$0x1C800] =	vst v63  }
0x66: {  	_ =	swait.ge [sflag:s20], $0x4000  }
0x67: {  	[sflag:s20] =	ssyncset.done $0x0  }
0x68: {  	[sflag:s20] =	ssyncadd.s32 $0xFFFFC000  }
0x69: {  	[spmem:s1] =	stream.indirect.scatter.add.f32 [tilespmem:s17], [sflag:$0x3], $0x80, s3, s19, $0xb8;
	[tilespmem:$0x1C800] =	vst v63  }
0x6a: {  	_ =	swait.ge [sflag:s29], $0x4000  }
0x6b: {  	[sflag:s29] =	ssyncset.done $0x0  }
0x6c: {  	[sflag:s29] =	ssyncadd.s32 $0xFFFFC000  }
0x6d: {  	[tilespmem:s22], [sflag:$0x2] =	stream.indirect.gather [hbm4b:s4+s19], $0x80, s10, s19, $0xb8;
	[tilespmem:$0x1C800] =	vst v63  }
0x6e: {  	_ =	swait.ge [sflag:s23], $0x4000  }
0x6f: {  	[sflag:s23] =	ssyncset.done $0x0  }
0x70: {  	[sflag:s23] =	ssyncadd.s32 $0xFFFFC000  }
0x71: {  	[spmem:s1] =	stream.indirect.scatter.add.f32 [tilespmem:s22], [sflag:$0x4], $0x80, s11, s19, $0xb8;
	[tilespmem:$0x1C800] =	vst v63  }
0x72: {  	_ =	swait.ge [sflag:s25], $0x4000  }
0x73: {  	[sflag:s25] =	ssyncset.done $0x0  }
0x74: {  	[sflag:s25] =	ssyncadd.s32 $0xFFFFC000  }
0x75: {  	[tilespmem:s17], [sflag:$0x1] =	stream.indirect.gather [hbm4b:s4+s19], $0x80, s12, s19, $0xb8;
	[tilespmem:$0x1C800] =	vst v63  }
0x76: {  	_ =	swait.ge [sflag:s20], $0x4000  }
0x77: {  	[sflag:s20] =	ssyncset.done $0x0  }
0x78: {  	[sflag:s20] =	ssyncadd.s32 $0xFFFFC000  }
0x79: {  	[spmem:s1] =	stream.indirect.scatter.add.f32 [tilespmem:s17], [sflag:$0x3], $0x80, s13, s19, $0xb8;
	[tilespmem:$0x1C800] =	vst v63  }
0x7a: {  	_ =	swait.ge [sflag:s29], $0x4000  }
0x7b: {  	[sflag:s29] =	ssyncset.done $0x0  }
0x7c: {  	[sflag:s29] =	ssyncadd.s32 $0xFFFFC000  }
0x7d: {  	[tilespmem:s22], [sflag:$0x2] =	stream.indirect.gather [hbm4b:s4+s19], $0x80, s14, s19, $0xb8;
	[tilespmem:$0x1C800] =	vst v63  }
0x7e: {  	_ =	swait.ge [sflag:s23], $0x4000  }
0x7f: {  	[sflag:s23] =	ssyncset.done $0x0  }
0x80: {  	[sflag:s23] =	ssyncadd.s32 $0xFFFFC000  }
0x81: {  	[spmem:s1] =	stream.indirect.scatter.add.f32 [tilespmem:s22], [sflag:$0x4], $0x80, s15, s19, $0xb8;
	[tilespmem:$0x1C800] =	vst v63  }
0x82: {  	_ =	swait.ge [sflag:s25], $0x4000  }
0x83: {  	[sflag:s25] =	ssyncset.done $0x0  }
0x84: {  	[sflag:s25] =	ssyncadd.s32 $0xFFFFC000  }
0x85: {  	_ =	swait.ge [sflag:s29], $0x4000  }
0x86: {  	s6 =	simm.s32 $0x100;
	s7 =	simm.s32 $0x200;
	[sflag:s29] =	ssyncset.done $0x0  }
.LBB2_4:
0x87: {  	s9 =	sadd.s32 s6, s16  }
0x88: {  	[sflag:s29] =	ssyncadd.s32 $0xFFFFC000;
	s6 =	smov.u32 s7;
	s8 =	sadd.s32 $0x100, s7  }
0x89: {  	[tilespmem:s2], [sflag:$0x5] =	stream.linear.gather [hbm4b:s9+s2], $0x800, $0x38;
	[tilespmem:$0x1C800] =	vst v63  }
0x8a: {  	p0 =	sne.s32 s7, $0x900;
	_ =	swait.ge [sflag:s18], $0x800  }
0x8b: {  	[sflag:s18] =	ssyncset.done $0x0  }
0x8c: {  	[sflag:s18] =	ssyncadd.s32 $0xFFFFF800  }
0x8d: {  	[tilespmem:s17], [sflag:$0x1] =	stream.indirect.gather [hbm4b:s4+s19], $0x80, s2, s19, $0xb8;
	[tilespmem:$0x1C800] =	vst v63  }
0x8e: {  	_ =	swait.ge [sflag:s20], $0x4000  }
0x8f: {  	[sflag:s20] =	ssyncset.done $0x0  }
0x90: {  	[sflag:s20] =	ssyncadd.s32 $0xFFFFC000  }
0x91: {  	[spmem:s1] =	stream.indirect.scatter.add.f32 [tilespmem:s17], [sflag:$0x3], $0x80, s21, s19, $0xb8;
	[tilespmem:$0x1C800] =	vst v63  }
0x92: {  	_ = 	snop  }
0x93: {  	[tilespmem:s22], [sflag:$0x2] =	stream.indirect.gather [hbm4b:s4+s19], $0x80, s19, s19, $0xb8;
	[tilespmem:$0x1C800] =	vst v63  }
0x94: {  	_ =	swait.ge [sflag:s23], $0x4000  }
0x95: {  	[sflag:s23] =	ssyncset.done $0x0  }
0x96: {  	[sflag:s23] =	ssyncadd.s32 $0xFFFFC000  }
0x97: {  	[spmem:s1] =	stream.indirect.scatter.add.f32 [tilespmem:s22], [sflag:$0x4], $0x80, s24, s19, $0xb8;
	[tilespmem:$0x1C800] =	vst v63  }
0x98: {  	_ =	swait.ge [sflag:s25], $0x4000  }
0x99: {  	[sflag:s25] =	ssyncset.done $0x0  }
0x9a: {  	[sflag:s25] =	ssyncadd.s32 $0xFFFFC000  }
0x9b: {  	[tilespmem:s17], [sflag:$0x1] =	stream.indirect.gather [hbm4b:s4+s19], $0x80, s26, s19, $0xb8;
	[tilespmem:$0x1C800] =	vst v63  }
0x9c: {  	_ =	swait.ge [sflag:s20], $0x4000  }
0x9d: {  	[sflag:s20] =	ssyncset.done $0x0  }
0x9e: {  	[sflag:s20] =	ssyncadd.s32 $0xFFFFC000  }
0x9f: {  	[spmem:s1] =	stream.indirect.scatter.add.f32 [tilespmem:s17], [sflag:$0x3], $0x80, s28, s19, $0xb8;
	[tilespmem:$0x1C800] =	vst v63  }
0xa0: {  	_ =	swait.ge [sflag:s29], $0x4000  }
0xa1: {  	[sflag:s29] =	ssyncset.done $0x0  }
0xa2: {  	[sflag:s29] =	ssyncadd.s32 $0xFFFFC000  }
0xa3: {  	[tilespmem:s22], [sflag:$0x2] =	stream.indirect.gather [hbm4b:s4+s19], $0x80, s30, s19, $0xb8;
	[tilespmem:$0x1C800] =	vst v63  }
0xa4: {  	_ =	swait.ge [sflag:s23], $0x4000  }
0xa5: {  	[sflag:s23] =	ssyncset.done $0x0  }
0xa6: {  	[sflag:s23] =	ssyncadd.s32 $0xFFFFC000  }
0xa7: {  	[spmem:s1] =	stream.indirect.scatter.add.f32 [tilespmem:s22], [sflag:$0x4], $0x80, s31, s19, $0xb8;
	[tilespmem:$0x1C800] =	vst v63  }
0xa8: {  	_ =	swait.ge [sflag:s25], $0x4000  }
0xa9: {  	[sflag:s25] =	ssyncset.done $0x0  }
0xaa: {  	[sflag:s25] =	ssyncadd.s32 $0xFFFFC000  }
0xab: {  	[tilespmem:s17], [sflag:$0x1] =	stream.indirect.gather [hbm4b:s4+s19], $0x80, s0, s19, $0xb8;
	[tilespmem:$0x1C800] =	vst v63  }
0xac: {  	_ =	swait.ge [sflag:s20], $0x4000  }
0xad: {  	[sflag:s20] =	ssyncset.done $0x0  }
0xae: {  	[sflag:s20] =	ssyncadd.s32 $0xFFFFC000  }
0xaf: {  	[spmem:s1] =	stream.indirect.scatter.add.f32 [tilespmem:s17], [sflag:$0x3], $0x80, s3, s19, $0xb8;
	[tilespmem:$0x1C800] =	vst v63  }
0xb0: {  	_ =	swait.ge [sflag:s29], $0x4000  }
0xb1: {  	[sflag:s29] =	ssyncset.done $0x0  }
0xb2: {  	[sflag:s29] =	ssyncadd.s32 $0xFFFFC000  }
0xb3: {  	[tilespmem:s22], [sflag:$0x2] =	stream.indirect.gather [hbm4b:s4+s19], $0x80, s10, s19, $0xb8;
	[tilespmem:$0x1C800] =	vst v63  }
0xb4: {  	_ =	swait.ge [sflag:s23], $0x4000  }
0xb5: {  	[sflag:s23] =	ssyncset.done $0x0  }
0xb6: {  	[sflag:s23] =	ssyncadd.s32 $0xFFFFC000  }
0xb7: {  	[spmem:s1] =	stream.indirect.scatter.add.f32 [tilespmem:s22], [sflag:$0x4], $0x80, s11, s19, $0xb8;
	[tilespmem:$0x1C800] =	vst v63  }
0xb8: {  	_ =	swait.ge [sflag:s25], $0x4000  }
0xb9: {  	[sflag:s25] =	ssyncset.done $0x0  }
0xba: {  	[sflag:s25] =	ssyncadd.s32 $0xFFFFC000  }
0xbb: {  	[tilespmem:s17], [sflag:$0x1] =	stream.indirect.gather [hbm4b:s4+s19], $0x80, s12, s19, $0xb8;
	[tilespmem:$0x1C800] =	vst v63  }
0xbc: {  	_ =	swait.ge [sflag:s20], $0x4000  }
0xbd: {  	[sflag:s20] =	ssyncset.done $0x0  }
0xbe: {  	[sflag:s20] =	ssyncadd.s32 $0xFFFFC000  }
0xbf: {  	[spmem:s1] =	stream.indirect.scatter.add.f32 [tilespmem:s17], [sflag:$0x3], $0x80, s13, s19, $0xb8;
	[tilespmem:$0x1C800] =	vst v63  }
0xc0: {  	_ =	swait.ge [sflag:s29], $0x4000  }
0xc1: {  	[sflag:s29] =	ssyncset.done $0x0  }
0xc2: {  	[sflag:s29] =	ssyncadd.s32 $0xFFFFC000  }
0xc3: {  	[tilespmem:s22], [sflag:$0x2] =	stream.indirect.gather [hbm4b:s4+s19], $0x80, s14, s19, $0xb8;
	[tilespmem:$0x1C800] =	vst v63  }
0xc4: {  	_ =	swait.ge [sflag:s23], $0x4000  }
0xc5: {  	[sflag:s23] =	ssyncset.done $0x0  }
0xc6: {  	[sflag:s23] =	ssyncadd.s32 $0xFFFFC000  }
0xc7: {  	[spmem:s1] =	stream.indirect.scatter.add.f32 [tilespmem:s22], [sflag:$0x4], $0x80, s15, s19, $0xb8;
	[tilespmem:$0x1C800] =	vst v63  }
.Ltmp1:
0xc8: {  	_ =	swait.ge [sflag:s25], $0x4000;
	(pc) =	sbr.rel @p0 .LBB2_4-.Ltmp1, $4  }
0xc9: {  	[sflag:s25] =	ssyncset.done $0x0  }
0xca: {  	[sflag:s25] =	ssyncadd.s32 $0xFFFFC000  }
0xcb: {  	_ =	swait.ge [sflag:s29], $0x4000  }
0xcc: {  	s7 =	smov.u32 s8;
	[sflag:s29] =	ssyncset.done $0x0  }
0xcd: {  	s6 =	sadd.s32 s6, s16;
	[sflag:s29] =	ssyncadd.s32 $0xFFFFC000  }
0xce: {  	[tilespmem:s2], [sflag:$0x5] =	stream.linear.gather [hbm4b:s6+s2], $0x800, $0x38;
	[tilespmem:$0x1C800] =	vst v63  }
0xcf: {  	_ =	swait.ge [sflag:s18], $0x800  }
0xd0: {  	[sflag:s18] =	ssyncset.done $0x0  }
0xd1: {  	[sflag:s18] =	ssyncadd.s32 $0xFFFFF800  }
0xd2: {  	[tilespmem:s17], [sflag:$0x1] =	stream.indirect.gather [hbm4b:s4+s19], $0x80, s2, s19, $0xb8;
	[tilespmem:$0x1C800] =	vst v63  }
0xd3: {  	_ =	swait.ge [sflag:s20], $0x4000  }
0xd4: {  	[sflag:s20] =	ssyncset.done $0x0  }
0xd5: {  	[sflag:s20] =	ssyncadd.s32 $0xFFFFC000  }
0xd6: {  	[spmem:s1] =	stream.indirect.scatter.add.f32 [tilespmem:s17], [sflag:$0x3], $0x80, s21, s19, $0xb8;
	[tilespmem:$0x1C800] =	vst v63  }
0xd7: {  	_ = 	snop  }
0xd8: {  	[tilespmem:s22], [sflag:$0x2] =	stream.indirect.gather [hbm4b:s4+s19], $0x80, s19, s19, $0xb8;
	[tilespmem:$0x1C800] =	vst v63  }
0xd9: {  	_ =	swait.ge [sflag:s23], $0x4000  }
0xda: {  	[sflag:s23] =	ssyncset.done $0x0  }
0xdb: {  	[sflag:s23] =	ssyncadd.s32 $0xFFFFC000  }
0xdc: {  	[spmem:s1] =	stream.indirect.scatter.add.f32 [tilespmem:s22], [sflag:$0x4], $0x80, s24, s19, $0xb8;
	[tilespmem:$0x1C800] =	vst v63  }
0xdd: {  	_ =	swait.ge [sflag:s25], $0x4000  }
0xde: {  	[sflag:s25] =	ssyncset.done $0x0  }
0xdf: {  	[sflag:s25] =	ssyncadd.s32 $0xFFFFC000  }
0xe0: {  	[tilespmem:s17], [sflag:$0x1] =	stream.indirect.gather [hbm4b:s4+s19], $0x80, s26, s19, $0xb8;
	[tilespmem:$0x1C800] =	vst v63  }
0xe1: {  	_ =	swait.ge [sflag:s20], $0x4000  }
0xe2: {  	[sflag:s20] =	ssyncset.done $0x0  }
0xe3: {  	[sflag:s20] =	ssyncadd.s32 $0xFFFFC000  }
0xe4: {  	[spmem:s1] =	stream.indirect.scatter.add.f32 [tilespmem:s17], [sflag:$0x3], $0x80, s28, s19, $0xb8;
	[tilespmem:$0x1C800] =	vst v63  }
0xe5: {  	_ =	swait.ge [sflag:s29], $0x4000  }
0xe6: {  	[sflag:s29] =	ssyncset.done $0x0  }
0xe7: {  	[sflag:s29] =	ssyncadd.s32 $0xFFFFC000  }
0xe8: {  	[tilespmem:s22], [sflag:$0x2] =	stream.indirect.gather [hbm4b:s4+s19], $0x80, s30, s19, $0xb8;
	[tilespmem:$0x1C800] =	vst v63  }
0xe9: {  	_ =	swait.ge [sflag:s23], $0x4000  }
0xea: {  	[sflag:s23] =	ssyncset.done $0x0  }
0xeb: {  	[sflag:s23] =	ssyncadd.s32 $0xFFFFC000  }
0xec: {  	[spmem:s1] =	stream.indirect.scatter.add.f32 [tilespmem:s22], [sflag:$0x4], $0x80, s31, s19, $0xb8;
	[tilespmem:$0x1C800] =	vst v63  }
0xed: {  	_ =	swait.ge [sflag:s25], $0x4000  }
0xee: {  	[sflag:s25] =	ssyncset.done $0x0  }
0xef: {  	[sflag:s25] =	ssyncadd.s32 $0xFFFFC000  }
0xf0: {  	[tilespmem:s17], [sflag:$0x1] =	stream.indirect.gather [hbm4b:s4+s19], $0x80, s0, s19, $0xb8;
	[tilespmem:$0x1C800] =	vst v63  }
0xf1: {  	_ =	swait.ge [sflag:s20], $0x4000  }
0xf2: {  	[sflag:s20] =	ssyncset.done $0x0  }
0xf3: {  	[sflag:s20] =	ssyncadd.s32 $0xFFFFC000  }
0xf4: {  	[spmem:s1] =	stream.indirect.scatter.add.f32 [tilespmem:s17], [sflag:$0x3], $0x80, s3, s19, $0xb8;
	[tilespmem:$0x1C800] =	vst v63  }
0xf5: {  	_ =	swait.ge [sflag:s29], $0x4000  }
0xf6: {  	[sflag:s29] =	ssyncset.done $0x0  }
0xf7: {  	[sflag:s29] =	ssyncadd.s32 $0xFFFFC000  }
0xf8: {  	[tilespmem:s22], [sflag:$0x2] =	stream.indirect.gather [hbm4b:s4+s19], $0x80, s10, s19, $0xb8;
	[tilespmem:$0x1C800] =	vst v63  }
0xf9: {  	_ =	swait.ge [sflag:s23], $0x4000  }
0xfa: {  	[sflag:s23] =	ssyncset.done $0x0  }
0xfb: {  	[sflag:s23] =	ssyncadd.s32 $0xFFFFC000  }
0xfc: {  	[spmem:s1] =	stream.indirect.scatter.add.f32 [tilespmem:s22], [sflag:$0x4], $0x80, s11, s19, $0xb8;
	[tilespmem:$0x1C800] =	vst v63  }
0xfd: {  	_ =	swait.ge [sflag:s25], $0x4000  }
0xfe: {  	[sflag:s25] =	ssyncset.done $0x0  }
0xff: {  	[sflag:s25] =	ssyncadd.s32 $0xFFFFC000  }
0x100: {  	[tilespmem:s17], [sflag:$0x1] =	stream.indirect.gather [hbm4b:s4+s19], $0x80, s12, s19, $0xb8;
	[tilespmem:$0x1C800] =	vst v63  }
0x101: {  	_ =	swait.ge [sflag:s20], $0x4000  }
0x102: {  	[sflag:s20] =	ssyncset.done $0x0  }
0x103: {  	[sflag:s20] =	ssyncadd.s32 $0xFFFFC000  }
0x104: {  	[spmem:s1] =	stream.indirect.scatter.add.f32 [tilespmem:s17], [sflag:$0x3], $0x80, s13, s19, $0xb8;
	[tilespmem:$0x1C800] =	vst v63  }
0x105: {  	_ =	swait.ge [sflag:s29], $0x4000  }
0x106: {  	[sflag:s29] =	ssyncset.done $0x0  }
0x107: {  	[sflag:s29] =	ssyncadd.s32 $0xFFFFC000  }
0x108: {  	[tilespmem:s22], [sflag:$0x2] =	stream.indirect.gather [hbm4b:s4+s19], $0x80, s14, s19, $0xb8;
	[tilespmem:$0x1C800] =	vst v63  }
0x109: {  	_ =	swait.ge [sflag:s23], $0x4000  }
0x10a: {  	[sflag:s23] =	ssyncset.done $0x0  }
0x10b: {  	[sflag:s23] =	ssyncadd.s32 $0xFFFFC000  }
0x10c: {  	[spmem:s1] =	stream.indirect.scatter.add.f32 [tilespmem:s22], [sflag:$0x4], $0x80, s15, s19, $0xb8;
	[tilespmem:$0x1C800] =	vst v63  }
0x10d: {  	_ =	swait.ge [sflag:s25], $0x4000  }
0x10e: {  	[sflag:s25] =	ssyncset.done $0x0  }
0x10f: {  	[sflag:s25] =	ssyncadd.s32 $0xFFFFC000  }
0x110: {  	_ =	swait.ge [sflag:s29], $0x4000  }
0x111: {  	[sflag:s29] =	ssyncset.done $0x0  }
0x112: {  	[sflag:s29] =	ssyncadd.s32 $0xFFFFC000  }
0x113: {  	s7 =	stileid.u32;
	[bflag:$0x0] =	sbarrier.arrive $0xFFFF  }
0x114: {  	s6 =	sshll.u32 s7, $0x6;
	s7 =	rddreg [dreg:$0x3]  }
0x115: {  	s6 =	sor.u32 $0x1C05, s6;
	s8 =	rddreg [dreg:$0x8];
	s7 =	sshrl.u32 s7, $0x3  }
0x116: {  	[hbm:s8], [sflag:s6] =	dma.local [spmem:s7], $0x800  }
0x117: {  	_ =	swait.ge [sflag:s18], $0x800  }
0x118: {  	[sflag:s18] =	ssyncset.done $0x0;
	s8 =	rddreg [dreg:$0x4]  }
0x119: {  	s9 =	rddreg [dreg:$0x9];
	[sflag:s18] =	ssyncadd.s32 $0xFFFFF800;
	s7 =	sshrl.u32 s8, $0x3  }
0x11a: {  	[hbm:s9], [sflag:s6] =	dma.local [spmem:s7], $0x800  }
0x11b: {  	_ =	swait.ge [sflag:s18], $0x800  }
0x11c: {  	[sflag:s18] =	ssyncset.done $0x0;
	s8 =	rddreg [dreg:$0x5]  }
0x11d: {  	s9 =	rddreg [dreg:$0xa];
	[sflag:s18] =	ssyncadd.s32 $0xFFFFF800;
	s7 =	sshrl.u32 s8, $0x3  }
0x11e: {  	[hbm:s9], [sflag:s6] =	dma.local [spmem:s7], $0x800  }
0x11f: {  	_ =	swait.ge [sflag:s18], $0x800  }
0x120: {  	[sflag:s18] =	ssyncset.done $0x0;
	s8 =	rddreg [dreg:$0x6]  }
0x121: {  	s9 =	rddreg [dreg:$0xb];
	[sflag:s18] =	ssyncadd.s32 $0xFFFFF800;
	s7 =	sshrl.u32 s8, $0x3  }
0x122: {  	[hbm:s9], [sflag:s6] =	dma.local [spmem:s7], $0x800  }
0x123: {  	_ =	swait.ge [sflag:s18], $0x800  }
0x124: {  	[sflag:s18] =	ssyncset.done $0x0;
	s9 =	rddreg [dreg:$0x7]  }
0x125: {  	s8 =	rddreg [dreg:$0xc];
	[sflag:s18] =	ssyncadd.s32 $0xFFFFF800;
	s7 =	sshrl.u32 s9, $0x3  }
0x126: {  	[hbm:s8], [sflag:s6] =	dma.local [spmem:s7], $0x800  }
0x127: {  	_ =	swait.ge [sflag:s18], $0x800  }
0x128: {  	s5 =	sadd.s32 $0x1, s5;
	s8 =	rddreg [dreg:$0xd]  }
0x129: {  	p0 =	sne.s32 s5, s8  }
.Ltmp2:
0x12a: {  	_ = 	snop;
	(pc) =	sbr.rel @p0 .LBB2_1-.Ltmp2, $3  }
0x12b: {  	_ =	sdelay $0x1  }
0x12c: {  	[sflag:s18] =	ssyncset.done $0x0  }
0x12d: {  	[sflag:s18] =	ssyncadd.s32 $0xFFFFF800  }
0x12e: {  	_ =	sfence.sel $0x180000  }
0x12f: {  	[bflag:$0x0] =	sbarrier.arrive $0xFFFF  }
0x130: {  	_ =	strace $0x9000004A  }
0x131: {  	s0 =	stileid.u32;
	[bflag:$0x2] =	sbarrier.arrive $0xFFFF  }
0x132: {  	p0 =	sne.s32 s0, $0x0;
	s0 =	rddreg [dreg:$0x2]  }
0x133: {  	s0 =	sadd.s32 @!p0 $0x100000, s0  }
0x134: {  	[sflag:s0] =	ssyncadd.tile.s32 @!p0 $0x1;
	_ =	shalt  }
.Lfunc_end2:
_tile_overlayer_lowered:
.L_overlay_start_2:
0x135: {  	(tag) =	ssettag $0x2  }
0x136: {  	s0 =	rddreg [dreg:$0x0];
	s2 =	stileid.u32  }
0x137: {  	s1 =	rddreg [dreg:$0x1];
	p0 =	sne.s32 s2, $0x0  }
0x138: {  	s3 =	rddreg [dreg:$0x2];
	[bflag:$0x3] =	sbarrier.arrive $0xFFFF;
	s2 =	simm.s32 @!p0 $0x1C05  }
0x139: {  	[timem:s3], [sflag:s2] =	dma.local @!p0 [hbm:s0], s1  }
0x13a: {  	s0 =	simm.s32 @!p0 $0x5  }
0x13b: {  	_ =	swait.ge @!p0 [sflag:s0], s1  }
0x13c: {  	s1 =	ssub.s32 @!p0 $0x0, s1;
	[sflag:s0] =	ssyncset.done @!p0 $0x0  }
0x13d: {  	[sflag:s0] =	ssyncadd.s32 @!p0 s1  }
0x13e: {  	[bflag:$0x3] =	sbarrier.arrive $0xFFFF  }
0x13f: {  	_ =	shalt  }

// kernel: kernel.15.cloned.1.call-start
scs
__scs_entry_jumppad:
0x0: {  	(pc) =	sbr.rel $0x88, $3  }
0x1: {  	(tag) =	ssettag $0x0;
	lr =	simm.s32 $0x1  }
0x2: {  	[smem:$0x3F97] =	sst lr;
	_ =	strace $0xD0000000  }
0x3: {  	_ = 	snop  }
0x4: {  	_ = 	snop  }
0x5: {  	_ = 	snop  }
0x6: {  	_ = 	snop  }
0x7: {  	_ = 	snop  }
__scs_overlays_trampoline_lowered:
0x8: {  	[smem:$0x3FA6] =	sst s0  }
0x9: {  	[smem:$0x3FA7] =	sst s1  }
0xa: {  	[smem:$0x3FA8] =	sst s2  }
0xb: {  	[smem:$0x3FA9] =	sst s3  }
0xc: {  	[smem:$0x3FAA] =	sst s4  }
0xd: {  	[smem:$0x3FAB] =	sst s5  }
0xe: {  	[smem:$0x3FAC] =	sst s6  }
0xf: {  	[smem:$0x3FAD] =	sst s7  }
0x10: {  	[smem:$0x3FAE] =	sst s8  }
0x11: {  	[smem:$0x3FAF] =	sst s9;
	s0 =	simm.s32 @!p0 $0x0  }
0x12: {  	s1 =	sld [smem:$0x3F95];
	s0 =	simm.s32 @p0 $0x1  }
0x13: {  	[smem:$0x3FB0] =	sst s0;
	s0 =	simm.s32 @!p1 $0x0  }
0x14: {  	s2 =	sld [smem:$0x3F94];
	s0 =	simm.s32 @p1 $0x1  }
0x15: {  	[smem:$0x3FB1] =	sst s0;
	s0 =	simm.s32 @!p2 $0x0  }
0x16: {  	s3 =	sld [smem:$0x3FDB];
	s0 =	simm.s32 @p2 $0x1  }
0x17: {  	s4 =	simm.s32 $0x1BF5;
	[smem:$0x3FB3] =	sst s0  }
0x18: {  	s0 =	sld [smem:$0x3F96];
	_ =	swait.ge [sflag:s4], $0x0  }
0x19: {  	s7 =	sld [smem:$0x3F97]  }
0x1a: {  	s8 =	sadd.s32 $0xFFFFE003, lr  }
0x1b: {  	s9 =	sadd.s32 $0xFFFFFEF7, lr;
	s5 =	simm.s32 $0xFFFFFFFF;
	p2 =	slt.u32 s8, $0xFFFFF086  }
0x1c: {  	p1 =	slt.u32 s9, $0xF7A;
	s5 =	simm.s32 @!p2 $0x0  }
0x1d: {  	s5 =	simm.s32 @p1 $0x1;
	p0 =	seq.s32 s7, s2  }
0x1e: {  	s7 =	smul.u32 @!p0 $0xF7A, s2;
	p2 =	seq.s32 @!p0 s5, $0x0  }
0x1f: {  	s9 =	smul.u32 $0xF7A, s1;
	s8 =	simm.s32 @!p0 $0x1BF5;
	p2 =	por !p2, p0  }
0x20: {  	[sflag:s8] =	ssyncset.s32 @!p0 $0xFFFFF086;
	s6 =	sadd.s32 @!p0 s3, s7;
	s7 =	simm.s32 @!p0 $0x108  }
0x21: {  	s3 =	sadd.s32 s3, s9;
	s6 =	sadd.s32 @!p0 $0x88, s6;
	s7 =	simm.s32 @p2 $0x1082  }
0x22: {  	[simem:s7], [sflag:s8] =	dma.local @!p0 [hbm:s6], $0xF7A  }
0x23: {  	s9 =	sor.u32 $0xD0000000, s2;
	s6 =	simm.s32 $0x108;
	_ =	swait.ge @!p0 [sflag:s8], $0x0  }
0x24: {  	s3 =	sadd.s32 $0x88, s3;
	s6 =	simm.s32 @!p1 $0x1082;
	[sflag:s4] =	ssyncset.s32 $0xFFFFF086  }
0x25: {  	[simem:s6], [sflag:s4] =	dma.local [hbm:s3], $0xF7A  }
0x26: {  	[smem:$0x3F97] =	sst s1;
	(tag) =	ssettag s2;
	_ =	strace s9  }
0x27: {  	s1 =	sld [smem:$0x3FA7]  }
0x28: {  	s2 =	sld [smem:$0x3FA8]  }
0x29: {  	s4 =	sld [smem:$0x3FAA]  }
0x2a: {  	p0 =	seq.s32 s5, $0x0;
	s5 =	sld [smem:$0x3FAB]  }
0x2b: {  	s6 =	sld [smem:$0x3FAC]  }
0x2c: {  	s7 =	sld [smem:$0x3FAD]  }
0x2d: {  	s3 =	simm.s32 $0x108;
	s8 =	sld [smem:$0x3FAE]  }
0x2e: {  	s3 =	simm.s32 @!p0 $0x1082;
	s9 =	sld [smem:$0x3FAF]  }
0x2f: {  	lr =	sadd.s32 s0, s3;
	s0 =	sld [smem:$0x3FA6]  }
0x30: {  	s3 =	sld [smem:$0x3FA9]  }
0x31: {  	[smem:$0x3FB2] =	sst s10  }
0x32: {  	s10 =	sld [smem:$0x3FB0];
	_ =	sdelay $0x3  }
0x33: {  	p0 =	seq.s32 s10, $0x1;
	s10 =	sld [smem:$0x3FB2];
	_ =	sdelay $0x3  }
0x34: {  	[smem:$0x3FB2] =	sst s10  }
0x35: {  	s10 =	sld [smem:$0x3FB1];
	_ =	sdelay $0x3  }
0x36: {  	p1 =	seq.s32 s10, $0x1;
	s10 =	sld [smem:$0x3FB2];
	_ =	sdelay $0x3  }
0x37: {  	[smem:$0x3FB2] =	sst s10  }
0x38: {  	s10 =	sld [smem:$0x3FB3]  }
0x39: {  	_ = 	snop;
	(pc) =	sbr.ind lr, $3  }
0x3a: {  	_ = 	snop  }
0x3b: {  	_ = 	snop  }
0x3c: {  	p2 =	seq.s32 s10, $0x1;
	s10 =	sld [smem:$0x3FB2]  }
0x3d: {  	_ =	shalt  }
0x3e: {  	_ =	shalt  }
0x3f: {  	_ =	shalt  }
0x40: {  	_ =	shalt  }
0x41: {  	_ =	shalt  }
0x42: {  	_ =	shalt  }
0x43: {  	_ =	shalt  }
0x44: {  	_ =	shalt  }
0x45: {  	_ =	shalt  }
0x46: {  	_ =	shalt  }
0x47: {  	_ =	shalt  }
0x48: {  	_ =	shalt  }
0x49: {  	_ =	shalt  }
0x4a: {  	_ =	shalt  }
0x4b: {  	_ =	shalt  }
0x4c: {  	_ =	shalt  }
0x4d: {  	_ =	shalt  }
0x4e: {  	_ =	shalt  }
0x4f: {  	_ =	shalt  }
0x50: {  	_ =	shalt  }
0x51: {  	_ =	shalt  }
0x52: {  	_ =	shalt  }
0x53: {  	_ =	shalt  }
0x54: {  	_ =	shalt  }
0x55: {  	_ =	shalt  }
0x56: {  	_ =	shalt  }
0x57: {  	_ =	shalt  }
0x58: {  	_ =	shalt  }
0x59: {  	_ =	shalt  }
0x5a: {  	_ =	shalt  }
0x5b: {  	_ =	shalt  }
0x5c: {  	_ =	shalt  }
0x5d: {  	_ =	shalt  }
0x5e: {  	_ =	shalt  }
0x5f: {  	_ =	shalt  }
0x60: {  	_ =	shalt  }
0x61: {  	_ =	shalt  }
0x62: {  	_ =	shalt  }
0x63: {  	_ =	shalt  }
0x64: {  	_ =	shalt  }
0x65: {  	_ =	shalt  }
0x66: {  	_ =	shalt  }
0x67: {  	_ =	shalt  }
0x68: {  	_ =	shalt  }
0x69: {  	_ =	shalt  }
0x6a: {  	_ =	shalt  }
0x6b: {  	_ =	shalt  }
0x6c: {  	_ =	shalt  }
0x6d: {  	_ =	shalt  }
0x6e: {  	_ =	shalt  }
0x6f: {  	_ =	shalt  }
0x70: {  	_ =	shalt  }
0x71: {  	_ =	shalt  }
0x72: {  	_ =	shalt  }
0x73: {  	_ =	shalt  }
0x74: {  	_ =	shalt  }
0x75: {  	_ =	shalt  }
0x76: {  	_ =	shalt  }
0x77: {  	_ =	shalt  }
0x78: {  	_ =	shalt  }
0x79: {  	_ =	shalt  }
0x7a: {  	_ =	shalt  }
0x7b: {  	_ =	shalt  }
0x7c: {  	_ =	shalt  }
0x7d: {  	_ =	shalt  }
0x7e: {  	_ =	shalt  }
0x7f: {  	_ =	shalt  }
0x80: {  	_ =	shalt  }
0x81: {  	_ =	shalt  }
0x82: {  	_ =	shalt  }
0x83: {  	_ =	shalt  }
0x84: {  	_ =	shalt  }
0x85: {  	_ =	shalt  }
0x86: {  	_ =	shalt  }
0x87: {  	_ =	shalt  }
.Lfunc_end0:
.L_simem_size_0:
called_computation.2_lowered:
.L_overlay_start_0:
0x88: {  	s2 =	sld [smem:$0x3FD9]  }
0x89: {  	s3 =	sld [smem:$0x3FFE];
	_ =	sdelay $0x1  }
0x8a: {  	s1 =	srdreg.scid  }
0x8b: {  	s0 =	sand.u32 $0x1, s1  }
0x8c: {  	s16 =	sshll.u32 s0, $0xA;
	s2 =	sadd.s32 s3, s2  }
0x8d: {  	s2 =	sadd.s32 s2, s16  }
0x8e: {  	[smem:$0x3FBE] =	sst s2  }
0x8f: {  	_ = 	snop  }
0x90: {  	(tm) =	ssettm $0x1  }
0x91: {  	s17 =	sld [smem:$0x3FFB];
	_ =	sdelay $0x3  }
0x92: {  	_ =	strace s17  }
0x93: {  	s2 =	sld [smem:$0x3FFC];
	_ =	sdelay $0x3  }
0x94: {  	_ =	strace s2  }
0x95: {  	s2 =	sld [smem:$0x3FFD];
	_ =	sdelay $0x3  }
0x96: {  	_ =	strace s2  }
0x97: {  	_ =	strace $0x8FFFFFFF  }
0x98: {  	s18 =	sld [smem:$0x3FDB];
	_ =	sdelay $0x1  }
0x99: {  	s19 =	simm.s32 $_scs_section_size  }
0x9a: {  	s4 =	simm.s32 $_size__tile_overlayer_lowered;
	s5 =	simm.s32 $_tile_overlayer_lowered  }
0x9b: {  	s22 =	simm.s32 $0x1BFF;
	s21 =	sshll.u32 s5, $0x1;
	s2 =	sadd.s32 s19, s18  }
0x9c: {  	s6 =	simm.s32 $0x0;
	s20 =	sshll.u32 s4, $0x1;
	s4 =	sadd.s32 s21, s2  }
0x9d: {  	[timem:s6], [sflag:s22] =	dma.local [hbm:s4], s20  }
0x9e: {  	_ =	swait.ge [sflag:s22], s20  }
0x9f: {  	s3 =	ssub.s32 $0x0, s20;
	[sflag:s22] =	ssyncset.done $0x0  }
0xa0: {  	[sflag:s22] =	ssyncadd.s32 s3;
	_ =	sdelay $0x1  }
0xa1: {  	s23 =	simm.s32 $0x1B8B  }
0xa2: {  	_ =	swait.ge [sflag:s23], $0x1  }
0xa3: {  	[sflag:s23] =	ssyncset.done $0x0  }
0xa4: {  	s25 =	simm.s32 $0x1B8E;
	s24 =	sld [smem:$0x3FFE];
	[sflag:s23] =	ssyncadd.s32 $0xFFFFFFFF  }
0xa5: {  	s26 =	simm.s32 $execute0_lowered;
	[smem:$0x3FD2] =	sst s25  }
0xa6: {  	s4 =	sshll.u32 s26, $0x1;
	_ =	strace $0x8000004C;
	[dreg:$0x1] =	wrdreg $0xFFFFFFFF  }
0xa7: {  	s28 =	simm.s32 $_size_execute0_lowered;
	s2 =	sadd.s32 s2, s4;
	[dreg:$0x0] =	wrdreg $0x0  }
0xa8: {  	s4 =	sshll.u32 s28, $0x1;
	[dreg:$0x2] =	wrdreg s2  }
0xa9: {  	[dreg:$0x3] =	wrdreg s4  }
0xaa: {  	[dreg:$0x4] =	wrdreg $0xC0  }
0xab: {  	_ =	task [dreg:s6], $0x5FFFF  }
0xac: {  	[dreg:$0x1] =	wrdreg $0xFFFFFFFF  }
0xad: {  	[dreg:$0x0] =	wrdreg $0x60  }
0xae: {  	[dreg:$0x2] =	wrdreg s24  }
0xaf: {  	[dreg:$0x3] =	wrdreg $0x88000  }
0xb0: {  	[dreg:$0x4] =	wrdreg $0x9  }
0xb1: {  	_ =	task.clear_ibuf [dreg:s6], $0x5FFFF;
	_ =	strace $0x9000004C  }
0xb2: {  	s29 =	simm.s32 $0x9;
	_ =	strace $0x8000004E  }
0xb3: {  	_ =	swait.ge [sflag:s29], $0x1  }
0xb4: {  	[sflag:s29] =	ssyncadd.s32 $0xFFFFFFFF  }
0xb5: {  	_ =	strace $0x9000004E  }
0xb6: {  	_ =	sfence  }
0xb7: {  	s30 =	sld [smem:$0x0];
	_ =	sdelay $0x2  }
0xb8: {  	s31 =	sshll.u32 s1, $0xD;
	s1 =	sshrl.u32 s1, $0x2  }
0xb9: {  	s3 =	sand.u32 $0x4000, s31;
	s1 =	sadd.s32 s1, s30  }
0xba: {  	s0 =	sor.u32 s3, s0;
	s1 =	sshll.u32 s1, $0x11  }
0xbb: {  	s0 =	sor.u32 s1, s0  }
0xbc: {  	s0 =	sadd.s32 $0x8F2B, s0  }
0xbd: {  	[sflag:s0] =	ssyncadd.remote.s32 $0x1  }
0xbe: {  	_ =	sfence.sel $0xFFFF  }
0xbf: {  	[dreg:$0x0] =	wrdreg $0xFFFFFFFF;
	(pc) =	sbr.abs _section_cstart, $3  }
0xc0: {  	[dreg:$0x1] =	wrdreg $0xFFFFFFFF  }
0xc1: {  	_ =	task.clear_ibuf [dreg:s6], $0x2FFFF;
	_ =	strace $0x9FFFFFFF  }
0xc2: {  	(tm) =	ssettm $0x7FFFFFFF  }
0xc3: {  	_ =	shalt  }
tec
execute0_lowered:
.L_overlay_start_1:
0x0: {  	(tag) =	ssettag $0x1  }
0x1: {  	s0 =	rddreg [dreg:$0x0]  }
0x2: {  	s1 =	rddreg [dreg:$0x1];
	s2 =	simm.s32 $0x0  }
0x3: {  	s3 =	srdreg.scid;
	s13 =	stileid.u32;
	s28 =	simm.s32 $0x500  }
0x4: {  	s29 =	simm.s32 $0x4;
	s30 =	simm.s32 $0x180;
	s31 =	simm.s32 $0x580  }
0x5: {  	s14 =	simm.s32 $0x380;
	s15 =	simm.s32 $0x780;
	s6 =	smul.u32 $0x50000, s13  }
0x6: {  	[smem:$0x7FF] =	sst s2;
	s3 =	sand.u32 $0x1, s3;
	s9 =	smul.u32 $0x14000, s13  }
0x7: {  	s4 =	sadd.s32 $0x2600, s0;
	s23 =	smul.u32 $0xA00, s13;
	s13 =	simm.s32 $0x700  }
0x8: {  	s5 =	smul.u32 $0xA000, s3;
	_ =	strace $0x8000004D;
	s7 =	ssub.s32 $0x2, s3  }
0x9: {  	s3 =	smul.u32 $0x140000, s3;
	s8 =	sshrl.u32 s7, $0x1;
	s6 =	sshrl.u32 s6, $0x2  }
0xa: {  	s16 =	sadd.s32 $0x4000, s9;
	s17 =	sadd.s32 $0x8000, s9;
	s19 =	sadd.s32 $0xC000, s9  }
0xb: {  	s20 =	sadd.s32 $0x10000, s9;
	s5 =	sadd.s32 s5, s0;
	s0 =	sadd.s32 $0xC0E00, s0  }
0xc: {  	s7 =	ssub.s32 s7, s8;
	s6 =	sadd.s32 s6, s1;
	s10 =	sadd.s32 s16, s1  }
0xd: {  	s18 =	sadd.s32 s17, s1;
	s11 =	sadd.s32 s19, s1;
	[dreg:$0x3] =	wrdreg s6  }
0xe: {  	s12 =	sadd.s32 s9, s3;
	s9 =	sadd.s32 s20, s1;
	[dreg:$0x4] =	wrdreg s10  }
0xf: {  	s8 =	sadd.s32 s3, s17;
	s22 =	sadd.s32 s3, s19;
	[dreg:$0x5] =	wrdreg s18  }
0x10: {  	s17 =	simm.s32 $0x800;
	s19 =	simm.s32 $0x80;
	[dreg:$0x6] =	wrdreg s11  }
0x11: {  	s12 =	sshrl.u32 s12, $0x3;
	s6 =	sadd.s32 s3, s16;
	s21 =	sshrl.u32 s8, $0x3  }
0x12: {  	s8 =	sshrl.u32 s22, $0x3;
	s3 =	sadd.s32 s3, s20;
	s25 =	smax.u32 s7, $0x1  }
0x13: {  	s26 =	sadd.s32 s23, s5;
	s18 =	simm.s32 $0x5;
	s20 =	simm.s32 $0x1  }
0x14: {  	s22 =	simm.s32 $0x4800;
	s23 =	simm.s32 $0x2;
	s10 =	simm.s32 $0x280  }
0x15: {  	s11 =	simm.s32 $0x680;
	s5 =	simm.s32 $0x0;
	[dreg:$0x7] =	wrdreg s9  }
0x16: {  	s12 =	sadd.s32 s0, s12;
	s6 =	sshrl.u32 s6, $0x3;
	s24 =	sadd.s32 s0, s8  }
0x17: {  	s3 =	sshrl.u32 s3, $0x3;
	[dreg:$0xd] =	wrdreg s25;
	s16 =	sadd.s32 $0x5CE00, s26  }
0x18: {  	s25 =	simm.s32 $0x3;
	s26 =	simm.s32 $0x100;
	[dreg:$0x8] =	wrdreg s12  }
0x19: {  	s6 =	sadd.s32 s0, s6;
	[dreg:$0xb] =	wrdreg s24;
	s24 =	simm.s32 $0x480  }
0x1a: {  	s12 =	simm.s32 $0x300;
	[dreg:$0x9] =	wrdreg s6;
	s6 =	sadd.s32 s0, s21  }
0x1b: {  	s0 =	sadd.s32 s0, s3;
	s21 =	simm.s32 $0x400;
	[dreg:$0xa] =	wrdreg s6  }
0x1c: {  	v0 =	vimm.f32 $0.0e+00;
	s3 =	simm.s32 $0x600;
	[dreg:$0xc] =	wrdreg s0;
	s0 =	simm.s32 $0x200  }
.LBB2_1:
0x1d: {  	s6 =	simm.s32 $0x0;
	s7 =	simm.s32 $0x200  }
.LBB2_2:
0x1e: {  	p0 =	sne.s32 s7, $0xFE00;
	[tilespmem:s6+$0x870] =	vst v0  }
0x1f: {  	[tilespmem:s6+$0x800] =	vst v0  }
0x20: {  	[tilespmem:s6+$0x810] =	vst v0  }
.Ltmp0:
0x21: {  	[tilespmem:s6+$0x820] =	vst v0;
	(pc) =	sbr.rel @p0 .LBB2_2-.Ltmp0, $4  }
0x22: {  	[tilespmem:s6+$0x830] =	vst v0  }
0x23: {  	[tilespmem:s6+$0x840] =	vst v0  }
0x24: {  	[tilespmem:s6+$0x850] =	vst v0  }
0x25: {  	[tilespmem:s6+$0x860] =	vst v0;
	s6 =	sshra.s32 s7, $0x2;
	s7 =	sadd.s32 $0x200, s7  }
0x26: {  	[tilespmem:s6+$0x870] =	vst v0  }
0x27: {  	[tilespmem:s6+$0x800] =	vst v0  }
0x28: {  	[tilespmem:s6+$0x810] =	vst v0  }
0x29: {  	[tilespmem:s6+$0x820] =	vst v0  }
0x2a: {  	[tilespmem:s6+$0x830] =	vst v0  }
0x2b: {  	[tilespmem:s6+$0x840] =	vst v0  }
0x2c: {  	[tilespmem:s6+$0x850] =	vst v0  }
0x2d: {  	[tilespmem:s6+$0x860] =	vst v0;
	s7 =	rddreg [dreg:$0x3]  }
0x2e: {  	[spmem:s7] =	stream.linear.scatter [tilespmem:s17], [sflag:$0x5], $0x4000, $0x38;
	[tilespmem:$0x1C800] =	vst v63  }
0x2f: {  	_ =	swait.ge [sflag:s18], $0x4000  }
0x30: {  	[sflag:s18] =	ssyncset.done $0x0  }
0x31: {  	s8 =	rddreg [dreg:$0x4];
	[sflag:s18] =	ssyncadd.s32 $0xFFFFC000  }
0x32: {  	[spmem:s8] =	stream.linear.scatter [tilespmem:s17], [sflag:$0x5], $0x4000, $0x38;
	[tilespmem:$0x1C800] =	vst v63  }
0x33: {  	_ =	swait.ge [sflag:s18], $0x4000  }
0x34: {  	[sflag:s18] =	ssyncset.done $0x0  }
0x35: {  	s7 =	rddreg [dreg:$0x5];
	[sflag:s18] =	ssyncadd.s32 $0xFFFFC000  }
0x36: {  	[spmem:s7] =	stream.linear.scatter [tilespmem:s17], [sflag:$0x5], $0x4000, $0x38;
	[tilespmem:$0x1C800] =	vst v63  }
0x37: {  	_ =	swait.ge [sflag:s18], $0x4000  }
0x38: {  	[sflag:s18] =	ssyncset.done $0x0  }
0x39: {  	s8 =	rddreg [dreg:$0x6];
	[sflag:s18] =	ssyncadd.s32 $0xFFFFC000  }
0x3a: {  	[spmem:s8] =	stream.linear.scatter [tilespmem:s17], [sflag:$0x5], $0x4000, $0x38;
	[tilespmem:$0x1C800] =	vst v63  }
0x3b: {  	_ =	swait.ge [sflag:s18], $0x4000  }
0x3c: {  	[sflag:s18] =	ssyncset.done $0x0  }
0x3d: {  	[sflag:s18] =	ssyncadd.s32 $0xFFFFC000  }
0x3e: {  	[spmem:s9] =	stream.linear.scatter [tilespmem:s17], [sflag:$0x5], $0x4000, $0x38;
	[tilespmem:$0x1C800] =	vst v63  }
0x3f: {  	_ =	swait.ge [sflag:s18], $0x4000  }
0x40: {  	[sflag:s18] =	ssyncset.done $0x0  }
0x41: {  	[sflag:s18] =	ssyncadd.s32 $0xFFFFC000  }
0x42: {  	s9 =	sadd.s32 $0x0, s16;
	[bflag:$0x0] =	sbarrier.arrive $0xFFFF  }
0x43: {  	[tilespmem:s2], [sflag:$0x5] =	stream.linear.gather [hbm4b:s9+s2], $0x800, $0x38;
	[tilespmem:$0x1C800] =	vst v63  }
0x44: {  	_ =	swait.ge [sflag:s18], $0x800  }
0x45: {  	[sflag:s18] =	ssyncset.done $0x0  }
0x46: {  	[sflag:s18] =	ssyncadd.s32 $0xFFFFF800  }
0x47: {  	[tilespmem:s17], [sflag:$0x1] =	stream.indirect.gather [hbm4b:s4+s19], $0x80, s2, s19, $0xb8;
	[tilespmem:$0x1C800] =	vst v63  }
0x48: {  	_ =	swait.ge [sflag:s20], $0x4000  }
0x49: {  	[sflag:s20] =	ssyncset.done $0x0  }
0x4a: {  	[sflag:s20] =	ssyncadd.s32 $0xFFFFC000  }
0x4b: {  	[spmem:s1] =	stream.indirect.scatter.add.f32 [tilespmem:s17], [sflag:$0x3], $0x80, s21, s19, $0xb8;
	[tilespmem:$0x1C800] =	vst v63  }
0x4c: {  	_ = 	snop  }
0x4d: {  	[tilespmem:s22], [sflag:$0x2] =	stream.indirect.gather [hbm4b:s4+s19], $0x80, s19, s19, $0xb8;
	[tilespmem:$0x1C800] =	vst v63  }
0x4e: {  	_ =	swait.ge [sflag:s23], $0x4000  }
0x4f: {  	[sflag:s23] =	ssyncset.done $0x0  }
0x50: {  	[sflag:s23] =	ssyncadd.s32 $0xFFFFC000  }
0x51: {  	[spmem:s1] =	stream.indirect.scatter.add.f32 [tilespmem:s22], [sflag:$0x4], $0x80, s24, s19, $0xb8;
	[tilespmem:$0x1C800] =	vst v63  }
0x52: {  	_ =	swait.ge [sflag:s25], $0x4000  }
0x53: {  	[sflag:s25] =	ssyncset.done $0x0  }
0x54: {  	[sflag:s25] =	ssyncadd.s32 $0xFFFFC000  }
0x55: {  	[tilespmem:s17], [sflag:$0x1] =	stream.indirect.gather [hbm4b:s4+s19], $0x80, s26, s19, $0xb8;
	[tilespmem:$0x1C800] =	vst v63  }
0x56: {  	_ =	swait.ge [sflag:s20], $0x4000  }
0x57: {  	[sflag:s20] =	ssyncset.done $0x0  }
0x58: {  	[sflag:s20] =	ssyncadd.s32 $0xFFFFC000  }
0x59: {  	[spmem:s1] =	stream.indirect.scatter.add.f32 [tilespmem:s17], [sflag:$0x3], $0x80, s28, s19, $0xb8;
	[tilespmem:$0x1C800] =	vst v63  }
0x5a: {  	_ =	swait.ge [sflag:s29], $0x4000  }
0x5b: {  	[sflag:s29] =	ssyncset.done $0x0  }
0x5c: {  	[sflag:s29] =	ssyncadd.s32 $0xFFFFC000  }
0x5d: {  	[tilespmem:s22], [sflag:$0x2] =	stream.indirect.gather [hbm4b:s4+s19], $0x80, s30, s19, $0xb8;
	[tilespmem:$0x1C800] =	vst v63  }
0x5e: {  	_ =	swait.ge [sflag:s23], $0x4000  }
0x5f: {  	[sflag:s23] =	ssyncset.done $0x0  }
0x60: {  	[sflag:s23] =	ssyncadd.s32 $0xFFFFC000  }
0x61: {  	[spmem:s1] =	stream.indirect.scatter.add.f32 [tilespmem:s22], [sflag:$0x4], $0x80, s31, s19, $0xb8;
	[tilespmem:$0x1C800] =	vst v63  }
0x62: {  	_ =	swait.ge [sflag:s25], $0x4000  }
0x63: {  	[sflag:s25] =	ssyncset.done $0x0  }
0x64: {  	[sflag:s25] =	ssyncadd.s32 $0xFFFFC000  }
0x65: {  	[tilespmem:s17], [sflag:$0x1] =	stream.indirect.gather [hbm4b:s4+s19], $0x80, s0, s19, $0xb8;
	[tilespmem:$0x1C800] =	vst v63  }
0x66: {  	_ =	swait.ge [sflag:s20], $0x4000  }
0x67: {  	[sflag:s20] =	ssyncset.done $0x0  }
0x68: {  	[sflag:s20] =	ssyncadd.s32 $0xFFFFC000  }
0x69: {  	[spmem:s1] =	stream.indirect.scatter.add.f32 [tilespmem:s17], [sflag:$0x3], $0x80, s3, s19, $0xb8;
	[tilespmem:$0x1C800] =	vst v63  }
0x6a: {  	_ =	swait.ge [sflag:s29], $0x4000  }
0x6b: {  	[sflag:s29] =	ssyncset.done $0x0  }
0x6c: {  	[sflag:s29] =	ssyncadd.s32 $0xFFFFC000  }
0x6d: {  	[tilespmem:s22], [sflag:$0x2] =	stream.indirect.gather [hbm4b:s4+s19], $0x80, s10, s19, $0xb8;
	[tilespmem:$0x1C800] =	vst v63  }
0x6e: {  	_ =	swait.ge [sflag:s23], $0x4000  }
0x6f: {  	[sflag:s23] =	ssyncset.done $0x0  }
0x70: {  	[sflag:s23] =	ssyncadd.s32 $0xFFFFC000  }
0x71: {  	[spmem:s1] =	stream.indirect.scatter.add.f32 [tilespmem:s22], [sflag:$0x4], $0x80, s11, s19, $0xb8;
	[tilespmem:$0x1C800] =	vst v63  }
0x72: {  	_ =	swait.ge [sflag:s25], $0x4000  }
0x73: {  	[sflag:s25] =	ssyncset.done $0x0  }
0x74: {  	[sflag:s25] =	ssyncadd.s32 $0xFFFFC000  }
0x75: {  	[tilespmem:s17], [sflag:$0x1] =	stream.indirect.gather [hbm4b:s4+s19], $0x80, s12, s19, $0xb8;
	[tilespmem:$0x1C800] =	vst v63  }
0x76: {  	_ =	swait.ge [sflag:s20], $0x4000  }
0x77: {  	[sflag:s20] =	ssyncset.done $0x0  }
0x78: {  	[sflag:s20] =	ssyncadd.s32 $0xFFFFC000  }
0x79: {  	[spmem:s1] =	stream.indirect.scatter.add.f32 [tilespmem:s17], [sflag:$0x3], $0x80, s13, s19, $0xb8;
	[tilespmem:$0x1C800] =	vst v63  }
0x7a: {  	_ =	swait.ge [sflag:s29], $0x4000  }
0x7b: {  	[sflag:s29] =	ssyncset.done $0x0  }
0x7c: {  	[sflag:s29] =	ssyncadd.s32 $0xFFFFC000  }
0x7d: {  	[tilespmem:s22], [sflag:$0x2] =	stream.indirect.gather [hbm4b:s4+s19], $0x80, s14, s19, $0xb8;
	[tilespmem:$0x1C800] =	vst v63  }
0x7e: {  	_ =	swait.ge [sflag:s23], $0x4000  }
0x7f: {  	[sflag:s23] =	ssyncset.done $0x0  }
0x80: {  	[sflag:s23] =	ssyncadd.s32 $0xFFFFC000  }
0x81: {  	[spmem:s1] =	stream.indirect.scatter.add.f32 [tilespmem:s22], [sflag:$0x4], $0x80, s15, s19, $0xb8;
	[tilespmem:$0x1C800] =	vst v63  }
0x82: {  	_ =	swait.ge [sflag:s25], $0x4000  }
0x83: {  	[sflag:s25] =	ssyncset.done $0x0  }
0x84: {  	[sflag:s25] =	ssyncadd.s32 $0xFFFFC000  }
0x85: {  	_ =	swait.ge [sflag:s29], $0x4000  }
0x86: {  	s6 =	simm.s32 $0x100;
	s7 =	simm.s32 $0x200;
	[sflag:s29] =	ssyncset.done $0x0  }
.LBB2_4:
0x87: {  	s9 =	sadd.s32 s6, s16  }
0x88: {  	[sflag:s29] =	ssyncadd.s32 $0xFFFFC000;
	s6 =	smov.u32 s7;
	s8 =	sadd.s32 $0x100, s7  }
0x89: {  	[tilespmem:s2], [sflag:$0x5] =	stream.linear.gather [hbm4b:s9+s2], $0x800, $0x38;
	[tilespmem:$0x1C800] =	vst v63  }
0x8a: {  	p0 =	sne.s32 s7, $0x900;
	_ =	swait.ge [sflag:s18], $0x800  }
0x8b: {  	[sflag:s18] =	ssyncset.done $0x0  }
0x8c: {  	[sflag:s18] =	ssyncadd.s32 $0xFFFFF800  }
0x8d: {  	[tilespmem:s17], [sflag:$0x1] =	stream.indirect.gather [hbm4b:s4+s19], $0x80, s2, s19, $0xb8;
	[tilespmem:$0x1C800] =	vst v63  }
0x8e: {  	_ =	swait.ge [sflag:s20], $0x4000  }
0x8f: {  	[sflag:s20] =	ssyncset.done $0x0  }
0x90: {  	[sflag:s20] =	ssyncadd.s32 $0xFFFFC000  }
0x91: {  	[spmem:s1] =	stream.indirect.scatter.add.f32 [tilespmem:s17], [sflag:$0x3], $0x80, s21, s19, $0xb8;
	[tilespmem:$0x1C800] =	vst v63  }
0x92: {  	_ = 	snop  }
0x93: {  	[tilespmem:s22], [sflag:$0x2] =	stream.indirect.gather [hbm4b:s4+s19], $0x80, s19, s19, $0xb8;
	[tilespmem:$0x1C800] =	vst v63  }
0x94: {  	_ =	swait.ge [sflag:s23], $0x4000  }
0x95: {  	[sflag:s23] =	ssyncset.done $0x0  }
0x96: {  	[sflag:s23] =	ssyncadd.s32 $0xFFFFC000  }
0x97: {  	[spmem:s1] =	stream.indirect.scatter.add.f32 [tilespmem:s22], [sflag:$0x4], $0x80, s24, s19, $0xb8;
	[tilespmem:$0x1C800] =	vst v63  }
0x98: {  	_ =	swait.ge [sflag:s25], $0x4000  }
0x99: {  	[sflag:s25] =	ssyncset.done $0x0  }
0x9a: {  	[sflag:s25] =	ssyncadd.s32 $0xFFFFC000  }
0x9b: {  	[tilespmem:s17], [sflag:$0x1] =	stream.indirect.gather [hbm4b:s4+s19], $0x80, s26, s19, $0xb8;
	[tilespmem:$0x1C800] =	vst v63  }
0x9c: {  	_ =	swait.ge [sflag:s20], $0x4000  }
0x9d: {  	[sflag:s20] =	ssyncset.done $0x0  }
0x9e: {  	[sflag:s20] =	ssyncadd.s32 $0xFFFFC000  }
0x9f: {  	[spmem:s1] =	stream.indirect.scatter.add.f32 [tilespmem:s17], [sflag:$0x3], $0x80, s28, s19, $0xb8;
	[tilespmem:$0x1C800] =	vst v63  }
0xa0: {  	_ =	swait.ge [sflag:s29], $0x4000  }
0xa1: {  	[sflag:s29] =	ssyncset.done $0x0  }
0xa2: {  	[sflag:s29] =	ssyncadd.s32 $0xFFFFC000  }
0xa3: {  	[tilespmem:s22], [sflag:$0x2] =	stream.indirect.gather [hbm4b:s4+s19], $0x80, s30, s19, $0xb8;
	[tilespmem:$0x1C800] =	vst v63  }
0xa4: {  	_ =	swait.ge [sflag:s23], $0x4000  }
0xa5: {  	[sflag:s23] =	ssyncset.done $0x0  }
0xa6: {  	[sflag:s23] =	ssyncadd.s32 $0xFFFFC000  }
0xa7: {  	[spmem:s1] =	stream.indirect.scatter.add.f32 [tilespmem:s22], [sflag:$0x4], $0x80, s31, s19, $0xb8;
	[tilespmem:$0x1C800] =	vst v63  }
0xa8: {  	_ =	swait.ge [sflag:s25], $0x4000  }
0xa9: {  	[sflag:s25] =	ssyncset.done $0x0  }
0xaa: {  	[sflag:s25] =	ssyncadd.s32 $0xFFFFC000  }
0xab: {  	[tilespmem:s17], [sflag:$0x1] =	stream.indirect.gather [hbm4b:s4+s19], $0x80, s0, s19, $0xb8;
	[tilespmem:$0x1C800] =	vst v63  }
0xac: {  	_ =	swait.ge [sflag:s20], $0x4000  }
0xad: {  	[sflag:s20] =	ssyncset.done $0x0  }
0xae: {  	[sflag:s20] =	ssyncadd.s32 $0xFFFFC000  }
0xaf: {  	[spmem:s1] =	stream.indirect.scatter.add.f32 [tilespmem:s17], [sflag:$0x3], $0x80, s3, s19, $0xb8;
	[tilespmem:$0x1C800] =	vst v63  }
0xb0: {  	_ =	swait.ge [sflag:s29], $0x4000  }
0xb1: {  	[sflag:s29] =	ssyncset.done $0x0  }
0xb2: {  	[sflag:s29] =	ssyncadd.s32 $0xFFFFC000  }
0xb3: {  	[tilespmem:s22], [sflag:$0x2] =	stream.indirect.gather [hbm4b:s4+s19], $0x80, s10, s19, $0xb8;
	[tilespmem:$0x1C800] =	vst v63  }
0xb4: {  	_ =	swait.ge [sflag:s23], $0x4000  }
0xb5: {  	[sflag:s23] =	ssyncset.done $0x0  }
0xb6: {  	[sflag:s23] =	ssyncadd.s32 $0xFFFFC000  }
0xb7: {  	[spmem:s1] =	stream.indirect.scatter.add.f32 [tilespmem:s22], [sflag:$0x4], $0x80, s11, s19, $0xb8;
	[tilespmem:$0x1C800] =	vst v63  }
0xb8: {  	_ =	swait.ge [sflag:s25], $0x4000  }
0xb9: {  	[sflag:s25] =	ssyncset.done $0x0  }
0xba: {  	[sflag:s25] =	ssyncadd.s32 $0xFFFFC000  }
0xbb: {  	[tilespmem:s17], [sflag:$0x1] =	stream.indirect.gather [hbm4b:s4+s19], $0x80, s12, s19, $0xb8;
	[tilespmem:$0x1C800] =	vst v63  }
0xbc: {  	_ =	swait.ge [sflag:s20], $0x4000  }
0xbd: {  	[sflag:s20] =	ssyncset.done $0x0  }
0xbe: {  	[sflag:s20] =	ssyncadd.s32 $0xFFFFC000  }
0xbf: {  	[spmem:s1] =	stream.indirect.scatter.add.f32 [tilespmem:s17], [sflag:$0x3], $0x80, s13, s19, $0xb8;
	[tilespmem:$0x1C800] =	vst v63  }
0xc0: {  	_ =	swait.ge [sflag:s29], $0x4000  }
0xc1: {  	[sflag:s29] =	ssyncset.done $0x0  }
0xc2: {  	[sflag:s29] =	ssyncadd.s32 $0xFFFFC000  }
0xc3: {  	[tilespmem:s22], [sflag:$0x2] =	stream.indirect.gather [hbm4b:s4+s19], $0x80, s14, s19, $0xb8;
	[tilespmem:$0x1C800] =	vst v63  }
0xc4: {  	_ =	swait.ge [sflag:s23], $0x4000  }
0xc5: {  	[sflag:s23] =	ssyncset.done $0x0  }
0xc6: {  	[sflag:s23] =	ssyncadd.s32 $0xFFFFC000  }
0xc7: {  	[spmem:s1] =	stream.indirect.scatter.add.f32 [tilespmem:s22], [sflag:$0x4], $0x80, s15, s19, $0xb8;
	[tilespmem:$0x1C800] =	vst v63  }
.Ltmp1:
0xc8: {  	_ =	swait.ge [sflag:s25], $0x4000;
	(pc) =	sbr.rel @p0 .LBB2_4-.Ltmp1, $4  }
0xc9: {  	[sflag:s25] =	ssyncset.done $0x0  }
0xca: {  	[sflag:s25] =	ssyncadd.s32 $0xFFFFC000  }
0xcb: {  	_ =	swait.ge [sflag:s29], $0x4000  }
0xcc: {  	s7 =	smov.u32 s8;
	[sflag:s29] =	ssyncset.done $0x0  }
0xcd: {  	s6 =	sadd.s32 s6, s16;
	[sflag:s29] =	ssyncadd.s32 $0xFFFFC000  }
0xce: {  	[tilespmem:s2], [sflag:$0x5] =	stream.linear.gather [hbm4b:s6+s2], $0x800, $0x38;
	[tilespmem:$0x1C800] =	vst v63  }
0xcf: {  	_ =	swait.ge [sflag:s18], $0x800  }
0xd0: {  	[sflag:s18] =	ssyncset.done $0x0  }
0xd1: {  	[sflag:s18] =	ssyncadd.s32 $0xFFFFF800  }
0xd2: {  	[tilespmem:s17], [sflag:$0x1] =	stream.indirect.gather [hbm4b:s4+s19], $0x80, s2, s19, $0xb8;
	[tilespmem:$0x1C800] =	vst v63  }
0xd3: {  	_ =	swait.ge [sflag:s20], $0x4000  }
0xd4: {  	[sflag:s20] =	ssyncset.done $0x0  }
0xd5: {  	[sflag:s20] =	ssyncadd.s32 $0xFFFFC000  }
0xd6: {  	[spmem:s1] =	stream.indirect.scatter.add.f32 [tilespmem:s17], [sflag:$0x3], $0x80, s21, s19, $0xb8;
	[tilespmem:$0x1C800] =	vst v63  }
0xd7: {  	_ = 	snop  }
0xd8: {  	[tilespmem:s22], [sflag:$0x2] =	stream.indirect.gather [hbm4b:s4+s19], $0x80, s19, s19, $0xb8;
	[tilespmem:$0x1C800] =	vst v63  }
0xd9: {  	_ =	swait.ge [sflag:s23], $0x4000  }
0xda: {  	[sflag:s23] =	ssyncset.done $0x0  }
0xdb: {  	[sflag:s23] =	ssyncadd.s32 $0xFFFFC000  }
0xdc: {  	[spmem:s1] =	stream.indirect.scatter.add.f32 [tilespmem:s22], [sflag:$0x4], $0x80, s24, s19, $0xb8;
	[tilespmem:$0x1C800] =	vst v63  }
0xdd: {  	_ =	swait.ge [sflag:s25], $0x4000  }
0xde: {  	[sflag:s25] =	ssyncset.done $0x0  }
0xdf: {  	[sflag:s25] =	ssyncadd.s32 $0xFFFFC000  }
0xe0: {  	[tilespmem:s17], [sflag:$0x1] =	stream.indirect.gather [hbm4b:s4+s19], $0x80, s26, s19, $0xb8;
	[tilespmem:$0x1C800] =	vst v63  }
0xe1: {  	_ =	swait.ge [sflag:s20], $0x4000  }
0xe2: {  	[sflag:s20] =	ssyncset.done $0x0  }
0xe3: {  	[sflag:s20] =	ssyncadd.s32 $0xFFFFC000  }
0xe4: {  	[spmem:s1] =	stream.indirect.scatter.add.f32 [tilespmem:s17], [sflag:$0x3], $0x80, s28, s19, $0xb8;
	[tilespmem:$0x1C800] =	vst v63  }
0xe5: {  	_ =	swait.ge [sflag:s29], $0x4000  }
0xe6: {  	[sflag:s29] =	ssyncset.done $0x0  }
0xe7: {  	[sflag:s29] =	ssyncadd.s32 $0xFFFFC000  }
0xe8: {  	[tilespmem:s22], [sflag:$0x2] =	stream.indirect.gather [hbm4b:s4+s19], $0x80, s30, s19, $0xb8;
	[tilespmem:$0x1C800] =	vst v63  }
0xe9: {  	_ =	swait.ge [sflag:s23], $0x4000  }
0xea: {  	[sflag:s23] =	ssyncset.done $0x0  }
0xeb: {  	[sflag:s23] =	ssyncadd.s32 $0xFFFFC000  }
0xec: {  	[spmem:s1] =	stream.indirect.scatter.add.f32 [tilespmem:s22], [sflag:$0x4], $0x80, s31, s19, $0xb8;
	[tilespmem:$0x1C800] =	vst v63  }
0xed: {  	_ =	swait.ge [sflag:s25], $0x4000  }
0xee: {  	[sflag:s25] =	ssyncset.done $0x0  }
0xef: {  	[sflag:s25] =	ssyncadd.s32 $0xFFFFC000  }
0xf0: {  	[tilespmem:s17], [sflag:$0x1] =	stream.indirect.gather [hbm4b:s4+s19], $0x80, s0, s19, $0xb8;
	[tilespmem:$0x1C800] =	vst v63  }
0xf1: {  	_ =	swait.ge [sflag:s20], $0x4000  }
0xf2: {  	[sflag:s20] =	ssyncset.done $0x0  }
0xf3: {  	[sflag:s20] =	ssyncadd.s32 $0xFFFFC000  }
0xf4: {  	[spmem:s1] =	stream.indirect.scatter.add.f32 [tilespmem:s17], [sflag:$0x3], $0x80, s3, s19, $0xb8;
	[tilespmem:$0x1C800] =	vst v63  }
0xf5: {  	_ =	swait.ge [sflag:s29], $0x4000  }
0xf6: {  	[sflag:s29] =	ssyncset.done $0x0  }
0xf7: {  	[sflag:s29] =	ssyncadd.s32 $0xFFFFC000  }
0xf8: {  	[tilespmem:s22], [sflag:$0x2] =	stream.indirect.gather [hbm4b:s4+s19], $0x80, s10, s19, $0xb8;
	[tilespmem:$0x1C800] =	vst v63  }
0xf9: {  	_ =	swait.ge [sflag:s23], $0x4000  }
0xfa: {  	[sflag:s23] =	ssyncset.done $0x0  }
0xfb: {  	[sflag:s23] =	ssyncadd.s32 $0xFFFFC000  }
0xfc: {  	[spmem:s1] =	stream.indirect.scatter.add.f32 [tilespmem:s22], [sflag:$0x4], $0x80, s11, s19, $0xb8;
	[tilespmem:$0x1C800] =	vst v63  }
0xfd: {  	_ =	swait.ge [sflag:s25], $0x4000  }
0xfe: {  	[sflag:s25] =	ssyncset.done $0x0  }
0xff: {  	[sflag:s25] =	ssyncadd.s32 $0xFFFFC000  }
0x100: {  	[tilespmem:s17], [sflag:$0x1] =	stream.indirect.gather [hbm4b:s4+s19], $0x80, s12, s19, $0xb8;
	[tilespmem:$0x1C800] =	vst v63  }
0x101: {  	_ =	swait.ge [sflag:s20], $0x4000  }
0x102: {  	[sflag:s20] =	ssyncset.done $0x0  }
0x103: {  	[sflag:s20] =	ssyncadd.s32 $0xFFFFC000  }
0x104: {  	[spmem:s1] =	stream.indirect.scatter.add.f32 [tilespmem:s17], [sflag:$0x3], $0x80, s13, s19, $0xb8;
	[tilespmem:$0x1C800] =	vst v63  }
0x105: {  	_ =	swait.ge [sflag:s29], $0x4000  }
0x106: {  	[sflag:s29] =	ssyncset.done $0x0  }
0x107: {  	[sflag:s29] =	ssyncadd.s32 $0xFFFFC000  }
0x108: {  	[tilespmem:s22], [sflag:$0x2] =	stream.indirect.gather [hbm4b:s4+s19], $0x80, s14, s19, $0xb8;
	[tilespmem:$0x1C800] =	vst v63  }
0x109: {  	_ =	swait.ge [sflag:s23], $0x4000  }
0x10a: {  	[sflag:s23] =	ssyncset.done $0x0  }
0x10b: {  	[sflag:s23] =	ssyncadd.s32 $0xFFFFC000  }
0x10c: {  	[spmem:s1] =	stream.indirect.scatter.add.f32 [tilespmem:s22], [sflag:$0x4], $0x80, s15, s19, $0xb8;
	[tilespmem:$0x1C800] =	vst v63  }
0x10d: {  	_ =	swait.ge [sflag:s25], $0x4000  }
0x10e: {  	[sflag:s25] =	ssyncset.done $0x0  }
0x10f: {  	[sflag:s25] =	ssyncadd.s32 $0xFFFFC000  }
0x110: {  	_ =	swait.ge [sflag:s29], $0x4000  }
0x111: {  	[sflag:s29] =	ssyncset.done $0x0  }
0x112: {  	[sflag:s29] =	ssyncadd.s32 $0xFFFFC000  }
0x113: {  	s7 =	stileid.u32;
	[bflag:$0x0] =	sbarrier.arrive $0xFFFF  }
0x114: {  	s6 =	sshll.u32 s7, $0x6;
	s7 =	rddreg [dreg:$0x3]  }
0x115: {  	s6 =	sor.u32 $0x1C05, s6;
	s8 =	rddreg [dreg:$0x8];
	s7 =	sshrl.u32 s7, $0x3  }
0x116: {  	[hbm:s8], [sflag:s6] =	dma.local [spmem:s7], $0x800  }
0x117: {  	_ =	swait.ge [sflag:s18], $0x800  }
0x118: {  	[sflag:s18] =	ssyncset.done $0x0;
	s8 =	rddreg [dreg:$0x4]  }
0x119: {  	s9 =	rddreg [dreg:$0x9];
	[sflag:s18] =	ssyncadd.s32 $0xFFFFF800;
	s7 =	sshrl.u32 s8, $0x3  }
0x11a: {  	[hbm:s9], [sflag:s6] =	dma.local [spmem:s7], $0x800  }
0x11b: {  	_ =	swait.ge [sflag:s18], $0x800  }
0x11c: {  	[sflag:s18] =	ssyncset.done $0x0;
	s8 =	rddreg [dreg:$0x5]  }
0x11d: {  	s9 =	rddreg [dreg:$0xa];
	[sflag:s18] =	ssyncadd.s32 $0xFFFFF800;
	s7 =	sshrl.u32 s8, $0x3  }
0x11e: {  	[hbm:s9], [sflag:s6] =	dma.local [spmem:s7], $0x800  }
0x11f: {  	_ =	swait.ge [sflag:s18], $0x800  }
0x120: {  	[sflag:s18] =	ssyncset.done $0x0;
	s8 =	rddreg [dreg:$0x6]  }
0x121: {  	s9 =	rddreg [dreg:$0xb];
	[sflag:s18] =	ssyncadd.s32 $0xFFFFF800;
	s7 =	sshrl.u32 s8, $0x3  }
0x122: {  	[hbm:s9], [sflag:s6] =	dma.local [spmem:s7], $0x800  }
0x123: {  	_ =	swait.ge [sflag:s18], $0x800  }
0x124: {  	[sflag:s18] =	ssyncset.done $0x0;
	s9 =	rddreg [dreg:$0x7]  }
0x125: {  	s8 =	rddreg [dreg:$0xc];
	[sflag:s18] =	ssyncadd.s32 $0xFFFFF800;
	s7 =	sshrl.u32 s9, $0x3  }
0x126: {  	[hbm:s8], [sflag:s6] =	dma.local [spmem:s7], $0x800  }
0x127: {  	_ =	swait.ge [sflag:s18], $0x800  }
0x128: {  	s5 =	sadd.s32 $0x1, s5;
	s8 =	rddreg [dreg:$0xd]  }
0x129: {  	p0 =	sne.s32 s5, s8  }
.Ltmp2:
0x12a: {  	_ = 	snop;
	(pc) =	sbr.rel @p0 .LBB2_1-.Ltmp2, $3  }
0x12b: {  	_ =	sdelay $0x1  }
0x12c: {  	[sflag:s18] =	ssyncset.done $0x0  }
0x12d: {  	[sflag:s18] =	ssyncadd.s32 $0xFFFFF800  }
0x12e: {  	_ =	sfence.sel $0x180000  }
0x12f: {  	[bflag:$0x0] =	sbarrier.arrive $0xFFFF  }
0x130: {  	_ =	strace $0x9000004D  }
0x131: {  	s0 =	stileid.u32;
	[bflag:$0x2] =	sbarrier.arrive $0xFFFF  }
0x132: {  	p0 =	sne.s32 s0, $0x0;
	s0 =	rddreg [dreg:$0x2]  }
0x133: {  	s0 =	sadd.s32 @!p0 $0x100000, s0  }
0x134: {  	[sflag:s0] =	ssyncadd.tile.s32 @!p0 $0x1;
	_ =	shalt  }
.Lfunc_end2:
_tile_overlayer_lowered:
.L_overlay_start_2:
0x135: {  	(tag) =	ssettag $0x2  }
0x136: {  	s0 =	rddreg [dreg:$0x0];
	s2 =	stileid.u32  }
0x137: {  	s1 =	rddreg [dreg:$0x1];
	p0 =	sne.s32 s2, $0x0  }
0x138: {  	s3 =	rddreg [dreg:$0x2];
	[bflag:$0x3] =	sbarrier.arrive $0xFFFF;
	s2 =	simm.s32 @!p0 $0x1C05  }
0x139: {  	[timem:s3], [sflag:s2] =	dma.local @!p0 [hbm:s0], s1  }
0x13a: {  	s0 =	simm.s32 @!p0 $0x5  }
0x13b: {  	_ =	swait.ge @!p0 [sflag:s0], s1  }
0x13c: {  	s1 =	ssub.s32 @!p0 $0x0, s1;
	[sflag:s0] =	ssyncset.done @!p0 $0x0  }
0x13d: {  	[sflag:s0] =	ssyncadd.s32 @!p0 s1  }
0x13e: {  	[bflag:$0x3] =	sbarrier.arrive $0xFFFF  }
0x13f: {  	_ =	shalt  }

// kernel: kernel.9.cloned.1.call-start
scs
__scs_entry_jumppad:
0x0: {  	(pc) =	sbr.rel $0x88, $3  }
0x1: {  	(tag) =	ssettag $0x0;
	lr =	simm.s32 $0x1  }
0x2: {  	[smem:$0x3F97] =	sst lr;
	_ =	strace $0xD0000000  }
0x3: {  	_ = 	snop  }
0x4: {  	_ = 	snop  }
0x5: {  	_ = 	snop  }
0x6: {  	_ = 	snop  }
0x7: {  	_ = 	snop  }
__scs_overlays_trampoline_lowered:
0x8: {  	[smem:$0x3FA6] =	sst s0  }
0x9: {  	[smem:$0x3FA7] =	sst s1  }
0xa: {  	[smem:$0x3FA8] =	sst s2  }
0xb: {  	[smem:$0x3FA9] =	sst s3  }
0xc: {  	[smem:$0x3FAA] =	sst s4  }
0xd: {  	[smem:$0x3FAB] =	sst s5  }
0xe: {  	[smem:$0x3FAC] =	sst s6  }
0xf: {  	[smem:$0x3FAD] =	sst s7  }
0x10: {  	[smem:$0x3FAE] =	sst s8  }
0x11: {  	[smem:$0x3FAF] =	sst s9;
	s0 =	simm.s32 @!p0 $0x0  }
0x12: {  	s1 =	sld [smem:$0x3F95];
	s0 =	simm.s32 @p0 $0x1  }
0x13: {  	[smem:$0x3FB0] =	sst s0;
	s0 =	simm.s32 @!p1 $0x0  }
0x14: {  	s2 =	sld [smem:$0x3F94];
	s0 =	simm.s32 @p1 $0x1  }
0x15: {  	[smem:$0x3FB1] =	sst s0;
	s0 =	simm.s32 @!p2 $0x0  }
0x16: {  	s3 =	sld [smem:$0x3FDB];
	s0 =	simm.s32 @p2 $0x1  }
0x17: {  	s4 =	simm.s32 $0x1BF5;
	[smem:$0x3FB3] =	sst s0  }
0x18: {  	s0 =	sld [smem:$0x3F96];
	_ =	swait.ge [sflag:s4], $0x0  }
0x19: {  	s7 =	sld [smem:$0x3F97]  }
0x1a: {  	s8 =	sadd.s32 $0xFFFFE003, lr  }
0x1b: {  	s9 =	sadd.s32 $0xFFFFFEF7, lr;
	s5 =	simm.s32 $0xFFFFFFFF;
	p2 =	slt.u32 s8, $0xFFFFF086  }
0x1c: {  	p1 =	slt.u32 s9, $0xF7A;
	s5 =	simm.s32 @!p2 $0x0  }
0x1d: {  	s5 =	simm.s32 @p1 $0x1;
	p0 =	seq.s32 s7, s2  }
0x1e: {  	s7 =	smul.u32 @!p0 $0xF7A, s2;
	p2 =	seq.s32 @!p0 s5, $0x0  }
0x1f: {  	s9 =	smul.u32 $0xF7A, s1;
	s8 =	simm.s32 @!p0 $0x1BF5;
	p2 =	por !p2, p0  }
0x20: {  	[sflag:s8] =	ssyncset.s32 @!p0 $0xFFFFF086;
	s6 =	sadd.s32 @!p0 s3, s7;
	s7 =	simm.s32 @!p0 $0x108  }
0x21: {  	s3 =	sadd.s32 s3, s9;
	s6 =	sadd.s32 @!p0 $0x88, s6;
	s7 =	simm.s32 @p2 $0x1082  }
0x22: {  	[simem:s7], [sflag:s8] =	dma.local @!p0 [hbm:s6], $0xF7A  }
0x23: {  	s9 =	sor.u32 $0xD0000000, s2;
	s6 =	simm.s32 $0x108;
	_ =	swait.ge @!p0 [sflag:s8], $0x0  }
0x24: {  	s3 =	sadd.s32 $0x88, s3;
	s6 =	simm.s32 @!p1 $0x1082;
	[sflag:s4] =	ssyncset.s32 $0xFFFFF086  }
0x25: {  	[simem:s6], [sflag:s4] =	dma.local [hbm:s3], $0xF7A  }
0x26: {  	[smem:$0x3F97] =	sst s1;
	(tag) =	ssettag s2;
	_ =	strace s9  }
0x27: {  	s1 =	sld [smem:$0x3FA7]  }
0x28: {  	s2 =	sld [smem:$0x3FA8]  }
0x29: {  	s4 =	sld [smem:$0x3FAA]  }
0x2a: {  	p0 =	seq.s32 s5, $0x0;
	s5 =	sld [smem:$0x3FAB]  }
0x2b: {  	s6 =	sld [smem:$0x3FAC]  }
0x2c: {  	s7 =	sld [smem:$0x3FAD]  }
0x2d: {  	s3 =	simm.s32 $0x108;
	s8 =	sld [smem:$0x3FAE]  }
0x2e: {  	s3 =	simm.s32 @!p0 $0x1082;
	s9 =	sld [smem:$0x3FAF]  }
0x2f: {  	lr =	sadd.s32 s0, s3;
	s0 =	sld [smem:$0x3FA6]  }
0x30: {  	s3 =	sld [smem:$0x3FA9]  }
0x31: {  	[smem:$0x3FB2] =	sst s10  }
0x32: {  	s10 =	sld [smem:$0x3FB0];
	_ =	sdelay $0x3  }
0x33: {  	p0 =	seq.s32 s10, $0x1;
	s10 =	sld [smem:$0x3FB2];
	_ =	sdelay $0x3  }
0x34: {  	[smem:$0x3FB2] =	sst s10  }
0x35: {  	s10 =	sld [smem:$0x3FB1];
	_ =	sdelay $0x3  }
0x36: {  	p1 =	seq.s32 s10, $0x1;
	s10 =	sld [smem:$0x3FB2];
	_ =	sdelay $0x3  }
0x37: {  	[smem:$0x3FB2] =	sst s10  }
0x38: {  	s10 =	sld [smem:$0x3FB3]  }
0x39: {  	_ = 	snop;
	(pc) =	sbr.ind lr, $3  }
0x3a: {  	_ = 	snop  }
0x3b: {  	_ = 	snop  }
0x3c: {  	p2 =	seq.s32 s10, $0x1;
	s10 =	sld [smem:$0x3FB2]  }
0x3d: {  	_ =	shalt  }
0x3e: {  	_ =	shalt  }
0x3f: {  	_ =	shalt  }
0x40: {  	_ =	shalt  }
0x41: {  	_ =	shalt  }
0x42: {  	_ =	shalt  }
0x43: {  	_ =	shalt  }
0x44: {  	_ =	shalt  }
0x45: {  	_ =	shalt  }
0x46: {  	_ =	shalt  }
0x47: {  	_ =	shalt  }
0x48: {  	_ =	shalt  }
0x49: {  	_ =	shalt  }
0x4a: {  	_ =	shalt  }
0x4b: {  	_ =	shalt  }
0x4c: {  	_ =	shalt  }
0x4d: {  	_ =	shalt  }
0x4e: {  	_ =	shalt  }
0x4f: {  	_ =	shalt  }
0x50: {  	_ =	shalt  }
0x51: {  	_ =	shalt  }
0x52: {  	_ =	shalt  }
0x53: {  	_ =	shalt  }
0x54: {  	_ =	shalt  }
0x55: {  	_ =	shalt  }
0x56: {  	_ =	shalt  }
0x57: {  	_ =	shalt  }
0x58: {  	_ =	shalt  }
0x59: {  	_ =	shalt  }
0x5a: {  	_ =	shalt  }
0x5b: {  	_ =	shalt  }
0x5c: {  	_ =	shalt  }
0x5d: {  	_ =	shalt  }
0x5e: {  	_ =	shalt  }
0x5f: {  	_ =	shalt  }
0x60: {  	_ =	shalt  }
0x61: {  	_ =	shalt  }
0x62: {  	_ =	shalt  }
0x63: {  	_ =	shalt  }
0x64: {  	_ =	shalt  }
0x65: {  	_ =	shalt  }
0x66: {  	_ =	shalt  }
0x67: {  	_ =	shalt  }
0x68: {  	_ =	shalt  }
0x69: {  	_ =	shalt  }
0x6a: {  	_ =	shalt  }
0x6b: {  	_ =	shalt  }
0x6c: {  	_ =	shalt  }
0x6d: {  	_ =	shalt  }
0x6e: {  	_ =	shalt  }
0x6f: {  	_ =	shalt  }
0x70: {  	_ =	shalt  }
0x71: {  	_ =	shalt  }
0x72: {  	_ =	shalt  }
0x73: {  	_ =	shalt  }
0x74: {  	_ =	shalt  }
0x75: {  	_ =	shalt  }
0x76: {  	_ =	shalt  }
0x77: {  	_ =	shalt  }
0x78: {  	_ =	shalt  }
0x79: {  	_ =	shalt  }
0x7a: {  	_ =	shalt  }
0x7b: {  	_ =	shalt  }
0x7c: {  	_ =	shalt  }
0x7d: {  	_ =	shalt  }
0x7e: {  	_ =	shalt  }
0x7f: {  	_ =	shalt  }
0x80: {  	_ =	shalt  }
0x81: {  	_ =	shalt  }
0x82: {  	_ =	shalt  }
0x83: {  	_ =	shalt  }
0x84: {  	_ =	shalt  }
0x85: {  	_ =	shalt  }
0x86: {  	_ =	shalt  }
0x87: {  	_ =	shalt  }
.Lfunc_end0:
.L_simem_size_0:
called_computation_lowered:
.L_overlay_start_0:
0x88: {  	s2 =	sld [smem:$0x3FD9]  }
0x89: {  	s3 =	sld [smem:$0x3FFE];
	_ =	sdelay $0x1  }
0x8a: {  	s1 =	srdreg.scid  }
0x8b: {  	s0 =	sand.u32 $0x1, s1  }
0x8c: {  	s17 =	sshll.u32 s0, $0xA;
	s2 =	sadd.s32 s3, s2  }
0x8d: {  	s2 =	sadd.s32 s2, s17  }
0x8e: {  	[smem:$0x3FBE] =	sst s2  }
0x8f: {  	_ = 	snop  }
0x90: {  	s2 =	sld [smem:$0x3FD0];
	(tm) =	ssettm $0x1  }
0x91: {  	s18 =	sld [smem:$0x3FFB];
	_ =	sdelay $0x3  }
0x92: {  	_ =	strace s18  }
0x93: {  	s3 =	sld [smem:$0x3FFC];
	_ =	sdelay $0x3  }
0x94: {  	_ =	strace s3  }
0x95: {  	s3 =	sld [smem:$0x3FFD];
	_ =	sdelay $0x3  }
0x96: {  	_ =	strace s3  }
0x97: {  	_ =	strace $0x8FFFFFFF  }
0x98: {  	s19 =	sld [smem:$0x3FDB];
	_ =	sdelay $0x1  }
0x99: {  	s4 =	simm.s32 $_scs_section_size  }
0x9a: {  	s5 =	simm.s32 $_size__tile_overlayer_lowered;
	s6 =	simm.s32 $_tile_overlayer_lowered  }
0x9b: {  	s22 =	simm.s32 $0x1BFF;
	s21 =	sshll.u32 s6, $0x1;
	s3 =	sadd.s32 s4, s19  }
0x9c: {  	s7 =	simm.s32 $0x0;
	s20 =	sshll.u32 s5, $0x1;
	s5 =	sadd.s32 s21, s3  }
0x9d: {  	[timem:s7], [sflag:s22] =	dma.local [hbm:s5], s20  }
0x9e: {  	_ =	swait.ge [sflag:s22], s20  }
0x9f: {  	s4 =	ssub.s32 $0x0, s20;
	[sflag:s22] =	ssyncset.done $0x0  }
0xa0: {  	[sflag:s22] =	ssyncadd.s32 s4;
	_ =	sdelay $0x1  }
0xa1: {  	s23 =	simm.s32 $0x1B8B  }
0xa2: {  	_ =	swait.ge [sflag:s23], $0x1  }
0xa3: {  	[sflag:s23] =	ssyncset.done $0x0  }
0xa4: {  	s25 =	simm.s32 $0x1B8E;
	s24 =	sld [smem:$0x3FFE];
	[sflag:s23] =	ssyncadd.s32 $0xFFFFFFFF  }
0xa5: {  	s26 =	simm.s32 $execute0_lowered;
	[smem:$0x3FD2] =	sst s25  }
0xa6: {  	s5 =	sshll.u32 s26, $0x1;
	_ =	strace $0x80000046;
	[dreg:$0x1] =	wrdreg $0xFFFFFFFF  }
0xa7: {  	s28 =	simm.s32 $_size_execute0_lowered;
	s3 =	sadd.s32 s3, s5;
	[dreg:$0x0] =	wrdreg $0x0  }
0xa8: {  	s5 =	sshll.u32 s28, $0x1;
	[dreg:$0x2] =	wrdreg s3  }
0xa9: {  	[dreg:$0x3] =	wrdreg s5  }
0xaa: {  	[dreg:$0x4] =	wrdreg $0xC0  }
0xab: {  	_ =	task [dreg:s7], $0x5FFFF  }
0xac: {  	[dreg:$0x1] =	wrdreg $0xFFFFFFFF  }
0xad: {  	[dreg:$0x0] =	wrdreg $0x60  }
0xae: {  	[dreg:$0x2] =	wrdreg s24  }
0xaf: {  	[dreg:$0x3] =	wrdreg s2  }
0xb0: {  	[dreg:$0x4] =	wrdreg $0x68000  }
0xb1: {  	[dreg:$0x5] =	wrdreg $0x9  }
0xb2: {  	_ =	task.clear_ibuf [dreg:s7], $0x6FFFF;
	_ =	strace $0x90000046  }
0xb3: {  	s29 =	simm.s32 $0x9;
	_ =	strace $0x80000048  }
0xb4: {  	_ =	swait.ge [sflag:s29], $0x1  }
0xb5: {  	[sflag:s29] =	ssyncadd.s32 $0xFFFFFFFF  }
0xb6: {  	_ =	strace $0x90000048  }
0xb7: {  	_ =	sfence  }
0xb8: {  	s30 =	sld [smem:$0x0];
	_ =	sdelay $0x2  }
0xb9: {  	s31 =	sshll.u32 s1, $0xD;
	s1 =	sshrl.u32 s1, $0x2  }
0xba: {  	s3 =	sand.u32 $0x4000, s31;
	s1 =	sadd.s32 s1, s30  }
0xbb: {  	s0 =	sor.u32 s3, s0;
	s1 =	sshll.u32 s1, $0x11  }
0xbc: {  	s0 =	sor.u32 s1, s0  }
0xbd: {  	s0 =	sadd.s32 $0x8F2B, s0  }
0xbe: {  	[sflag:s0] =	ssyncadd.remote.s32 $0x1  }
0xbf: {  	_ =	sfence.sel $0xFFFF  }
0xc0: {  	[dreg:$0x0] =	wrdreg $0xFFFFFFFF;
	(pc) =	sbr.abs _section_cstart, $3  }
0xc1: {  	[dreg:$0x1] =	wrdreg $0xFFFFFFFF  }
0xc2: {  	_ =	task.clear_ibuf [dreg:s7], $0x2FFFF;
	_ =	strace $0x9FFFFFFF  }
0xc3: {  	(tm) =	ssettm $0x7FFFFFFF  }
tec
execute0_lowered:
.L_overlay_start_1:
0x0: {  	(tag) =	ssettag $0x1  }
0x1: {  	s6 =	rddreg [dreg:$0x0]  }
0x2: {  	s2 =	rddreg [dreg:$0x1]  }
0x3: {  	s0 =	srdreg.scid;
	s3 =	rddreg [dreg:$0x2];
	s4 =	simm.s32 $0x0  }
0x4: {  	s21 =	simm.s32 $0x100;
	s22 =	simm.s32 $0x180;
	s23 =	simm.s32 $0x1  }
0x5: {  	s24 =	simm.s32 $0x0;
	s8 =	sand.u32 $0x1, s0;
	s0 =	stileid.u32  }
0x6: {  	[smem:$0x7FF] =	sst s4;
	s16 =	sadd.s32 $0xCE00, s6;
	s10 =	smul.u32 $0x50000, s0  }
0x7: {  	s1 =	sshll.u32 s8, $0x4;
	s9 =	ssub.s32 $0x2, s8;
	s11 =	smul.u32 $0x14000, s0  }
0x8: {  	s14 =	smul.u32 $0x140000, s8;
	s5 =	sor.u32 s0, s1;
	s1 =	rddreg [dreg:$0x3]  }
0x9: {  	_ =	strace $0x80000047;
	s28 =	sshrl.u32 s9, $0x1;
	s5 =	smul.u32 $0x500, s5  }
0xa: {  	s17 =	ssub.s32 s9, s28;
	s29 =	sshrl.u32 s10, $0x2;
	s12 =	sadd.s32 $0x4000, s11  }
0xb: {  	s15 =	sadd.s32 $0x8000, s11;
	s18 =	sadd.s32 $0xC000, s11;
	s13 =	sadd.s32 s11, s14  }
0xc: {  	s19 =	sadd.s32 $0x10000, s11;
	s8 =	sadd.s32 s12, s3;
	s9 =	sadd.s32 s15, s3  }
0xd: {  	s10 =	sadd.s32 s18, s3;
	s13 =	sshrl.u32 s13, $0x3;
	s20 =	sadd.s32 s14, s12  }
0xe: {  	s11 =	sadd.s32 s19, s3;
	s15 =	sadd.s32 s14, s15;
	s18 =	sadd.s32 s14, s18  }
0xf: {  	s19 =	sadd.s32 s14, s19;
	s17 =	smax.u32 s17, $0x1;
	s7 =	sadd.s32 s5, s6  }
0x10: {  	s5 =	sadd.s32 $0xC600, s6;
	s12 =	sadd.s32 s16, s13;
	s30 =	sshrl.u32 s20, $0x3  }
0x11: {  	s15 =	sshrl.u32 s15, $0x3;
	s18 =	sshrl.u32 s18, $0x3;
	s31 =	sshrl.u32 s19, $0x3  }
0x12: {  	s19 =	simm.s32 $0x2800;
	s20 =	simm.s32 $0x80;
	s6 =	sadd.s32 $0x2600, s7  }
0x13: {  	s7 =	sadd.s32 s29, s3;
	s13 =	sadd.s32 s16, s30;
	s14 =	sadd.s32 s16, s15  }
0x14: {  	s15 =	sadd.s32 s16, s18;
	s16 =	sadd.s32 s16, s31;
	s18 =	simm.s32 $0x2  }
.LBB2_1:
0x15: {  	[tilespmem:s4], [sflag:$0x2] =	stream.linear.gather [hbm4b:s6+s4], $0x2800, $0x38;
	[tilespmem:$0x1A800] =	vst v63  }
0x16: {  	_ =	swait.ge [sflag:s18], $0x2800  }
0x17: {  	[sflag:s18] =	ssyncset.done $0x0  }
0x18: {  	[sflag:s18] =	ssyncadd.s32 $0xFFFFD800  }
0x19: {  	[tilespmem:s19], [sflag:$0x2] =	stream.linear.gather [hbm4b:s5+s4], $0x4000, $0x38;
	[tilespmem:$0x1A800] =	vst v63  }
0x1a: {  	_ =	swait.ge [sflag:s18], $0x4000  }
0x1b: {  	[sflag:s18] =	ssyncset.done $0x0  }
0x1c: {  	[sflag:s18] =	ssyncadd.s32 $0xFFFFC000  }
0x1d: {  	[spmem:s7] =	stream.linear.scatter [tilespmem:s19], [sflag:$0x2], $0x4000, $0x38;
	[tilespmem:$0x1A800] =	vst v63  }
0x1e: {  	_ =	swait.ge [sflag:s18], $0x4000  }
0x1f: {  	[sflag:s18] =	ssyncset.done $0x0  }
0x20: {  	[sflag:s18] =	ssyncadd.s32 $0xFFFFC000  }
0x21: {  	[spmem:s8] =	stream.linear.scatter [tilespmem:s19], [sflag:$0x2], $0x4000, $0x38;
	[tilespmem:$0x1A800] =	vst v63  }
0x22: {  	_ =	swait.ge [sflag:s18], $0x4000  }
0x23: {  	[sflag:s18] =	ssyncset.done $0x0  }
0x24: {  	[sflag:s18] =	ssyncadd.s32 $0xFFFFC000  }
0x25: {  	[spmem:s9] =	stream.linear.scatter [tilespmem:s19], [sflag:$0x2], $0x4000, $0x38;
	[tilespmem:$0x1A800] =	vst v63  }
0x26: {  	_ =	swait.ge [sflag:s18], $0x4000  }
0x27: {  	[sflag:s18] =	ssyncset.done $0x0  }
0x28: {  	[sflag:s18] =	ssyncadd.s32 $0xFFFFC000  }
0x29: {  	[spmem:s10] =	stream.linear.scatter [tilespmem:s19], [sflag:$0x2], $0x4000, $0x38;
	[tilespmem:$0x1A800] =	vst v63  }
0x2a: {  	_ =	swait.ge [sflag:s18], $0x4000  }
0x2b: {  	[sflag:s18] =	ssyncset.done $0x0  }
0x2c: {  	[sflag:s18] =	ssyncadd.s32 $0xFFFFC000  }
0x2d: {  	[spmem:s11] =	stream.linear.scatter [tilespmem:s19], [sflag:$0x2], $0x4000, $0x38;
	[tilespmem:$0x1A800] =	vst v63  }
0x2e: {  	_ =	swait.ge [sflag:s18], $0x4000  }
0x2f: {  	[sflag:s18] =	ssyncset.done $0x0  }
0x30: {  	[sflag:s18] =	ssyncadd.s32 $0xFFFFC000  }
0x31: {  	[tilespmem:s19], [sflag:$0x2] =	stream.linear.gather [hbm4b:s2+s4], $0x4000, $0x38;
	[tilespmem:$0x1A800] =	vst v63  }
0x32: {  	_ =	swait.ge [sflag:s18], $0x4000  }
0x33: {  	[sflag:s18] =	ssyncset.done $0x0  }
0x34: {  	[sflag:s18] =	ssyncadd.s32 $0xFFFFC000  }
0x35: {  	[bflag:$0x0] =	sbarrier.arrive $0xFFFF  }
0x36: {  	[spmem:s3] =	stream.indirect.scatter.add.f32 [tilespmem:s19], [sflag:$0x1], $0x80, s4, s20, $0xb8;
	[tilespmem:$0x1A800] =	vst v63  }
0x37: {  	_ = 	snop  }
0x38: {  	[spmem:s3] =	stream.indirect.scatter.add.f32 [tilespmem:s19], [sflag:$0x1], $0x80, s20, s20, $0xb8;
	[tilespmem:$0x1A800] =	vst v63  }
0x39: {  	_ = 	snop  }
0x3a: {  	[spmem:s3] =	stream.indirect.scatter.add.f32 [tilespmem:s19], [sflag:$0x1], $0x80, s21, s20, $0xb8;
	[tilespmem:$0x1A800] =	vst v63  }
0x3b: {  	_ = 	snop  }
0x3c: {  	[spmem:s3] =	stream.indirect.scatter.add.f32 [tilespmem:s19], [sflag:$0x1], $0x80, s22, s20, $0xb8;
	[tilespmem:$0x1A800] =	vst v63  }
0x3d: {  	_ =	swait.ge [sflag:s23], $0x4000  }
0x3e: {  	[sflag:s23] =	ssyncset.done $0x0  }
0x3f: {  	[sflag:s23] =	ssyncadd.s32 $0xFFFFC000  }
0x40: {  	_ =	swait.ge [sflag:s23], $0x4000  }
0x41: {  	[sflag:s23] =	ssyncset.done $0x0  }
0x42: {  	s25 =	simm.s32 $0x200;
	[sflag:s23] =	ssyncadd.s32 $0xFFFFC000  }
0x43: {  	[spmem:s3] =	stream.indirect.scatter.add.f32 [tilespmem:s19], [sflag:$0x1], $0x80, s25, s20, $0xb8;
	[tilespmem:$0x1A800] =	vst v63  }
0x44: {  	s26 =	simm.s32 $0x280;
	s25 =	simm.s32 $0xFFFF6C00  }
.LBB2_2:
0x45: {  	[spmem:s3] =	stream.indirect.scatter.add.f32 [tilespmem:s19], [sflag:$0x1], $0x80, s26, s20, $0xb8;
	[tilespmem:$0x1A800] =	vst v63  }
0x46: {  	s26 =	smov.u32 s25  }
0x47: {  	p0 =	sne.s32 s25, $0xFFFFFC00;
	s25 =	sadd.s32 $0x400, s25;
	_ =	swait.ge [sflag:s23], $0x4000  }
0x48: {  	[sflag:s23] =	ssyncset.done $0x0  }
0x49: {  	[sflag:s23] =	ssyncadd.s32 $0xFFFFC000  }
.Ltmp0:
0x4a: {  	_ =	swait.ge [sflag:s23], $0x4000;
	(pc) =	sbr.rel @p0 .LBB2_2-.Ltmp0, $4  }
0x4b: {  	s26 =	sshra.s32 s26, $0x2;
	[sflag:s23] =	ssyncset.done $0x0  }
0x4c: {  	s28 =	sadd.s32 $0x2800, s26;
	[sflag:s23] =	ssyncadd.s32 $0xFFFFC000  }
0x4d: {  	[spmem:s3] =	stream.indirect.scatter.add.f32 [tilespmem:s19], [sflag:$0x1], $0x80, s28, s20, $0xb8;
	[tilespmem:$0x1A800] =	vst v63  }
0x4e: {  	s26 =	sadd.s32 $0x2880, s26  }
0x4f: {  	[spmem:s3] =	stream.indirect.scatter.add.f32 [tilespmem:s19], [sflag:$0x1], $0x80, s26, s20, $0xb8;
	[tilespmem:$0x1A800] =	vst v63  }
0x50: {  	_ =	swait.ge [sflag:s23], $0x4000  }
0x51: {  	[sflag:s23] =	ssyncset.done $0x0  }
0x52: {  	[sflag:s23] =	ssyncadd.s32 $0xFFFFC000  }
0x53: {  	_ =	swait.ge [sflag:s23], $0x4000  }
0x54: {  	[sflag:s23] =	ssyncset.done $0x0  }
0x55: {  	[sflag:s23] =	ssyncadd.s32 $0xFFFFC000  }
0x56: {  	_ =	swait.ge [sflag:s23], $0x4000  }
0x57: {  	[sflag:s23] =	ssyncset.done $0x0  }
0x58: {  	[sflag:s23] =	ssyncadd.s32 $0xFFFFC000  }
0x59: {  	_ =	swait.ge [sflag:s23], $0x4000  }
0x5a: {  	[sflag:s23] =	ssyncset.done $0x0  }
0x5b: {  	s25 =	sshll.u32 s0, $0x6;
	[sflag:s23] =	ssyncadd.s32 $0xFFFFC000  }
0x5c: {  	s31 =	sshrl.u32 s7, $0x3;
	s25 =	sor.u32 $0x1C02, s25;
	[bflag:$0x0] =	sbarrier.arrive $0xFFFF  }
0x5d: {  	[hbm:s12], [sflag:s25] =	dma.local [spmem:s31], $0x800  }
0x5e: {  	_ =	swait.ge [sflag:s18], $0x800  }
0x5f: {  	[sflag:s18] =	ssyncset.done $0x0  }
0x60: {  	s28 =	sshrl.u32 s8, $0x3;
	[sflag:s18] =	ssyncadd.s32 $0xFFFFF800  }
0x61: {  	[hbm:s13], [sflag:s25] =	dma.local [spmem:s28], $0x800  }
0x62: {  	_ =	swait.ge [sflag:s18], $0x800  }
0x63: {  	[sflag:s18] =	ssyncset.done $0x0  }
0x64: {  	s29 =	sshrl.u32 s9, $0x3;
	[sflag:s18] =	ssyncadd.s32 $0xFFFFF800  }
0x65: {  	[hbm:s14], [sflag:s25] =	dma.local [spmem:s29], $0x800  }
0x66: {  	_ =	swait.ge [sflag:s18], $0x800  }
0x67: {  	[sflag:s18] =	ssyncset.done $0x0  }
0x68: {  	s30 =	sshrl.u32 s10, $0x3;
	[sflag:s18] =	ssyncadd.s32 $0xFFFFF800  }
0x69: {  	[hbm:s15], [sflag:s25] =	dma.local [spmem:s30], $0x800  }
0x6a: {  	s24 =	sadd.s32 $0x1, s24;
	_ =	swait.ge [sflag:s18], $0x800  }
0x6b: {  	p0 =	sne.s32 s24, s17;
	[sflag:s18] =	ssyncset.done $0x0  }
.Ltmp1:
0x6c: {  	s31 =	sshrl.u32 s11, $0x3;
	[sflag:s18] =	ssyncadd.s32 $0xFFFFF800;
	(pc) =	sbr.rel @p0 .LBB2_1-.Ltmp1, $4  }
0x6d: {  	[hbm:s16], [sflag:s25] =	dma.local [spmem:s31], $0x800  }
0x6e: {  	_ =	swait.ge [sflag:s18], $0x800  }
0x6f: {  	[sflag:s18] =	ssyncset.done $0x0  }
0x70: {  	[sflag:s18] =	ssyncadd.s32 $0xFFFFF800  }
0x71: {  	_ =	sfence.sel $0x180000  }
0x72: {  	[bflag:$0x0] =	sbarrier.arrive $0xFFFF  }
0x73: {  	p0 =	sne.s32 s0, $0x0;
	_ =	strace $0x90000047  }
0x74: {  	s0 =	sadd.s32 @!p0 $0x100000, s1;
	[bflag:$0x2] =	sbarrier.arrive $0xFFFF  }
0x75: {  	[sflag:s0] =	ssyncadd.tile.s32 @!p0 $0x1;
	_ =	shalt  }
.Lfunc_end2:
_tile_overlayer_lowered:
.L_overlay_start_2:
0x76: {  	(tag) =	ssettag $0x2  }
0x77: {  	s0 =	rddreg [dreg:$0x0];
	s2 =	stileid.u32  }
0x78: {  	s1 =	rddreg [dreg:$0x1];
	p0 =	sne.s32 s2, $0x0  }
0x79: {  	s3 =	rddreg [dreg:$0x2];
	[bflag:$0x3] =	sbarrier.arrive $0xFFFF;
	s2 =	simm.s32 @!p0 $0x1C02  }
0x7a: {  	[timem:s3], [sflag:s2] =	dma.local @!p0 [hbm:s0], s1  }
0x7b: {  	s0 =	simm.s32 @!p0 $0x2  }
0x7c: {  	_ =	swait.ge @!p0 [sflag:s0], s1  }
0x7d: {  	s1 =	ssub.s32 @!p0 $0x0, s1;
	[sflag:s0] =	ssyncset.done @!p0 $0x0  }
0x7e: {  	[sflag:s0] =	ssyncadd.s32 @!p0 s1  }
0x7f: {  	[bflag:$0x3] =	sbarrier.arrive $0xFFFF  }
0x80: {  	_ =	shalt  }

</sc_bundles>
